<compile_context>
chip_gen: v7x
topology: tpu7x:2x2x1
jax: 0.10.2.dev20260603
libtpu: 0.0.44.dev20260713+nightly
codegen_flags: <defaults>
</compile_context>

<pallas_src>
import functools

import jax
import jax.numpy as jnp
from jax import lax
from jax.experimental import pallas as pl
from jax.experimental.pallas import tpu as pltpu
from jax.experimental.pallas import tpu_sc as plsc

B, S, D = 1024, 200, 64

_info = plsc.get_sparse_core_info()
NC, NS = _info.num_cores, _info.num_subcores
NW = NC * NS
SEQ_W = B // NW
ROWS_W = SEQ_W * S

_SPLIT = 128

_mesh = plsc.VectorSubcoreMesh(core_axis_name="c", subcore_axis_name="s")


@functools.partial(
    pl.kernel,
    out_type=jax.ShapeDtypeStruct((B * S, D), jnp.float32),
    mesh=_mesh,
    compiler_params=pltpu.CompilerParams(use_tc_tiling_on_sc=False),
    scratch_types=[
        pltpu.VMEM((ROWS_W,), jnp.int32),
        pltpu.VMEM((S, D), jnp.float32),
        pltpu.VMEM((S, D), jnp.float32),
        pltpu.VMEM((S, D), jnp.float32),
        pltpu.SemaphoreType.DMA,
        pltpu.SemaphoreType.DMA,
        pltpu.SemaphoreType.DMA,
        pltpu.SemaphoreType.DMA,
    ],
)
def _embed(x_hbm, tok_hbm, pos_hbm, out_hbm, idx_v, pos_v, buf0, buf1,
           gsem0, gsem1, ssem0, ssem1):
    wid = lax.axis_index("s") * NC + lax.axis_index("c")
    base = wid * ROWS_W

    pltpu.sync_copy(pos_hbm, pos_v)
    pltpu.sync_copy(x_hbm.at[pl.ds(base, ROWS_W)], idx_v)

    bufs = (buf0, buf1)
    gsems = (gsem0, gsem1)
    ssems = (ssem0, ssem1)

    def start_gather(s):
        b = s % 2
        d0 = pltpu.async_copy(
            tok_hbm.at[idx_v.at[pl.ds(s * S, _SPLIT)]],
            bufs[b].at[pl.ds(0, _SPLIT)], gsems[b])
        d1 = pltpu.async_copy(
            tok_hbm.at[idx_v.at[pl.ds(s * S + _SPLIT, S - _SPLIT)]],
            bufs[b].at[pl.ds(_SPLIT, S - _SPLIT)], gsems[b])
        return (d0, d1)

    def add_pos(buf):
        def body(r, carry):
            for k in range(D // 16):
                sl = pl.ds(k * 16, 16)
                plsc.addupdate(buf.at[r, sl], pos_v[r, sl])
            return carry
        lax.fori_loop(0, S, body, 0)

    gd = [None, None]
    sd = [None, None]
    for s in range(SEQ_W + 1):
        if s < SEQ_W:
            b = s % 2
            if sd[b] is not None:
                sd[b].wait()
            gd[b] = start_gather(s)
        if s >= 1:
            sp = s - 1
            bp = sp % 2
            for d in gd[bp]:
                d.wait()
            add_pos(bufs[bp])
            sd[bp] = pltpu.async_copy(
                bufs[bp], out_hbm.at[pl.ds(base + sp * S, S)], ssems[bp])
    sd[(SEQ_W - 2) % 2].wait()
    sd[(SEQ_W - 1) % 2].wait()


def kernel(x, token_table, pos_table):
    xf = x.reshape(B * S).astype(jnp.int32)
    out = _embed(xf, token_table, pos_table)
    return out.reshape(B, S, D)

# --- scband reference (transcript-rebuilt; emitter-appended) ---
"""Pipeline reference for scband-positional-embedding-66881230733696 (READ-ONLY COPY).

The authoritative reference and input builder live on the scoring server;
editing this copy changes nothing except your own understanding.
"""

import jax, jax.numpy as jnp
import numpy as np

VOCAB = 1000000
SEQ_LEN = 200
EMBED_DIM = 64
BATCH = 1024

def setup_inputs(seed: int = 0) -> dict:
    key = jax.random.key(seed)
    k1, k2, k3 = jax.random.split(key, 3)
    x = jax.random.randint(k1, (BATCH, SEQ_LEN), 0, VOCAB, dtype=jnp.int64 if jax.config.jax_enable_x64 else jnp.int32)
    token_table = jax.random.normal(k2, (VOCAB, EMBED_DIM), dtype=jnp.float32) * 0.02
    pos_table = jax.random.normal(k3, (SEQ_LEN, EMBED_DIM), dtype=jnp.float32) * 0.02
    return {"x": x, "token_table": token_table, "pos_table": pos_table}

def reference(x, token_table, pos_table):
    seq_length = x.shape[1]
    positions = jnp.arange(0, seq_length)
    pos_embedded = jnp.take(pos_table, positions, axis=0)  # [S, D]
    tok_embedded = jnp.take(token_table, x, axis=0)        # [B, S, D]
    return tok_embedded + pos_embedded

if __name__ == "__main__":
    import jax
    _d = setup_inputs()
    print(jax.jit(kernel)(*tuple(_d.values())))

</pallas_src>

<mosaic_0001>
#map = affine_map<(d0, d1) -> (0)>
#map1 = affine_map<(d0, d1) -> (0, 0)>
module attributes {stable_mosaic.version = 14 : i64} {
  func.func @_embed(%arg0: i32, %arg1: i32, %arg2: memref<204800xi32, #tpu.memory_space<hbm>>, %arg3: memref<1000000x64xf32, #tpu.memory_space<hbm>>, %arg4: memref<200x64xf32, #tpu.memory_space<hbm>>, %arg5: memref<204800x64xf32, #tpu.memory_space<hbm>>, %arg6: memref<6400xi32, #tpu.memory_space<vmem>>, %arg7: memref<200x64xf32, #tpu.memory_space<vmem>>, %arg8: memref<200x64xf32, #tpu.memory_space<vmem>>, %arg9: memref<200x64xf32, #tpu.memory_space<vmem>>, %arg10: memref<!tpu.dma_semaphore, #tpu.memory_space<semaphore_mem>>, %arg11: memref<!tpu.dma_semaphore, #tpu.memory_space<semaphore_mem>>, %arg12: memref<!tpu.dma_semaphore, #tpu.memory_space<semaphore_mem>>, %arg13: memref<!tpu.dma_semaphore, #tpu.memory_space<semaphore_mem>>) attributes {dimension_semantics = [#tpu.dimension_semantics<core_parallel>, #tpu.dimension_semantics<subcore_parallel>], iteration_bounds = array<i64: 2, 16>, scalar_prefetch = 0 : i64, scratch_operands = 8 : i64, tpu.core_type = #tpu.core_type<sc_vector_subcore>, window_params = [{transform_indices = #map}, {transform_indices = #map1}, {transform_indices = #map1}, {transform_indices = #map1}]} {
    %mul3A = arith.constant 2 : i32
    %mul3A_0 = arith.muli %arg1, %mul3A : i32
    %add3A = arith.addi %mul3A_0, %arg0 : i32
    %mul3A_1 = arith.constant 6400 : i32
    %mul3A_2 = arith.muli %add3A, %mul3A_1 : i32
    "tpu.region"() ({
      %run_scoped3A = tpu.sem_alloc : memref<!tpu.dma_semaphore, #tpu.memory_space<semaphore_mem>>
      tpu.enqueue_dma source(%arg4 : memref<200x64xf32, #tpu.memory_space<hbm>>) target(%arg7 : memref<200x64xf32, #tpu.memory_space<vmem>>) target_semaphore(%run_scoped3A : memref<!tpu.dma_semaphore, #tpu.memory_space<semaphore_mem>>)
      tpu.wait_dma2 semaphore(%run_scoped3A : memref<!tpu.dma_semaphore, #tpu.memory_space<semaphore_mem>>) src(%arg4 : memref<200x64xf32, #tpu.memory_space<hbm>>) dst(%arg7 : memref<200x64xf32, #tpu.memory_space<vmem>>)
      tpu.yield
    }) : () -> ()
    "tpu.region"() ({
      %run_scoped3A = tpu.sem_alloc : memref<!tpu.dma_semaphore, #tpu.memory_space<semaphore_mem>>
      %dma_start3A_1536 = tpu.memref_slice %arg2[%mul3A_2] : memref<204800xi32, #tpu.memory_space<hbm>> -> memref<6400xi32, #tpu.memory_space<hbm>>
      %dma_start3A_1537 = tpu.memref_slice %arg2[%mul3A_2] : memref<204800xi32, #tpu.memory_space<hbm>> -> memref<6400xi32, #tpu.memory_space<hbm>>
      tpu.enqueue_dma source(%dma_start3A_1537 : memref<6400xi32, #tpu.memory_space<hbm>>) target(%arg6 : memref<6400xi32, #tpu.memory_space<vmem>>) target_semaphore(%run_scoped3A : memref<!tpu.dma_semaphore, #tpu.memory_space<semaphore_mem>>)
      %dma_wait3A_1538 = tpu.memref_slice %arg2[%mul3A_2] : memref<204800xi32, #tpu.memory_space<hbm>> -> memref<6400xi32, #tpu.memory_space<hbm>>
      %dma_wait3A_1539 = tpu.memref_slice %arg2[%mul3A_2] : memref<204800xi32, #tpu.memory_space<hbm>> -> memref<6400xi32, #tpu.memory_space<hbm>>
      tpu.wait_dma2 semaphore(%run_scoped3A : memref<!tpu.dma_semaphore, #tpu.memory_space<semaphore_mem>>) src(%dma_wait3A_1539 : memref<6400xi32, #tpu.memory_space<hbm>>) dst(%arg6 : memref<6400xi32, #tpu.memory_space<vmem>>)
      tpu.yield
    }) : () -> ()
    %dma_start3A = arith.constant 0 : i32
    %dma_start3A_3 = arith.constant 0 : i32
    %dma_start3A_4 = tpu.memref_slice %arg8[%dma_start3A, %dma_start3A_3] : memref<200x64xf32, #tpu.memory_space<vmem>> -> memref<128x64xf32, #tpu.memory_space<vmem>>
    %dma_start3A_5 = arith.constant 0 : i32
    %dma_start3A_6 = tpu.memref_slice %arg6[%dma_start3A_5] : memref<6400xi32, #tpu.memory_space<vmem>> -> memref<128xi32, #tpu.memory_space<vmem>>
    %dma_start3A_7 = arith.constant 0 : i32
    %dma_start3A_8 = arith.constant 0 : i32
    %dma_start3A_9 = tpu.memref_slice %arg3[%dma_start3A_7, %dma_start3A_8] : memref<1000000x64xf32, #tpu.memory_space<hbm>> -> memref<1000000x64xf32, #tpu.memory_space<hbm>>
    tpu.enqueue_indirect_dma source(%dma_start3A_9 : memref<1000000x64xf32, #tpu.memory_space<hbm>>) target(%dma_start3A_4 : memref<128x64xf32, #tpu.memory_space<vmem>>) offsets(%dma_start3A_6 : memref<128xi32, #tpu.memory_space<vmem>>) semaphore(%arg10 : memref<!tpu.dma_semaphore, #tpu.memory_space<semaphore_mem>>)
    %dma_start3A_10 = arith.constant 128 : i32
    %dma_start3A_11 = arith.constant 0 : i32
    %dma_start3A_12 = tpu.memref_slice %arg8[%dma_start3A_10, %dma_start3A_11] : memref<200x64xf32, #tpu.memory_space<vmem>> -> memref<72x64xf32, #tpu.memory_space<vmem>>
    %dma_start3A_13 = arith.constant 128 : i32
    %dma_start3A_14 = tpu.memref_slice %arg6[%dma_start3A_13] : memref<6400xi32, #tpu.memory_space<vmem>> -> memref<72xi32, #tpu.memory_space<vmem>>
    %dma_start3A_15 = arith.constant 0 : i32
    %dma_start3A_16 = arith.constant 0 : i32
    %dma_start3A_17 = tpu.memref_slice %arg3[%dma_start3A_15, %dma_start3A_16] : memref<1000000x64xf32, #tpu.memory_space<hbm>> -> memref<1000000x64xf32, #tpu.memory_space<hbm>>
    tpu.enqueue_indirect_dma source(%dma_start3A_17 : memref<1000000x64xf32, #tpu.memory_space<hbm>>) target(%dma_start3A_12 : memref<72x64xf32, #tpu.memory_space<vmem>>) offsets(%dma_start3A_14 : memref<72xi32, #tpu.memory_space<vmem>>) semaphore(%arg10 : memref<!tpu.dma_semaphore, #tpu.memory_space<semaphore_mem>>)
    %dma_start3A_18 = arith.constant 0 : i32
    %dma_start3A_19 = arith.constant 0 : i32
    %dma_start3A_20 = tpu.memref_slice %arg9[%dma_start3A_18, %dma_start3A_19] : memref<200x64xf32, #tpu.memory_space<vmem>> -> memref<128x64xf32, #tpu.memory_space<vmem>>
    %dma_start3A_21 = arith.constant 200 : i32
    %dma_start3A_22 = tpu.memref_slice %arg6[%dma_start3A_21] : memref<6400xi32, #tpu.memory_space<vmem>> -> memref<128xi32, #tpu.memory_space<vmem>>
    %dma_start3A_23 = arith.constant 0 : i32
    %dma_start3A_24 = arith.constant 0 : i32
    %dma_start3A_25 = tpu.memref_slice %arg3[%dma_start3A_23, %dma_start3A_24] : memref<1000000x64xf32, #tpu.memory_space<hbm>> -> memref<1000000x64xf32, #tpu.memory_space<hbm>>
    tpu.enqueue_indirect_dma source(%dma_start3A_25 : memref<1000000x64xf32, #tpu.memory_space<hbm>>) target(%dma_start3A_20 : memref<128x64xf32, #tpu.memory_space<vmem>>) offsets(%dma_start3A_22 : memref<128xi32, #tpu.memory_space<vmem>>) semaphore(%arg11 : memref<!tpu.dma_semaphore, #tpu.memory_space<semaphore_mem>>)
    %dma_start3A_26 = arith.constant 128 : i32
    %dma_start3A_27 = arith.constant 0 : i32
    %dma_start3A_28 = tpu.memref_slice %arg9[%dma_start3A_26, %dma_start3A_27] : memref<200x64xf32, #tpu.memory_space<vmem>> -> memref<72x64xf32, #tpu.memory_space<vmem>>
    %dma_start3A_29 = arith.constant 328 : i32
    %dma_start3A_30 = tpu.memref_slice %arg6[%dma_start3A_29] : memref<6400xi32, #tpu.memory_space<vmem>> -> memref<72xi32, #tpu.memory_space<vmem>>
    %dma_start3A_31 = arith.constant 0 : i32
    %dma_start3A_32 = arith.constant 0 : i32
    %dma_start3A_33 = tpu.memref_slice %arg3[%dma_start3A_31, %dma_start3A_32] : memref<1000000x64xf32, #tpu.memory_space<hbm>> -> memref<1000000x64xf32, #tpu.memory_space<hbm>>
    tpu.enqueue_indirect_dma source(%dma_start3A_33 : memref<1000000x64xf32, #tpu.memory_space<hbm>>) target(%dma_start3A_28 : memref<72x64xf32, #tpu.memory_space<vmem>>) offsets(%dma_start3A_30 : memref<72xi32, #tpu.memory_space<vmem>>) semaphore(%arg11 : memref<!tpu.dma_semaphore, #tpu.memory_space<semaphore_mem>>)
    %dma_wait3A = arith.constant 0 : i32
    %dma_wait3A_34 = arith.constant 0 : i32
    %dma_wait3A_35 = tpu.memref_slice %arg8[%dma_wait3A, %dma_wait3A_34] : memref<200x64xf32, #tpu.memory_space<vmem>> -> memref<128x64xf32, #tpu.memory_space<vmem>>
    %dma_wait3A_36 = arith.constant 0 : i32
    %dma_wait3A_37 = tpu.memref_slice %arg6[%dma_wait3A_36] : memref<6400xi32, #tpu.memory_space<vmem>> -> memref<128xi32, #tpu.memory_space<vmem>>
    %dma_wait3A_38 = arith.constant 0 : i32
    %dma_wait3A_39 = arith.constant 0 : i32
    %dma_wait3A_40 = tpu.memref_slice %arg3[%dma_wait3A_38, %dma_wait3A_39] : memref<1000000x64xf32, #tpu.memory_space<hbm>> -> memref<1000000x64xf32, #tpu.memory_space<hbm>>
    tpu.wait_indirect_dma semaphore(%arg10 : memref<!tpu.dma_semaphore, #tpu.memory_space<semaphore_mem>>) src(%dma_wait3A_40 : memref<1000000x64xf32, #tpu.memory_space<hbm>>) dst(%dma_wait3A_35 : memref<128x64xf32, #tpu.memory_space<vmem>>)
    %dma_wait3A_41 = arith.constant 128 : i32
    %dma_wait3A_42 = arith.constant 0 : i32
    %dma_wait3A_43 = tpu.memref_slice %arg8[%dma_wait3A_41, %dma_wait3A_42] : memref<200x64xf32, #tpu.memory_space<vmem>> -> memref<72x64xf32, #tpu.memory_space<vmem>>
    %dma_wait3A_44 = arith.constant 128 : i32
    %dma_wait3A_45 = tpu.memref_slice %arg6[%dma_wait3A_44] : memref<6400xi32, #tpu.memory_space<vmem>> -> memref<72xi32, #tpu.memory_space<vmem>>
    %dma_wait3A_46 = arith.constant 0 : i32
    %dma_wait3A_47 = arith.constant 0 : i32
    %dma_wait3A_48 = tpu.memref_slice %arg3[%dma_wait3A_46, %dma_wait3A_47] : memref<1000000x64xf32, #tpu.memory_space<hbm>> -> memref<1000000x64xf32, #tpu.memory_space<hbm>>
    tpu.wait_indirect_dma semaphore(%arg10 : memref<!tpu.dma_semaphore, #tpu.memory_space<semaphore_mem>>) src(%dma_wait3A_48 : memref<1000000x64xf32, #tpu.memory_space<hbm>>) dst(%dma_wait3A_43 : memref<72x64xf32, #tpu.memory_space<vmem>>)
    %scan3A = arith.constant 0 : i32
    %scan3A_49 = arith.constant 0 : i32
    %scan3A_50 = arith.constant 200 : i32
    %scan3A_51 = arith.addi %scan3A_49, %scan3A_50 : i32
    %scan3A_52 = arith.constant 1 : i32
    scf.for %scan3A_1536 = %scan3A_49 to %scan3A_51 step %scan3A_52  : i32 {
      %get3A = arith.index_cast %scan3A_1536 : i32 to index
      %get3A_1537 = arith.constant 0 : index
      %get3A_1538 = tpu.vector_load %arg7[%get3A, %get3A_1537] {strides = array<i32>} : memref<200x64xf32, #tpu.memory_space<vmem>>, vector<1x16xf32>,
      %get3A_1539 = vector.shape_cast %get3A_1538 : vector<1x16xf32> to vector<16xf32>
      %swap3A = arith.index_cast %scan3A_1536 : i32 to index
      %swap3A_1540 = arith.constant 0 : index
      %swap3A_1541 = tpu.vector_load %arg8[%swap3A, %swap3A_1540] {strides = array<i32>} : memref<200x64xf32, #tpu.memory_space<vmem>>, vector<1x16xf32>,
      %swap3A_1542 = vector.shape_cast %swap3A_1541 : vector<1x16xf32> to vector<16xf32>
      %swap3A_1543 = vector.shape_cast %get3A_1539 : vector<16xf32> to vector<1x16xf32>
      tpu.vector_store %arg8[%swap3A, %swap3A_1540], %swap3A_1543 {add = true, strides = array<i32>} : memref<200x64xf32, #tpu.memory_space<vmem>>, vector<1x16xf32>,
      %get3A_1544 = arith.index_cast %scan3A_1536 : i32 to index
      %get3A_1545 = arith.constant 16 : index
      %get3A_1546 = tpu.vector_load %arg7[%get3A_1544, %get3A_1545] {strides = array<i32>} : memref<200x64xf32, #tpu.memory_space<vmem>>, vector<1x16xf32>,
      %get3A_1547 = vector.shape_cast %get3A_1546 : vector<1x16xf32> to vector<16xf32>
      %swap3A_1548 = arith.index_cast %scan3A_1536 : i32 to index
      %swap3A_1549 = arith.constant 16 : index
      %swap3A_1550 = tpu.vector_load %arg8[%swap3A_1548, %swap3A_1549] {strides = array<i32>} : memref<200x64xf32, #tpu.memory_space<vmem>>, vector<1x16xf32>,
      %swap3A_1551 = vector.shape_cast %swap3A_1550 : vector<1x16xf32> to vector<16xf32>
      %swap3A_1552 = vector.shape_cast %get3A_1547 : vector<16xf32> to vector<1x16xf32>
      tpu.vector_store %arg8[%swap3A_1548, %swap3A_1549], %swap3A_1552 {add = true, strides = array<i32>} : memref<200x64xf32, #tpu.memory_space<vmem>>, vector<1x16xf32>,
      %get3A_1553 = arith.index_cast %scan3A_1536 : i32 to index
      %get3A_1554 = arith.constant 32 : index
      %get3A_1555 = tpu.vector_load %arg7[%get3A_1553, %get3A_1554] {strides = array<i32>} : memref<200x64xf32, #tpu.memory_space<vmem>>, vector<1x16xf32>,
      %get3A_1556 = vector.shape_cast %get3A_1555 : vector<1x16xf32> to vector<16xf32>
      %swap3A_1557 = arith.index_cast %scan3A_1536 : i32 to index
      %swap3A_1558 = arith.constant 32 : index
      %swap3A_1559 = tpu.vector_load %arg8[%swap3A_1557, %swap3A_1558] {strides = array<i32>} : memref<200x64xf32, #tpu.memory_space<vmem>>, vector<1x16xf32>,
      %swap3A_1560 = vector.shape_cast %swap3A_1559 : vector<1x16xf32> to vector<16xf32>
      %swap3A_1561 = vector.shape_cast %get3A_1556 : vector<16xf32> to vector<1x16xf32>
      tpu.vector_store %arg8[%swap3A_1557, %swap3A_1558], %swap3A_1561 {add = true, strides = array<i32>} : memref<200x64xf32, #tpu.memory_space<vmem>>, vector<1x16xf32>,
      %get3A_1562 = arith.index_cast %scan3A_1536 : i32 to index
      %get3A_1563 = arith.constant 48 : index
      %get3A_1564 = tpu.vector_load %arg7[%get3A_1562, %get3A_1563] {strides = array<i32>} : memref<200x64xf32, #tpu.memory_space<vmem>>, vector<1x16xf32>,
      %get3A_1565 = vector.shape_cast %get3A_1564 : vector<1x16xf32> to vector<16xf32>
      %swap3A_1566 = arith.index_cast %scan3A_1536 : i32 to index
      %swap3A_1567 = arith.constant 48 : index
      %swap3A_1568 = tpu.vector_load %arg8[%swap3A_1566, %swap3A_1567] {strides = array<i32>} : memref<200x64xf32, #tpu.memory_space<vmem>>, vector<1x16xf32>,
      %swap3A_1569 = vector.shape_cast %swap3A_1568 : vector<1x16xf32> to vector<16xf32>
      %swap3A_1570 = vector.shape_cast %get3A_1565 : vector<16xf32> to vector<1x16xf32>
      tpu.vector_store %arg8[%swap3A_1566, %swap3A_1567], %swap3A_1570 {add = true, strides = array<i32>} : memref<200x64xf32, #tpu.memory_space<vmem>>, vector<1x16xf32>,
    }
    %scan3A_53 = arith.constant 200 : i32
    %add3A_54 = arith.constant 0 : i32
    %add3A_55 = arith.addi %mul3A_2, %add3A_54 : i32
    %dma_start3A_56 = arith.constant 0 : i32
    %dma_start3A_57 = tpu.memref_slice %arg5[%add3A_55, %dma_start3A_56] : memref<204800x64xf32, #tpu.memory_space<hbm>> -> memref<200x64xf32, #tpu.memory_space<hbm>>
    %dma_start3A_58 = arith.constant 0 : i32
    %dma_start3A_59 = tpu.memref_slice %arg5[%add3A_55, %dma_start3A_58] : memref<204800x64xf32, #tpu.memory_space<hbm>> -> memref<200x64xf32, #tpu.memory_space<hbm>>
    tpu.enqueue_dma source(%arg8 : memref<200x64xf32, #tpu.memory_space<vmem>>) target(%dma_start3A_59 : memref<200x64xf32, #tpu.memory_space<hbm>>) target_semaphore(%arg12 : memref<!tpu.dma_semaphore, #tpu.memory_space<semaphore_mem>>)
    %dma_wait3A_60 = arith.constant 0 : i32
    %dma_wait3A_61 = tpu.memref_slice %arg5[%add3A_55, %dma_wait3A_60] : memref<204800x64xf32, #tpu.memory_space<hbm>> -> memref<200x64xf32, #tpu.memory_space<hbm>>
    %dma_wait3A_62 = arith.constant 0 : i32
    %dma_wait3A_63 = tpu.memref_slice %arg5[%add3A_55, %dma_wait3A_62] : memref<204800x64xf32, #tpu.memory_space<hbm>> -> memref<200x64xf32, #tpu.memory_space<hbm>>
    tpu.wait_dma2 semaphore(%arg12 : memref<!tpu.dma_semaphore, #tpu.memory_space<semaphore_mem>>) src(%arg8 : memref<200x64xf32, #tpu.memory_space<vmem>>) dst(%dma_wait3A_63 : memref<200x64xf32, #tpu.memory_space<hbm>>)
    %dma_start3A_64 = arith.constant 0 : i32
    %dma_start3A_65 = arith.constant 0 : i32
    %dma_start3A_66 = tpu.memref_slice %arg8[%dma_start3A_64, %dma_start3A_65] : memref<200x64xf32, #tpu.memory_space<vmem>> -> memref<128x64xf32, #tpu.memory_space<vmem>>
    %dma_start3A_67 = arith.constant 400 : i32
    %dma_start3A_68 = tpu.memref_slice %arg6[%dma_start3A_67] : memref<6400xi32, #tpu.memory_space<vmem>> -> memref<128xi32, #tpu.memory_space<vmem>>
    %dma_start3A_69 = arith.constant 0 : i32
    %dma_start3A_70 = arith.constant 0 : i32
    %dma_start3A_71 = tpu.memref_slice %arg3[%dma_start3A_69, %dma_start3A_70] : memref<1000000x64xf32, #tpu.memory_space<hbm>> -> memref<1000000x64xf32, #tpu.memory_space<hbm>>
    tpu.enqueue_indirect_dma source(%dma_start3A_71 : memref<1000000x64xf32, #tpu.memory_space<hbm>>) target(%dma_start3A_66 : memref<128x64xf32, #tpu.memory_space<vmem>>) offsets(%dma_start3A_68 : memref<128xi32, #tpu.memory_space<vmem>>) semaphore(%arg10 : memref<!tpu.dma_semaphore, #tpu.memory_space<semaphore_mem>>)
    %dma_start3A_72 = arith.constant 128 : i32
    %dma_start3A_73 = arith.constant 0 : i32
    %dma_start3A_74 = tpu.memref_slice %arg8[%dma_start3A_72, %dma_start3A_73] : memref<200x64xf32, #tpu.memory_space<vmem>> -> memref<72x64xf32, #tpu.memory_space<vmem>>
    %dma_start3A_75 = arith.constant 528 : i32
    %dma_start3A_76 = tpu.memref_slice %arg6[%dma_start3A_75] : memref<6400xi32, #tpu.memory_space<vmem>> -> memref<72xi32, #tpu.memory_space<vmem>>
    %dma_start3A_77 = arith.constant 0 : i32
    %dma_start3A_78 = arith.constant 0 : i32
    %dma_start3A_79 = tpu.memref_slice %arg3[%dma_start3A_77, %dma_start3A_78] : memref<1000000x64xf32, #tpu.memory_space<hbm>> -> memref<1000000x64xf32, #tpu.memory_space<hbm>>
    tpu.enqueue_indirect_dma source(%dma_start3A_79 : memref<1000000x64xf32, #tpu.memory_space<hbm>>) target(%dma_start3A_74 : memref<72x64xf32, #tpu.memory_space<vmem>>) offsets(%dma_start3A_76 : memref<72xi32, #tpu.memory_space<vmem>>) semaphore(%arg10 : memref<!tpu.dma_semaphore, #tpu.memory_space<semaphore_mem>>)
    %dma_wait3A_80 = arith.constant 0 : i32
    %dma_wait3A_81 = arith.constant 0 : i32
    %dma_wait3A_82 = tpu.memref_slice %arg9[%dma_wait3A_80, %dma_wait3A_81] : memref<200x64xf32, #tpu.memory_space<vmem>> -> memref<128x64xf32, #tpu.memory_space<vmem>>
    %dma_wait3A_83 = arith.constant 200 : i32
    %dma_wait3A_84 = tpu.memref_slice %arg6[%dma_wait3A_83] : memref<6400xi32, #tpu.memory_space<vmem>> -> memref<128xi32, #tpu.memory_space<vmem>>
    %dma_wait3A_85 = arith.constant 0 : i32
    %dma_wait3A_86 = arith.constant 0 : i32
    %dma_wait3A_87 = tpu.memref_slice %arg3[%dma_wait3A_85, %dma_wait3A_86] : memref<1000000x64xf32, #tpu.memory_space<hbm>> -> memref<1000000x64xf32, #tpu.memory_space<hbm>>
    tpu.wait_indirect_dma semaphore(%arg11 : memref<!tpu.dma_semaphore, #tpu.memory_space<semaphore_mem>>) src(%dma_wait3A_87 : memref<1000000x64xf32, #tpu.memory_space<hbm>>) dst(%dma_wait3A_82 : memref<128x64xf32, #tpu.memory_space<vmem>>)
    %dma_wait3A_88 = arith.constant 128 : i32
    %dma_wait3A_89 = arith.constant 0 : i32
    %dma_wait3A_90 = tpu.memref_slice %arg9[%dma_wait3A_88, %dma_wait3A_89] : memref<200x64xf32, #tpu.memory_space<vmem>> -> memref<72x64xf32, #tpu.memory_space<vmem>>
    %dma_wait3A_91 = arith.constant 328 : i32
    %dma_wait3A_92 = tpu.memref_slice %arg6[%dma_wait3A_91] : memref<6400xi32, #tpu.memory_space<vmem>> -> memref<72xi32, #tpu.memory_space<vmem>>
    %dma_wait3A_93 = arith.constant 0 : i32
    %dma_wait3A_94 = arith.constant 0 : i32
    %dma_wait3A_95 = tpu.memref_slice %arg3[%dma_wait3A_93, %dma_wait3A_94] : memref<1000000x64xf32, #tpu.memory_space<hbm>> -> memref<1000000x64xf32, #tpu.memory_space<hbm>>
    tpu.wait_indirect_dma semaphore(%arg11 : memref<!tpu.dma_semaphore, #tpu.memory_space<semaphore_mem>>) src(%dma_wait3A_95 : memref<1000000x64xf32, #tpu.memory_space<hbm>>) dst(%dma_wait3A_90 : memref<72x64xf32, #tpu.memory_space<vmem>>)
    %scan3A_96 = arith.constant 0 : i32
    %scan3A_97 = arith.constant 0 : i32
    %scan3A_98 = arith.constant 200 : i32
    %scan3A_99 = arith.addi %scan3A_97, %scan3A_98 : i32
    %scan3A_100 = arith.constant 1 : i32
    scf.for %scan3A_1536 = %scan3A_97 to %scan3A_99 step %scan3A_100  : i32 {
      %get3A = arith.index_cast %scan3A_1536 : i32 to index
      %get3A_1537 = arith.constant 0 : index
      %get3A_1538 = tpu.vector_load %arg7[%get3A, %get3A_1537] {strides = array<i32>} : memref<200x64xf32, #tpu.memory_space<vmem>>, vector<1x16xf32>,
      %get3A_1539 = vector.shape_cast %get3A_1538 : vector<1x16xf32> to vector<16xf32>
      %swap3A = arith.index_cast %scan3A_1536 : i32 to index
      %swap3A_1540 = arith.constant 0 : index
      %swap3A_1541 = tpu.vector_load %arg9[%swap3A, %swap3A_1540] {strides = array<i32>} : memref<200x64xf32, #tpu.memory_space<vmem>>, vector<1x16xf32>,
      %swap3A_1542 = vector.shape_cast %swap3A_1541 : vector<1x16xf32> to vector<16xf32>
      %swap3A_1543 = vector.shape_cast %get3A_1539 : vector<16xf32> to vector<1x16xf32>
      tpu.vector_store %arg9[%swap3A, %swap3A_1540], %swap3A_1543 {add = true, strides = array<i32>} : memref<200x64xf32, #tpu.memory_space<vmem>>, vector<1x16xf32>,
      %get3A_1544 = arith.index_cast %scan3A_1536 : i32 to index
      %get3A_1545 = arith.constant 16 : index
      %get3A_1546 = tpu.vector_load %arg7[%get3A_1544, %get3A_1545] {strides = array<i32>} : memref<200x64xf32, #tpu.memory_space<vmem>>, vector<1x16xf32>,
      %get3A_1547 = vector.shape_cast %get3A_1546 : vector<1x16xf32> to vector<16xf32>
      %swap3A_1548 = arith.index_cast %scan3A_1536 : i32 to index
      %swap3A_1549 = arith.constant 16 : index
      %swap3A_1550 = tpu.vector_load %arg9[%swap3A_1548, %swap3A_1549] {strides = array<i32>} : memref<200x64xf32, #tpu.memory_space<vmem>>, vector<1x16xf32>,
      %swap3A_1551 = vector.shape_cast %swap3A_1550 : vector<1x16xf32> to vector<16xf32>
      %swap3A_1552 = vector.shape_cast %get3A_1547 : vector<16xf32> to vector<1x16xf32>
      tpu.vector_store %arg9[%swap3A_1548, %swap3A_1549], %swap3A_1552 {add = true, strides = array<i32>} : memref<200x64xf32, #tpu.memory_space<vmem>>, vector<1x16xf32>,
      %get3A_1553 = arith.index_cast %scan3A_1536 : i32 to index
      %get3A_1554 = arith.constant 32 : index
      %get3A_1555 = tpu.vector_load %arg7[%get3A_1553, %get3A_1554] {strides = array<i32>} : memref<200x64xf32, #tpu.memory_space<vmem>>, vector<1x16xf32>,
      %get3A_1556 = vector.shape_cast %get3A_1555 : vector<1x16xf32> to vector<16xf32>
      %swap3A_1557 = arith.index_cast %scan3A_1536 : i32 to index
      %swap3A_1558 = arith.constant 32 : index
      %swap3A_1559 = tpu.vector_load %arg9[%swap3A_1557, %swap3A_1558] {strides = array<i32>} : memref<200x64xf32, #tpu.memory_space<vmem>>, vector<1x16xf32>,
      %swap3A_1560 = vector.shape_cast %swap3A_1559 : vector<1x16xf32> to vector<16xf32>
      %swap3A_1561 = vector.shape_cast %get3A_1556 : vector<16xf32> to vector<1x16xf32>
      tpu.vector_store %arg9[%swap3A_1557, %swap3A_1558], %swap3A_1561 {add = true, strides = array<i32>} : memref<200x64xf32, #tpu.memory_space<vmem>>, vector<1x16xf32>,
      %get3A_1562 = arith.index_cast %scan3A_1536 : i32 to index
      %get3A_1563 = arith.constant 48 : index
      %get3A_1564 = tpu.vector_load %arg7[%get3A_1562, %get3A_1563] {strides = array<i32>} : memref<200x64xf32, #tpu.memory_space<vmem>>, vector<1x16xf32>,
      %get3A_1565 = vector.shape_cast %get3A_1564 : vector<1x16xf32> to vector<16xf32>
      %swap3A_1566 = arith.index_cast %scan3A_1536 : i32 to index
      %swap3A_1567 = arith.constant 48 : index
      %swap3A_1568 = tpu.vector_load %arg9[%swap3A_1566, %swap3A_1567] {strides = array<i32>} : memref<200x64xf32, #tpu.memory_space<vmem>>, vector<1x16xf32>,
      %swap3A_1569 = vector.shape_cast %swap3A_1568 : vector<1x16xf32> to vector<16xf32>
      %swap3A_1570 = vector.shape_cast %get3A_1565 : vector<16xf32> to vector<1x16xf32>
      tpu.vector_store %arg9[%swap3A_1566, %swap3A_1567], %swap3A_1570 {add = true, strides = array<i32>} : memref<200x64xf32, #tpu.memory_space<vmem>>, vector<1x16xf32>,
    }
    %scan3A_101 = arith.constant 200 : i32
    %add3A_102 = arith.constant 200 : i32
    %add3A_103 = arith.addi %mul3A_2, %add3A_102 : i32
    %dma_start3A_104 = arith.constant 0 : i32
    %dma_start3A_105 = tpu.memref_slice %arg5[%add3A_103, %dma_start3A_104] : memref<204800x64xf32, #tpu.memory_space<hbm>> -> memref<200x64xf32, #tpu.memory_space<hbm>>
    %dma_start3A_106 = arith.constant 0 : i32
    %dma_start3A_107 = tpu.memref_slice %arg5[%add3A_103, %dma_start3A_106] : memref<204800x64xf32, #tpu.memory_space<hbm>> -> memref<200x64xf32, #tpu.memory_space<hbm>>
    tpu.enqueue_dma source(%arg9 : memref<200x64xf32, #tpu.memory_space<vmem>>) target(%dma_start3A_107 : memref<200x64xf32, #tpu.memory_space<hbm>>) target_semaphore(%arg13 : memref<!tpu.dma_semaphore, #tpu.memory_space<semaphore_mem>>)
    %dma_wait3A_108 = arith.constant 0 : i32
    %dma_wait3A_109 = tpu.memref_slice %arg5[%add3A_103, %dma_wait3A_108] : memref<204800x64xf32, #tpu.memory_space<hbm>> -> memref<200x64xf32, #tpu.memory_space<hbm>>
    %dma_wait3A_110 = arith.constant 0 : i32
    %dma_wait3A_111 = tpu.memref_slice %arg5[%add3A_103, %dma_wait3A_110] : memref<204800x64xf32, #tpu.memory_space<hbm>> -> memref<200x64xf32, #tpu.memory_space<hbm>>
    tpu.wait_dma2 semaphore(%arg13 : memref<!tpu.dma_semaphore, #tpu.memory_space<semaphore_mem>>) src(%arg9 : memref<200x64xf32, #tpu.memory_space<vmem>>) dst(%dma_wait3A_111 : memref<200x64xf32, #tpu.memory_space<hbm>>)
    %dma_start3A_112 = arith.constant 0 : i32
    %dma_start3A_113 = arith.constant 0 : i32
    %dma_start3A_114 = tpu.memref_slice %arg9[%dma_start3A_112, %dma_start3A_113] : memref<200x64xf32, #tpu.memory_space<vmem>> -> memref<128x64xf32, #tpu.memory_space<vmem>>
    %dma_start3A_115 = arith.constant 600 : i32
    %dma_start3A_116 = tpu.memref_slice %arg6[%dma_start3A_115] : memref<6400xi32, #tpu.memory_space<vmem>> -> memref<128xi32, #tpu.memory_space<vmem>>
    %dma_start3A_117 = arith.constant 0 : i32
    %dma_start3A_118 = arith.constant 0 : i32
    %dma_start3A_119 = tpu.memref_slice %arg3[%dma_start3A_117, %dma_start3A_118] : memref<1000000x64xf32, #tpu.memory_space<hbm>> -> memref<1000000x64xf32, #tpu.memory_space<hbm>>
    tpu.enqueue_indirect_dma source(%dma_start3A_119 : memref<1000000x64xf32, #tpu.memory_space<hbm>>) target(%dma_start3A_114 : memref<128x64xf32, #tpu.memory_space<vmem>>) offsets(%dma_start3A_116 : memref<128xi32, #tpu.memory_space<vmem>>) semaphore(%arg11 : memref<!tpu.dma_semaphore, #tpu.memory_space<semaphore_mem>>)
    %dma_start3A_120 = arith.constant 128 : i32
    %dma_start3A_121 = arith.constant 0 : i32
    %dma_start3A_122 = tpu.memref_slice %arg9[%dma_start3A_120, %dma_start3A_121] : memref<200x64xf32, #tpu.memory_space<vmem>> -> memref<72x64xf32, #tpu.memory_space<vmem>>
    %dma_start3A_123 = arith.constant 728 : i32
    %dma_start3A_124 = tpu.memref_slice %arg6[%dma_start3A_123] : memref<6400xi32, #tpu.memory_space<vmem>> -> memref<72xi32, #tpu.memory_space<vmem>>
    %dma_start3A_125 = arith.constant 0 : i32
    %dma_start3A_126 = arith.constant 0 : i32
    %dma_start3A_127 = tpu.memref_slice %arg3[%dma_start3A_125, %dma_start3A_126] : memref<1000000x64xf32, #tpu.memory_space<hbm>> -> memref<1000000x64xf32, #tpu.memory_space<hbm>>
    tpu.enqueue_indirect_dma source(%dma_start3A_127 : memref<1000000x64xf32, #tpu.memory_space<hbm>>) target(%dma_start3A_122 : memref<72x64xf32, #tpu.memory_space<vmem>>) offsets(%dma_start3A_124 : memref<72xi32, #tpu.memory_space<vmem>>) semaphore(%arg11 : memref<!tpu.dma_semaphore, #tpu.memory_space<semaphore_mem>>)
    %dma_wait3A_128 = arith.constant 0 : i32
    %dma_wait3A_129 = arith.constant 0 : i32
    %dma_wait3A_130 = tpu.memref_slice %arg8[%dma_wait3A_128, %dma_wait3A_129] : memref<200x64xf32, #tpu.memory_space<vmem>> -> memref<128x64xf32, #tpu.memory_space<vmem>>
    %dma_wait3A_131 = arith.constant 400 : i32
    %dma_wait3A_132 = tpu.memref_slice %arg6[%dma_wait3A_131] : memref<6400xi32, #tpu.memory_space<vmem>> -> memref<128xi32, #tpu.memory_space<vmem>>
    %dma_wait3A_133 = arith.constant 0 : i32
    %dma_wait3A_134 = arith.constant 0 : i32
    %dma_wait3A_135 = tpu.memref_slice %arg3[%dma_wait3A_133, %dma_wait3A_134] : memref<1000000x64xf32, #tpu.memory_space<hbm>> -> memref<1000000x64xf32, #tpu.memory_space<hbm>>
    tpu.wait_indirect_dma semaphore(%arg10 : memref<!tpu.dma_semaphore, #tpu.memory_space<semaphore_mem>>) src(%dma_wait3A_135 : memref<1000000x64xf32, #tpu.memory_space<hbm>>) dst(%dma_wait3A_130 : memref<128x64xf32, #tpu.memory_space<vmem>>)
    %dma_wait3A_136 = arith.constant 128 : i32
    %dma_wait3A_137 = arith.constant 0 : i32
    %dma_wait3A_138 = tpu.memref_slice %arg8[%dma_wait3A_136, %dma_wait3A_137] : memref<200x64xf32, #tpu.memory_space<vmem>> -> memref<72x64xf32, #tpu.memory_space<vmem>>
    %dma_wait3A_139 = arith.constant 528 : i32
    %dma_wait3A_140 = tpu.memref_slice %arg6[%dma_wait3A_139] : memref<6400xi32, #tpu.memory_space<vmem>> -> memref<72xi32, #tpu.memory_space<vmem>>
    %dma_wait3A_141 = arith.constant 0 : i32
    %dma_wait3A_142 = arith.constant 0 : i32
    %dma_wait3A_143 = tpu.memref_slice %arg3[%dma_wait3A_141, %dma_wait3A_142] : memref<1000000x64xf32, #tpu.memory_space<hbm>> -> memref<1000000x64xf32, #tpu.memory_space<hbm>>
    tpu.wait_indirect_dma semaphore(%arg10 : memref<!tpu.dma_semaphore, #tpu.memory_space<semaphore_mem>>) src(%dma_wait3A_143 : memref<1000000x64xf32, #tpu.memory_space<hbm>>) dst(%dma_wait3A_138 : memref<72x64xf32, #tpu.memory_space<vmem>>)
    %scan3A_144 = arith.constant 0 : i32
    %scan3A_145 = arith.constant 0 : i32
    %scan3A_146 = arith.constant 200 : i32
    %scan3A_147 = arith.addi %scan3A_145, %scan3A_146 : i32
    %scan3A_148 = arith.constant 1 : i32
    scf.for %scan3A_1536 = %scan3A_145 to %scan3A_147 step %scan3A_148  : i32 {
      %get3A = arith.index_cast %scan3A_1536 : i32 to index
      %get3A_1537 = arith.constant 0 : index
      %get3A_1538 = tpu.vector_load %arg7[%get3A, %get3A_1537] {strides = array<i32>} : memref<200x64xf32, #tpu.memory_space<vmem>>, vector<1x16xf32>,
      %get3A_1539 = vector.shape_cast %get3A_1538 : vector<1x16xf32> to vector<16xf32>
      %swap3A = arith.index_cast %scan3A_1536 : i32 to index
      %swap3A_1540 = arith.constant 0 : index
      %swap3A_1541 = tpu.vector_load %arg8[%swap3A, %swap3A_1540] {strides = array<i32>} : memref<200x64xf32, #tpu.memory_space<vmem>>, vector<1x16xf32>,
      %swap3A_1542 = vector.shape_cast %swap3A_1541 : vector<1x16xf32> to vector<16xf32>
      %swap3A_1543 = vector.shape_cast %get3A_1539 : vector<16xf32> to vector<1x16xf32>
      tpu.vector_store %arg8[%swap3A, %swap3A_1540], %swap3A_1543 {add = true, strides = array<i32>} : memref<200x64xf32, #tpu.memory_space<vmem>>, vector<1x16xf32>,
      %get3A_1544 = arith.index_cast %scan3A_1536 : i32 to index
      %get3A_1545 = arith.constant 16 : index
      %get3A_1546 = tpu.vector_load %arg7[%get3A_1544, %get3A_1545] {strides = array<i32>} : memref<200x64xf32, #tpu.memory_space<vmem>>, vector<1x16xf32>,
      %get3A_1547 = vector.shape_cast %get3A_1546 : vector<1x16xf32> to vector<16xf32>
      %swap3A_1548 = arith.index_cast %scan3A_1536 : i32 to index
      %swap3A_1549 = arith.constant 16 : index
      %swap3A_1550 = tpu.vector_load %arg8[%swap3A_1548, %swap3A_1549] {strides = array<i32>} : memref<200x64xf32, #tpu.memory_space<vmem>>, vector<1x16xf32>,
      %swap3A_1551 = vector.shape_cast %swap3A_1550 : vector<1x16xf32> to vector<16xf32>
      %swap3A_1552 = vector.shape_cast %get3A_1547 : vector<16xf32> to vector<1x16xf32>
      tpu.vector_store %arg8[%swap3A_1548, %swap3A_1549], %swap3A_1552 {add = true, strides = array<i32>} : memref<200x64xf32, #tpu.memory_space<vmem>>, vector<1x16xf32>,
      %get3A_1553 = arith.index_cast %scan3A_1536 : i32 to index
      %get3A_1554 = arith.constant 32 : index
      %get3A_1555 = tpu.vector_load %arg7[%get3A_1553, %get3A_1554] {strides = array<i32>} : memref<200x64xf32, #tpu.memory_space<vmem>>, vector<1x16xf32>,
      %get3A_1556 = vector.shape_cast %get3A_1555 : vector<1x16xf32> to vector<16xf32>
      %swap3A_1557 = arith.index_cast %scan3A_1536 : i32 to index
      %swap3A_1558 = arith.constant 32 : index
      %swap3A_1559 = tpu.vector_load %arg8[%swap3A_1557, %swap3A_1558] {strides = array<i32>} : memref<200x64xf32, #tpu.memory_space<vmem>>, vector<1x16xf32>,
      %swap3A_1560 = vector.shape_cast %swap3A_1559 : vector<1x16xf32> to vector<16xf32>
      %swap3A_1561 = vector.shape_cast %get3A_1556 : vector<16xf32> to vector<1x16xf32>
      tpu.vector_store %arg8[%swap3A_1557, %swap3A_1558], %swap3A_1561 {add = true, strides = array<i32>} : memref<200x64xf32, #tpu.memory_space<vmem>>, vector<1x16xf32>,
      %get3A_1562 = arith.index_cast %scan3A_1536 : i32 to index
      %get3A_1563 = arith.constant 48 : index
      %get3A_1564 = tpu.vector_load %arg7[%get3A_1562, %get3A_1563] {strides = array<i32>} : memref<200x64xf32, #tpu.memory_space<vmem>>, vector<1x16xf32>,
      %get3A_1565 = vector.shape_cast %get3A_1564 : vector<1x16xf32> to vector<16xf32>
      %swap3A_1566 = arith.index_cast %scan3A_1536 : i32 to index
      %swap3A_1567 = arith.constant 48 : index
      %swap3A_1568 = tpu.vector_load %arg8[%swap3A_1566, %swap3A_1567] {strides = array<i32>} : memref<200x64xf32, #tpu.memory_space<vmem>>, vector<1x16xf32>,
      %swap3A_1569 = vector.shape_cast %swap3A_1568 : vector<1x16xf32> to vector<16xf32>
      %swap3A_1570 = vector.shape_cast %get3A_1565 : vector<16xf32> to vector<1x16xf32>
      tpu.vector_store %arg8[%swap3A_1566, %swap3A_1567], %swap3A_1570 {add = true, strides = array<i32>} : memref<200x64xf32, #tpu.memory_space<vmem>>, vector<1x16xf32>,
    }
    %scan3A_149 = arith.constant 200 : i32
    %add3A_150 = arith.constant 400 : i32
    %add3A_151 = arith.addi %mul3A_2, %add3A_150 : i32
    %dma_start3A_152 = arith.constant 0 : i32
    %dma_start3A_153 = tpu.memref_slice %arg5[%add3A_151, %dma_start3A_152] : memref<204800x64xf32, #tpu.memory_space<hbm>> -> memref<200x64xf32, #tpu.memory_space<hbm>>
    %dma_start3A_154 = arith.constant 0 : i32
    %dma_start3A_155 = tpu.memref_slice %arg5[%add3A_151, %dma_start3A_154] : memref<204800x64xf32, #tpu.memory_space<hbm>> -> memref<200x64xf32, #tpu.memory_space<hbm>>
    tpu.enqueue_dma source(%arg8 : memref<200x64xf32, #tpu.memory_space<vmem>>) target(%dma_start3A_155 : memref<200x64xf32, #tpu.memory_space<hbm>>) target_semaphore(%arg12 : memref<!tpu.dma_semaphore, #tpu.memory_space<semaphore_mem>>)
    %dma_wait3A_156 = arith.constant 0 : i32
    %dma_wait3A_157 = tpu.memref_slice %arg5[%add3A_151, %dma_wait3A_156] : memref<204800x64xf32, #tpu.memory_space<hbm>> -> memref<200x64xf32, #tpu.memory_space<hbm>>
    %dma_wait3A_158 = arith.constant 0 : i32
    %dma_wait3A_159 = tpu.memref_slice %arg5[%add3A_151, %dma_wait3A_158] : memref<204800x64xf32, #tpu.memory_space<hbm>> -> memref<200x64xf32, #tpu.memory_space<hbm>>
    tpu.wait_dma2 semaphore(%arg12 : memref<!tpu.dma_semaphore, #tpu.memory_space<semaphore_mem>>) src(%arg8 : memref<200x64xf32, #tpu.memory_space<vmem>>) dst(%dma_wait3A_159 : memref<200x64xf32, #tpu.memory_space<hbm>>)
    %dma_start3A_160 = arith.constant 0 : i32
    %dma_start3A_161 = arith.constant 0 : i32
    %dma_start3A_162 = tpu.memref_slice %arg8[%dma_start3A_160, %dma_start3A_161] : memref<200x64xf32, #tpu.memory_space<vmem>> -> memref<128x64xf32, #tpu.memory_space<vmem>>
    %dma_start3A_163 = arith.constant 800 : i32
    %dma_start3A_164 = tpu.memref_slice %arg6[%dma_start3A_163] : memref<6400xi32, #tpu.memory_space<vmem>> -> memref<128xi32, #tpu.memory_space<vmem>>
    %dma_start3A_165 = arith.constant 0 : i32
    %dma_start3A_166 = arith.constant 0 : i32
    %dma_start3A_167 = tpu.memref_slice %arg3[%dma_start3A_165, %dma_start3A_166] : memref<1000000x64xf32, #tpu.memory_space<hbm>> -> memref<1000000x64xf32, #tpu.memory_space<hbm>>
    tpu.enqueue_indirect_dma source(%dma_start3A_167 : memref<1000000x64xf32, #tpu.memory_space<hbm>>) target(%dma_start3A_162 : memref<128x64xf32, #tpu.memory_space<vmem>>) offsets(%dma_start3A_164 : memref<128xi32, #tpu.memory_space<vmem>>) semaphore(%arg10 : memref<!tpu.dma_semaphore, #tpu.memory_space<semaphore_mem>>)
    %dma_start3A_168 = arith.constant 128 : i32
    %dma_start3A_169 = arith.constant 0 : i32
    %dma_start3A_170 = tpu.memref_slice %arg8[%dma_start3A_168, %dma_start3A_169] : memref<200x64xf32, #tpu.memory_space<vmem>> -> memref<72x64xf32, #tpu.memory_space<vmem>>
    %dma_start3A_171 = arith.constant 928 : i32
    %dma_start3A_172 = tpu.memref_slice %arg6[%dma_start3A_171] : memref<6400xi32, #tpu.memory_space<vmem>> -> memref<72xi32, #tpu.memory_space<vmem>>
    %dma_start3A_173 = arith.constant 0 : i32
    %dma_start3A_174 = arith.constant 0 : i32
    %dma_start3A_175 = tpu.memref_slice %arg3[%dma_start3A_173, %dma_start3A_174] : memref<1000000x64xf32, #tpu.memory_space<hbm>> -> memref<1000000x64xf32, #tpu.memory_space<hbm>>
    tpu.enqueue_indirect_dma source(%dma_start3A_175 : memref<1000000x64xf32, #tpu.memory_space<hbm>>) target(%dma_start3A_170 : memref<72x64xf32, #tpu.memory_space<vmem>>) offsets(%dma_start3A_172 : memref<72xi32, #tpu.memory_space<vmem>>) semaphore(%arg10 : memref<!tpu.dma_semaphore, #tpu.memory_space<semaphore_mem>>)
    %dma_wait3A_176 = arith.constant 0 : i32
    %dma_wait3A_177 = arith.constant 0 : i32
    %dma_wait3A_178 = tpu.memref_slice %arg9[%dma_wait3A_176, %dma_wait3A_177] : memref<200x64xf32, #tpu.memory_space<vmem>> -> memref<128x64xf32, #tpu.memory_space<vmem>>
    %dma_wait3A_179 = arith.constant 600 : i32
    %dma_wait3A_180 = tpu.memref_slice %arg6[%dma_wait3A_179] : memref<6400xi32, #tpu.memory_space<vmem>> -> memref<128xi32, #tpu.memory_space<vmem>>
    %dma_wait3A_181 = arith.constant 0 : i32
    %dma_wait3A_182 = arith.constant 0 : i32
    %dma_wait3A_183 = tpu.memref_slice %arg3[%dma_wait3A_181, %dma_wait3A_182] : memref<1000000x64xf32, #tpu.memory_space<hbm>> -> memref<1000000x64xf32, #tpu.memory_space<hbm>>
    tpu.wait_indirect_dma semaphore(%arg11 : memref<!tpu.dma_semaphore, #tpu.memory_space<semaphore_mem>>) src(%dma_wait3A_183 : memref<1000000x64xf32, #tpu.memory_space<hbm>>) dst(%dma_wait3A_178 : memref<128x64xf32, #tpu.memory_space<vmem>>)
    %dma_wait3A_184 = arith.constant 128 : i32
    %dma_wait3A_185 = arith.constant 0 : i32
    %dma_wait3A_186 = tpu.memref_slice %arg9[%dma_wait3A_184, %dma_wait3A_185] : memref<200x64xf32, #tpu.memory_space<vmem>> -> memref<72x64xf32, #tpu.memory_space<vmem>>
    %dma_wait3A_187 = arith.constant 728 : i32
    %dma_wait3A_188 = tpu.memref_slice %arg6[%dma_wait3A_187] : memref<6400xi32, #tpu.memory_space<vmem>> -> memref<72xi32, #tpu.memory_space<vmem>>
    %dma_wait3A_189 = arith.constant 0 : i32
    %dma_wait3A_190 = arith.constant 0 : i32
    %dma_wait3A_191 = tpu.memref_slice %arg3[%dma_wait3A_189, %dma_wait3A_190] : memref<1000000x64xf32, #tpu.memory_space<hbm>> -> memref<1000000x64xf32, #tpu.memory_space<hbm>>
    tpu.wait_indirect_dma semaphore(%arg11 : memref<!tpu.dma_semaphore, #tpu.memory_space<semaphore_mem>>) src(%dma_wait3A_191 : memref<1000000x64xf32, #tpu.memory_space<hbm>>) dst(%dma_wait3A_186 : memref<72x64xf32, #tpu.memory_space<vmem>>)
    %scan3A_192 = arith.constant 0 : i32
    %scan3A_193 = arith.constant 0 : i32
    %scan3A_194 = arith.constant 200 : i32
    %scan3A_195 = arith.addi %scan3A_193, %scan3A_194 : i32
    %scan3A_196 = arith.constant 1 : i32
    scf.for %scan3A_1536 = %scan3A_193 to %scan3A_195 step %scan3A_196  : i32 {
      %get3A = arith.index_cast %scan3A_1536 : i32 to index
      %get3A_1537 = arith.constant 0 : index
      %get3A_1538 = tpu.vector_load %arg7[%get3A, %get3A_1537] {strides = array<i32>} : memref<200x64xf32, #tpu.memory_space<vmem>>, vector<1x16xf32>,
      %get3A_1539 = vector.shape_cast %get3A_1538 : vector<1x16xf32> to vector<16xf32>
      %swap3A = arith.index_cast %scan3A_1536 : i32 to index
      %swap3A_1540 = arith.constant 0 : index
      %swap3A_1541 = tpu.vector_load %arg9[%swap3A, %swap3A_1540] {strides = array<i32>} : memref<200x64xf32, #tpu.memory_space<vmem>>, vector<1x16xf32>,
      %swap3A_1542 = vector.shape_cast %swap3A_1541 : vector<1x16xf32> to vector<16xf32>
      %swap3A_1543 = vector.shape_cast %get3A_1539 : vector<16xf32> to vector<1x16xf32>
      tpu.vector_store %arg9[%swap3A, %swap3A_1540], %swap3A_1543 {add = true, strides = array<i32>} : memref<200x64xf32, #tpu.memory_space<vmem>>, vector<1x16xf32>,
      %get3A_1544 = arith.index_cast %scan3A_1536 : i32 to index
      %get3A_1545 = arith.constant 16 : index
      %get3A_1546 = tpu.vector_load %arg7[%get3A_1544, %get3A_1545] {strides = array<i32>} : memref<200x64xf32, #tpu.memory_space<vmem>>, vector<1x16xf32>,
      %get3A_1547 = vector.shape_cast %get3A_1546 : vector<1x16xf32> to vector<16xf32>
      %swap3A_1548 = arith.index_cast %scan3A_1536 : i32 to index
      %swap3A_1549 = arith.constant 16 : index
      %swap3A_1550 = tpu.vector_load %arg9[%swap3A_1548, %swap3A_1549] {strides = array<i32>} : memref<200x64xf32, #tpu.memory_space<vmem>>, vector<1x16xf32>,
      %swap3A_1551 = vector.shape_cast %swap3A_1550 : vector<1x16xf32> to vector<16xf32>
      %swap3A_1552 = vector.shape_cast %get3A_1547 : vector<16xf32> to vector<1x16xf32>
      tpu.vector_store %arg9[%swap3A_1548, %swap3A_1549], %swap3A_1552 {add = true, strides = array<i32>} : memref<200x64xf32, #tpu.memory_space<vmem>>, vector<1x16xf32>,
      %get3A_1553 = arith.index_cast %scan3A_1536 : i32 to index
      %get3A_1554 = arith.constant 32 : index
      %get3A_1555 = tpu.vector_load %arg7[%get3A_1553, %get3A_1554] {strides = array<i32>} : memref<200x64xf32, #tpu.memory_space<vmem>>, vector<1x16xf32>,
      %get3A_1556 = vector.shape_cast %get3A_1555 : vector<1x16xf32> to vector<16xf32>
      %swap3A_1557 = arith.index_cast %scan3A_1536 : i32 to index
      %swap3A_1558 = arith.constant 32 : index
      %swap3A_1559 = tpu.vector_load %arg9[%swap3A_1557, %swap3A_1558] {strides = array<i32>} : memref<200x64xf32, #tpu.memory_space<vmem>>, vector<1x16xf32>,
      %swap3A_1560 = vector.shape_cast %swap3A_1559 : vector<1x16xf32> to vector<16xf32>
      %swap3A_1561 = vector.shape_cast %get3A_1556 : vector<16xf32> to vector<1x16xf32>
      tpu.vector_store %arg9[%swap3A_1557, %swap3A_1558], %swap3A_1561 {add = true, strides = array<i32>} : memref<200x64xf32, #tpu.memory_space<vmem>>, vector<1x16xf32>,
      %get3A_1562 = arith.index_cast %scan3A_1536 : i32 to index
      %get3A_1563 = arith.constant 48 : index
      %get3A_1564 = tpu.vector_load %arg7[%get3A_1562, %get3A_1563] {strides = array<i32>} : memref<200x64xf32, #tpu.memory_space<vmem>>, vector<1x16xf32>,
      %get3A_1565 = vector.shape_cast %get3A_1564 : vector<1x16xf32> to vector<16xf32>
      %swap3A_1566 = arith.index_cast %scan3A_1536 : i32 to index
      %swap3A_1567 = arith.constant 48 : index
      %swap3A_1568 = tpu.vector_load %arg9[%swap3A_1566, %swap3A_1567] {strides = array<i32>} : memref<200x64xf32, #tpu.memory_space<vmem>>, vector<1x16xf32>,
      %swap3A_1569 = vector.shape_cast %swap3A_1568 : vector<1x16xf32> to vector<16xf32>
      %swap3A_1570 = vector.shape_cast %get3A_1565 : vector<16xf32> to vector<1x16xf32>
      tpu.vector_store %arg9[%swap3A_1566, %swap3A_1567], %swap3A_1570 {add = true, strides = array<i32>} : memref<200x64xf32, #tpu.memory_space<vmem>>, vector<1x16xf32>,
    }
    %scan3A_197 = arith.constant 200 : i32
    %add3A_198 = arith.constant 600 : i32
    %add3A_199 = arith.addi %mul3A_2, %add3A_198 : i32
    %dma_start3A_200 = arith.constant 0 : i32
    %dma_start3A_201 = tpu.memref_slice %arg5[%add3A_199, %dma_start3A_200] : memref<204800x64xf32, #tpu.memory_space<hbm>> -> memref<200x64xf32, #tpu.memory_space<hbm>>
    %dma_start3A_202 = arith.constant 0 : i32
    %dma_start3A_203 = tpu.memref_slice %arg5[%add3A_199, %dma_start3A_202] : memref<204800x64xf32, #tpu.memory_space<hbm>> -> memref<200x64xf32, #tpu.memory_space<hbm>>
    tpu.enqueue_dma source(%arg9 : memref<200x64xf32, #tpu.memory_space<vmem>>) target(%dma_start3A_203 : memref<200x64xf32, #tpu.memory_space<hbm>>) target_semaphore(%arg13 : memref<!tpu.dma_semaphore, #tpu.memory_space<semaphore_mem>>)
    %dma_wait3A_204 = arith.constant 0 : i32
    %dma_wait3A_205 = tpu.memref_slice %arg5[%add3A_199, %dma_wait3A_204] : memref<204800x64xf32, #tpu.memory_space<hbm>> -> memref<200x64xf32, #tpu.memory_space<hbm>>
    %dma_wait3A_206 = arith.constant 0 : i32
    %dma_wait3A_207 = tpu.memref_slice %arg5[%add3A_199, %dma_wait3A_206] : memref<204800x64xf32, #tpu.memory_space<hbm>> -> memref<200x64xf32, #tpu.memory_space<hbm>>
    tpu.wait_dma2 semaphore(%arg13 : memref<!tpu.dma_semaphore, #tpu.memory_space<semaphore_mem>>) src(%arg9 : memref<200x64xf32, #tpu.memory_space<vmem>>) dst(%dma_wait3A_207 : memref<200x64xf32, #tpu.memory_space<hbm>>)
    %dma_start3A_208 = arith.constant 0 : i32
    %dma_start3A_209 = arith.constant 0 : i32
    %dma_start3A_210 = tpu.memref_slice %arg9[%dma_start3A_208, %dma_start3A_209] : memref<200x64xf32, #tpu.memory_space<vmem>> -> memref<128x64xf32, #tpu.memory_space<vmem>>
    %dma_start3A_211 = arith.constant 1000 : i32
    %dma_start3A_212 = tpu.memref_slice %arg6[%dma_start3A_211] : memref<6400xi32, #tpu.memory_space<vmem>> -> memref<128xi32, #tpu.memory_space<vmem>>
    %dma_start3A_213 = arith.constant 0 : i32
    %dma_start3A_214 = arith.constant 0 : i32
    %dma_start3A_215 = tpu.memref_slice %arg3[%dma_start3A_213, %dma_start3A_214] : memref<1000000x64xf32, #tpu.memory_space<hbm>> -> memref<1000000x64xf32, #tpu.memory_space<hbm>>
    tpu.enqueue_indirect_dma source(%dma_start3A_215 : memref<1000000x64xf32, #tpu.memory_space<hbm>>) target(%dma_start3A_210 : memref<128x64xf32, #tpu.memory_space<vmem>>) offsets(%dma_start3A_212 : memref<128xi32, #tpu.memory_space<vmem>>) semaphore(%arg11 : memref<!tpu.dma_semaphore, #tpu.memory_space<semaphore_mem>>)
    %dma_start3A_216 = arith.constant 128 : i32
    %dma_start3A_217 = arith.constant 0 : i32
    %dma_start3A_218 = tpu.memref_slice %arg9[%dma_start3A_216, %dma_start3A_217] : memref<200x64xf32, #tpu.memory_space<vmem>> -> memref<72x64xf32, #tpu.memory_space<vmem>>
    %dma_start3A_219 = arith.constant 1128 : i32
    %dma_start3A_220 = tpu.memref_slice %arg6[%dma_start3A_219] : memref<6400xi32, #tpu.memory_space<vmem>> -> memref<72xi32, #tpu.memory_space<vmem>>
    %dma_start3A_221 = arith.constant 0 : i32
    %dma_start3A_222 = arith.constant 0 : i32
    %dma_start3A_223 = tpu.memref_slice %arg3[%dma_start3A_221, %dma_start3A_222] : memref<1000000x64xf32, #tpu.memory_space<hbm>> -> memref<1000000x64xf32, #tpu.memory_space<hbm>>
    tpu.enqueue_indirect_dma source(%dma_start3A_223 : memref<1000000x64xf32, #tpu.memory_space<hbm>>) target(%dma_start3A_218 : memref<72x64xf32, #tpu.memory_space<vmem>>) offsets(%dma_start3A_220 : memref<72xi32, #tpu.memory_space<vmem>>) semaphore(%arg11 : memref<!tpu.dma_semaphore, #tpu.memory_space<semaphore_mem>>)
    %dma_wait3A_224 = arith.constant 0 : i32
    %dma_wait3A_225 = arith.constant 0 : i32
    %dma_wait3A_226 = tpu.memref_slice %arg8[%dma_wait3A_224, %dma_wait3A_225] : memref<200x64xf32, #tpu.memory_space<vmem>> -> memref<128x64xf32, #tpu.memory_space<vmem>>
    %dma_wait3A_227 = arith.constant 800 : i32
    %dma_wait3A_228 = tpu.memref_slice %arg6[%dma_wait3A_227] : memref<6400xi32, #tpu.memory_space<vmem>> -> memref<128xi32, #tpu.memory_space<vmem>>
    %dma_wait3A_229 = arith.constant 0 : i32
    %dma_wait3A_230 = arith.constant 0 : i32
    %dma_wait3A_231 = tpu.memref_slice %arg3[%dma_wait3A_229, %dma_wait3A_230] : memref<1000000x64xf32, #tpu.memory_space<hbm>> -> memref<1000000x64xf32, #tpu.memory_space<hbm>>
    tpu.wait_indirect_dma semaphore(%arg10 : memref<!tpu.dma_semaphore, #tpu.memory_space<semaphore_mem>>) src(%dma_wait3A_231 : memref<1000000x64xf32, #tpu.memory_space<hbm>>) dst(%dma_wait3A_226 : memref<128x64xf32, #tpu.memory_space<vmem>>)
    %dma_wait3A_232 = arith.constant 128 : i32
    %dma_wait3A_233 = arith.constant 0 : i32
    %dma_wait3A_234 = tpu.memref_slice %arg8[%dma_wait3A_232, %dma_wait3A_233] : memref<200x64xf32, #tpu.memory_space<vmem>> -> memref<72x64xf32, #tpu.memory_space<vmem>>
    %dma_wait3A_235 = arith.constant 928 : i32
    %dma_wait3A_236 = tpu.memref_slice %arg6[%dma_wait3A_235] : memref<6400xi32, #tpu.memory_space<vmem>> -> memref<72xi32, #tpu.memory_space<vmem>>
    %dma_wait3A_237 = arith.constant 0 : i32
    %dma_wait3A_238 = arith.constant 0 : i32
    %dma_wait3A_239 = tpu.memref_slice %arg3[%dma_wait3A_237, %dma_wait3A_238] : memref<1000000x64xf32, #tpu.memory_space<hbm>> -> memref<1000000x64xf32, #tpu.memory_space<hbm>>
    tpu.wait_indirect_dma semaphore(%arg10 : memref<!tpu.dma_semaphore, #tpu.memory_space<semaphore_mem>>) src(%dma_wait3A_239 : memref<1000000x64xf32, #tpu.memory_space<hbm>>) dst(%dma_wait3A_234 : memref<72x64xf32, #tpu.memory_space<vmem>>)
    %scan3A_240 = arith.constant 0 : i32
    %scan3A_241 = arith.constant 0 : i32
    %scan3A_242 = arith.constant 200 : i32
    %scan3A_243 = arith.addi %scan3A_241, %scan3A_242 : i32
    %scan3A_244 = arith.constant 1 : i32
    scf.for %scan3A_1536 = %scan3A_241 to %scan3A_243 step %scan3A_244  : i32 {
      %get3A = arith.index_cast %scan3A_1536 : i32 to index
      %get3A_1537 = arith.constant 0 : index
      %get3A_1538 = tpu.vector_load %arg7[%get3A, %get3A_1537] {strides = array<i32>} : memref<200x64xf32, #tpu.memory_space<vmem>>, vector<1x16xf32>,
      %get3A_1539 = vector.shape_cast %get3A_1538 : vector<1x16xf32> to vector<16xf32>
      %swap3A = arith.index_cast %scan3A_1536 : i32 to index
      %swap3A_1540 = arith.constant 0 : index
      %swap3A_1541 = tpu.vector_load %arg8[%swap3A, %swap3A_1540] {strides = array<i32>} : memref<200x64xf32, #tpu.memory_space<vmem>>, vector<1x16xf32>,
      %swap3A_1542 = vector.shape_cast %swap3A_1541 : vector<1x16xf32> to vector<16xf32>
      %swap3A_1543 = vector.shape_cast %get3A_1539 : vector<16xf32> to vector<1x16xf32>
      tpu.vector_store %arg8[%swap3A, %swap3A_1540], %swap3A_1543 {add = true, strides = array<i32>} : memref<200x64xf32, #tpu.memory_space<vmem>>, vector<1x16xf32>,
      %get3A_1544 = arith.index_cast %scan3A_1536 : i32 to index
      %get3A_1545 = arith.constant 16 : index
      %get3A_1546 = tpu.vector_load %arg7[%get3A_1544, %get3A_1545] {strides = array<i32>} : memref<200x64xf32, #tpu.memory_space<vmem>>, vector<1x16xf32>,
      %get3A_1547 = vector.shape_cast %get3A_1546 : vector<1x16xf32> to vector<16xf32>
      %swap3A_1548 = arith.index_cast %scan3A_1536 : i32 to index
      %swap3A_1549 = arith.constant 16 : index
      %swap3A_1550 = tpu.vector_load %arg8[%swap3A_1548, %swap3A_1549] {strides = array<i32>} : memref<200x64xf32, #tpu.memory_space<vmem>>, vector<1x16xf32>,
      %swap3A_1551 = vector.shape_cast %swap3A_1550 : vector<1x16xf32> to vector<16xf32>
      %swap3A_1552 = vector.shape_cast %get3A_1547 : vector<16xf32> to vector<1x16xf32>
      tpu.vector_store %arg8[%swap3A_1548, %swap3A_1549], %swap3A_1552 {add = true, strides = array<i32>} : memref<200x64xf32, #tpu.memory_space<vmem>>, vector<1x16xf32>,
      %get3A_1553 = arith.index_cast %scan3A_1536 : i32 to index
      %get3A_1554 = arith.constant 32 : index
      %get3A_1555 = tpu.vector_load %arg7[%get3A_1553, %get3A_1554] {strides = array<i32>} : memref<200x64xf32, #tpu.memory_space<vmem>>, vector<1x16xf32>,
      %get3A_1556 = vector.shape_cast %get3A_1555 : vector<1x16xf32> to vector<16xf32>
      %swap3A_1557 = arith.index_cast %scan3A_1536 : i32 to index
      %swap3A_1558 = arith.constant 32 : index
      %swap3A_1559 = tpu.vector_load %arg8[%swap3A_1557, %swap3A_1558] {strides = array<i32>} : memref<200x64xf32, #tpu.memory_space<vmem>>, vector<1x16xf32>,
      %swap3A_1560 = vector.shape_cast %swap3A_1559 : vector<1x16xf32> to vector<16xf32>
      %swap3A_1561 = vector.shape_cast %get3A_1556 : vector<16xf32> to vector<1x16xf32>
      tpu.vector_store %arg8[%swap3A_1557, %swap3A_1558], %swap3A_1561 {add = true, strides = array<i32>} : memref<200x64xf32, #tpu.memory_space<vmem>>, vector<1x16xf32>,
      %get3A_1562 = arith.index_cast %scan3A_1536 : i32 to index
      %get3A_1563 = arith.constant 48 : index
      %get3A_1564 = tpu.vector_load %arg7[%get3A_1562, %get3A_1563] {strides = array<i32>} : memref<200x64xf32, #tpu.memory_space<vmem>>, vector<1x16xf32>,
      %get3A_1565 = vector.shape_cast %get3A_1564 : vector<1x16xf32> to vector<16xf32>
      %swap3A_1566 = arith.index_cast %scan3A_1536 : i32 to index
      %swap3A_1567 = arith.constant 48 : index
      %swap3A_1568 = tpu.vector_load %arg8[%swap3A_1566, %swap3A_1567] {strides = array<i32>} : memref<200x64xf32, #tpu.memory_space<vmem>>, vector<1x16xf32>,
      %swap3A_1569 = vector.shape_cast %swap3A_1568 : vector<1x16xf32> to vector<16xf32>
      %swap3A_1570 = vector.shape_cast %get3A_1565 : vector<16xf32> to vector<1x16xf32>
      tpu.vector_store %arg8[%swap3A_1566, %swap3A_1567], %swap3A_1570 {add = true, strides = array<i32>} : memref<200x64xf32, #tpu.memory_space<vmem>>, vector<1x16xf32>,
    }
    %scan3A_245 = arith.constant 200 : i32
    %add3A_246 = arith.constant 800 : i32
    %add3A_247 = arith.addi %mul3A_2, %add3A_246 : i32
    %dma_start3A_248 = arith.constant 0 : i32
    %dma_start3A_249 = tpu.memref_slice %arg5[%add3A_247, %dma_start3A_248] : memref<204800x64xf32, #tpu.memory_space<hbm>> -> memref<200x64xf32, #tpu.memory_space<hbm>>
    %dma_start3A_250 = arith.constant 0 : i32
    %dma_start3A_251 = tpu.memref_slice %arg5[%add3A_247, %dma_start3A_250] : memref<204800x64xf32, #tpu.memory_space<hbm>> -> memref<200x64xf32, #tpu.memory_space<hbm>>
    tpu.enqueue_dma source(%arg8 : memref<200x64xf32, #tpu.memory_space<vmem>>) target(%dma_start3A_251 : memref<200x64xf32, #tpu.memory_space<hbm>>) target_semaphore(%arg12 : memref<!tpu.dma_semaphore, #tpu.memory_space<semaphore_mem>>)
    %dma_wait3A_252 = arith.constant 0 : i32
    %dma_wait3A_253 = tpu.memref_slice %arg5[%add3A_247, %dma_wait3A_252] : memref<204800x64xf32, #tpu.memory_space<hbm>> -> memref<200x64xf32, #tpu.memory_space<hbm>>
    %dma_wait3A_254 = arith.constant 0 : i32
    %dma_wait3A_255 = tpu.memref_slice %arg5[%add3A_247, %dma_wait3A_254] : memref<204800x64xf32, #tpu.memory_space<hbm>> -> memref<200x64xf32, #tpu.memory_space<hbm>>
    tpu.wait_dma2 semaphore(%arg12 : memref<!tpu.dma_semaphore, #tpu.memory_space<semaphore_mem>>) src(%arg8 : memref<200x64xf32, #tpu.memory_space<vmem>>) dst(%dma_wait3A_255 : memref<200x64xf32, #tpu.memory_space<hbm>>)
    %dma_start3A_256 = arith.constant 0 : i32
    %dma_start3A_257 = arith.constant 0 : i32
    %dma_start3A_258 = tpu.memref_slice %arg8[%dma_start3A_256, %dma_start3A_257] : memref<200x64xf32, #tpu.memory_space<vmem>> -> memref<128x64xf32, #tpu.memory_space<vmem>>
    %dma_start3A_259 = arith.constant 1200 : i32
    %dma_start3A_260 = tpu.memref_slice %arg6[%dma_start3A_259] : memref<6400xi32, #tpu.memory_space<vmem>> -> memref<128xi32, #tpu.memory_space<vmem>>
    %dma_start3A_261 = arith.constant 0 : i32
    %dma_start3A_262 = arith.constant 0 : i32
    %dma_start3A_263 = tpu.memref_slice %arg3[%dma_start3A_261, %dma_start3A_262] : memref<1000000x64xf32, #tpu.memory_space<hbm>> -> memref<1000000x64xf32, #tpu.memory_space<hbm>>
    tpu.enqueue_indirect_dma source(%dma_start3A_263 : memref<1000000x64xf32, #tpu.memory_space<hbm>>) target(%dma_start3A_258 : memref<128x64xf32, #tpu.memory_space<vmem>>) offsets(%dma_start3A_260 : memref<128xi32, #tpu.memory_space<vmem>>) semaphore(%arg10 : memref<!tpu.dma_semaphore, #tpu.memory_space<semaphore_mem>>)
    %dma_start3A_264 = arith.constant 128 : i32
    %dma_start3A_265 = arith.constant 0 : i32
    %dma_start3A_266 = tpu.memref_slice %arg8[%dma_start3A_264, %dma_start3A_265] : memref<200x64xf32, #tpu.memory_space<vmem>> -> memref<72x64xf32, #tpu.memory_space<vmem>>
    %dma_start3A_267 = arith.constant 1328 : i32
    %dma_start3A_268 = tpu.memref_slice %arg6[%dma_start3A_267] : memref<6400xi32, #tpu.memory_space<vmem>> -> memref<72xi32, #tpu.memory_space<vmem>>
    %dma_start3A_269 = arith.constant 0 : i32
    %dma_start3A_270 = arith.constant 0 : i32
    %dma_start3A_271 = tpu.memref_slice %arg3[%dma_start3A_269, %dma_start3A_270] : memref<1000000x64xf32, #tpu.memory_space<hbm>> -> memref<1000000x64xf32, #tpu.memory_space<hbm>>
    tpu.enqueue_indirect_dma source(%dma_start3A_271 : memref<1000000x64xf32, #tpu.memory_space<hbm>>) target(%dma_start3A_266 : memref<72x64xf32, #tpu.memory_space<vmem>>) offsets(%dma_start3A_268 : memref<72xi32, #tpu.memory_space<vmem>>) semaphore(%arg10 : memref<!tpu.dma_semaphore, #tpu.memory_space<semaphore_mem>>)
    %dma_wait3A_272 = arith.constant 0 : i32
    %dma_wait3A_273 = arith.constant 0 : i32
    %dma_wait3A_274 = tpu.memref_slice %arg9[%dma_wait3A_272, %dma_wait3A_273] : memref<200x64xf32, #tpu.memory_space<vmem>> -> memref<128x64xf32, #tpu.memory_space<vmem>>
    %dma_wait3A_275 = arith.constant 1000 : i32
    %dma_wait3A_276 = tpu.memref_slice %arg6[%dma_wait3A_275] : memref<6400xi32, #tpu.memory_space<vmem>> -> memref<128xi32, #tpu.memory_space<vmem>>
    %dma_wait3A_277 = arith.constant 0 : i32
    %dma_wait3A_278 = arith.constant 0 : i32
    %dma_wait3A_279 = tpu.memref_slice %arg3[%dma_wait3A_277, %dma_wait3A_278] : memref<1000000x64xf32, #tpu.memory_space<hbm>> -> memref<1000000x64xf32, #tpu.memory_space<hbm>>
    tpu.wait_indirect_dma semaphore(%arg11 : memref<!tpu.dma_semaphore, #tpu.memory_space<semaphore_mem>>) src(%dma_wait3A_279 : memref<1000000x64xf32, #tpu.memory_space<hbm>>) dst(%dma_wait3A_274 : memref<128x64xf32, #tpu.memory_space<vmem>>)
    %dma_wait3A_280 = arith.constant 128 : i32
    %dma_wait3A_281 = arith.constant 0 : i32
    %dma_wait3A_282 = tpu.memref_slice %arg9[%dma_wait3A_280, %dma_wait3A_281] : memref<200x64xf32, #tpu.memory_space<vmem>> -> memref<72x64xf32, #tpu.memory_space<vmem>>
    %dma_wait3A_283 = arith.constant 1128 : i32
    %dma_wait3A_284 = tpu.memref_slice %arg6[%dma_wait3A_283] : memref<6400xi32, #tpu.memory_space<vmem>> -> memref<72xi32, #tpu.memory_space<vmem>>
    %dma_wait3A_285 = arith.constant 0 : i32
    %dma_wait3A_286 = arith.constant 0 : i32
    %dma_wait3A_287 = tpu.memref_slice %arg3[%dma_wait3A_285, %dma_wait3A_286] : memref<1000000x64xf32, #tpu.memory_space<hbm>> -> memref<1000000x64xf32, #tpu.memory_space<hbm>>
    tpu.wait_indirect_dma semaphore(%arg11 : memref<!tpu.dma_semaphore, #tpu.memory_space<semaphore_mem>>) src(%dma_wait3A_287 : memref<1000000x64xf32, #tpu.memory_space<hbm>>) dst(%dma_wait3A_282 : memref<72x64xf32, #tpu.memory_space<vmem>>)
    %scan3A_288 = arith.constant 0 : i32
    %scan3A_289 = arith.constant 0 : i32
    %scan3A_290 = arith.constant 200 : i32
    %scan3A_291 = arith.addi %scan3A_289, %scan3A_290 : i32
    %scan3A_292 = arith.constant 1 : i32
    scf.for %scan3A_1536 = %scan3A_289 to %scan3A_291 step %scan3A_292  : i32 {
      %get3A = arith.index_cast %scan3A_1536 : i32 to index
      %get3A_1537 = arith.constant 0 : index
      %get3A_1538 = tpu.vector_load %arg7[%get3A, %get3A_1537] {strides = array<i32>} : memref<200x64xf32, #tpu.memory_space<vmem>>, vector<1x16xf32>,
      %get3A_1539 = vector.shape_cast %get3A_1538 : vector<1x16xf32> to vector<16xf32>
      %swap3A = arith.index_cast %scan3A_1536 : i32 to index
      %swap3A_1540 = arith.constant 0 : index
      %swap3A_1541 = tpu.vector_load %arg9[%swap3A, %swap3A_1540] {strides = array<i32>} : memref<200x64xf32, #tpu.memory_space<vmem>>, vector<1x16xf32>,
      %swap3A_1542 = vector.shape_cast %swap3A_1541 : vector<1x16xf32> to vector<16xf32>
      %swap3A_1543 = vector.shape_cast %get3A_1539 : vector<16xf32> to vector<1x16xf32>
      tpu.vector_store %arg9[%swap3A, %swap3A_1540], %swap3A_1543 {add = true, strides = array<i32>} : memref<200x64xf32, #tpu.memory_space<vmem>>, vector<1x16xf32>,
      %get3A_1544 = arith.index_cast %scan3A_1536 : i32 to index
      %get3A_1545 = arith.constant 16 : index
      %get3A_1546 = tpu.vector_load %arg7[%get3A_1544, %get3A_1545] {strides = array<i32>} : memref<200x64xf32, #tpu.memory_space<vmem>>, vector<1x16xf32>,
      %get3A_1547 = vector.shape_cast %get3A_1546 : vector<1x16xf32> to vector<16xf32>
      %swap3A_1548 = arith.index_cast %scan3A_1536 : i32 to index
      %swap3A_1549 = arith.constant 16 : index
      %swap3A_1550 = tpu.vector_load %arg9[%swap3A_1548, %swap3A_1549] {strides = array<i32>} : memref<200x64xf32, #tpu.memory_space<vmem>>, vector<1x16xf32>,
      %swap3A_1551 = vector.shape_cast %swap3A_1550 : vector<1x16xf32> to vector<16xf32>
      %swap3A_1552 = vector.shape_cast %get3A_1547 : vector<16xf32> to vector<1x16xf32>
      tpu.vector_store %arg9[%swap3A_1548, %swap3A_1549], %swap3A_1552 {add = true, strides = array<i32>} : memref<200x64xf32, #tpu.memory_space<vmem>>, vector<1x16xf32>,
      %get3A_1553 = arith.index_cast %scan3A_1536 : i32 to index
      %get3A_1554 = arith.constant 32 : index
      %get3A_1555 = tpu.vector_load %arg7[%get3A_1553, %get3A_1554] {strides = array<i32>} : memref<200x64xf32, #tpu.memory_space<vmem>>, vector<1x16xf32>,
      %get3A_1556 = vector.shape_cast %get3A_1555 : vector<1x16xf32> to vector<16xf32>
      %swap3A_1557 = arith.index_cast %scan3A_1536 : i32 to index
      %swap3A_1558 = arith.constant 32 : index
      %swap3A_1559 = tpu.vector_load %arg9[%swap3A_1557, %swap3A_1558] {strides = array<i32>} : memref<200x64xf32, #tpu.memory_space<vmem>>, vector<1x16xf32>,
      %swap3A_1560 = vector.shape_cast %swap3A_1559 : vector<1x16xf32> to vector<16xf32>
      %swap3A_1561 = vector.shape_cast %get3A_1556 : vector<16xf32> to vector<1x16xf32>
      tpu.vector_store %arg9[%swap3A_1557, %swap3A_1558], %swap3A_1561 {add = true, strides = array<i32>} : memref<200x64xf32, #tpu.memory_space<vmem>>, vector<1x16xf32>,
      %get3A_1562 = arith.index_cast %scan3A_1536 : i32 to index
      %get3A_1563 = arith.constant 48 : index
      %get3A_1564 = tpu.vector_load %arg7[%get3A_1562, %get3A_1563] {strides = array<i32>} : memref<200x64xf32, #tpu.memory_space<vmem>>, vector<1x16xf32>,
      %get3A_1565 = vector.shape_cast %get3A_1564 : vector<1x16xf32> to vector<16xf32>
      %swap3A_1566 = arith.index_cast %scan3A_1536 : i32 to index
      %swap3A_1567 = arith.constant 48 : index
      %swap3A_1568 = tpu.vector_load %arg9[%swap3A_1566, %swap3A_1567] {strides = array<i32>} : memref<200x64xf32, #tpu.memory_space<vmem>>, vector<1x16xf32>,
      %swap3A_1569 = vector.shape_cast %swap3A_1568 : vector<1x16xf32> to vector<16xf32>
      %swap3A_1570 = vector.shape_cast %get3A_1565 : vector<16xf32> to vector<1x16xf32>
      tpu.vector_store %arg9[%swap3A_1566, %swap3A_1567], %swap3A_1570 {add = true, strides = array<i32>} : memref<200x64xf32, #tpu.memory_space<vmem>>, vector<1x16xf32>,
    }
    %scan3A_293 = arith.constant 200 : i32
    %add3A_294 = arith.constant 1000 : i32
    %add3A_295 = arith.addi %mul3A_2, %add3A_294 : i32
    %dma_start3A_296 = arith.constant 0 : i32
    %dma_start3A_297 = tpu.memref_slice %arg5[%add3A_295, %dma_start3A_296] : memref<204800x64xf32, #tpu.memory_space<hbm>> -> memref<200x64xf32, #tpu.memory_space<hbm>>
    %dma_start3A_298 = arith.constant 0 : i32
    %dma_start3A_299 = tpu.memref_slice %arg5[%add3A_295, %dma_start3A_298] : memref<204800x64xf32, #tpu.memory_space<hbm>> -> memref<200x64xf32, #tpu.memory_space<hbm>>
    tpu.enqueue_dma source(%arg9 : memref<200x64xf32, #tpu.memory_space<vmem>>) target(%dma_start3A_299 : memref<200x64xf32, #tpu.memory_space<hbm>>) target_semaphore(%arg13 : memref<!tpu.dma_semaphore, #tpu.memory_space<semaphore_mem>>)
    %dma_wait3A_300 = arith.constant 0 : i32
    %dma_wait3A_301 = tpu.memref_slice %arg5[%add3A_295, %dma_wait3A_300] : memref<204800x64xf32, #tpu.memory_space<hbm>> -> memref<200x64xf32, #tpu.memory_space<hbm>>
    %dma_wait3A_302 = arith.constant 0 : i32
    %dma_wait3A_303 = tpu.memref_slice %arg5[%add3A_295, %dma_wait3A_302] : memref<204800x64xf32, #tpu.memory_space<hbm>> -> memref<200x64xf32, #tpu.memory_space<hbm>>
    tpu.wait_dma2 semaphore(%arg13 : memref<!tpu.dma_semaphore, #tpu.memory_space<semaphore_mem>>) src(%arg9 : memref<200x64xf32, #tpu.memory_space<vmem>>) dst(%dma_wait3A_303 : memref<200x64xf32, #tpu.memory_space<hbm>>)
    %dma_start3A_304 = arith.constant 0 : i32
    %dma_start3A_305 = arith.constant 0 : i32
    %dma_start3A_306 = tpu.memref_slice %arg9[%dma_start3A_304, %dma_start3A_305] : memref<200x64xf32, #tpu.memory_space<vmem>> -> memref<128x64xf32, #tpu.memory_space<vmem>>
    %dma_start3A_307 = arith.constant 1400 : i32
    %dma_start3A_308 = tpu.memref_slice %arg6[%dma_start3A_307] : memref<6400xi32, #tpu.memory_space<vmem>> -> memref<128xi32, #tpu.memory_space<vmem>>
    %dma_start3A_309 = arith.constant 0 : i32
    %dma_start3A_310 = arith.constant 0 : i32
    %dma_start3A_311 = tpu.memref_slice %arg3[%dma_start3A_309, %dma_start3A_310] : memref<1000000x64xf32, #tpu.memory_space<hbm>> -> memref<1000000x64xf32, #tpu.memory_space<hbm>>
    tpu.enqueue_indirect_dma source(%dma_start3A_311 : memref<1000000x64xf32, #tpu.memory_space<hbm>>) target(%dma_start3A_306 : memref<128x64xf32, #tpu.memory_space<vmem>>) offsets(%dma_start3A_308 : memref<128xi32, #tpu.memory_space<vmem>>) semaphore(%arg11 : memref<!tpu.dma_semaphore, #tpu.memory_space<semaphore_mem>>)
    %dma_start3A_312 = arith.constant 128 : i32
    %dma_start3A_313 = arith.constant 0 : i32
    %dma_start3A_314 = tpu.memref_slice %arg9[%dma_start3A_312, %dma_start3A_313] : memref<200x64xf32, #tpu.memory_space<vmem>> -> memref<72x64xf32, #tpu.memory_space<vmem>>
    %dma_start3A_315 = arith.constant 1528 : i32
    %dma_start3A_316 = tpu.memref_slice %arg6[%dma_start3A_315] : memref<6400xi32, #tpu.memory_space<vmem>> -> memref<72xi32, #tpu.memory_space<vmem>>
    %dma_start3A_317 = arith.constant 0 : i32
    %dma_start3A_318 = arith.constant 0 : i32
    %dma_start3A_319 = tpu.memref_slice %arg3[%dma_start3A_317, %dma_start3A_318] : memref<1000000x64xf32, #tpu.memory_space<hbm>> -> memref<1000000x64xf32, #tpu.memory_space<hbm>>
    tpu.enqueue_indirect_dma source(%dma_start3A_319 : memref<1000000x64xf32, #tpu.memory_space<hbm>>) target(%dma_start3A_314 : memref<72x64xf32, #tpu.memory_space<vmem>>) offsets(%dma_start3A_316 : memref<72xi32, #tpu.memory_space<vmem>>) semaphore(%arg11 : memref<!tpu.dma_semaphore, #tpu.memory_space<semaphore_mem>>)
    %dma_wait3A_320 = arith.constant 0 : i32
    %dma_wait3A_321 = arith.constant 0 : i32
    %dma_wait3A_322 = tpu.memref_slice %arg8[%dma_wait3A_320, %dma_wait3A_321] : memref<200x64xf32, #tpu.memory_space<vmem>> -> memref<128x64xf32, #tpu.memory_space<vmem>>
    %dma_wait3A_323 = arith.constant 1200 : i32
    %dma_wait3A_324 = tpu.memref_slice %arg6[%dma_wait3A_323] : memref<6400xi32, #tpu.memory_space<vmem>> -> memref<128xi32, #tpu.memory_space<vmem>>
    %dma_wait3A_325 = arith.constant 0 : i32
    %dma_wait3A_326 = arith.constant 0 : i32
    %dma_wait3A_327 = tpu.memref_slice %arg3[%dma_wait3A_325, %dma_wait3A_326] : memref<1000000x64xf32, #tpu.memory_space<hbm>> -> memref<1000000x64xf32, #tpu.memory_space<hbm>>
    tpu.wait_indirect_dma semaphore(%arg10 : memref<!tpu.dma_semaphore, #tpu.memory_space<semaphore_mem>>) src(%dma_wait3A_327 : memref<1000000x64xf32, #tpu.memory_space<hbm>>) dst(%dma_wait3A_322 : memref<128x64xf32, #tpu.memory_space<vmem>>)
    %dma_wait3A_328 = arith.constant 128 : i32
    %dma_wait3A_329 = arith.constant 0 : i32
    %dma_wait3A_330 = tpu.memref_slice %arg8[%dma_wait3A_328, %dma_wait3A_329] : memref<200x64xf32, #tpu.memory_space<vmem>> -> memref<72x64xf32, #tpu.memory_space<vmem>>
    %dma_wait3A_331 = arith.constant 1328 : i32
    %dma_wait3A_332 = tpu.memref_slice %arg6[%dma_wait3A_331] : memref<6400xi32, #tpu.memory_space<vmem>> -> memref<72xi32, #tpu.memory_space<vmem>>
    %dma_wait3A_333 = arith.constant 0 : i32
    %dma_wait3A_334 = arith.constant 0 : i32
    %dma_wait3A_335 = tpu.memref_slice %arg3[%dma_wait3A_333, %dma_wait3A_334] : memref<1000000x64xf32, #tpu.memory_space<hbm>> -> memref<1000000x64xf32, #tpu.memory_space<hbm>>
    tpu.wait_indirect_dma semaphore(%arg10 : memref<!tpu.dma_semaphore, #tpu.memory_space<semaphore_mem>>) src(%dma_wait3A_335 : memref<1000000x64xf32, #tpu.memory_space<hbm>>) dst(%dma_wait3A_330 : memref<72x64xf32, #tpu.memory_space<vmem>>)
    %scan3A_336 = arith.constant 0 : i32
    %scan3A_337 = arith.constant 0 : i32
    %scan3A_338 = arith.constant 200 : i32
    %scan3A_339 = arith.addi %scan3A_337, %scan3A_338 : i32
    %scan3A_340 = arith.constant 1 : i32
    scf.for %scan3A_1536 = %scan3A_337 to %scan3A_339 step %scan3A_340  : i32 {
      %get3A = arith.index_cast %scan3A_1536 : i32 to index
      %get3A_1537 = arith.constant 0 : index
      %get3A_1538 = tpu.vector_load %arg7[%get3A, %get3A_1537] {strides = array<i32>} : memref<200x64xf32, #tpu.memory_space<vmem>>, vector<1x16xf32>,
      %get3A_1539 = vector.shape_cast %get3A_1538 : vector<1x16xf32> to vector<16xf32>
      %swap3A = arith.index_cast %scan3A_1536 : i32 to index
      %swap3A_1540 = arith.constant 0 : index
      %swap3A_1541 = tpu.vector_load %arg8[%swap3A, %swap3A_1540] {strides = array<i32>} : memref<200x64xf32, #tpu.memory_space<vmem>>, vector<1x16xf32>,
      %swap3A_1542 = vector.shape_cast %swap3A_1541 : vector<1x16xf32> to vector<16xf32>
      %swap3A_1543 = vector.shape_cast %get3A_1539 : vector<16xf32> to vector<1x16xf32>
      tpu.vector_store %arg8[%swap3A, %swap3A_1540], %swap3A_1543 {add = true, strides = array<i32>} : memref<200x64xf32, #tpu.memory_space<vmem>>, vector<1x16xf32>,
      %get3A_1544 = arith.index_cast %scan3A_1536 : i32 to index
      %get3A_1545 = arith.constant 16 : index
      %get3A_1546 = tpu.vector_load %arg7[%get3A_1544, %get3A_1545] {strides = array<i32>} : memref<200x64xf32, #tpu.memory_space<vmem>>, vector<1x16xf32>,
      %get3A_1547 = vector.shape_cast %get3A_1546 : vector<1x16xf32> to vector<16xf32>
      %swap3A_1548 = arith.index_cast %scan3A_1536 : i32 to index
      %swap3A_1549 = arith.constant 16 : index
      %swap3A_1550 = tpu.vector_load %arg8[%swap3A_1548, %swap3A_1549] {strides = array<i32>} : memref<200x64xf32, #tpu.memory_space<vmem>>, vector<1x16xf32>,
      %swap3A_1551 = vector.shape_cast %swap3A_1550 : vector<1x16xf32> to vector<16xf32>
      %swap3A_1552 = vector.shape_cast %get3A_1547 : vector<16xf32> to vector<1x16xf32>
      tpu.vector_store %arg8[%swap3A_1548, %swap3A_1549], %swap3A_1552 {add = true, strides = array<i32>} : memref<200x64xf32, #tpu.memory_space<vmem>>, vector<1x16xf32>,
      %get3A_1553 = arith.index_cast %scan3A_1536 : i32 to index
      %get3A_1554 = arith.constant 32 : index
      %get3A_1555 = tpu.vector_load %arg7[%get3A_1553, %get3A_1554] {strides = array<i32>} : memref<200x64xf32, #tpu.memory_space<vmem>>, vector<1x16xf32>,
      %get3A_1556 = vector.shape_cast %get3A_1555 : vector<1x16xf32> to vector<16xf32>
      %swap3A_1557 = arith.index_cast %scan3A_1536 : i32 to index
      %swap3A_1558 = arith.constant 32 : index
      %swap3A_1559 = tpu.vector_load %arg8[%swap3A_1557, %swap3A_1558] {strides = array<i32>} : memref<200x64xf32, #tpu.memory_space<vmem>>, vector<1x16xf32>,
      %swap3A_1560 = vector.shape_cast %swap3A_1559 : vector<1x16xf32> to vector<16xf32>
      %swap3A_1561 = vector.shape_cast %get3A_1556 : vector<16xf32> to vector<1x16xf32>
      tpu.vector_store %arg8[%swap3A_1557, %swap3A_1558], %swap3A_1561 {add = true, strides = array<i32>} : memref<200x64xf32, #tpu.memory_space<vmem>>, vector<1x16xf32>,
      %get3A_1562 = arith.index_cast %scan3A_1536 : i32 to index
      %get3A_1563 = arith.constant 48 : index
      %get3A_1564 = tpu.vector_load %arg7[%get3A_1562, %get3A_1563] {strides = array<i32>} : memref<200x64xf32, #tpu.memory_space<vmem>>, vector<1x16xf32>,
      %get3A_1565 = vector.shape_cast %get3A_1564 : vector<1x16xf32> to vector<16xf32>
      %swap3A_1566 = arith.index_cast %scan3A_1536 : i32 to index
      %swap3A_1567 = arith.constant 48 : index
      %swap3A_1568 = tpu.vector_load %arg8[%swap3A_1566, %swap3A_1567] {strides = array<i32>} : memref<200x64xf32, #tpu.memory_space<vmem>>, vector<1x16xf32>,
      %swap3A_1569 = vector.shape_cast %swap3A_1568 : vector<1x16xf32> to vector<16xf32>
      %swap3A_1570 = vector.shape_cast %get3A_1565 : vector<16xf32> to vector<1x16xf32>
      tpu.vector_store %arg8[%swap3A_1566, %swap3A_1567], %swap3A_1570 {add = true, strides = array<i32>} : memref<200x64xf32, #tpu.memory_space<vmem>>, vector<1x16xf32>,
    }
    %scan3A_341 = arith.constant 200 : i32
    %add3A_342 = arith.constant 1200 : i32
    %add3A_343 = arith.addi %mul3A_2, %add3A_342 : i32
    %dma_start3A_344 = arith.constant 0 : i32
    %dma_start3A_345 = tpu.memref_slice %arg5[%add3A_343, %dma_start3A_344] : memref<204800x64xf32, #tpu.memory_space<hbm>> -> memref<200x64xf32, #tpu.memory_space<hbm>>
    %dma_start3A_346 = arith.constant 0 : i32
    %dma_start3A_347 = tpu.memref_slice %arg5[%add3A_343, %dma_start3A_346] : memref<204800x64xf32, #tpu.memory_space<hbm>> -> memref<200x64xf32, #tpu.memory_space<hbm>>
    tpu.enqueue_dma source(%arg8 : memref<200x64xf32, #tpu.memory_space<vmem>>) target(%dma_start3A_347 : memref<200x64xf32, #tpu.memory_space<hbm>>) target_semaphore(%arg12 : memref<!tpu.dma_semaphore, #tpu.memory_space<semaphore_mem>>)
    %dma_wait3A_348 = arith.constant 0 : i32
    %dma_wait3A_349 = tpu.memref_slice %arg5[%add3A_343, %dma_wait3A_348] : memref<204800x64xf32, #tpu.memory_space<hbm>> -> memref<200x64xf32, #tpu.memory_space<hbm>>
    %dma_wait3A_350 = arith.constant 0 : i32
    %dma_wait3A_351 = tpu.memref_slice %arg5[%add3A_343, %dma_wait3A_350] : memref<204800x64xf32, #tpu.memory_space<hbm>> -> memref<200x64xf32, #tpu.memory_space<hbm>>
    tpu.wait_dma2 semaphore(%arg12 : memref<!tpu.dma_semaphore, #tpu.memory_space<semaphore_mem>>) src(%arg8 : memref<200x64xf32, #tpu.memory_space<vmem>>) dst(%dma_wait3A_351 : memref<200x64xf32, #tpu.memory_space<hbm>>)
    %dma_start3A_352 = arith.constant 0 : i32
    %dma_start3A_353 = arith.constant 0 : i32
    %dma_start3A_354 = tpu.memref_slice %arg8[%dma_start3A_352, %dma_start3A_353] : memref<200x64xf32, #tpu.memory_space<vmem>> -> memref<128x64xf32, #tpu.memory_space<vmem>>
    %dma_start3A_355 = arith.constant 1600 : i32
    %dma_start3A_356 = tpu.memref_slice %arg6[%dma_start3A_355] : memref<6400xi32, #tpu.memory_space<vmem>> -> memref<128xi32, #tpu.memory_space<vmem>>
    %dma_start3A_357 = arith.constant 0 : i32
    %dma_start3A_358 = arith.constant 0 : i32
    %dma_start3A_359 = tpu.memref_slice %arg3[%dma_start3A_357, %dma_start3A_358] : memref<1000000x64xf32, #tpu.memory_space<hbm>> -> memref<1000000x64xf32, #tpu.memory_space<hbm>>
    tpu.enqueue_indirect_dma source(%dma_start3A_359 : memref<1000000x64xf32, #tpu.memory_space<hbm>>) target(%dma_start3A_354 : memref<128x64xf32, #tpu.memory_space<vmem>>) offsets(%dma_start3A_356 : memref<128xi32, #tpu.memory_space<vmem>>) semaphore(%arg10 : memref<!tpu.dma_semaphore, #tpu.memory_space<semaphore_mem>>)
    %dma_start3A_360 = arith.constant 128 : i32
    %dma_start3A_361 = arith.constant 0 : i32
    %dma_start3A_362 = tpu.memref_slice %arg8[%dma_start3A_360, %dma_start3A_361] : memref<200x64xf32, #tpu.memory_space<vmem>> -> memref<72x64xf32, #tpu.memory_space<vmem>>
    %dma_start3A_363 = arith.constant 1728 : i32
    %dma_start3A_364 = tpu.memref_slice %arg6[%dma_start3A_363] : memref<6400xi32, #tpu.memory_space<vmem>> -> memref<72xi32, #tpu.memory_space<vmem>>
    %dma_start3A_365 = arith.constant 0 : i32
    %dma_start3A_366 = arith.constant 0 : i32
    %dma_start3A_367 = tpu.memref_slice %arg3[%dma_start3A_365, %dma_start3A_366] : memref<1000000x64xf32, #tpu.memory_space<hbm>> -> memref<1000000x64xf32, #tpu.memory_space<hbm>>
    tpu.enqueue_indirect_dma source(%dma_start3A_367 : memref<1000000x64xf32, #tpu.memory_space<hbm>>) target(%dma_start3A_362 : memref<72x64xf32, #tpu.memory_space<vmem>>) offsets(%dma_start3A_364 : memref<72xi32, #tpu.memory_space<vmem>>) semaphore(%arg10 : memref<!tpu.dma_semaphore, #tpu.memory_space<semaphore_mem>>)
    %dma_wait3A_368 = arith.constant 0 : i32
    %dma_wait3A_369 = arith.constant 0 : i32
    %dma_wait3A_370 = tpu.memref_slice %arg9[%dma_wait3A_368, %dma_wait3A_369] : memref<200x64xf32, #tpu.memory_space<vmem>> -> memref<128x64xf32, #tpu.memory_space<vmem>>
    %dma_wait3A_371 = arith.constant 1400 : i32
    %dma_wait3A_372 = tpu.memref_slice %arg6[%dma_wait3A_371] : memref<6400xi32, #tpu.memory_space<vmem>> -> memref<128xi32, #tpu.memory_space<vmem>>
    %dma_wait3A_373 = arith.constant 0 : i32
    %dma_wait3A_374 = arith.constant 0 : i32
    %dma_wait3A_375 = tpu.memref_slice %arg3[%dma_wait3A_373, %dma_wait3A_374] : memref<1000000x64xf32, #tpu.memory_space<hbm>> -> memref<1000000x64xf32, #tpu.memory_space<hbm>>
    tpu.wait_indirect_dma semaphore(%arg11 : memref<!tpu.dma_semaphore, #tpu.memory_space<semaphore_mem>>) src(%dma_wait3A_375 : memref<1000000x64xf32, #tpu.memory_space<hbm>>) dst(%dma_wait3A_370 : memref<128x64xf32, #tpu.memory_space<vmem>>)
    %dma_wait3A_376 = arith.constant 128 : i32
    %dma_wait3A_377 = arith.constant 0 : i32
    %dma_wait3A_378 = tpu.memref_slice %arg9[%dma_wait3A_376, %dma_wait3A_377] : memref<200x64xf32, #tpu.memory_space<vmem>> -> memref<72x64xf32, #tpu.memory_space<vmem>>
    %dma_wait3A_379 = arith.constant 1528 : i32
    %dma_wait3A_380 = tpu.memref_slice %arg6[%dma_wait3A_379] : memref<6400xi32, #tpu.memory_space<vmem>> -> memref<72xi32, #tpu.memory_space<vmem>>
    %dma_wait3A_381 = arith.constant 0 : i32
    %dma_wait3A_382 = arith.constant 0 : i32
    %dma_wait3A_383 = tpu.memref_slice %arg3[%dma_wait3A_381, %dma_wait3A_382] : memref<1000000x64xf32, #tpu.memory_space<hbm>> -> memref<1000000x64xf32, #tpu.memory_space<hbm>>
    tpu.wait_indirect_dma semaphore(%arg11 : memref<!tpu.dma_semaphore, #tpu.memory_space<semaphore_mem>>) src(%dma_wait3A_383 : memref<1000000x64xf32, #tpu.memory_space<hbm>>) dst(%dma_wait3A_378 : memref<72x64xf32, #tpu.memory_space<vmem>>)
    %scan3A_384 = arith.constant 0 : i32
    %scan3A_385 = arith.constant 0 : i32
    %scan3A_386 = arith.constant 200 : i32
    %scan3A_387 = arith.addi %scan3A_385, %scan3A_386 : i32
    %scan3A_388 = arith.constant 1 : i32
    scf.for %scan3A_1536 = %scan3A_385 to %scan3A_387 step %scan3A_388  : i32 {
      %get3A = arith.index_cast %scan3A_1536 : i32 to index
      %get3A_1537 = arith.constant 0 : index
      %get3A_1538 = tpu.vector_load %arg7[%get3A, %get3A_1537] {strides = array<i32>} : memref<200x64xf32, #tpu.memory_space<vmem>>, vector<1x16xf32>,
      %get3A_1539 = vector.shape_cast %get3A_1538 : vector<1x16xf32> to vector<16xf32>
      %swap3A = arith.index_cast %scan3A_1536 : i32 to index
      %swap3A_1540 = arith.constant 0 : index
      %swap3A_1541 = tpu.vector_load %arg9[%swap3A, %swap3A_1540] {strides = array<i32>} : memref<200x64xf32, #tpu.memory_space<vmem>>, vector<1x16xf32>,
      %swap3A_1542 = vector.shape_cast %swap3A_1541 : vector<1x16xf32> to vector<16xf32>
      %swap3A_1543 = vector.shape_cast %get3A_1539 : vector<16xf32> to vector<1x16xf32>
      tpu.vector_store %arg9[%swap3A, %swap3A_1540], %swap3A_1543 {add = true, strides = array<i32>} : memref<200x64xf32, #tpu.memory_space<vmem>>, vector<1x16xf32>,
      %get3A_1544 = arith.index_cast %scan3A_1536 : i32 to index
      %get3A_1545 = arith.constant 16 : index
      %get3A_1546 = tpu.vector_load %arg7[%get3A_1544, %get3A_1545] {strides = array<i32>} : memref<200x64xf32, #tpu.memory_space<vmem>>, vector<1x16xf32>,
      %get3A_1547 = vector.shape_cast %get3A_1546 : vector<1x16xf32> to vector<16xf32>
      %swap3A_1548 = arith.index_cast %scan3A_1536 : i32 to index
      %swap3A_1549 = arith.constant 16 : index
      %swap3A_1550 = tpu.vector_load %arg9[%swap3A_1548, %swap3A_1549] {strides = array<i32>} : memref<200x64xf32, #tpu.memory_space<vmem>>, vector<1x16xf32>,
      %swap3A_1551 = vector.shape_cast %swap3A_1550 : vector<1x16xf32> to vector<16xf32>
      %swap3A_1552 = vector.shape_cast %get3A_1547 : vector<16xf32> to vector<1x16xf32>
      tpu.vector_store %arg9[%swap3A_1548, %swap3A_1549], %swap3A_1552 {add = true, strides = array<i32>} : memref<200x64xf32, #tpu.memory_space<vmem>>, vector<1x16xf32>,
      %get3A_1553 = arith.index_cast %scan3A_1536 : i32 to index
      %get3A_1554 = arith.constant 32 : index
      %get3A_1555 = tpu.vector_load %arg7[%get3A_1553, %get3A_1554] {strides = array<i32>} : memref<200x64xf32, #tpu.memory_space<vmem>>, vector<1x16xf32>,
      %get3A_1556 = vector.shape_cast %get3A_1555 : vector<1x16xf32> to vector<16xf32>
      %swap3A_1557 = arith.index_cast %scan3A_1536 : i32 to index
      %swap3A_1558 = arith.constant 32 : index
      %swap3A_1559 = tpu.vector_load %arg9[%swap3A_1557, %swap3A_1558] {strides = array<i32>} : memref<200x64xf32, #tpu.memory_space<vmem>>, vector<1x16xf32>,
      %swap3A_1560 = vector.shape_cast %swap3A_1559 : vector<1x16xf32> to vector<16xf32>
      %swap3A_1561 = vector.shape_cast %get3A_1556 : vector<16xf32> to vector<1x16xf32>
      tpu.vector_store %arg9[%swap3A_1557, %swap3A_1558], %swap3A_1561 {add = true, strides = array<i32>} : memref<200x64xf32, #tpu.memory_space<vmem>>, vector<1x16xf32>,
      %get3A_1562 = arith.index_cast %scan3A_1536 : i32 to index
      %get3A_1563 = arith.constant 48 : index
      %get3A_1564 = tpu.vector_load %arg7[%get3A_1562, %get3A_1563] {strides = array<i32>} : memref<200x64xf32, #tpu.memory_space<vmem>>, vector<1x16xf32>,
      %get3A_1565 = vector.shape_cast %get3A_1564 : vector<1x16xf32> to vector<16xf32>
      %swap3A_1566 = arith.index_cast %scan3A_1536 : i32 to index
      %swap3A_1567 = arith.constant 48 : index
      %swap3A_1568 = tpu.vector_load %arg9[%swap3A_1566, %swap3A_1567] {strides = array<i32>} : memref<200x64xf32, #tpu.memory_space<vmem>>, vector<1x16xf32>,
      %swap3A_1569 = vector.shape_cast %swap3A_1568 : vector<1x16xf32> to vector<16xf32>
      %swap3A_1570 = vector.shape_cast %get3A_1565 : vector<16xf32> to vector<1x16xf32>
      tpu.vector_store %arg9[%swap3A_1566, %swap3A_1567], %swap3A_1570 {add = true, strides = array<i32>} : memref<200x64xf32, #tpu.memory_space<vmem>>, vector<1x16xf32>,
    }
    %scan3A_389 = arith.constant 200 : i32
    %add3A_390 = arith.constant 1400 : i32
    %add3A_391 = arith.addi %mul3A_2, %add3A_390 : i32
    %dma_start3A_392 = arith.constant 0 : i32
    %dma_start3A_393 = tpu.memref_slice %arg5[%add3A_391, %dma_start3A_392] : memref<204800x64xf32, #tpu.memory_space<hbm>> -> memref<200x64xf32, #tpu.memory_space<hbm>>
    %dma_start3A_394 = arith.constant 0 : i32
    %dma_start3A_395 = tpu.memref_slice %arg5[%add3A_391, %dma_start3A_394] : memref<204800x64xf32, #tpu.memory_space<hbm>> -> memref<200x64xf32, #tpu.memory_space<hbm>>
    tpu.enqueue_dma source(%arg9 : memref<200x64xf32, #tpu.memory_space<vmem>>) target(%dma_start3A_395 : memref<200x64xf32, #tpu.memory_space<hbm>>) target_semaphore(%arg13 : memref<!tpu.dma_semaphore, #tpu.memory_space<semaphore_mem>>)
    %dma_wait3A_396 = arith.constant 0 : i32
    %dma_wait3A_397 = tpu.memref_slice %arg5[%add3A_391, %dma_wait3A_396] : memref<204800x64xf32, #tpu.memory_space<hbm>> -> memref<200x64xf32, #tpu.memory_space<hbm>>
    %dma_wait3A_398 = arith.constant 0 : i32
    %dma_wait3A_399 = tpu.memref_slice %arg5[%add3A_391, %dma_wait3A_398] : memref<204800x64xf32, #tpu.memory_space<hbm>> -> memref<200x64xf32, #tpu.memory_space<hbm>>
    tpu.wait_dma2 semaphore(%arg13 : memref<!tpu.dma_semaphore, #tpu.memory_space<semaphore_mem>>) src(%arg9 : memref<200x64xf32, #tpu.memory_space<vmem>>) dst(%dma_wait3A_399 : memref<200x64xf32, #tpu.memory_space<hbm>>)
    %dma_start3A_400 = arith.constant 0 : i32
    %dma_start3A_401 = arith.constant 0 : i32
    %dma_start3A_402 = tpu.memref_slice %arg9[%dma_start3A_400, %dma_start3A_401] : memref<200x64xf32, #tpu.memory_space<vmem>> -> memref<128x64xf32, #tpu.memory_space<vmem>>
    %dma_start3A_403 = arith.constant 1800 : i32
    %dma_start3A_404 = tpu.memref_slice %arg6[%dma_start3A_403] : memref<6400xi32, #tpu.memory_space<vmem>> -> memref<128xi32, #tpu.memory_space<vmem>>
    %dma_start3A_405 = arith.constant 0 : i32
    %dma_start3A_406 = arith.constant 0 : i32
    %dma_start3A_407 = tpu.memref_slice %arg3[%dma_start3A_405, %dma_start3A_406] : memref<1000000x64xf32, #tpu.memory_space<hbm>> -> memref<1000000x64xf32, #tpu.memory_space<hbm>>
    tpu.enqueue_indirect_dma source(%dma_start3A_407 : memref<1000000x64xf32, #tpu.memory_space<hbm>>) target(%dma_start3A_402 : memref<128x64xf32, #tpu.memory_space<vmem>>) offsets(%dma_start3A_404 : memref<128xi32, #tpu.memory_space<vmem>>) semaphore(%arg11 : memref<!tpu.dma_semaphore, #tpu.memory_space<semaphore_mem>>)
    %dma_start3A_408 = arith.constant 128 : i32
    %dma_start3A_409 = arith.constant 0 : i32
    %dma_start3A_410 = tpu.memref_slice %arg9[%dma_start3A_408, %dma_start3A_409] : memref<200x64xf32, #tpu.memory_space<vmem>> -> memref<72x64xf32, #tpu.memory_space<vmem>>
    %dma_start3A_411 = arith.constant 1928 : i32
    %dma_start3A_412 = tpu.memref_slice %arg6[%dma_start3A_411] : memref<6400xi32, #tpu.memory_space<vmem>> -> memref<72xi32, #tpu.memory_space<vmem>>
    %dma_start3A_413 = arith.constant 0 : i32
    %dma_start3A_414 = arith.constant 0 : i32
    %dma_start3A_415 = tpu.memref_slice %arg3[%dma_start3A_413, %dma_start3A_414] : memref<1000000x64xf32, #tpu.memory_space<hbm>> -> memref<1000000x64xf32, #tpu.memory_space<hbm>>
    tpu.enqueue_indirect_dma source(%dma_start3A_415 : memref<1000000x64xf32, #tpu.memory_space<hbm>>) target(%dma_start3A_410 : memref<72x64xf32, #tpu.memory_space<vmem>>) offsets(%dma_start3A_412 : memref<72xi32, #tpu.memory_space<vmem>>) semaphore(%arg11 : memref<!tpu.dma_semaphore, #tpu.memory_space<semaphore_mem>>)
    %dma_wait3A_416 = arith.constant 0 : i32
    %dma_wait3A_417 = arith.constant 0 : i32
    %dma_wait3A_418 = tpu.memref_slice %arg8[%dma_wait3A_416, %dma_wait3A_417] : memref<200x64xf32, #tpu.memory_space<vmem>> -> memref<128x64xf32, #tpu.memory_space<vmem>>
    %dma_wait3A_419 = arith.constant 1600 : i32
    %dma_wait3A_420 = tpu.memref_slice %arg6[%dma_wait3A_419] : memref<6400xi32, #tpu.memory_space<vmem>> -> memref<128xi32, #tpu.memory_space<vmem>>
    %dma_wait3A_421 = arith.constant 0 : i32
    %dma_wait3A_422 = arith.constant 0 : i32
    %dma_wait3A_423 = tpu.memref_slice %arg3[%dma_wait3A_421, %dma_wait3A_422] : memref<1000000x64xf32, #tpu.memory_space<hbm>> -> memref<1000000x64xf32, #tpu.memory_space<hbm>>
    tpu.wait_indirect_dma semaphore(%arg10 : memref<!tpu.dma_semaphore, #tpu.memory_space<semaphore_mem>>) src(%dma_wait3A_423 : memref<1000000x64xf32, #tpu.memory_space<hbm>>) dst(%dma_wait3A_418 : memref<128x64xf32, #tpu.memory_space<vmem>>)
    %dma_wait3A_424 = arith.constant 128 : i32
    %dma_wait3A_425 = arith.constant 0 : i32
    %dma_wait3A_426 = tpu.memref_slice %arg8[%dma_wait3A_424, %dma_wait3A_425] : memref<200x64xf32, #tpu.memory_space<vmem>> -> memref<72x64xf32, #tpu.memory_space<vmem>>
    %dma_wait3A_427 = arith.constant 1728 : i32
    %dma_wait3A_428 = tpu.memref_slice %arg6[%dma_wait3A_427] : memref<6400xi32, #tpu.memory_space<vmem>> -> memref<72xi32, #tpu.memory_space<vmem>>
    %dma_wait3A_429 = arith.constant 0 : i32
    %dma_wait3A_430 = arith.constant 0 : i32
    %dma_wait3A_431 = tpu.memref_slice %arg3[%dma_wait3A_429, %dma_wait3A_430] : memref<1000000x64xf32, #tpu.memory_space<hbm>> -> memref<1000000x64xf32, #tpu.memory_space<hbm>>
    tpu.wait_indirect_dma semaphore(%arg10 : memref<!tpu.dma_semaphore, #tpu.memory_space<semaphore_mem>>) src(%dma_wait3A_431 : memref<1000000x64xf32, #tpu.memory_space<hbm>>) dst(%dma_wait3A_426 : memref<72x64xf32, #tpu.memory_space<vmem>>)
    %scan3A_432 = arith.constant 0 : i32
    %scan3A_433 = arith.constant 0 : i32
    %scan3A_434 = arith.constant 200 : i32
    %scan3A_435 = arith.addi %scan3A_433, %scan3A_434 : i32
    %scan3A_436 = arith.constant 1 : i32
    scf.for %scan3A_1536 = %scan3A_433 to %scan3A_435 step %scan3A_436  : i32 {
      %get3A = arith.index_cast %scan3A_1536 : i32 to index
      %get3A_1537 = arith.constant 0 : index
      %get3A_1538 = tpu.vector_load %arg7[%get3A, %get3A_1537] {strides = array<i32>} : memref<200x64xf32, #tpu.memory_space<vmem>>, vector<1x16xf32>,
      %get3A_1539 = vector.shape_cast %get3A_1538 : vector<1x16xf32> to vector<16xf32>
      %swap3A = arith.index_cast %scan3A_1536 : i32 to index
      %swap3A_1540 = arith.constant 0 : index
      %swap3A_1541 = tpu.vector_load %arg8[%swap3A, %swap3A_1540] {strides = array<i32>} : memref<200x64xf32, #tpu.memory_space<vmem>>, vector<1x16xf32>,
      %swap3A_1542 = vector.shape_cast %swap3A_1541 : vector<1x16xf32> to vector<16xf32>
      %swap3A_1543 = vector.shape_cast %get3A_1539 : vector<16xf32> to vector<1x16xf32>
      tpu.vector_store %arg8[%swap3A, %swap3A_1540], %swap3A_1543 {add = true, strides = array<i32>} : memref<200x64xf32, #tpu.memory_space<vmem>>, vector<1x16xf32>,
      %get3A_1544 = arith.index_cast %scan3A_1536 : i32 to index
      %get3A_1545 = arith.constant 16 : index
      %get3A_1546 = tpu.vector_load %arg7[%get3A_1544, %get3A_1545] {strides = array<i32>} : memref<200x64xf32, #tpu.memory_space<vmem>>, vector<1x16xf32>,
      %get3A_1547 = vector.shape_cast %get3A_1546 : vector<1x16xf32> to vector<16xf32>
      %swap3A_1548 = arith.index_cast %scan3A_1536 : i32 to index
      %swap3A_1549 = arith.constant 16 : index
      %swap3A_1550 = tpu.vector_load %arg8[%swap3A_1548, %swap3A_1549] {strides = array<i32>} : memref<200x64xf32, #tpu.memory_space<vmem>>, vector<1x16xf32>,
      %swap3A_1551 = vector.shape_cast %swap3A_1550 : vector<1x16xf32> to vector<16xf32>
      %swap3A_1552 = vector.shape_cast %get3A_1547 : vector<16xf32> to vector<1x16xf32>
      tpu.vector_store %arg8[%swap3A_1548, %swap3A_1549], %swap3A_1552 {add = true, strides = array<i32>} : memref<200x64xf32, #tpu.memory_space<vmem>>, vector<1x16xf32>,
      %get3A_1553 = arith.index_cast %scan3A_1536 : i32 to index
      %get3A_1554 = arith.constant 32 : index
      %get3A_1555 = tpu.vector_load %arg7[%get3A_1553, %get3A_1554] {strides = array<i32>} : memref<200x64xf32, #tpu.memory_space<vmem>>, vector<1x16xf32>,
      %get3A_1556 = vector.shape_cast %get3A_1555 : vector<1x16xf32> to vector<16xf32>
      %swap3A_1557 = arith.index_cast %scan3A_1536 : i32 to index
      %swap3A_1558 = arith.constant 32 : index
      %swap3A_1559 = tpu.vector_load %arg8[%swap3A_1557, %swap3A_1558] {strides = array<i32>} : memref<200x64xf32, #tpu.memory_space<vmem>>, vector<1x16xf32>,
      %swap3A_1560 = vector.shape_cast %swap3A_1559 : vector<1x16xf32> to vector<16xf32>
      %swap3A_1561 = vector.shape_cast %get3A_1556 : vector<16xf32> to vector<1x16xf32>
      tpu.vector_store %arg8[%swap3A_1557, %swap3A_1558], %swap3A_1561 {add = true, strides = array<i32>} : memref<200x64xf32, #tpu.memory_space<vmem>>, vector<1x16xf32>,
      %get3A_1562 = arith.index_cast %scan3A_1536 : i32 to index
      %get3A_1563 = arith.constant 48 : index
      %get3A_1564 = tpu.vector_load %arg7[%get3A_1562, %get3A_1563] {strides = array<i32>} : memref<200x64xf32, #tpu.memory_space<vmem>>, vector<1x16xf32>,
      %get3A_1565 = vector.shape_cast %get3A_1564 : vector<1x16xf32> to vector<16xf32>
      %swap3A_1566 = arith.index_cast %scan3A_1536 : i32 to index
      %swap3A_1567 = arith.constant 48 : index
      %swap3A_1568 = tpu.vector_load %arg8[%swap3A_1566, %swap3A_1567] {strides = array<i32>} : memref<200x64xf32, #tpu.memory_space<vmem>>, vector<1x16xf32>,
      %swap3A_1569 = vector.shape_cast %swap3A_1568 : vector<1x16xf32> to vector<16xf32>
      %swap3A_1570 = vector.shape_cast %get3A_1565 : vector<16xf32> to vector<1x16xf32>
      tpu.vector_store %arg8[%swap3A_1566, %swap3A_1567], %swap3A_1570 {add = true, strides = array<i32>} : memref<200x64xf32, #tpu.memory_space<vmem>>, vector<1x16xf32>,
    }
    %scan3A_437 = arith.constant 200 : i32
    %add3A_438 = arith.constant 1600 : i32
    %add3A_439 = arith.addi %mul3A_2, %add3A_438 : i32
    %dma_start3A_440 = arith.constant 0 : i32
    %dma_start3A_441 = tpu.memref_slice %arg5[%add3A_439, %dma_start3A_440] : memref<204800x64xf32, #tpu.memory_space<hbm>> -> memref<200x64xf32, #tpu.memory_space<hbm>>
    %dma_start3A_442 = arith.constant 0 : i32
    %dma_start3A_443 = tpu.memref_slice %arg5[%add3A_439, %dma_start3A_442] : memref<204800x64xf32, #tpu.memory_space<hbm>> -> memref<200x64xf32, #tpu.memory_space<hbm>>
    tpu.enqueue_dma source(%arg8 : memref<200x64xf32, #tpu.memory_space<vmem>>) target(%dma_start3A_443 : memref<200x64xf32, #tpu.memory_space<hbm>>) target_semaphore(%arg12 : memref<!tpu.dma_semaphore, #tpu.memory_space<semaphore_mem>>)
    %dma_wait3A_444 = arith.constant 0 : i32
    %dma_wait3A_445 = tpu.memref_slice %arg5[%add3A_439, %dma_wait3A_444] : memref<204800x64xf32, #tpu.memory_space<hbm>> -> memref<200x64xf32, #tpu.memory_space<hbm>>
    %dma_wait3A_446 = arith.constant 0 : i32
    %dma_wait3A_447 = tpu.memref_slice %arg5[%add3A_439, %dma_wait3A_446] : memref<204800x64xf32, #tpu.memory_space<hbm>> -> memref<200x64xf32, #tpu.memory_space<hbm>>
    tpu.wait_dma2 semaphore(%arg12 : memref<!tpu.dma_semaphore, #tpu.memory_space<semaphore_mem>>) src(%arg8 : memref<200x64xf32, #tpu.memory_space<vmem>>) dst(%dma_wait3A_447 : memref<200x64xf32, #tpu.memory_space<hbm>>)
    %dma_start3A_448 = arith.constant 0 : i32
    %dma_start3A_449 = arith.constant 0 : i32
    %dma_start3A_450 = tpu.memref_slice %arg8[%dma_start3A_448, %dma_start3A_449] : memref<200x64xf32, #tpu.memory_space<vmem>> -> memref<128x64xf32, #tpu.memory_space<vmem>>
    %dma_start3A_451 = arith.constant 2000 : i32
    %dma_start3A_452 = tpu.memref_slice %arg6[%dma_start3A_451] : memref<6400xi32, #tpu.memory_space<vmem>> -> memref<128xi32, #tpu.memory_space<vmem>>
    %dma_start3A_453 = arith.constant 0 : i32
    %dma_start3A_454 = arith.constant 0 : i32
    %dma_start3A_455 = tpu.memref_slice %arg3[%dma_start3A_453, %dma_start3A_454] : memref<1000000x64xf32, #tpu.memory_space<hbm>> -> memref<1000000x64xf32, #tpu.memory_space<hbm>>
    tpu.enqueue_indirect_dma source(%dma_start3A_455 : memref<1000000x64xf32, #tpu.memory_space<hbm>>) target(%dma_start3A_450 : memref<128x64xf32, #tpu.memory_space<vmem>>) offsets(%dma_start3A_452 : memref<128xi32, #tpu.memory_space<vmem>>) semaphore(%arg10 : memref<!tpu.dma_semaphore, #tpu.memory_space<semaphore_mem>>)
    %dma_start3A_456 = arith.constant 128 : i32
    %dma_start3A_457 = arith.constant 0 : i32
    %dma_start3A_458 = tpu.memref_slice %arg8[%dma_start3A_456, %dma_start3A_457] : memref<200x64xf32, #tpu.memory_space<vmem>> -> memref<72x64xf32, #tpu.memory_space<vmem>>
    %dma_start3A_459 = arith.constant 2128 : i32
    %dma_start3A_460 = tpu.memref_slice %arg6[%dma_start3A_459] : memref<6400xi32, #tpu.memory_space<vmem>> -> memref<72xi32, #tpu.memory_space<vmem>>
    %dma_start3A_461 = arith.constant 0 : i32
    %dma_start3A_462 = arith.constant 0 : i32
    %dma_start3A_463 = tpu.memref_slice %arg3[%dma_start3A_461, %dma_start3A_462] : memref<1000000x64xf32, #tpu.memory_space<hbm>> -> memref<1000000x64xf32, #tpu.memory_space<hbm>>
    tpu.enqueue_indirect_dma source(%dma_start3A_463 : memref<1000000x64xf32, #tpu.memory_space<hbm>>) target(%dma_start3A_458 : memref<72x64xf32, #tpu.memory_space<vmem>>) offsets(%dma_start3A_460 : memref<72xi32, #tpu.memory_space<vmem>>) semaphore(%arg10 : memref<!tpu.dma_semaphore, #tpu.memory_space<semaphore_mem>>)
    %dma_wait3A_464 = arith.constant 0 : i32
    %dma_wait3A_465 = arith.constant 0 : i32
    %dma_wait3A_466 = tpu.memref_slice %arg9[%dma_wait3A_464, %dma_wait3A_465] : memref<200x64xf32, #tpu.memory_space<vmem>> -> memref<128x64xf32, #tpu.memory_space<vmem>>
    %dma_wait3A_467 = arith.constant 1800 : i32
    %dma_wait3A_468 = tpu.memref_slice %arg6[%dma_wait3A_467] : memref<6400xi32, #tpu.memory_space<vmem>> -> memref<128xi32, #tpu.memory_space<vmem>>
    %dma_wait3A_469 = arith.constant 0 : i32
    %dma_wait3A_470 = arith.constant 0 : i32
    %dma_wait3A_471 = tpu.memref_slice %arg3[%dma_wait3A_469, %dma_wait3A_470] : memref<1000000x64xf32, #tpu.memory_space<hbm>> -> memref<1000000x64xf32, #tpu.memory_space<hbm>>
    tpu.wait_indirect_dma semaphore(%arg11 : memref<!tpu.dma_semaphore, #tpu.memory_space<semaphore_mem>>) src(%dma_wait3A_471 : memref<1000000x64xf32, #tpu.memory_space<hbm>>) dst(%dma_wait3A_466 : memref<128x64xf32, #tpu.memory_space<vmem>>)
    %dma_wait3A_472 = arith.constant 128 : i32
    %dma_wait3A_473 = arith.constant 0 : i32
    %dma_wait3A_474 = tpu.memref_slice %arg9[%dma_wait3A_472, %dma_wait3A_473] : memref<200x64xf32, #tpu.memory_space<vmem>> -> memref<72x64xf32, #tpu.memory_space<vmem>>
    %dma_wait3A_475 = arith.constant 1928 : i32
    %dma_wait3A_476 = tpu.memref_slice %arg6[%dma_wait3A_475] : memref<6400xi32, #tpu.memory_space<vmem>> -> memref<72xi32, #tpu.memory_space<vmem>>
    %dma_wait3A_477 = arith.constant 0 : i32
    %dma_wait3A_478 = arith.constant 0 : i32
    %dma_wait3A_479 = tpu.memref_slice %arg3[%dma_wait3A_477, %dma_wait3A_478] : memref<1000000x64xf32, #tpu.memory_space<hbm>> -> memref<1000000x64xf32, #tpu.memory_space<hbm>>
    tpu.wait_indirect_dma semaphore(%arg11 : memref<!tpu.dma_semaphore, #tpu.memory_space<semaphore_mem>>) src(%dma_wait3A_479 : memref<1000000x64xf32, #tpu.memory_space<hbm>>) dst(%dma_wait3A_474 : memref<72x64xf32, #tpu.memory_space<vmem>>)
    %scan3A_480 = arith.constant 0 : i32
    %scan3A_481 = arith.constant 0 : i32
    %scan3A_482 = arith.constant 200 : i32
    %scan3A_483 = arith.addi %scan3A_481, %scan3A_482 : i32
    %scan3A_484 = arith.constant 1 : i32
    scf.for %scan3A_1536 = %scan3A_481 to %scan3A_483 step %scan3A_484  : i32 {
      %get3A = arith.index_cast %scan3A_1536 : i32 to index
      %get3A_1537 = arith.constant 0 : index
      %get3A_1538 = tpu.vector_load %arg7[%get3A, %get3A_1537] {strides = array<i32>} : memref<200x64xf32, #tpu.memory_space<vmem>>, vector<1x16xf32>,
      %get3A_1539 = vector.shape_cast %get3A_1538 : vector<1x16xf32> to vector<16xf32>
      %swap3A = arith.index_cast %scan3A_1536 : i32 to index
      %swap3A_1540 = arith.constant 0 : index
      %swap3A_1541 = tpu.vector_load %arg9[%swap3A, %swap3A_1540] {strides = array<i32>} : memref<200x64xf32, #tpu.memory_space<vmem>>, vector<1x16xf32>,
      %swap3A_1542 = vector.shape_cast %swap3A_1541 : vector<1x16xf32> to vector<16xf32>
      %swap3A_1543 = vector.shape_cast %get3A_1539 : vector<16xf32> to vector<1x16xf32>
      tpu.vector_store %arg9[%swap3A, %swap3A_1540], %swap3A_1543 {add = true, strides = array<i32>} : memref<200x64xf32, #tpu.memory_space<vmem>>, vector<1x16xf32>,
      %get3A_1544 = arith.index_cast %scan3A_1536 : i32 to index
      %get3A_1545 = arith.constant 16 : index
      %get3A_1546 = tpu.vector_load %arg7[%get3A_1544, %get3A_1545] {strides = array<i32>} : memref<200x64xf32, #tpu.memory_space<vmem>>, vector<1x16xf32>,
      %get3A_1547 = vector.shape_cast %get3A_1546 : vector<1x16xf32> to vector<16xf32>
      %swap3A_1548 = arith.index_cast %scan3A_1536 : i32 to index
      %swap3A_1549 = arith.constant 16 : index
      %swap3A_1550 = tpu.vector_load %arg9[%swap3A_1548, %swap3A_1549] {strides = array<i32>} : memref<200x64xf32, #tpu.memory_space<vmem>>, vector<1x16xf32>,
      %swap3A_1551 = vector.shape_cast %swap3A_1550 : vector<1x16xf32> to vector<16xf32>
      %swap3A_1552 = vector.shape_cast %get3A_1547 : vector<16xf32> to vector<1x16xf32>
      tpu.vector_store %arg9[%swap3A_1548, %swap3A_1549], %swap3A_1552 {add = true, strides = array<i32>} : memref<200x64xf32, #tpu.memory_space<vmem>>, vector<1x16xf32>,
      %get3A_1553 = arith.index_cast %scan3A_1536 : i32 to index
      %get3A_1554 = arith.constant 32 : index
      %get3A_1555 = tpu.vector_load %arg7[%get3A_1553, %get3A_1554] {strides = array<i32>} : memref<200x64xf32, #tpu.memory_space<vmem>>, vector<1x16xf32>,
      %get3A_1556 = vector.shape_cast %get3A_1555 : vector<1x16xf32> to vector<16xf32>
      %swap3A_1557 = arith.index_cast %scan3A_1536 : i32 to index
      %swap3A_1558 = arith.constant 32 : index
      %swap3A_1559 = tpu.vector_load %arg9[%swap3A_1557, %swap3A_1558] {strides = array<i32>} : memref<200x64xf32, #tpu.memory_space<vmem>>, vector<1x16xf32>,
      %swap3A_1560 = vector.shape_cast %swap3A_1559 : vector<1x16xf32> to vector<16xf32>
      %swap3A_1561 = vector.shape_cast %get3A_1556 : vector<16xf32> to vector<1x16xf32>
      tpu.vector_store %arg9[%swap3A_1557, %swap3A_1558], %swap3A_1561 {add = true, strides = array<i32>} : memref<200x64xf32, #tpu.memory_space<vmem>>, vector<1x16xf32>,
      %get3A_1562 = arith.index_cast %scan3A_1536 : i32 to index
      %get3A_1563 = arith.constant 48 : index
      %get3A_1564 = tpu.vector_load %arg7[%get3A_1562, %get3A_1563] {strides = array<i32>} : memref<200x64xf32, #tpu.memory_space<vmem>>, vector<1x16xf32>,
      %get3A_1565 = vector.shape_cast %get3A_1564 : vector<1x16xf32> to vector<16xf32>
      %swap3A_1566 = arith.index_cast %scan3A_1536 : i32 to index
      %swap3A_1567 = arith.constant 48 : index
      %swap3A_1568 = tpu.vector_load %arg9[%swap3A_1566, %swap3A_1567] {strides = array<i32>} : memref<200x64xf32, #tpu.memory_space<vmem>>, vector<1x16xf32>,
      %swap3A_1569 = vector.shape_cast %swap3A_1568 : vector<1x16xf32> to vector<16xf32>
      %swap3A_1570 = vector.shape_cast %get3A_1565 : vector<16xf32> to vector<1x16xf32>
      tpu.vector_store %arg9[%swap3A_1566, %swap3A_1567], %swap3A_1570 {add = true, strides = array<i32>} : memref<200x64xf32, #tpu.memory_space<vmem>>, vector<1x16xf32>,
    }
    %scan3A_485 = arith.constant 200 : i32
    %add3A_486 = arith.constant 1800 : i32
    %add3A_487 = arith.addi %mul3A_2, %add3A_486 : i32
    %dma_start3A_488 = arith.constant 0 : i32
    %dma_start3A_489 = tpu.memref_slice %arg5[%add3A_487, %dma_start3A_488] : memref<204800x64xf32, #tpu.memory_space<hbm>> -> memref<200x64xf32, #tpu.memory_space<hbm>>
    %dma_start3A_490 = arith.constant 0 : i32
    %dma_start3A_491 = tpu.memref_slice %arg5[%add3A_487, %dma_start3A_490] : memref<204800x64xf32, #tpu.memory_space<hbm>> -> memref<200x64xf32, #tpu.memory_space<hbm>>
    tpu.enqueue_dma source(%arg9 : memref<200x64xf32, #tpu.memory_space<vmem>>) target(%dma_start3A_491 : memref<200x64xf32, #tpu.memory_space<hbm>>) target_semaphore(%arg13 : memref<!tpu.dma_semaphore, #tpu.memory_space<semaphore_mem>>)
    %dma_wait3A_492 = arith.constant 0 : i32
    %dma_wait3A_493 = tpu.memref_slice %arg5[%add3A_487, %dma_wait3A_492] : memref<204800x64xf32, #tpu.memory_space<hbm>> -> memref<200x64xf32, #tpu.memory_space<hbm>>
    %dma_wait3A_494 = arith.constant 0 : i32
    %dma_wait3A_495 = tpu.memref_slice %arg5[%add3A_487, %dma_wait3A_494] : memref<204800x64xf32, #tpu.memory_space<hbm>> -> memref<200x64xf32, #tpu.memory_space<hbm>>
    tpu.wait_dma2 semaphore(%arg13 : memref<!tpu.dma_semaphore, #tpu.memory_space<semaphore_mem>>) src(%arg9 : memref<200x64xf32, #tpu.memory_space<vmem>>) dst(%dma_wait3A_495 : memref<200x64xf32, #tpu.memory_space<hbm>>)
    %dma_start3A_496 = arith.constant 0 : i32
    %dma_start3A_497 = arith.constant 0 : i32
    %dma_start3A_498 = tpu.memref_slice %arg9[%dma_start3A_496, %dma_start3A_497] : memref<200x64xf32, #tpu.memory_space<vmem>> -> memref<128x64xf32, #tpu.memory_space<vmem>>
    %dma_start3A_499 = arith.constant 2200 : i32
    %dma_start3A_500 = tpu.memref_slice %arg6[%dma_start3A_499] : memref<6400xi32, #tpu.memory_space<vmem>> -> memref<128xi32, #tpu.memory_space<vmem>>
    %dma_start3A_501 = arith.constant 0 : i32
    %dma_start3A_502 = arith.constant 0 : i32
    %dma_start3A_503 = tpu.memref_slice %arg3[%dma_start3A_501, %dma_start3A_502] : memref<1000000x64xf32, #tpu.memory_space<hbm>> -> memref<1000000x64xf32, #tpu.memory_space<hbm>>
    tpu.enqueue_indirect_dma source(%dma_start3A_503 : memref<1000000x64xf32, #tpu.memory_space<hbm>>) target(%dma_start3A_498 : memref<128x64xf32, #tpu.memory_space<vmem>>) offsets(%dma_start3A_500 : memref<128xi32, #tpu.memory_space<vmem>>) semaphore(%arg11 : memref<!tpu.dma_semaphore, #tpu.memory_space<semaphore_mem>>)
    %dma_start3A_504 = arith.constant 128 : i32
    %dma_start3A_505 = arith.constant 0 : i32
    %dma_start3A_506 = tpu.memref_slice %arg9[%dma_start3A_504, %dma_start3A_505] : memref<200x64xf32, #tpu.memory_space<vmem>> -> memref<72x64xf32, #tpu.memory_space<vmem>>
    %dma_start3A_507 = arith.constant 2328 : i32
    %dma_start3A_508 = tpu.memref_slice %arg6[%dma_start3A_507] : memref<6400xi32, #tpu.memory_space<vmem>> -> memref<72xi32, #tpu.memory_space<vmem>>
    %dma_start3A_509 = arith.constant 0 : i32
    %dma_start3A_510 = arith.constant 0 : i32
    %dma_start3A_511 = tpu.memref_slice %arg3[%dma_start3A_509, %dma_start3A_510] : memref<1000000x64xf32, #tpu.memory_space<hbm>> -> memref<1000000x64xf32, #tpu.memory_space<hbm>>
    tpu.enqueue_indirect_dma source(%dma_start3A_511 : memref<1000000x64xf32, #tpu.memory_space<hbm>>) target(%dma_start3A_506 : memref<72x64xf32, #tpu.memory_space<vmem>>) offsets(%dma_start3A_508 : memref<72xi32, #tpu.memory_space<vmem>>) semaphore(%arg11 : memref<!tpu.dma_semaphore, #tpu.memory_space<semaphore_mem>>)
    %dma_wait3A_512 = arith.constant 0 : i32
    %dma_wait3A_513 = arith.constant 0 : i32
    %dma_wait3A_514 = tpu.memref_slice %arg8[%dma_wait3A_512, %dma_wait3A_513] : memref<200x64xf32, #tpu.memory_space<vmem>> -> memref<128x64xf32, #tpu.memory_space<vmem>>
    %dma_wait3A_515 = arith.constant 2000 : i32
    %dma_wait3A_516 = tpu.memref_slice %arg6[%dma_wait3A_515] : memref<6400xi32, #tpu.memory_space<vmem>> -> memref<128xi32, #tpu.memory_space<vmem>>
    %dma_wait3A_517 = arith.constant 0 : i32
    %dma_wait3A_518 = arith.constant 0 : i32
    %dma_wait3A_519 = tpu.memref_slice %arg3[%dma_wait3A_517, %dma_wait3A_518] : memref<1000000x64xf32, #tpu.memory_space<hbm>> -> memref<1000000x64xf32, #tpu.memory_space<hbm>>
    tpu.wait_indirect_dma semaphore(%arg10 : memref<!tpu.dma_semaphore, #tpu.memory_space<semaphore_mem>>) src(%dma_wait3A_519 : memref<1000000x64xf32, #tpu.memory_space<hbm>>) dst(%dma_wait3A_514 : memref<128x64xf32, #tpu.memory_space<vmem>>)
    %dma_wait3A_520 = arith.constant 128 : i32
    %dma_wait3A_521 = arith.constant 0 : i32
    %dma_wait3A_522 = tpu.memref_slice %arg8[%dma_wait3A_520, %dma_wait3A_521] : memref<200x64xf32, #tpu.memory_space<vmem>> -> memref<72x64xf32, #tpu.memory_space<vmem>>
    %dma_wait3A_523 = arith.constant 2128 : i32
    %dma_wait3A_524 = tpu.memref_slice %arg6[%dma_wait3A_523] : memref<6400xi32, #tpu.memory_space<vmem>> -> memref<72xi32, #tpu.memory_space<vmem>>
    %dma_wait3A_525 = arith.constant 0 : i32
    %dma_wait3A_526 = arith.constant 0 : i32
    %dma_wait3A_527 = tpu.memref_slice %arg3[%dma_wait3A_525, %dma_wait3A_526] : memref<1000000x64xf32, #tpu.memory_space<hbm>> -> memref<1000000x64xf32, #tpu.memory_space<hbm>>
    tpu.wait_indirect_dma semaphore(%arg10 : memref<!tpu.dma_semaphore, #tpu.memory_space<semaphore_mem>>) src(%dma_wait3A_527 : memref<1000000x64xf32, #tpu.memory_space<hbm>>) dst(%dma_wait3A_522 : memref<72x64xf32, #tpu.memory_space<vmem>>)
    %scan3A_528 = arith.constant 0 : i32
    %scan3A_529 = arith.constant 0 : i32
    %scan3A_530 = arith.constant 200 : i32
    %scan3A_531 = arith.addi %scan3A_529, %scan3A_530 : i32
    %scan3A_532 = arith.constant 1 : i32
    scf.for %scan3A_1536 = %scan3A_529 to %scan3A_531 step %scan3A_532  : i32 {
      %get3A = arith.index_cast %scan3A_1536 : i32 to index
      %get3A_1537 = arith.constant 0 : index
      %get3A_1538 = tpu.vector_load %arg7[%get3A, %get3A_1537] {strides = array<i32>} : memref<200x64xf32, #tpu.memory_space<vmem>>, vector<1x16xf32>,
      %get3A_1539 = vector.shape_cast %get3A_1538 : vector<1x16xf32> to vector<16xf32>
      %swap3A = arith.index_cast %scan3A_1536 : i32 to index
      %swap3A_1540 = arith.constant 0 : index
      %swap3A_1541 = tpu.vector_load %arg8[%swap3A, %swap3A_1540] {strides = array<i32>} : memref<200x64xf32, #tpu.memory_space<vmem>>, vector<1x16xf32>,
      %swap3A_1542 = vector.shape_cast %swap3A_1541 : vector<1x16xf32> to vector<16xf32>
      %swap3A_1543 = vector.shape_cast %get3A_1539 : vector<16xf32> to vector<1x16xf32>
      tpu.vector_store %arg8[%swap3A, %swap3A_1540], %swap3A_1543 {add = true, strides = array<i32>} : memref<200x64xf32, #tpu.memory_space<vmem>>, vector<1x16xf32>,
      %get3A_1544 = arith.index_cast %scan3A_1536 : i32 to index
      %get3A_1545 = arith.constant 16 : index
      %get3A_1546 = tpu.vector_load %arg7[%get3A_1544, %get3A_1545] {strides = array<i32>} : memref<200x64xf32, #tpu.memory_space<vmem>>, vector<1x16xf32>,
      %get3A_1547 = vector.shape_cast %get3A_1546 : vector<1x16xf32> to vector<16xf32>
      %swap3A_1548 = arith.index_cast %scan3A_1536 : i32 to index
      %swap3A_1549 = arith.constant 16 : index
      %swap3A_1550 = tpu.vector_load %arg8[%swap3A_1548, %swap3A_1549] {strides = array<i32>} : memref<200x64xf32, #tpu.memory_space<vmem>>, vector<1x16xf32>,
      %swap3A_1551 = vector.shape_cast %swap3A_1550 : vector<1x16xf32> to vector<16xf32>
      %swap3A_1552 = vector.shape_cast %get3A_1547 : vector<16xf32> to vector<1x16xf32>
      tpu.vector_store %arg8[%swap3A_1548, %swap3A_1549], %swap3A_1552 {add = true, strides = array<i32>} : memref<200x64xf32, #tpu.memory_space<vmem>>, vector<1x16xf32>,
      %get3A_1553 = arith.index_cast %scan3A_1536 : i32 to index
      %get3A_1554 = arith.constant 32 : index
      %get3A_1555 = tpu.vector_load %arg7[%get3A_1553, %get3A_1554] {strides = array<i32>} : memref<200x64xf32, #tpu.memory_space<vmem>>, vector<1x16xf32>,
      %get3A_1556 = vector.shape_cast %get3A_1555 : vector<1x16xf32> to vector<16xf32>
      %swap3A_1557 = arith.index_cast %scan3A_1536 : i32 to index
      %swap3A_1558 = arith.constant 32 : index
      %swap3A_1559 = tpu.vector_load %arg8[%swap3A_1557, %swap3A_1558] {strides = array<i32>} : memref<200x64xf32, #tpu.memory_space<vmem>>, vector<1x16xf32>,
      %swap3A_1560 = vector.shape_cast %swap3A_1559 : vector<1x16xf32> to vector<16xf32>
      %swap3A_1561 = vector.shape_cast %get3A_1556 : vector<16xf32> to vector<1x16xf32>
      tpu.vector_store %arg8[%swap3A_1557, %swap3A_1558], %swap3A_1561 {add = true, strides = array<i32>} : memref<200x64xf32, #tpu.memory_space<vmem>>, vector<1x16xf32>,
      %get3A_1562 = arith.index_cast %scan3A_1536 : i32 to index
      %get3A_1563 = arith.constant 48 : index
      %get3A_1564 = tpu.vector_load %arg7[%get3A_1562, %get3A_1563] {strides = array<i32>} : memref<200x64xf32, #tpu.memory_space<vmem>>, vector<1x16xf32>,
      %get3A_1565 = vector.shape_cast %get3A_1564 : vector<1x16xf32> to vector<16xf32>
      %swap3A_1566 = arith.index_cast %scan3A_1536 : i32 to index
      %swap3A_1567 = arith.constant 48 : index
      %swap3A_1568 = tpu.vector_load %arg8[%swap3A_1566, %swap3A_1567] {strides = array<i32>} : memref<200x64xf32, #tpu.memory_space<vmem>>, vector<1x16xf32>,
      %swap3A_1569 = vector.shape_cast %swap3A_1568 : vector<1x16xf32> to vector<16xf32>
      %swap3A_1570 = vector.shape_cast %get3A_1565 : vector<16xf32> to vector<1x16xf32>
      tpu.vector_store %arg8[%swap3A_1566, %swap3A_1567], %swap3A_1570 {add = true, strides = array<i32>} : memref<200x64xf32, #tpu.memory_space<vmem>>, vector<1x16xf32>,
    }
    %scan3A_533 = arith.constant 200 : i32
    %add3A_534 = arith.constant 2000 : i32
    %add3A_535 = arith.addi %mul3A_2, %add3A_534 : i32
    %dma_start3A_536 = arith.constant 0 : i32
    %dma_start3A_537 = tpu.memref_slice %arg5[%add3A_535, %dma_start3A_536] : memref<204800x64xf32, #tpu.memory_space<hbm>> -> memref<200x64xf32, #tpu.memory_space<hbm>>
    %dma_start3A_538 = arith.constant 0 : i32
    %dma_start3A_539 = tpu.memref_slice %arg5[%add3A_535, %dma_start3A_538] : memref<204800x64xf32, #tpu.memory_space<hbm>> -> memref<200x64xf32, #tpu.memory_space<hbm>>
    tpu.enqueue_dma source(%arg8 : memref<200x64xf32, #tpu.memory_space<vmem>>) target(%dma_start3A_539 : memref<200x64xf32, #tpu.memory_space<hbm>>) target_semaphore(%arg12 : memref<!tpu.dma_semaphore, #tpu.memory_space<semaphore_mem>>)
    %dma_wait3A_540 = arith.constant 0 : i32
    %dma_wait3A_541 = tpu.memref_slice %arg5[%add3A_535, %dma_wait3A_540] : memref<204800x64xf32, #tpu.memory_space<hbm>> -> memref<200x64xf32, #tpu.memory_space<hbm>>
    %dma_wait3A_542 = arith.constant 0 : i32
    %dma_wait3A_543 = tpu.memref_slice %arg5[%add3A_535, %dma_wait3A_542] : memref<204800x64xf32, #tpu.memory_space<hbm>> -> memref<200x64xf32, #tpu.memory_space<hbm>>
    tpu.wait_dma2 semaphore(%arg12 : memref<!tpu.dma_semaphore, #tpu.memory_space<semaphore_mem>>) src(%arg8 : memref<200x64xf32, #tpu.memory_space<vmem>>) dst(%dma_wait3A_543 : memref<200x64xf32, #tpu.memory_space<hbm>>)
    %dma_start3A_544 = arith.constant 0 : i32
    %dma_start3A_545 = arith.constant 0 : i32
    %dma_start3A_546 = tpu.memref_slice %arg8[%dma_start3A_544, %dma_start3A_545] : memref<200x64xf32, #tpu.memory_space<vmem>> -> memref<128x64xf32, #tpu.memory_space<vmem>>
    %dma_start3A_547 = arith.constant 2400 : i32
    %dma_start3A_548 = tpu.memref_slice %arg6[%dma_start3A_547] : memref<6400xi32, #tpu.memory_space<vmem>> -> memref<128xi32, #tpu.memory_space<vmem>>
    %dma_start3A_549 = arith.constant 0 : i32
    %dma_start3A_550 = arith.constant 0 : i32
    %dma_start3A_551 = tpu.memref_slice %arg3[%dma_start3A_549, %dma_start3A_550] : memref<1000000x64xf32, #tpu.memory_space<hbm>> -> memref<1000000x64xf32, #tpu.memory_space<hbm>>
    tpu.enqueue_indirect_dma source(%dma_start3A_551 : memref<1000000x64xf32, #tpu.memory_space<hbm>>) target(%dma_start3A_546 : memref<128x64xf32, #tpu.memory_space<vmem>>) offsets(%dma_start3A_548 : memref<128xi32, #tpu.memory_space<vmem>>) semaphore(%arg10 : memref<!tpu.dma_semaphore, #tpu.memory_space<semaphore_mem>>)
    %dma_start3A_552 = arith.constant 128 : i32
    %dma_start3A_553 = arith.constant 0 : i32
    %dma_start3A_554 = tpu.memref_slice %arg8[%dma_start3A_552, %dma_start3A_553] : memref<200x64xf32, #tpu.memory_space<vmem>> -> memref<72x64xf32, #tpu.memory_space<vmem>>
    %dma_start3A_555 = arith.constant 2528 : i32
    %dma_start3A_556 = tpu.memref_slice %arg6[%dma_start3A_555] : memref<6400xi32, #tpu.memory_space<vmem>> -> memref<72xi32, #tpu.memory_space<vmem>>
    %dma_start3A_557 = arith.constant 0 : i32
    %dma_start3A_558 = arith.constant 0 : i32
    %dma_start3A_559 = tpu.memref_slice %arg3[%dma_start3A_557, %dma_start3A_558] : memref<1000000x64xf32, #tpu.memory_space<hbm>> -> memref<1000000x64xf32, #tpu.memory_space<hbm>>
    tpu.enqueue_indirect_dma source(%dma_start3A_559 : memref<1000000x64xf32, #tpu.memory_space<hbm>>) target(%dma_start3A_554 : memref<72x64xf32, #tpu.memory_space<vmem>>) offsets(%dma_start3A_556 : memref<72xi32, #tpu.memory_space<vmem>>) semaphore(%arg10 : memref<!tpu.dma_semaphore, #tpu.memory_space<semaphore_mem>>)
    %dma_wait3A_560 = arith.constant 0 : i32
    %dma_wait3A_561 = arith.constant 0 : i32
    %dma_wait3A_562 = tpu.memref_slice %arg9[%dma_wait3A_560, %dma_wait3A_561] : memref<200x64xf32, #tpu.memory_space<vmem>> -> memref<128x64xf32, #tpu.memory_space<vmem>>
    %dma_wait3A_563 = arith.constant 2200 : i32
    %dma_wait3A_564 = tpu.memref_slice %arg6[%dma_wait3A_563] : memref<6400xi32, #tpu.memory_space<vmem>> -> memref<128xi32, #tpu.memory_space<vmem>>
    %dma_wait3A_565 = arith.constant 0 : i32
    %dma_wait3A_566 = arith.constant 0 : i32
    %dma_wait3A_567 = tpu.memref_slice %arg3[%dma_wait3A_565, %dma_wait3A_566] : memref<1000000x64xf32, #tpu.memory_space<hbm>> -> memref<1000000x64xf32, #tpu.memory_space<hbm>>
    tpu.wait_indirect_dma semaphore(%arg11 : memref<!tpu.dma_semaphore, #tpu.memory_space<semaphore_mem>>) src(%dma_wait3A_567 : memref<1000000x64xf32, #tpu.memory_space<hbm>>) dst(%dma_wait3A_562 : memref<128x64xf32, #tpu.memory_space<vmem>>)
    %dma_wait3A_568 = arith.constant 128 : i32
    %dma_wait3A_569 = arith.constant 0 : i32
    %dma_wait3A_570 = tpu.memref_slice %arg9[%dma_wait3A_568, %dma_wait3A_569] : memref<200x64xf32, #tpu.memory_space<vmem>> -> memref<72x64xf32, #tpu.memory_space<vmem>>
    %dma_wait3A_571 = arith.constant 2328 : i32
    %dma_wait3A_572 = tpu.memref_slice %arg6[%dma_wait3A_571] : memref<6400xi32, #tpu.memory_space<vmem>> -> memref<72xi32, #tpu.memory_space<vmem>>
    %dma_wait3A_573 = arith.constant 0 : i32
    %dma_wait3A_574 = arith.constant 0 : i32
    %dma_wait3A_575 = tpu.memref_slice %arg3[%dma_wait3A_573, %dma_wait3A_574] : memref<1000000x64xf32, #tpu.memory_space<hbm>> -> memref<1000000x64xf32, #tpu.memory_space<hbm>>
    tpu.wait_indirect_dma semaphore(%arg11 : memref<!tpu.dma_semaphore, #tpu.memory_space<semaphore_mem>>) src(%dma_wait3A_575 : memref<1000000x64xf32, #tpu.memory_space<hbm>>) dst(%dma_wait3A_570 : memref<72x64xf32, #tpu.memory_space<vmem>>)
    %scan3A_576 = arith.constant 0 : i32
    %scan3A_577 = arith.constant 0 : i32
    %scan3A_578 = arith.constant 200 : i32
    %scan3A_579 = arith.addi %scan3A_577, %scan3A_578 : i32
    %scan3A_580 = arith.constant 1 : i32
    scf.for %scan3A_1536 = %scan3A_577 to %scan3A_579 step %scan3A_580  : i32 {
      %get3A = arith.index_cast %scan3A_1536 : i32 to index
      %get3A_1537 = arith.constant 0 : index
      %get3A_1538 = tpu.vector_load %arg7[%get3A, %get3A_1537] {strides = array<i32>} : memref<200x64xf32, #tpu.memory_space<vmem>>, vector<1x16xf32>,
      %get3A_1539 = vector.shape_cast %get3A_1538 : vector<1x16xf32> to vector<16xf32>
      %swap3A = arith.index_cast %scan3A_1536 : i32 to index
      %swap3A_1540 = arith.constant 0 : index
      %swap3A_1541 = tpu.vector_load %arg9[%swap3A, %swap3A_1540] {strides = array<i32>} : memref<200x64xf32, #tpu.memory_space<vmem>>, vector<1x16xf32>,
      %swap3A_1542 = vector.shape_cast %swap3A_1541 : vector<1x16xf32> to vector<16xf32>
      %swap3A_1543 = vector.shape_cast %get3A_1539 : vector<16xf32> to vector<1x16xf32>
      tpu.vector_store %arg9[%swap3A, %swap3A_1540], %swap3A_1543 {add = true, strides = array<i32>} : memref<200x64xf32, #tpu.memory_space<vmem>>, vector<1x16xf32>,
      %get3A_1544 = arith.index_cast %scan3A_1536 : i32 to index
      %get3A_1545 = arith.constant 16 : index
      %get3A_1546 = tpu.vector_load %arg7[%get3A_1544, %get3A_1545] {strides = array<i32>} : memref<200x64xf32, #tpu.memory_space<vmem>>, vector<1x16xf32>,
      %get3A_1547 = vector.shape_cast %get3A_1546 : vector<1x16xf32> to vector<16xf32>
      %swap3A_1548 = arith.index_cast %scan3A_1536 : i32 to index
      %swap3A_1549 = arith.constant 16 : index
      %swap3A_1550 = tpu.vector_load %arg9[%swap3A_1548, %swap3A_1549] {strides = array<i32>} : memref<200x64xf32, #tpu.memory_space<vmem>>, vector<1x16xf32>,
      %swap3A_1551 = vector.shape_cast %swap3A_1550 : vector<1x16xf32> to vector<16xf32>
      %swap3A_1552 = vector.shape_cast %get3A_1547 : vector<16xf32> to vector<1x16xf32>
      tpu.vector_store %arg9[%swap3A_1548, %swap3A_1549], %swap3A_1552 {add = true, strides = array<i32>} : memref<200x64xf32, #tpu.memory_space<vmem>>, vector<1x16xf32>,
      %get3A_1553 = arith.index_cast %scan3A_1536 : i32 to index
      %get3A_1554 = arith.constant 32 : index
      %get3A_1555 = tpu.vector_load %arg7[%get3A_1553, %get3A_1554] {strides = array<i32>} : memref<200x64xf32, #tpu.memory_space<vmem>>, vector<1x16xf32>,
      %get3A_1556 = vector.shape_cast %get3A_1555 : vector<1x16xf32> to vector<16xf32>
      %swap3A_1557 = arith.index_cast %scan3A_1536 : i32 to index
      %swap3A_1558 = arith.constant 32 : index
      %swap3A_1559 = tpu.vector_load %arg9[%swap3A_1557, %swap3A_1558] {strides = array<i32>} : memref<200x64xf32, #tpu.memory_space<vmem>>, vector<1x16xf32>,
      %swap3A_1560 = vector.shape_cast %swap3A_1559 : vector<1x16xf32> to vector<16xf32>
      %swap3A_1561 = vector.shape_cast %get3A_1556 : vector<16xf32> to vector<1x16xf32>
      tpu.vector_store %arg9[%swap3A_1557, %swap3A_1558], %swap3A_1561 {add = true, strides = array<i32>} : memref<200x64xf32, #tpu.memory_space<vmem>>, vector<1x16xf32>,
      %get3A_1562 = arith.index_cast %scan3A_1536 : i32 to index
      %get3A_1563 = arith.constant 48 : index
      %get3A_1564 = tpu.vector_load %arg7[%get3A_1562, %get3A_1563] {strides = array<i32>} : memref<200x64xf32, #tpu.memory_space<vmem>>, vector<1x16xf32>,
      %get3A_1565 = vector.shape_cast %get3A_1564 : vector<1x16xf32> to vector<16xf32>
      %swap3A_1566 = arith.index_cast %scan3A_1536 : i32 to index
      %swap3A_1567 = arith.constant 48 : index
      %swap3A_1568 = tpu.vector_load %arg9[%swap3A_1566, %swap3A_1567] {strides = array<i32>} : memref<200x64xf32, #tpu.memory_space<vmem>>, vector<1x16xf32>,
      %swap3A_1569 = vector.shape_cast %swap3A_1568 : vector<1x16xf32> to vector<16xf32>
      %swap3A_1570 = vector.shape_cast %get3A_1565 : vector<16xf32> to vector<1x16xf32>
      tpu.vector_store %arg9[%swap3A_1566, %swap3A_1567], %swap3A_1570 {add = true, strides = array<i32>} : memref<200x64xf32, #tpu.memory_space<vmem>>, vector<1x16xf32>,
    }
    %scan3A_581 = arith.constant 200 : i32
    %add3A_582 = arith.constant 2200 : i32
    %add3A_583 = arith.addi %mul3A_2, %add3A_582 : i32
    %dma_start3A_584 = arith.constant 0 : i32
    %dma_start3A_585 = tpu.memref_slice %arg5[%add3A_583, %dma_start3A_584] : memref<204800x64xf32, #tpu.memory_space<hbm>> -> memref<200x64xf32, #tpu.memory_space<hbm>>
    %dma_start3A_586 = arith.constant 0 : i32
    %dma_start3A_587 = tpu.memref_slice %arg5[%add3A_583, %dma_start3A_586] : memref<204800x64xf32, #tpu.memory_space<hbm>> -> memref<200x64xf32, #tpu.memory_space<hbm>>
    tpu.enqueue_dma source(%arg9 : memref<200x64xf32, #tpu.memory_space<vmem>>) target(%dma_start3A_587 : memref<200x64xf32, #tpu.memory_space<hbm>>) target_semaphore(%arg13 : memref<!tpu.dma_semaphore, #tpu.memory_space<semaphore_mem>>)
    %dma_wait3A_588 = arith.constant 0 : i32
    %dma_wait3A_589 = tpu.memref_slice %arg5[%add3A_583, %dma_wait3A_588] : memref<204800x64xf32, #tpu.memory_space<hbm>> -> memref<200x64xf32, #tpu.memory_space<hbm>>
    %dma_wait3A_590 = arith.constant 0 : i32
    %dma_wait3A_591 = tpu.memref_slice %arg5[%add3A_583, %dma_wait3A_590] : memref<204800x64xf32, #tpu.memory_space<hbm>> -> memref<200x64xf32, #tpu.memory_space<hbm>>
    tpu.wait_dma2 semaphore(%arg13 : memref<!tpu.dma_semaphore, #tpu.memory_space<semaphore_mem>>) src(%arg9 : memref<200x64xf32, #tpu.memory_space<vmem>>) dst(%dma_wait3A_591 : memref<200x64xf32, #tpu.memory_space<hbm>>)
    %dma_start3A_592 = arith.constant 0 : i32
    %dma_start3A_593 = arith.constant 0 : i32
    %dma_start3A_594 = tpu.memref_slice %arg9[%dma_start3A_592, %dma_start3A_593] : memref<200x64xf32, #tpu.memory_space<vmem>> -> memref<128x64xf32, #tpu.memory_space<vmem>>
    %dma_start3A_595 = arith.constant 2600 : i32
    %dma_start3A_596 = tpu.memref_slice %arg6[%dma_start3A_595] : memref<6400xi32, #tpu.memory_space<vmem>> -> memref<128xi32, #tpu.memory_space<vmem>>
    %dma_start3A_597 = arith.constant 0 : i32
    %dma_start3A_598 = arith.constant 0 : i32
    %dma_start3A_599 = tpu.memref_slice %arg3[%dma_start3A_597, %dma_start3A_598] : memref<1000000x64xf32, #tpu.memory_space<hbm>> -> memref<1000000x64xf32, #tpu.memory_space<hbm>>
    tpu.enqueue_indirect_dma source(%dma_start3A_599 : memref<1000000x64xf32, #tpu.memory_space<hbm>>) target(%dma_start3A_594 : memref<128x64xf32, #tpu.memory_space<vmem>>) offsets(%dma_start3A_596 : memref<128xi32, #tpu.memory_space<vmem>>) semaphore(%arg11 : memref<!tpu.dma_semaphore, #tpu.memory_space<semaphore_mem>>)
    %dma_start3A_600 = arith.constant 128 : i32
    %dma_start3A_601 = arith.constant 0 : i32
    %dma_start3A_602 = tpu.memref_slice %arg9[%dma_start3A_600, %dma_start3A_601] : memref<200x64xf32, #tpu.memory_space<vmem>> -> memref<72x64xf32, #tpu.memory_space<vmem>>
    %dma_start3A_603 = arith.constant 2728 : i32
    %dma_start3A_604 = tpu.memref_slice %arg6[%dma_start3A_603] : memref<6400xi32, #tpu.memory_space<vmem>> -> memref<72xi32, #tpu.memory_space<vmem>>
    %dma_start3A_605 = arith.constant 0 : i32
    %dma_start3A_606 = arith.constant 0 : i32
    %dma_start3A_607 = tpu.memref_slice %arg3[%dma_start3A_605, %dma_start3A_606] : memref<1000000x64xf32, #tpu.memory_space<hbm>> -> memref<1000000x64xf32, #tpu.memory_space<hbm>>
    tpu.enqueue_indirect_dma source(%dma_start3A_607 : memref<1000000x64xf32, #tpu.memory_space<hbm>>) target(%dma_start3A_602 : memref<72x64xf32, #tpu.memory_space<vmem>>) offsets(%dma_start3A_604 : memref<72xi32, #tpu.memory_space<vmem>>) semaphore(%arg11 : memref<!tpu.dma_semaphore, #tpu.memory_space<semaphore_mem>>)
    %dma_wait3A_608 = arith.constant 0 : i32
    %dma_wait3A_609 = arith.constant 0 : i32
    %dma_wait3A_610 = tpu.memref_slice %arg8[%dma_wait3A_608, %dma_wait3A_609] : memref<200x64xf32, #tpu.memory_space<vmem>> -> memref<128x64xf32, #tpu.memory_space<vmem>>
    %dma_wait3A_611 = arith.constant 2400 : i32
    %dma_wait3A_612 = tpu.memref_slice %arg6[%dma_wait3A_611] : memref<6400xi32, #tpu.memory_space<vmem>> -> memref<128xi32, #tpu.memory_space<vmem>>
    %dma_wait3A_613 = arith.constant 0 : i32
    %dma_wait3A_614 = arith.constant 0 : i32
    %dma_wait3A_615 = tpu.memref_slice %arg3[%dma_wait3A_613, %dma_wait3A_614] : memref<1000000x64xf32, #tpu.memory_space<hbm>> -> memref<1000000x64xf32, #tpu.memory_space<hbm>>
    tpu.wait_indirect_dma semaphore(%arg10 : memref<!tpu.dma_semaphore, #tpu.memory_space<semaphore_mem>>) src(%dma_wait3A_615 : memref<1000000x64xf32, #tpu.memory_space<hbm>>) dst(%dma_wait3A_610 : memref<128x64xf32, #tpu.memory_space<vmem>>)
    %dma_wait3A_616 = arith.constant 128 : i32
    %dma_wait3A_617 = arith.constant 0 : i32
    %dma_wait3A_618 = tpu.memref_slice %arg8[%dma_wait3A_616, %dma_wait3A_617] : memref<200x64xf32, #tpu.memory_space<vmem>> -> memref<72x64xf32, #tpu.memory_space<vmem>>
    %dma_wait3A_619 = arith.constant 2528 : i32
    %dma_wait3A_620 = tpu.memref_slice %arg6[%dma_wait3A_619] : memref<6400xi32, #tpu.memory_space<vmem>> -> memref<72xi32, #tpu.memory_space<vmem>>
    %dma_wait3A_621 = arith.constant 0 : i32
    %dma_wait3A_622 = arith.constant 0 : i32
    %dma_wait3A_623 = tpu.memref_slice %arg3[%dma_wait3A_621, %dma_wait3A_622] : memref<1000000x64xf32, #tpu.memory_space<hbm>> -> memref<1000000x64xf32, #tpu.memory_space<hbm>>
    tpu.wait_indirect_dma semaphore(%arg10 : memref<!tpu.dma_semaphore, #tpu.memory_space<semaphore_mem>>) src(%dma_wait3A_623 : memref<1000000x64xf32, #tpu.memory_space<hbm>>) dst(%dma_wait3A_618 : memref<72x64xf32, #tpu.memory_space<vmem>>)
    %scan3A_624 = arith.constant 0 : i32
    %scan3A_625 = arith.constant 0 : i32
    %scan3A_626 = arith.constant 200 : i32
    %scan3A_627 = arith.addi %scan3A_625, %scan3A_626 : i32
    %scan3A_628 = arith.constant 1 : i32
    scf.for %scan3A_1536 = %scan3A_625 to %scan3A_627 step %scan3A_628  : i32 {
      %get3A = arith.index_cast %scan3A_1536 : i32 to index
      %get3A_1537 = arith.constant 0 : index
      %get3A_1538 = tpu.vector_load %arg7[%get3A, %get3A_1537] {strides = array<i32>} : memref<200x64xf32, #tpu.memory_space<vmem>>, vector<1x16xf32>,
      %get3A_1539 = vector.shape_cast %get3A_1538 : vector<1x16xf32> to vector<16xf32>
      %swap3A = arith.index_cast %scan3A_1536 : i32 to index
      %swap3A_1540 = arith.constant 0 : index
      %swap3A_1541 = tpu.vector_load %arg8[%swap3A, %swap3A_1540] {strides = array<i32>} : memref<200x64xf32, #tpu.memory_space<vmem>>, vector<1x16xf32>,
      %swap3A_1542 = vector.shape_cast %swap3A_1541 : vector<1x16xf32> to vector<16xf32>
      %swap3A_1543 = vector.shape_cast %get3A_1539 : vector<16xf32> to vector<1x16xf32>
      tpu.vector_store %arg8[%swap3A, %swap3A_1540], %swap3A_1543 {add = true, strides = array<i32>} : memref<200x64xf32, #tpu.memory_space<vmem>>, vector<1x16xf32>,
      %get3A_1544 = arith.index_cast %scan3A_1536 : i32 to index
      %get3A_1545 = arith.constant 16 : index
      %get3A_1546 = tpu.vector_load %arg7[%get3A_1544, %get3A_1545] {strides = array<i32>} : memref<200x64xf32, #tpu.memory_space<vmem>>, vector<1x16xf32>,
      %get3A_1547 = vector.shape_cast %get3A_1546 : vector<1x16xf32> to vector<16xf32>
      %swap3A_1548 = arith.index_cast %scan3A_1536 : i32 to index
      %swap3A_1549 = arith.constant 16 : index
      %swap3A_1550 = tpu.vector_load %arg8[%swap3A_1548, %swap3A_1549] {strides = array<i32>} : memref<200x64xf32, #tpu.memory_space<vmem>>, vector<1x16xf32>,
      %swap3A_1551 = vector.shape_cast %swap3A_1550 : vector<1x16xf32> to vector<16xf32>
      %swap3A_1552 = vector.shape_cast %get3A_1547 : vector<16xf32> to vector<1x16xf32>
      tpu.vector_store %arg8[%swap3A_1548, %swap3A_1549], %swap3A_1552 {add = true, strides = array<i32>} : memref<200x64xf32, #tpu.memory_space<vmem>>, vector<1x16xf32>,
      %get3A_1553 = arith.index_cast %scan3A_1536 : i32 to index
      %get3A_1554 = arith.constant 32 : index
      %get3A_1555 = tpu.vector_load %arg7[%get3A_1553, %get3A_1554] {strides = array<i32>} : memref<200x64xf32, #tpu.memory_space<vmem>>, vector<1x16xf32>,
      %get3A_1556 = vector.shape_cast %get3A_1555 : vector<1x16xf32> to vector<16xf32>
      %swap3A_1557 = arith.index_cast %scan3A_1536 : i32 to index
      %swap3A_1558 = arith.constant 32 : index
      %swap3A_1559 = tpu.vector_load %arg8[%swap3A_1557, %swap3A_1558] {strides = array<i32>} : memref<200x64xf32, #tpu.memory_space<vmem>>, vector<1x16xf32>,
      %swap3A_1560 = vector.shape_cast %swap3A_1559 : vector<1x16xf32> to vector<16xf32>
      %swap3A_1561 = vector.shape_cast %get3A_1556 : vector<16xf32> to vector<1x16xf32>
      tpu.vector_store %arg8[%swap3A_1557, %swap3A_1558], %swap3A_1561 {add = true, strides = array<i32>} : memref<200x64xf32, #tpu.memory_space<vmem>>, vector<1x16xf32>,
      %get3A_1562 = arith.index_cast %scan3A_1536 : i32 to index
      %get3A_1563 = arith.constant 48 : index
      %get3A_1564 = tpu.vector_load %arg7[%get3A_1562, %get3A_1563] {strides = array<i32>} : memref<200x64xf32, #tpu.memory_space<vmem>>, vector<1x16xf32>,
      %get3A_1565 = vector.shape_cast %get3A_1564 : vector<1x16xf32> to vector<16xf32>
      %swap3A_1566 = arith.index_cast %scan3A_1536 : i32 to index
      %swap3A_1567 = arith.constant 48 : index
      %swap3A_1568 = tpu.vector_load %arg8[%swap3A_1566, %swap3A_1567] {strides = array<i32>} : memref<200x64xf32, #tpu.memory_space<vmem>>, vector<1x16xf32>,
      %swap3A_1569 = vector.shape_cast %swap3A_1568 : vector<1x16xf32> to vector<16xf32>
      %swap3A_1570 = vector.shape_cast %get3A_1565 : vector<16xf32> to vector<1x16xf32>
      tpu.vector_store %arg8[%swap3A_1566, %swap3A_1567], %swap3A_1570 {add = true, strides = array<i32>} : memref<200x64xf32, #tpu.memory_space<vmem>>, vector<1x16xf32>,
    }
    %scan3A_629 = arith.constant 200 : i32
    %add3A_630 = arith.constant 2400 : i32
    %add3A_631 = arith.addi %mul3A_2, %add3A_630 : i32
    %dma_start3A_632 = arith.constant 0 : i32
    %dma_start3A_633 = tpu.memref_slice %arg5[%add3A_631, %dma_start3A_632] : memref<204800x64xf32, #tpu.memory_space<hbm>> -> memref<200x64xf32, #tpu.memory_space<hbm>>
    %dma_start3A_634 = arith.constant 0 : i32
    %dma_start3A_635 = tpu.memref_slice %arg5[%add3A_631, %dma_start3A_634] : memref<204800x64xf32, #tpu.memory_space<hbm>> -> memref<200x64xf32, #tpu.memory_space<hbm>>
    tpu.enqueue_dma source(%arg8 : memref<200x64xf32, #tpu.memory_space<vmem>>) target(%dma_start3A_635 : memref<200x64xf32, #tpu.memory_space<hbm>>) target_semaphore(%arg12 : memref<!tpu.dma_semaphore, #tpu.memory_space<semaphore_mem>>)
    %dma_wait3A_636 = arith.constant 0 : i32
    %dma_wait3A_637 = tpu.memref_slice %arg5[%add3A_631, %dma_wait3A_636] : memref<204800x64xf32, #tpu.memory_space<hbm>> -> memref<200x64xf32, #tpu.memory_space<hbm>>
    %dma_wait3A_638 = arith.constant 0 : i32
    %dma_wait3A_639 = tpu.memref_slice %arg5[%add3A_631, %dma_wait3A_638] : memref<204800x64xf32, #tpu.memory_space<hbm>> -> memref<200x64xf32, #tpu.memory_space<hbm>>
    tpu.wait_dma2 semaphore(%arg12 : memref<!tpu.dma_semaphore, #tpu.memory_space<semaphore_mem>>) src(%arg8 : memref<200x64xf32, #tpu.memory_space<vmem>>) dst(%dma_wait3A_639 : memref<200x64xf32, #tpu.memory_space<hbm>>)
    %dma_start3A_640 = arith.constant 0 : i32
    %dma_start3A_641 = arith.constant 0 : i32
    %dma_start3A_642 = tpu.memref_slice %arg8[%dma_start3A_640, %dma_start3A_641] : memref<200x64xf32, #tpu.memory_space<vmem>> -> memref<128x64xf32, #tpu.memory_space<vmem>>
    %dma_start3A_643 = arith.constant 2800 : i32
    %dma_start3A_644 = tpu.memref_slice %arg6[%dma_start3A_643] : memref<6400xi32, #tpu.memory_space<vmem>> -> memref<128xi32, #tpu.memory_space<vmem>>
    %dma_start3A_645 = arith.constant 0 : i32
    %dma_start3A_646 = arith.constant 0 : i32
    %dma_start3A_647 = tpu.memref_slice %arg3[%dma_start3A_645, %dma_start3A_646] : memref<1000000x64xf32, #tpu.memory_space<hbm>> -> memref<1000000x64xf32, #tpu.memory_space<hbm>>
    tpu.enqueue_indirect_dma source(%dma_start3A_647 : memref<1000000x64xf32, #tpu.memory_space<hbm>>) target(%dma_start3A_642 : memref<128x64xf32, #tpu.memory_space<vmem>>) offsets(%dma_start3A_644 : memref<128xi32, #tpu.memory_space<vmem>>) semaphore(%arg10 : memref<!tpu.dma_semaphore, #tpu.memory_space<semaphore_mem>>)
    %dma_start3A_648 = arith.constant 128 : i32
    %dma_start3A_649 = arith.constant 0 : i32
    %dma_start3A_650 = tpu.memref_slice %arg8[%dma_start3A_648, %dma_start3A_649] : memref<200x64xf32, #tpu.memory_space<vmem>> -> memref<72x64xf32, #tpu.memory_space<vmem>>
    %dma_start3A_651 = arith.constant 2928 : i32
    %dma_start3A_652 = tpu.memref_slice %arg6[%dma_start3A_651] : memref<6400xi32, #tpu.memory_space<vmem>> -> memref<72xi32, #tpu.memory_space<vmem>>
    %dma_start3A_653 = arith.constant 0 : i32
    %dma_start3A_654 = arith.constant 0 : i32
    %dma_start3A_655 = tpu.memref_slice %arg3[%dma_start3A_653, %dma_start3A_654] : memref<1000000x64xf32, #tpu.memory_space<hbm>> -> memref<1000000x64xf32, #tpu.memory_space<hbm>>
    tpu.enqueue_indirect_dma source(%dma_start3A_655 : memref<1000000x64xf32, #tpu.memory_space<hbm>>) target(%dma_start3A_650 : memref<72x64xf32, #tpu.memory_space<vmem>>) offsets(%dma_start3A_652 : memref<72xi32, #tpu.memory_space<vmem>>) semaphore(%arg10 : memref<!tpu.dma_semaphore, #tpu.memory_space<semaphore_mem>>)
    %dma_wait3A_656 = arith.constant 0 : i32
    %dma_wait3A_657 = arith.constant 0 : i32
    %dma_wait3A_658 = tpu.memref_slice %arg9[%dma_wait3A_656, %dma_wait3A_657] : memref<200x64xf32, #tpu.memory_space<vmem>> -> memref<128x64xf32, #tpu.memory_space<vmem>>
    %dma_wait3A_659 = arith.constant 2600 : i32
    %dma_wait3A_660 = tpu.memref_slice %arg6[%dma_wait3A_659] : memref<6400xi32, #tpu.memory_space<vmem>> -> memref<128xi32, #tpu.memory_space<vmem>>
    %dma_wait3A_661 = arith.constant 0 : i32
    %dma_wait3A_662 = arith.constant 0 : i32
    %dma_wait3A_663 = tpu.memref_slice %arg3[%dma_wait3A_661, %dma_wait3A_662] : memref<1000000x64xf32, #tpu.memory_space<hbm>> -> memref<1000000x64xf32, #tpu.memory_space<hbm>>
    tpu.wait_indirect_dma semaphore(%arg11 : memref<!tpu.dma_semaphore, #tpu.memory_space<semaphore_mem>>) src(%dma_wait3A_663 : memref<1000000x64xf32, #tpu.memory_space<hbm>>) dst(%dma_wait3A_658 : memref<128x64xf32, #tpu.memory_space<vmem>>)
    %dma_wait3A_664 = arith.constant 128 : i32
    %dma_wait3A_665 = arith.constant 0 : i32
    %dma_wait3A_666 = tpu.memref_slice %arg9[%dma_wait3A_664, %dma_wait3A_665] : memref<200x64xf32, #tpu.memory_space<vmem>> -> memref<72x64xf32, #tpu.memory_space<vmem>>
    %dma_wait3A_667 = arith.constant 2728 : i32
    %dma_wait3A_668 = tpu.memref_slice %arg6[%dma_wait3A_667] : memref<6400xi32, #tpu.memory_space<vmem>> -> memref<72xi32, #tpu.memory_space<vmem>>
    %dma_wait3A_669 = arith.constant 0 : i32
    %dma_wait3A_670 = arith.constant 0 : i32
    %dma_wait3A_671 = tpu.memref_slice %arg3[%dma_wait3A_669, %dma_wait3A_670] : memref<1000000x64xf32, #tpu.memory_space<hbm>> -> memref<1000000x64xf32, #tpu.memory_space<hbm>>
    tpu.wait_indirect_dma semaphore(%arg11 : memref<!tpu.dma_semaphore, #tpu.memory_space<semaphore_mem>>) src(%dma_wait3A_671 : memref<1000000x64xf32, #tpu.memory_space<hbm>>) dst(%dma_wait3A_666 : memref<72x64xf32, #tpu.memory_space<vmem>>)
    %scan3A_672 = arith.constant 0 : i32
    %scan3A_673 = arith.constant 0 : i32
    %scan3A_674 = arith.constant 200 : i32
    %scan3A_675 = arith.addi %scan3A_673, %scan3A_674 : i32
    %scan3A_676 = arith.constant 1 : i32
    scf.for %scan3A_1536 = %scan3A_673 to %scan3A_675 step %scan3A_676  : i32 {
      %get3A = arith.index_cast %scan3A_1536 : i32 to index
      %get3A_1537 = arith.constant 0 : index
      %get3A_1538 = tpu.vector_load %arg7[%get3A, %get3A_1537] {strides = array<i32>} : memref<200x64xf32, #tpu.memory_space<vmem>>, vector<1x16xf32>,
      %get3A_1539 = vector.shape_cast %get3A_1538 : vector<1x16xf32> to vector<16xf32>
      %swap3A = arith.index_cast %scan3A_1536 : i32 to index
      %swap3A_1540 = arith.constant 0 : index
      %swap3A_1541 = tpu.vector_load %arg9[%swap3A, %swap3A_1540] {strides = array<i32>} : memref<200x64xf32, #tpu.memory_space<vmem>>, vector<1x16xf32>,
      %swap3A_1542 = vector.shape_cast %swap3A_1541 : vector<1x16xf32> to vector<16xf32>
      %swap3A_1543 = vector.shape_cast %get3A_1539 : vector<16xf32> to vector<1x16xf32>
      tpu.vector_store %arg9[%swap3A, %swap3A_1540], %swap3A_1543 {add = true, strides = array<i32>} : memref<200x64xf32, #tpu.memory_space<vmem>>, vector<1x16xf32>,
      %get3A_1544 = arith.index_cast %scan3A_1536 : i32 to index
      %get3A_1545 = arith.constant 16 : index
      %get3A_1546 = tpu.vector_load %arg7[%get3A_1544, %get3A_1545] {strides = array<i32>} : memref<200x64xf32, #tpu.memory_space<vmem>>, vector<1x16xf32>,
      %get3A_1547 = vector.shape_cast %get3A_1546 : vector<1x16xf32> to vector<16xf32>
      %swap3A_1548 = arith.index_cast %scan3A_1536 : i32 to index
      %swap3A_1549 = arith.constant 16 : index
      %swap3A_1550 = tpu.vector_load %arg9[%swap3A_1548, %swap3A_1549] {strides = array<i32>} : memref<200x64xf32, #tpu.memory_space<vmem>>, vector<1x16xf32>,
      %swap3A_1551 = vector.shape_cast %swap3A_1550 : vector<1x16xf32> to vector<16xf32>
      %swap3A_1552 = vector.shape_cast %get3A_1547 : vector<16xf32> to vector<1x16xf32>
      tpu.vector_store %arg9[%swap3A_1548, %swap3A_1549], %swap3A_1552 {add = true, strides = array<i32>} : memref<200x64xf32, #tpu.memory_space<vmem>>, vector<1x16xf32>,
      %get3A_1553 = arith.index_cast %scan3A_1536 : i32 to index
      %get3A_1554 = arith.constant 32 : index
      %get3A_1555 = tpu.vector_load %arg7[%get3A_1553, %get3A_1554] {strides = array<i32>} : memref<200x64xf32, #tpu.memory_space<vmem>>, vector<1x16xf32>,
      %get3A_1556 = vector.shape_cast %get3A_1555 : vector<1x16xf32> to vector<16xf32>
      %swap3A_1557 = arith.index_cast %scan3A_1536 : i32 to index
      %swap3A_1558 = arith.constant 32 : index
      %swap3A_1559 = tpu.vector_load %arg9[%swap3A_1557, %swap3A_1558] {strides = array<i32>} : memref<200x64xf32, #tpu.memory_space<vmem>>, vector<1x16xf32>,
      %swap3A_1560 = vector.shape_cast %swap3A_1559 : vector<1x16xf32> to vector<16xf32>
      %swap3A_1561 = vector.shape_cast %get3A_1556 : vector<16xf32> to vector<1x16xf32>
      tpu.vector_store %arg9[%swap3A_1557, %swap3A_1558], %swap3A_1561 {add = true, strides = array<i32>} : memref<200x64xf32, #tpu.memory_space<vmem>>, vector<1x16xf32>,
      %get3A_1562 = arith.index_cast %scan3A_1536 : i32 to index
      %get3A_1563 = arith.constant 48 : index
      %get3A_1564 = tpu.vector_load %arg7[%get3A_1562, %get3A_1563] {strides = array<i32>} : memref<200x64xf32, #tpu.memory_space<vmem>>, vector<1x16xf32>,
      %get3A_1565 = vector.shape_cast %get3A_1564 : vector<1x16xf32> to vector<16xf32>
      %swap3A_1566 = arith.index_cast %scan3A_1536 : i32 to index
      %swap3A_1567 = arith.constant 48 : index
      %swap3A_1568 = tpu.vector_load %arg9[%swap3A_1566, %swap3A_1567] {strides = array<i32>} : memref<200x64xf32, #tpu.memory_space<vmem>>, vector<1x16xf32>,
      %swap3A_1569 = vector.shape_cast %swap3A_1568 : vector<1x16xf32> to vector<16xf32>
      %swap3A_1570 = vector.shape_cast %get3A_1565 : vector<16xf32> to vector<1x16xf32>
      tpu.vector_store %arg9[%swap3A_1566, %swap3A_1567], %swap3A_1570 {add = true, strides = array<i32>} : memref<200x64xf32, #tpu.memory_space<vmem>>, vector<1x16xf32>,
    }
    %scan3A_677 = arith.constant 200 : i32
    %add3A_678 = arith.constant 2600 : i32
    %add3A_679 = arith.addi %mul3A_2, %add3A_678 : i32
    %dma_start3A_680 = arith.constant 0 : i32
    %dma_start3A_681 = tpu.memref_slice %arg5[%add3A_679, %dma_start3A_680] : memref<204800x64xf32, #tpu.memory_space<hbm>> -> memref<200x64xf32, #tpu.memory_space<hbm>>
    %dma_start3A_682 = arith.constant 0 : i32
    %dma_start3A_683 = tpu.memref_slice %arg5[%add3A_679, %dma_start3A_682] : memref<204800x64xf32, #tpu.memory_space<hbm>> -> memref<200x64xf32, #tpu.memory_space<hbm>>
    tpu.enqueue_dma source(%arg9 : memref<200x64xf32, #tpu.memory_space<vmem>>) target(%dma_start3A_683 : memref<200x64xf32, #tpu.memory_space<hbm>>) target_semaphore(%arg13 : memref<!tpu.dma_semaphore, #tpu.memory_space<semaphore_mem>>)
    %dma_wait3A_684 = arith.constant 0 : i32
    %dma_wait3A_685 = tpu.memref_slice %arg5[%add3A_679, %dma_wait3A_684] : memref<204800x64xf32, #tpu.memory_space<hbm>> -> memref<200x64xf32, #tpu.memory_space<hbm>>
    %dma_wait3A_686 = arith.constant 0 : i32
    %dma_wait3A_687 = tpu.memref_slice %arg5[%add3A_679, %dma_wait3A_686] : memref<204800x64xf32, #tpu.memory_space<hbm>> -> memref<200x64xf32, #tpu.memory_space<hbm>>
    tpu.wait_dma2 semaphore(%arg13 : memref<!tpu.dma_semaphore, #tpu.memory_space<semaphore_mem>>) src(%arg9 : memref<200x64xf32, #tpu.memory_space<vmem>>) dst(%dma_wait3A_687 : memref<200x64xf32, #tpu.memory_space<hbm>>)
    %dma_start3A_688 = arith.constant 0 : i32
    %dma_start3A_689 = arith.constant 0 : i32
    %dma_start3A_690 = tpu.memref_slice %arg9[%dma_start3A_688, %dma_start3A_689] : memref<200x64xf32, #tpu.memory_space<vmem>> -> memref<128x64xf32, #tpu.memory_space<vmem>>
    %dma_start3A_691 = arith.constant 3000 : i32
    %dma_start3A_692 = tpu.memref_slice %arg6[%dma_start3A_691] : memref<6400xi32, #tpu.memory_space<vmem>> -> memref<128xi32, #tpu.memory_space<vmem>>
    %dma_start3A_693 = arith.constant 0 : i32
    %dma_start3A_694 = arith.constant 0 : i32
    %dma_start3A_695 = tpu.memref_slice %arg3[%dma_start3A_693, %dma_start3A_694] : memref<1000000x64xf32, #tpu.memory_space<hbm>> -> memref<1000000x64xf32, #tpu.memory_space<hbm>>
    tpu.enqueue_indirect_dma source(%dma_start3A_695 : memref<1000000x64xf32, #tpu.memory_space<hbm>>) target(%dma_start3A_690 : memref<128x64xf32, #tpu.memory_space<vmem>>) offsets(%dma_start3A_692 : memref<128xi32, #tpu.memory_space<vmem>>) semaphore(%arg11 : memref<!tpu.dma_semaphore, #tpu.memory_space<semaphore_mem>>)
    %dma_start3A_696 = arith.constant 128 : i32
    %dma_start3A_697 = arith.constant 0 : i32
    %dma_start3A_698 = tpu.memref_slice %arg9[%dma_start3A_696, %dma_start3A_697] : memref<200x64xf32, #tpu.memory_space<vmem>> -> memref<72x64xf32, #tpu.memory_space<vmem>>
    %dma_start3A_699 = arith.constant 3128 : i32
    %dma_start3A_700 = tpu.memref_slice %arg6[%dma_start3A_699] : memref<6400xi32, #tpu.memory_space<vmem>> -> memref<72xi32, #tpu.memory_space<vmem>>
    %dma_start3A_701 = arith.constant 0 : i32
    %dma_start3A_702 = arith.constant 0 : i32
    %dma_start3A_703 = tpu.memref_slice %arg3[%dma_start3A_701, %dma_start3A_702] : memref<1000000x64xf32, #tpu.memory_space<hbm>> -> memref<1000000x64xf32, #tpu.memory_space<hbm>>
    tpu.enqueue_indirect_dma source(%dma_start3A_703 : memref<1000000x64xf32, #tpu.memory_space<hbm>>) target(%dma_start3A_698 : memref<72x64xf32, #tpu.memory_space<vmem>>) offsets(%dma_start3A_700 : memref<72xi32, #tpu.memory_space<vmem>>) semaphore(%arg11 : memref<!tpu.dma_semaphore, #tpu.memory_space<semaphore_mem>>)
    %dma_wait3A_704 = arith.constant 0 : i32
    %dma_wait3A_705 = arith.constant 0 : i32
    %dma_wait3A_706 = tpu.memref_slice %arg8[%dma_wait3A_704, %dma_wait3A_705] : memref<200x64xf32, #tpu.memory_space<vmem>> -> memref<128x64xf32, #tpu.memory_space<vmem>>
    %dma_wait3A_707 = arith.constant 2800 : i32
    %dma_wait3A_708 = tpu.memref_slice %arg6[%dma_wait3A_707] : memref<6400xi32, #tpu.memory_space<vmem>> -> memref<128xi32, #tpu.memory_space<vmem>>
    %dma_wait3A_709 = arith.constant 0 : i32
    %dma_wait3A_710 = arith.constant 0 : i32
    %dma_wait3A_711 = tpu.memref_slice %arg3[%dma_wait3A_709, %dma_wait3A_710] : memref<1000000x64xf32, #tpu.memory_space<hbm>> -> memref<1000000x64xf32, #tpu.memory_space<hbm>>
    tpu.wait_indirect_dma semaphore(%arg10 : memref<!tpu.dma_semaphore, #tpu.memory_space<semaphore_mem>>) src(%dma_wait3A_711 : memref<1000000x64xf32, #tpu.memory_space<hbm>>) dst(%dma_wait3A_706 : memref<128x64xf32, #tpu.memory_space<vmem>>)
    %dma_wait3A_712 = arith.constant 128 : i32
    %dma_wait3A_713 = arith.constant 0 : i32
    %dma_wait3A_714 = tpu.memref_slice %arg8[%dma_wait3A_712, %dma_wait3A_713] : memref<200x64xf32, #tpu.memory_space<vmem>> -> memref<72x64xf32, #tpu.memory_space<vmem>>
    %dma_wait3A_715 = arith.constant 2928 : i32
    %dma_wait3A_716 = tpu.memref_slice %arg6[%dma_wait3A_715] : memref<6400xi32, #tpu.memory_space<vmem>> -> memref<72xi32, #tpu.memory_space<vmem>>
    %dma_wait3A_717 = arith.constant 0 : i32
    %dma_wait3A_718 = arith.constant 0 : i32
    %dma_wait3A_719 = tpu.memref_slice %arg3[%dma_wait3A_717, %dma_wait3A_718] : memref<1000000x64xf32, #tpu.memory_space<hbm>> -> memref<1000000x64xf32, #tpu.memory_space<hbm>>
    tpu.wait_indirect_dma semaphore(%arg10 : memref<!tpu.dma_semaphore, #tpu.memory_space<semaphore_mem>>) src(%dma_wait3A_719 : memref<1000000x64xf32, #tpu.memory_space<hbm>>) dst(%dma_wait3A_714 : memref<72x64xf32, #tpu.memory_space<vmem>>)
    %scan3A_720 = arith.constant 0 : i32
    %scan3A_721 = arith.constant 0 : i32
    %scan3A_722 = arith.constant 200 : i32
    %scan3A_723 = arith.addi %scan3A_721, %scan3A_722 : i32
    %scan3A_724 = arith.constant 1 : i32
    scf.for %scan3A_1536 = %scan3A_721 to %scan3A_723 step %scan3A_724  : i32 {
      %get3A = arith.index_cast %scan3A_1536 : i32 to index
      %get3A_1537 = arith.constant 0 : index
      %get3A_1538 = tpu.vector_load %arg7[%get3A, %get3A_1537] {strides = array<i32>} : memref<200x64xf32, #tpu.memory_space<vmem>>, vector<1x16xf32>,
      %get3A_1539 = vector.shape_cast %get3A_1538 : vector<1x16xf32> to vector<16xf32>
      %swap3A = arith.index_cast %scan3A_1536 : i32 to index
      %swap3A_1540 = arith.constant 0 : index
      %swap3A_1541 = tpu.vector_load %arg8[%swap3A, %swap3A_1540] {strides = array<i32>} : memref<200x64xf32, #tpu.memory_space<vmem>>, vector<1x16xf32>,
      %swap3A_1542 = vector.shape_cast %swap3A_1541 : vector<1x16xf32> to vector<16xf32>
      %swap3A_1543 = vector.shape_cast %get3A_1539 : vector<16xf32> to vector<1x16xf32>
      tpu.vector_store %arg8[%swap3A, %swap3A_1540], %swap3A_1543 {add = true, strides = array<i32>} : memref<200x64xf32, #tpu.memory_space<vmem>>, vector<1x16xf32>,
      %get3A_1544 = arith.index_cast %scan3A_1536 : i32 to index
      %get3A_1545 = arith.constant 16 : index
      %get3A_1546 = tpu.vector_load %arg7[%get3A_1544, %get3A_1545] {strides = array<i32>} : memref<200x64xf32, #tpu.memory_space<vmem>>, vector<1x16xf32>,
      %get3A_1547 = vector.shape_cast %get3A_1546 : vector<1x16xf32> to vector<16xf32>
      %swap3A_1548 = arith.index_cast %scan3A_1536 : i32 to index
      %swap3A_1549 = arith.constant 16 : index
      %swap3A_1550 = tpu.vector_load %arg8[%swap3A_1548, %swap3A_1549] {strides = array<i32>} : memref<200x64xf32, #tpu.memory_space<vmem>>, vector<1x16xf32>,
      %swap3A_1551 = vector.shape_cast %swap3A_1550 : vector<1x16xf32> to vector<16xf32>
      %swap3A_1552 = vector.shape_cast %get3A_1547 : vector<16xf32> to vector<1x16xf32>
      tpu.vector_store %arg8[%swap3A_1548, %swap3A_1549], %swap3A_1552 {add = true, strides = array<i32>} : memref<200x64xf32, #tpu.memory_space<vmem>>, vector<1x16xf32>,
      %get3A_1553 = arith.index_cast %scan3A_1536 : i32 to index
      %get3A_1554 = arith.constant 32 : index
      %get3A_1555 = tpu.vector_load %arg7[%get3A_1553, %get3A_1554] {strides = array<i32>} : memref<200x64xf32, #tpu.memory_space<vmem>>, vector<1x16xf32>,
      %get3A_1556 = vector.shape_cast %get3A_1555 : vector<1x16xf32> to vector<16xf32>
      %swap3A_1557 = arith.index_cast %scan3A_1536 : i32 to index
      %swap3A_1558 = arith.constant 32 : index
      %swap3A_1559 = tpu.vector_load %arg8[%swap3A_1557, %swap3A_1558] {strides = array<i32>} : memref<200x64xf32, #tpu.memory_space<vmem>>, vector<1x16xf32>,
      %swap3A_1560 = vector.shape_cast %swap3A_1559 : vector<1x16xf32> to vector<16xf32>
      %swap3A_1561 = vector.shape_cast %get3A_1556 : vector<16xf32> to vector<1x16xf32>
      tpu.vector_store %arg8[%swap3A_1557, %swap3A_1558], %swap3A_1561 {add = true, strides = array<i32>} : memref<200x64xf32, #tpu.memory_space<vmem>>, vector<1x16xf32>,
      %get3A_1562 = arith.index_cast %scan3A_1536 : i32 to index
      %get3A_1563 = arith.constant 48 : index
      %get3A_1564 = tpu.vector_load %arg7[%get3A_1562, %get3A_1563] {strides = array<i32>} : memref<200x64xf32, #tpu.memory_space<vmem>>, vector<1x16xf32>,
      %get3A_1565 = vector.shape_cast %get3A_1564 : vector<1x16xf32> to vector<16xf32>
      %swap3A_1566 = arith.index_cast %scan3A_1536 : i32 to index
      %swap3A_1567 = arith.constant 48 : index
      %swap3A_1568 = tpu.vector_load %arg8[%swap3A_1566, %swap3A_1567] {strides = array<i32>} : memref<200x64xf32, #tpu.memory_space<vmem>>, vector<1x16xf32>,
      %swap3A_1569 = vector.shape_cast %swap3A_1568 : vector<1x16xf32> to vector<16xf32>
      %swap3A_1570 = vector.shape_cast %get3A_1565 : vector<16xf32> to vector<1x16xf32>
      tpu.vector_store %arg8[%swap3A_1566, %swap3A_1567], %swap3A_1570 {add = true, strides = array<i32>} : memref<200x64xf32, #tpu.memory_space<vmem>>, vector<1x16xf32>,
    }
    %scan3A_725 = arith.constant 200 : i32
    %add3A_726 = arith.constant 2800 : i32
    %add3A_727 = arith.addi %mul3A_2, %add3A_726 : i32
    %dma_start3A_728 = arith.constant 0 : i32
    %dma_start3A_729 = tpu.memref_slice %arg5[%add3A_727, %dma_start3A_728] : memref<204800x64xf32, #tpu.memory_space<hbm>> -> memref<200x64xf32, #tpu.memory_space<hbm>>
    %dma_start3A_730 = arith.constant 0 : i32
    %dma_start3A_731 = tpu.memref_slice %arg5[%add3A_727, %dma_start3A_730] : memref<204800x64xf32, #tpu.memory_space<hbm>> -> memref<200x64xf32, #tpu.memory_space<hbm>>
    tpu.enqueue_dma source(%arg8 : memref<200x64xf32, #tpu.memory_space<vmem>>) target(%dma_start3A_731 : memref<200x64xf32, #tpu.memory_space<hbm>>) target_semaphore(%arg12 : memref<!tpu.dma_semaphore, #tpu.memory_space<semaphore_mem>>)
    %dma_wait3A_732 = arith.constant 0 : i32
    %dma_wait3A_733 = tpu.memref_slice %arg5[%add3A_727, %dma_wait3A_732] : memref<204800x64xf32, #tpu.memory_space<hbm>> -> memref<200x64xf32, #tpu.memory_space<hbm>>
    %dma_wait3A_734 = arith.constant 0 : i32
    %dma_wait3A_735 = tpu.memref_slice %arg5[%add3A_727, %dma_wait3A_734] : memref<204800x64xf32, #tpu.memory_space<hbm>> -> memref<200x64xf32, #tpu.memory_space<hbm>>
    tpu.wait_dma2 semaphore(%arg12 : memref<!tpu.dma_semaphore, #tpu.memory_space<semaphore_mem>>) src(%arg8 : memref<200x64xf32, #tpu.memory_space<vmem>>) dst(%dma_wait3A_735 : memref<200x64xf32, #tpu.memory_space<hbm>>)
    %dma_start3A_736 = arith.constant 0 : i32
    %dma_start3A_737 = arith.constant 0 : i32
    %dma_start3A_738 = tpu.memref_slice %arg8[%dma_start3A_736, %dma_start3A_737] : memref<200x64xf32, #tpu.memory_space<vmem>> -> memref<128x64xf32, #tpu.memory_space<vmem>>
    %dma_start3A_739 = arith.constant 3200 : i32
    %dma_start3A_740 = tpu.memref_slice %arg6[%dma_start3A_739] : memref<6400xi32, #tpu.memory_space<vmem>> -> memref<128xi32, #tpu.memory_space<vmem>>
    %dma_start3A_741 = arith.constant 0 : i32
    %dma_start3A_742 = arith.constant 0 : i32
    %dma_start3A_743 = tpu.memref_slice %arg3[%dma_start3A_741, %dma_start3A_742] : memref<1000000x64xf32, #tpu.memory_space<hbm>> -> memref<1000000x64xf32, #tpu.memory_space<hbm>>
    tpu.enqueue_indirect_dma source(%dma_start3A_743 : memref<1000000x64xf32, #tpu.memory_space<hbm>>) target(%dma_start3A_738 : memref<128x64xf32, #tpu.memory_space<vmem>>) offsets(%dma_start3A_740 : memref<128xi32, #tpu.memory_space<vmem>>) semaphore(%arg10 : memref<!tpu.dma_semaphore, #tpu.memory_space<semaphore_mem>>)
    %dma_start3A_744 = arith.constant 128 : i32
    %dma_start3A_745 = arith.constant 0 : i32
    %dma_start3A_746 = tpu.memref_slice %arg8[%dma_start3A_744, %dma_start3A_745] : memref<200x64xf32, #tpu.memory_space<vmem>> -> memref<72x64xf32, #tpu.memory_space<vmem>>
    %dma_start3A_747 = arith.constant 3328 : i32
    %dma_start3A_748 = tpu.memref_slice %arg6[%dma_start3A_747] : memref<6400xi32, #tpu.memory_space<vmem>> -> memref<72xi32, #tpu.memory_space<vmem>>
    %dma_start3A_749 = arith.constant 0 : i32
    %dma_start3A_750 = arith.constant 0 : i32
    %dma_start3A_751 = tpu.memref_slice %arg3[%dma_start3A_749, %dma_start3A_750] : memref<1000000x64xf32, #tpu.memory_space<hbm>> -> memref<1000000x64xf32, #tpu.memory_space<hbm>>
    tpu.enqueue_indirect_dma source(%dma_start3A_751 : memref<1000000x64xf32, #tpu.memory_space<hbm>>) target(%dma_start3A_746 : memref<72x64xf32, #tpu.memory_space<vmem>>) offsets(%dma_start3A_748 : memref<72xi32, #tpu.memory_space<vmem>>) semaphore(%arg10 : memref<!tpu.dma_semaphore, #tpu.memory_space<semaphore_mem>>)
    %dma_wait3A_752 = arith.constant 0 : i32
    %dma_wait3A_753 = arith.constant 0 : i32
    %dma_wait3A_754 = tpu.memref_slice %arg9[%dma_wait3A_752, %dma_wait3A_753] : memref<200x64xf32, #tpu.memory_space<vmem>> -> memref<128x64xf32, #tpu.memory_space<vmem>>
    %dma_wait3A_755 = arith.constant 3000 : i32
    %dma_wait3A_756 = tpu.memref_slice %arg6[%dma_wait3A_755] : memref<6400xi32, #tpu.memory_space<vmem>> -> memref<128xi32, #tpu.memory_space<vmem>>
    %dma_wait3A_757 = arith.constant 0 : i32
    %dma_wait3A_758 = arith.constant 0 : i32
    %dma_wait3A_759 = tpu.memref_slice %arg3[%dma_wait3A_757, %dma_wait3A_758] : memref<1000000x64xf32, #tpu.memory_space<hbm>> -> memref<1000000x64xf32, #tpu.memory_space<hbm>>
    tpu.wait_indirect_dma semaphore(%arg11 : memref<!tpu.dma_semaphore, #tpu.memory_space<semaphore_mem>>) src(%dma_wait3A_759 : memref<1000000x64xf32, #tpu.memory_space<hbm>>) dst(%dma_wait3A_754 : memref<128x64xf32, #tpu.memory_space<vmem>>)
    %dma_wait3A_760 = arith.constant 128 : i32
    %dma_wait3A_761 = arith.constant 0 : i32
    %dma_wait3A_762 = tpu.memref_slice %arg9[%dma_wait3A_760, %dma_wait3A_761] : memref<200x64xf32, #tpu.memory_space<vmem>> -> memref<72x64xf32, #tpu.memory_space<vmem>>
    %dma_wait3A_763 = arith.constant 3128 : i32
    %dma_wait3A_764 = tpu.memref_slice %arg6[%dma_wait3A_763] : memref<6400xi32, #tpu.memory_space<vmem>> -> memref<72xi32, #tpu.memory_space<vmem>>
    %dma_wait3A_765 = arith.constant 0 : i32
    %dma_wait3A_766 = arith.constant 0 : i32
    %dma_wait3A_767 = tpu.memref_slice %arg3[%dma_wait3A_765, %dma_wait3A_766] : memref<1000000x64xf32, #tpu.memory_space<hbm>> -> memref<1000000x64xf32, #tpu.memory_space<hbm>>
    tpu.wait_indirect_dma semaphore(%arg11 : memref<!tpu.dma_semaphore, #tpu.memory_space<semaphore_mem>>) src(%dma_wait3A_767 : memref<1000000x64xf32, #tpu.memory_space<hbm>>) dst(%dma_wait3A_762 : memref<72x64xf32, #tpu.memory_space<vmem>>)
    %scan3A_768 = arith.constant 0 : i32
    %scan3A_769 = arith.constant 0 : i32
    %scan3A_770 = arith.constant 200 : i32
    %scan3A_771 = arith.addi %scan3A_769, %scan3A_770 : i32
    %scan3A_772 = arith.constant 1 : i32
    scf.for %scan3A_1536 = %scan3A_769 to %scan3A_771 step %scan3A_772  : i32 {
      %get3A = arith.index_cast %scan3A_1536 : i32 to index
      %get3A_1537 = arith.constant 0 : index
      %get3A_1538 = tpu.vector_load %arg7[%get3A, %get3A_1537] {strides = array<i32>} : memref<200x64xf32, #tpu.memory_space<vmem>>, vector<1x16xf32>,
      %get3A_1539 = vector.shape_cast %get3A_1538 : vector<1x16xf32> to vector<16xf32>
      %swap3A = arith.index_cast %scan3A_1536 : i32 to index
      %swap3A_1540 = arith.constant 0 : index
      %swap3A_1541 = tpu.vector_load %arg9[%swap3A, %swap3A_1540] {strides = array<i32>} : memref<200x64xf32, #tpu.memory_space<vmem>>, vector<1x16xf32>,
      %swap3A_1542 = vector.shape_cast %swap3A_1541 : vector<1x16xf32> to vector<16xf32>
      %swap3A_1543 = vector.shape_cast %get3A_1539 : vector<16xf32> to vector<1x16xf32>
      tpu.vector_store %arg9[%swap3A, %swap3A_1540], %swap3A_1543 {add = true, strides = array<i32>} : memref<200x64xf32, #tpu.memory_space<vmem>>, vector<1x16xf32>,
      %get3A_1544 = arith.index_cast %scan3A_1536 : i32 to index
      %get3A_1545 = arith.constant 16 : index
      %get3A_1546 = tpu.vector_load %arg7[%get3A_1544, %get3A_1545] {strides = array<i32>} : memref<200x64xf32, #tpu.memory_space<vmem>>, vector<1x16xf32>,
      %get3A_1547 = vector.shape_cast %get3A_1546 : vector<1x16xf32> to vector<16xf32>
      %swap3A_1548 = arith.index_cast %scan3A_1536 : i32 to index
      %swap3A_1549 = arith.constant 16 : index
      %swap3A_1550 = tpu.vector_load %arg9[%swap3A_1548, %swap3A_1549] {strides = array<i32>} : memref<200x64xf32, #tpu.memory_space<vmem>>, vector<1x16xf32>,
      %swap3A_1551 = vector.shape_cast %swap3A_1550 : vector<1x16xf32> to vector<16xf32>
      %swap3A_1552 = vector.shape_cast %get3A_1547 : vector<16xf32> to vector<1x16xf32>
      tpu.vector_store %arg9[%swap3A_1548, %swap3A_1549], %swap3A_1552 {add = true, strides = array<i32>} : memref<200x64xf32, #tpu.memory_space<vmem>>, vector<1x16xf32>,
      %get3A_1553 = arith.index_cast %scan3A_1536 : i32 to index
      %get3A_1554 = arith.constant 32 : index
      %get3A_1555 = tpu.vector_load %arg7[%get3A_1553, %get3A_1554] {strides = array<i32>} : memref<200x64xf32, #tpu.memory_space<vmem>>, vector<1x16xf32>,
      %get3A_1556 = vector.shape_cast %get3A_1555 : vector<1x16xf32> to vector<16xf32>
      %swap3A_1557 = arith.index_cast %scan3A_1536 : i32 to index
      %swap3A_1558 = arith.constant 32 : index
      %swap3A_1559 = tpu.vector_load %arg9[%swap3A_1557, %swap3A_1558] {strides = array<i32>} : memref<200x64xf32, #tpu.memory_space<vmem>>, vector<1x16xf32>,
      %swap3A_1560 = vector.shape_cast %swap3A_1559 : vector<1x16xf32> to vector<16xf32>
      %swap3A_1561 = vector.shape_cast %get3A_1556 : vector<16xf32> to vector<1x16xf32>
      tpu.vector_store %arg9[%swap3A_1557, %swap3A_1558], %swap3A_1561 {add = true, strides = array<i32>} : memref<200x64xf32, #tpu.memory_space<vmem>>, vector<1x16xf32>,
      %get3A_1562 = arith.index_cast %scan3A_1536 : i32 to index
      %get3A_1563 = arith.constant 48 : index
      %get3A_1564 = tpu.vector_load %arg7[%get3A_1562, %get3A_1563] {strides = array<i32>} : memref<200x64xf32, #tpu.memory_space<vmem>>, vector<1x16xf32>,
      %get3A_1565 = vector.shape_cast %get3A_1564 : vector<1x16xf32> to vector<16xf32>
      %swap3A_1566 = arith.index_cast %scan3A_1536 : i32 to index
      %swap3A_1567 = arith.constant 48 : index
      %swap3A_1568 = tpu.vector_load %arg9[%swap3A_1566, %swap3A_1567] {strides = array<i32>} : memref<200x64xf32, #tpu.memory_space<vmem>>, vector<1x16xf32>,
      %swap3A_1569 = vector.shape_cast %swap3A_1568 : vector<1x16xf32> to vector<16xf32>
      %swap3A_1570 = vector.shape_cast %get3A_1565 : vector<16xf32> to vector<1x16xf32>
      tpu.vector_store %arg9[%swap3A_1566, %swap3A_1567], %swap3A_1570 {add = true, strides = array<i32>} : memref<200x64xf32, #tpu.memory_space<vmem>>, vector<1x16xf32>,
    }
    %scan3A_773 = arith.constant 200 : i32
    %add3A_774 = arith.constant 3000 : i32
    %add3A_775 = arith.addi %mul3A_2, %add3A_774 : i32
    %dma_start3A_776 = arith.constant 0 : i32
    %dma_start3A_777 = tpu.memref_slice %arg5[%add3A_775, %dma_start3A_776] : memref<204800x64xf32, #tpu.memory_space<hbm>> -> memref<200x64xf32, #tpu.memory_space<hbm>>
    %dma_start3A_778 = arith.constant 0 : i32
    %dma_start3A_779 = tpu.memref_slice %arg5[%add3A_775, %dma_start3A_778] : memref<204800x64xf32, #tpu.memory_space<hbm>> -> memref<200x64xf32, #tpu.memory_space<hbm>>
    tpu.enqueue_dma source(%arg9 : memref<200x64xf32, #tpu.memory_space<vmem>>) target(%dma_start3A_779 : memref<200x64xf32, #tpu.memory_space<hbm>>) target_semaphore(%arg13 : memref<!tpu.dma_semaphore, #tpu.memory_space<semaphore_mem>>)
    %dma_wait3A_780 = arith.constant 0 : i32
    %dma_wait3A_781 = tpu.memref_slice %arg5[%add3A_775, %dma_wait3A_780] : memref<204800x64xf32, #tpu.memory_space<hbm>> -> memref<200x64xf32, #tpu.memory_space<hbm>>
    %dma_wait3A_782 = arith.constant 0 : i32
    %dma_wait3A_783 = tpu.memref_slice %arg5[%add3A_775, %dma_wait3A_782] : memref<204800x64xf32, #tpu.memory_space<hbm>> -> memref<200x64xf32, #tpu.memory_space<hbm>>
    tpu.wait_dma2 semaphore(%arg13 : memref<!tpu.dma_semaphore, #tpu.memory_space<semaphore_mem>>) src(%arg9 : memref<200x64xf32, #tpu.memory_space<vmem>>) dst(%dma_wait3A_783 : memref<200x64xf32, #tpu.memory_space<hbm>>)
    %dma_start3A_784 = arith.constant 0 : i32
    %dma_start3A_785 = arith.constant 0 : i32
    %dma_start3A_786 = tpu.memref_slice %arg9[%dma_start3A_784, %dma_start3A_785] : memref<200x64xf32, #tpu.memory_space<vmem>> -> memref<128x64xf32, #tpu.memory_space<vmem>>
    %dma_start3A_787 = arith.constant 3400 : i32
    %dma_start3A_788 = tpu.memref_slice %arg6[%dma_start3A_787] : memref<6400xi32, #tpu.memory_space<vmem>> -> memref<128xi32, #tpu.memory_space<vmem>>
    %dma_start3A_789 = arith.constant 0 : i32
    %dma_start3A_790 = arith.constant 0 : i32
    %dma_start3A_791 = tpu.memref_slice %arg3[%dma_start3A_789, %dma_start3A_790] : memref<1000000x64xf32, #tpu.memory_space<hbm>> -> memref<1000000x64xf32, #tpu.memory_space<hbm>>
    tpu.enqueue_indirect_dma source(%dma_start3A_791 : memref<1000000x64xf32, #tpu.memory_space<hbm>>) target(%dma_start3A_786 : memref<128x64xf32, #tpu.memory_space<vmem>>) offsets(%dma_start3A_788 : memref<128xi32, #tpu.memory_space<vmem>>) semaphore(%arg11 : memref<!tpu.dma_semaphore, #tpu.memory_space<semaphore_mem>>)
    %dma_start3A_792 = arith.constant 128 : i32
    %dma_start3A_793 = arith.constant 0 : i32
    %dma_start3A_794 = tpu.memref_slice %arg9[%dma_start3A_792, %dma_start3A_793] : memref<200x64xf32, #tpu.memory_space<vmem>> -> memref<72x64xf32, #tpu.memory_space<vmem>>
    %dma_start3A_795 = arith.constant 3528 : i32
    %dma_start3A_796 = tpu.memref_slice %arg6[%dma_start3A_795] : memref<6400xi32, #tpu.memory_space<vmem>> -> memref<72xi32, #tpu.memory_space<vmem>>
    %dma_start3A_797 = arith.constant 0 : i32
    %dma_start3A_798 = arith.constant 0 : i32
    %dma_start3A_799 = tpu.memref_slice %arg3[%dma_start3A_797, %dma_start3A_798] : memref<1000000x64xf32, #tpu.memory_space<hbm>> -> memref<1000000x64xf32, #tpu.memory_space<hbm>>
    tpu.enqueue_indirect_dma source(%dma_start3A_799 : memref<1000000x64xf32, #tpu.memory_space<hbm>>) target(%dma_start3A_794 : memref<72x64xf32, #tpu.memory_space<vmem>>) offsets(%dma_start3A_796 : memref<72xi32, #tpu.memory_space<vmem>>) semaphore(%arg11 : memref<!tpu.dma_semaphore, #tpu.memory_space<semaphore_mem>>)
    %dma_wait3A_800 = arith.constant 0 : i32
    %dma_wait3A_801 = arith.constant 0 : i32
    %dma_wait3A_802 = tpu.memref_slice %arg8[%dma_wait3A_800, %dma_wait3A_801] : memref<200x64xf32, #tpu.memory_space<vmem>> -> memref<128x64xf32, #tpu.memory_space<vmem>>
    %dma_wait3A_803 = arith.constant 3200 : i32
    %dma_wait3A_804 = tpu.memref_slice %arg6[%dma_wait3A_803] : memref<6400xi32, #tpu.memory_space<vmem>> -> memref<128xi32, #tpu.memory_space<vmem>>
    %dma_wait3A_805 = arith.constant 0 : i32
    %dma_wait3A_806 = arith.constant 0 : i32
    %dma_wait3A_807 = tpu.memref_slice %arg3[%dma_wait3A_805, %dma_wait3A_806] : memref<1000000x64xf32, #tpu.memory_space<hbm>> -> memref<1000000x64xf32, #tpu.memory_space<hbm>>
    tpu.wait_indirect_dma semaphore(%arg10 : memref<!tpu.dma_semaphore, #tpu.memory_space<semaphore_mem>>) src(%dma_wait3A_807 : memref<1000000x64xf32, #tpu.memory_space<hbm>>) dst(%dma_wait3A_802 : memref<128x64xf32, #tpu.memory_space<vmem>>)
    %dma_wait3A_808 = arith.constant 128 : i32
    %dma_wait3A_809 = arith.constant 0 : i32
    %dma_wait3A_810 = tpu.memref_slice %arg8[%dma_wait3A_808, %dma_wait3A_809] : memref<200x64xf32, #tpu.memory_space<vmem>> -> memref<72x64xf32, #tpu.memory_space<vmem>>
    %dma_wait3A_811 = arith.constant 3328 : i32
    %dma_wait3A_812 = tpu.memref_slice %arg6[%dma_wait3A_811] : memref<6400xi32, #tpu.memory_space<vmem>> -> memref<72xi32, #tpu.memory_space<vmem>>
    %dma_wait3A_813 = arith.constant 0 : i32
    %dma_wait3A_814 = arith.constant 0 : i32
    %dma_wait3A_815 = tpu.memref_slice %arg3[%dma_wait3A_813, %dma_wait3A_814] : memref<1000000x64xf32, #tpu.memory_space<hbm>> -> memref<1000000x64xf32, #tpu.memory_space<hbm>>
    tpu.wait_indirect_dma semaphore(%arg10 : memref<!tpu.dma_semaphore, #tpu.memory_space<semaphore_mem>>) src(%dma_wait3A_815 : memref<1000000x64xf32, #tpu.memory_space<hbm>>) dst(%dma_wait3A_810 : memref<72x64xf32, #tpu.memory_space<vmem>>)
    %scan3A_816 = arith.constant 0 : i32
    %scan3A_817 = arith.constant 0 : i32
    %scan3A_818 = arith.constant 200 : i32
    %scan3A_819 = arith.addi %scan3A_817, %scan3A_818 : i32
    %scan3A_820 = arith.constant 1 : i32
    scf.for %scan3A_1536 = %scan3A_817 to %scan3A_819 step %scan3A_820  : i32 {
      %get3A = arith.index_cast %scan3A_1536 : i32 to index
      %get3A_1537 = arith.constant 0 : index
      %get3A_1538 = tpu.vector_load %arg7[%get3A, %get3A_1537] {strides = array<i32>} : memref<200x64xf32, #tpu.memory_space<vmem>>, vector<1x16xf32>,
      %get3A_1539 = vector.shape_cast %get3A_1538 : vector<1x16xf32> to vector<16xf32>
      %swap3A = arith.index_cast %scan3A_1536 : i32 to index
      %swap3A_1540 = arith.constant 0 : index
      %swap3A_1541 = tpu.vector_load %arg8[%swap3A, %swap3A_1540] {strides = array<i32>} : memref<200x64xf32, #tpu.memory_space<vmem>>, vector<1x16xf32>,
      %swap3A_1542 = vector.shape_cast %swap3A_1541 : vector<1x16xf32> to vector<16xf32>
      %swap3A_1543 = vector.shape_cast %get3A_1539 : vector<16xf32> to vector<1x16xf32>
      tpu.vector_store %arg8[%swap3A, %swap3A_1540], %swap3A_1543 {add = true, strides = array<i32>} : memref<200x64xf32, #tpu.memory_space<vmem>>, vector<1x16xf32>,
      %get3A_1544 = arith.index_cast %scan3A_1536 : i32 to index
      %get3A_1545 = arith.constant 16 : index
      %get3A_1546 = tpu.vector_load %arg7[%get3A_1544, %get3A_1545] {strides = array<i32>} : memref<200x64xf32, #tpu.memory_space<vmem>>, vector<1x16xf32>,
      %get3A_1547 = vector.shape_cast %get3A_1546 : vector<1x16xf32> to vector<16xf32>
      %swap3A_1548 = arith.index_cast %scan3A_1536 : i32 to index
      %swap3A_1549 = arith.constant 16 : index
      %swap3A_1550 = tpu.vector_load %arg8[%swap3A_1548, %swap3A_1549] {strides = array<i32>} : memref<200x64xf32, #tpu.memory_space<vmem>>, vector<1x16xf32>,
      %swap3A_1551 = vector.shape_cast %swap3A_1550 : vector<1x16xf32> to vector<16xf32>
      %swap3A_1552 = vector.shape_cast %get3A_1547 : vector<16xf32> to vector<1x16xf32>
      tpu.vector_store %arg8[%swap3A_1548, %swap3A_1549], %swap3A_1552 {add = true, strides = array<i32>} : memref<200x64xf32, #tpu.memory_space<vmem>>, vector<1x16xf32>,
      %get3A_1553 = arith.index_cast %scan3A_1536 : i32 to index
      %get3A_1554 = arith.constant 32 : index
      %get3A_1555 = tpu.vector_load %arg7[%get3A_1553, %get3A_1554] {strides = array<i32>} : memref<200x64xf32, #tpu.memory_space<vmem>>, vector<1x16xf32>,
      %get3A_1556 = vector.shape_cast %get3A_1555 : vector<1x16xf32> to vector<16xf32>
      %swap3A_1557 = arith.index_cast %scan3A_1536 : i32 to index
      %swap3A_1558 = arith.constant 32 : index
      %swap3A_1559 = tpu.vector_load %arg8[%swap3A_1557, %swap3A_1558] {strides = array<i32>} : memref<200x64xf32, #tpu.memory_space<vmem>>, vector<1x16xf32>,
      %swap3A_1560 = vector.shape_cast %swap3A_1559 : vector<1x16xf32> to vector<16xf32>
      %swap3A_1561 = vector.shape_cast %get3A_1556 : vector<16xf32> to vector<1x16xf32>
      tpu.vector_store %arg8[%swap3A_1557, %swap3A_1558], %swap3A_1561 {add = true, strides = array<i32>} : memref<200x64xf32, #tpu.memory_space<vmem>>, vector<1x16xf32>,
      %get3A_1562 = arith.index_cast %scan3A_1536 : i32 to index
      %get3A_1563 = arith.constant 48 : index
      %get3A_1564 = tpu.vector_load %arg7[%get3A_1562, %get3A_1563] {strides = array<i32>} : memref<200x64xf32, #tpu.memory_space<vmem>>, vector<1x16xf32>,
      %get3A_1565 = vector.shape_cast %get3A_1564 : vector<1x16xf32> to vector<16xf32>
      %swap3A_1566 = arith.index_cast %scan3A_1536 : i32 to index
      %swap3A_1567 = arith.constant 48 : index
      %swap3A_1568 = tpu.vector_load %arg8[%swap3A_1566, %swap3A_1567] {strides = array<i32>} : memref<200x64xf32, #tpu.memory_space<vmem>>, vector<1x16xf32>,
      %swap3A_1569 = vector.shape_cast %swap3A_1568 : vector<1x16xf32> to vector<16xf32>
      %swap3A_1570 = vector.shape_cast %get3A_1565 : vector<16xf32> to vector<1x16xf32>
      tpu.vector_store %arg8[%swap3A_1566, %swap3A_1567], %swap3A_1570 {add = true, strides = array<i32>} : memref<200x64xf32, #tpu.memory_space<vmem>>, vector<1x16xf32>,
    }
    %scan3A_821 = arith.constant 200 : i32
    %add3A_822 = arith.constant 3200 : i32
    %add3A_823 = arith.addi %mul3A_2, %add3A_822 : i32
    %dma_start3A_824 = arith.constant 0 : i32
    %dma_start3A_825 = tpu.memref_slice %arg5[%add3A_823, %dma_start3A_824] : memref<204800x64xf32, #tpu.memory_space<hbm>> -> memref<200x64xf32, #tpu.memory_space<hbm>>
    %dma_start3A_826 = arith.constant 0 : i32
    %dma_start3A_827 = tpu.memref_slice %arg5[%add3A_823, %dma_start3A_826] : memref<204800x64xf32, #tpu.memory_space<hbm>> -> memref<200x64xf32, #tpu.memory_space<hbm>>
    tpu.enqueue_dma source(%arg8 : memref<200x64xf32, #tpu.memory_space<vmem>>) target(%dma_start3A_827 : memref<200x64xf32, #tpu.memory_space<hbm>>) target_semaphore(%arg12 : memref<!tpu.dma_semaphore, #tpu.memory_space<semaphore_mem>>)
    %dma_wait3A_828 = arith.constant 0 : i32
    %dma_wait3A_829 = tpu.memref_slice %arg5[%add3A_823, %dma_wait3A_828] : memref<204800x64xf32, #tpu.memory_space<hbm>> -> memref<200x64xf32, #tpu.memory_space<hbm>>
    %dma_wait3A_830 = arith.constant 0 : i32
    %dma_wait3A_831 = tpu.memref_slice %arg5[%add3A_823, %dma_wait3A_830] : memref<204800x64xf32, #tpu.memory_space<hbm>> -> memref<200x64xf32, #tpu.memory_space<hbm>>
    tpu.wait_dma2 semaphore(%arg12 : memref<!tpu.dma_semaphore, #tpu.memory_space<semaphore_mem>>) src(%arg8 : memref<200x64xf32, #tpu.memory_space<vmem>>) dst(%dma_wait3A_831 : memref<200x64xf32, #tpu.memory_space<hbm>>)
    %dma_start3A_832 = arith.constant 0 : i32
    %dma_start3A_833 = arith.constant 0 : i32
    %dma_start3A_834 = tpu.memref_slice %arg8[%dma_start3A_832, %dma_start3A_833] : memref<200x64xf32, #tpu.memory_space<vmem>> -> memref<128x64xf32, #tpu.memory_space<vmem>>
    %dma_start3A_835 = arith.constant 3600 : i32
    %dma_start3A_836 = tpu.memref_slice %arg6[%dma_start3A_835] : memref<6400xi32, #tpu.memory_space<vmem>> -> memref<128xi32, #tpu.memory_space<vmem>>
    %dma_start3A_837 = arith.constant 0 : i32
    %dma_start3A_838 = arith.constant 0 : i32
    %dma_start3A_839 = tpu.memref_slice %arg3[%dma_start3A_837, %dma_start3A_838] : memref<1000000x64xf32, #tpu.memory_space<hbm>> -> memref<1000000x64xf32, #tpu.memory_space<hbm>>
    tpu.enqueue_indirect_dma source(%dma_start3A_839 : memref<1000000x64xf32, #tpu.memory_space<hbm>>) target(%dma_start3A_834 : memref<128x64xf32, #tpu.memory_space<vmem>>) offsets(%dma_start3A_836 : memref<128xi32, #tpu.memory_space<vmem>>) semaphore(%arg10 : memref<!tpu.dma_semaphore, #tpu.memory_space<semaphore_mem>>)
    %dma_start3A_840 = arith.constant 128 : i32
    %dma_start3A_841 = arith.constant 0 : i32
    %dma_start3A_842 = tpu.memref_slice %arg8[%dma_start3A_840, %dma_start3A_841] : memref<200x64xf32, #tpu.memory_space<vmem>> -> memref<72x64xf32, #tpu.memory_space<vmem>>
    %dma_start3A_843 = arith.constant 3728 : i32
    %dma_start3A_844 = tpu.memref_slice %arg6[%dma_start3A_843] : memref<6400xi32, #tpu.memory_space<vmem>> -> memref<72xi32, #tpu.memory_space<vmem>>
    %dma_start3A_845 = arith.constant 0 : i32
    %dma_start3A_846 = arith.constant 0 : i32
    %dma_start3A_847 = tpu.memref_slice %arg3[%dma_start3A_845, %dma_start3A_846] : memref<1000000x64xf32, #tpu.memory_space<hbm>> -> memref<1000000x64xf32, #tpu.memory_space<hbm>>
    tpu.enqueue_indirect_dma source(%dma_start3A_847 : memref<1000000x64xf32, #tpu.memory_space<hbm>>) target(%dma_start3A_842 : memref<72x64xf32, #tpu.memory_space<vmem>>) offsets(%dma_start3A_844 : memref<72xi32, #tpu.memory_space<vmem>>) semaphore(%arg10 : memref<!tpu.dma_semaphore, #tpu.memory_space<semaphore_mem>>)
    %dma_wait3A_848 = arith.constant 0 : i32
    %dma_wait3A_849 = arith.constant 0 : i32
    %dma_wait3A_850 = tpu.memref_slice %arg9[%dma_wait3A_848, %dma_wait3A_849] : memref<200x64xf32, #tpu.memory_space<vmem>> -> memref<128x64xf32, #tpu.memory_space<vmem>>
    %dma_wait3A_851 = arith.constant 3400 : i32
    %dma_wait3A_852 = tpu.memref_slice %arg6[%dma_wait3A_851] : memref<6400xi32, #tpu.memory_space<vmem>> -> memref<128xi32, #tpu.memory_space<vmem>>
    %dma_wait3A_853 = arith.constant 0 : i32
    %dma_wait3A_854 = arith.constant 0 : i32
    %dma_wait3A_855 = tpu.memref_slice %arg3[%dma_wait3A_853, %dma_wait3A_854] : memref<1000000x64xf32, #tpu.memory_space<hbm>> -> memref<1000000x64xf32, #tpu.memory_space<hbm>>
    tpu.wait_indirect_dma semaphore(%arg11 : memref<!tpu.dma_semaphore, #tpu.memory_space<semaphore_mem>>) src(%dma_wait3A_855 : memref<1000000x64xf32, #tpu.memory_space<hbm>>) dst(%dma_wait3A_850 : memref<128x64xf32, #tpu.memory_space<vmem>>)
    %dma_wait3A_856 = arith.constant 128 : i32
    %dma_wait3A_857 = arith.constant 0 : i32
    %dma_wait3A_858 = tpu.memref_slice %arg9[%dma_wait3A_856, %dma_wait3A_857] : memref<200x64xf32, #tpu.memory_space<vmem>> -> memref<72x64xf32, #tpu.memory_space<vmem>>
    %dma_wait3A_859 = arith.constant 3528 : i32
    %dma_wait3A_860 = tpu.memref_slice %arg6[%dma_wait3A_859] : memref<6400xi32, #tpu.memory_space<vmem>> -> memref<72xi32, #tpu.memory_space<vmem>>
    %dma_wait3A_861 = arith.constant 0 : i32
    %dma_wait3A_862 = arith.constant 0 : i32
    %dma_wait3A_863 = tpu.memref_slice %arg3[%dma_wait3A_861, %dma_wait3A_862] : memref<1000000x64xf32, #tpu.memory_space<hbm>> -> memref<1000000x64xf32, #tpu.memory_space<hbm>>
    tpu.wait_indirect_dma semaphore(%arg11 : memref<!tpu.dma_semaphore, #tpu.memory_space<semaphore_mem>>) src(%dma_wait3A_863 : memref<1000000x64xf32, #tpu.memory_space<hbm>>) dst(%dma_wait3A_858 : memref<72x64xf32, #tpu.memory_space<vmem>>)
    %scan3A_864 = arith.constant 0 : i32
    %scan3A_865 = arith.constant 0 : i32
    %scan3A_866 = arith.constant 200 : i32
    %scan3A_867 = arith.addi %scan3A_865, %scan3A_866 : i32
    %scan3A_868 = arith.constant 1 : i32
    scf.for %scan3A_1536 = %scan3A_865 to %scan3A_867 step %scan3A_868  : i32 {
      %get3A = arith.index_cast %scan3A_1536 : i32 to index
      %get3A_1537 = arith.constant 0 : index
      %get3A_1538 = tpu.vector_load %arg7[%get3A, %get3A_1537] {strides = array<i32>} : memref<200x64xf32, #tpu.memory_space<vmem>>, vector<1x16xf32>,
      %get3A_1539 = vector.shape_cast %get3A_1538 : vector<1x16xf32> to vector<16xf32>
      %swap3A = arith.index_cast %scan3A_1536 : i32 to index
      %swap3A_1540 = arith.constant 0 : index
      %swap3A_1541 = tpu.vector_load %arg9[%swap3A, %swap3A_1540] {strides = array<i32>} : memref<200x64xf32, #tpu.memory_space<vmem>>, vector<1x16xf32>,
      %swap3A_1542 = vector.shape_cast %swap3A_1541 : vector<1x16xf32> to vector<16xf32>
      %swap3A_1543 = vector.shape_cast %get3A_1539 : vector<16xf32> to vector<1x16xf32>
      tpu.vector_store %arg9[%swap3A, %swap3A_1540], %swap3A_1543 {add = true, strides = array<i32>} : memref<200x64xf32, #tpu.memory_space<vmem>>, vector<1x16xf32>,
      %get3A_1544 = arith.index_cast %scan3A_1536 : i32 to index
      %get3A_1545 = arith.constant 16 : index
      %get3A_1546 = tpu.vector_load %arg7[%get3A_1544, %get3A_1545] {strides = array<i32>} : memref<200x64xf32, #tpu.memory_space<vmem>>, vector<1x16xf32>,
      %get3A_1547 = vector.shape_cast %get3A_1546 : vector<1x16xf32> to vector<16xf32>
      %swap3A_1548 = arith.index_cast %scan3A_1536 : i32 to index
      %swap3A_1549 = arith.constant 16 : index
      %swap3A_1550 = tpu.vector_load %arg9[%swap3A_1548, %swap3A_1549] {strides = array<i32>} : memref<200x64xf32, #tpu.memory_space<vmem>>, vector<1x16xf32>,
      %swap3A_1551 = vector.shape_cast %swap3A_1550 : vector<1x16xf32> to vector<16xf32>
      %swap3A_1552 = vector.shape_cast %get3A_1547 : vector<16xf32> to vector<1x16xf32>
      tpu.vector_store %arg9[%swap3A_1548, %swap3A_1549], %swap3A_1552 {add = true, strides = array<i32>} : memref<200x64xf32, #tpu.memory_space<vmem>>, vector<1x16xf32>,
      %get3A_1553 = arith.index_cast %scan3A_1536 : i32 to index
      %get3A_1554 = arith.constant 32 : index
      %get3A_1555 = tpu.vector_load %arg7[%get3A_1553, %get3A_1554] {strides = array<i32>} : memref<200x64xf32, #tpu.memory_space<vmem>>, vector<1x16xf32>,
      %get3A_1556 = vector.shape_cast %get3A_1555 : vector<1x16xf32> to vector<16xf32>
      %swap3A_1557 = arith.index_cast %scan3A_1536 : i32 to index
      %swap3A_1558 = arith.constant 32 : index
      %swap3A_1559 = tpu.vector_load %arg9[%swap3A_1557, %swap3A_1558] {strides = array<i32>} : memref<200x64xf32, #tpu.memory_space<vmem>>, vector<1x16xf32>,
      %swap3A_1560 = vector.shape_cast %swap3A_1559 : vector<1x16xf32> to vector<16xf32>
      %swap3A_1561 = vector.shape_cast %get3A_1556 : vector<16xf32> to vector<1x16xf32>
      tpu.vector_store %arg9[%swap3A_1557, %swap3A_1558], %swap3A_1561 {add = true, strides = array<i32>} : memref<200x64xf32, #tpu.memory_space<vmem>>, vector<1x16xf32>,
      %get3A_1562 = arith.index_cast %scan3A_1536 : i32 to index
      %get3A_1563 = arith.constant 48 : index
      %get3A_1564 = tpu.vector_load %arg7[%get3A_1562, %get3A_1563] {strides = array<i32>} : memref<200x64xf32, #tpu.memory_space<vmem>>, vector<1x16xf32>,
      %get3A_1565 = vector.shape_cast %get3A_1564 : vector<1x16xf32> to vector<16xf32>
      %swap3A_1566 = arith.index_cast %scan3A_1536 : i32 to index
      %swap3A_1567 = arith.constant 48 : index
      %swap3A_1568 = tpu.vector_load %arg9[%swap3A_1566, %swap3A_1567] {strides = array<i32>} : memref<200x64xf32, #tpu.memory_space<vmem>>, vector<1x16xf32>,
      %swap3A_1569 = vector.shape_cast %swap3A_1568 : vector<1x16xf32> to vector<16xf32>
      %swap3A_1570 = vector.shape_cast %get3A_1565 : vector<16xf32> to vector<1x16xf32>
      tpu.vector_store %arg9[%swap3A_1566, %swap3A_1567], %swap3A_1570 {add = true, strides = array<i32>} : memref<200x64xf32, #tpu.memory_space<vmem>>, vector<1x16xf32>,
    }
    %scan3A_869 = arith.constant 200 : i32
    %add3A_870 = arith.constant 3400 : i32
    %add3A_871 = arith.addi %mul3A_2, %add3A_870 : i32
    %dma_start3A_872 = arith.constant 0 : i32
    %dma_start3A_873 = tpu.memref_slice %arg5[%add3A_871, %dma_start3A_872] : memref<204800x64xf32, #tpu.memory_space<hbm>> -> memref<200x64xf32, #tpu.memory_space<hbm>>
    %dma_start3A_874 = arith.constant 0 : i32
    %dma_start3A_875 = tpu.memref_slice %arg5[%add3A_871, %dma_start3A_874] : memref<204800x64xf32, #tpu.memory_space<hbm>> -> memref<200x64xf32, #tpu.memory_space<hbm>>
    tpu.enqueue_dma source(%arg9 : memref<200x64xf32, #tpu.memory_space<vmem>>) target(%dma_start3A_875 : memref<200x64xf32, #tpu.memory_space<hbm>>) target_semaphore(%arg13 : memref<!tpu.dma_semaphore, #tpu.memory_space<semaphore_mem>>)
    %dma_wait3A_876 = arith.constant 0 : i32
    %dma_wait3A_877 = tpu.memref_slice %arg5[%add3A_871, %dma_wait3A_876] : memref<204800x64xf32, #tpu.memory_space<hbm>> -> memref<200x64xf32, #tpu.memory_space<hbm>>
    %dma_wait3A_878 = arith.constant 0 : i32
    %dma_wait3A_879 = tpu.memref_slice %arg5[%add3A_871, %dma_wait3A_878] : memref<204800x64xf32, #tpu.memory_space<hbm>> -> memref<200x64xf32, #tpu.memory_space<hbm>>
    tpu.wait_dma2 semaphore(%arg13 : memref<!tpu.dma_semaphore, #tpu.memory_space<semaphore_mem>>) src(%arg9 : memref<200x64xf32, #tpu.memory_space<vmem>>) dst(%dma_wait3A_879 : memref<200x64xf32, #tpu.memory_space<hbm>>)
    %dma_start3A_880 = arith.constant 0 : i32
    %dma_start3A_881 = arith.constant 0 : i32
    %dma_start3A_882 = tpu.memref_slice %arg9[%dma_start3A_880, %dma_start3A_881] : memref<200x64xf32, #tpu.memory_space<vmem>> -> memref<128x64xf32, #tpu.memory_space<vmem>>
    %dma_start3A_883 = arith.constant 3800 : i32
    %dma_start3A_884 = tpu.memref_slice %arg6[%dma_start3A_883] : memref<6400xi32, #tpu.memory_space<vmem>> -> memref<128xi32, #tpu.memory_space<vmem>>
    %dma_start3A_885 = arith.constant 0 : i32
    %dma_start3A_886 = arith.constant 0 : i32
    %dma_start3A_887 = tpu.memref_slice %arg3[%dma_start3A_885, %dma_start3A_886] : memref<1000000x64xf32, #tpu.memory_space<hbm>> -> memref<1000000x64xf32, #tpu.memory_space<hbm>>
    tpu.enqueue_indirect_dma source(%dma_start3A_887 : memref<1000000x64xf32, #tpu.memory_space<hbm>>) target(%dma_start3A_882 : memref<128x64xf32, #tpu.memory_space<vmem>>) offsets(%dma_start3A_884 : memref<128xi32, #tpu.memory_space<vmem>>) semaphore(%arg11 : memref<!tpu.dma_semaphore, #tpu.memory_space<semaphore_mem>>)
    %dma_start3A_888 = arith.constant 128 : i32
    %dma_start3A_889 = arith.constant 0 : i32
    %dma_start3A_890 = tpu.memref_slice %arg9[%dma_start3A_888, %dma_start3A_889] : memref<200x64xf32, #tpu.memory_space<vmem>> -> memref<72x64xf32, #tpu.memory_space<vmem>>
    %dma_start3A_891 = arith.constant 3928 : i32
    %dma_start3A_892 = tpu.memref_slice %arg6[%dma_start3A_891] : memref<6400xi32, #tpu.memory_space<vmem>> -> memref<72xi32, #tpu.memory_space<vmem>>
    %dma_start3A_893 = arith.constant 0 : i32
    %dma_start3A_894 = arith.constant 0 : i32
    %dma_start3A_895 = tpu.memref_slice %arg3[%dma_start3A_893, %dma_start3A_894] : memref<1000000x64xf32, #tpu.memory_space<hbm>> -> memref<1000000x64xf32, #tpu.memory_space<hbm>>
    tpu.enqueue_indirect_dma source(%dma_start3A_895 : memref<1000000x64xf32, #tpu.memory_space<hbm>>) target(%dma_start3A_890 : memref<72x64xf32, #tpu.memory_space<vmem>>) offsets(%dma_start3A_892 : memref<72xi32, #tpu.memory_space<vmem>>) semaphore(%arg11 : memref<!tpu.dma_semaphore, #tpu.memory_space<semaphore_mem>>)
    %dma_wait3A_896 = arith.constant 0 : i32
    %dma_wait3A_897 = arith.constant 0 : i32
    %dma_wait3A_898 = tpu.memref_slice %arg8[%dma_wait3A_896, %dma_wait3A_897] : memref<200x64xf32, #tpu.memory_space<vmem>> -> memref<128x64xf32, #tpu.memory_space<vmem>>
    %dma_wait3A_899 = arith.constant 3600 : i32
    %dma_wait3A_900 = tpu.memref_slice %arg6[%dma_wait3A_899] : memref<6400xi32, #tpu.memory_space<vmem>> -> memref<128xi32, #tpu.memory_space<vmem>>
    %dma_wait3A_901 = arith.constant 0 : i32
    %dma_wait3A_902 = arith.constant 0 : i32
    %dma_wait3A_903 = tpu.memref_slice %arg3[%dma_wait3A_901, %dma_wait3A_902] : memref<1000000x64xf32, #tpu.memory_space<hbm>> -> memref<1000000x64xf32, #tpu.memory_space<hbm>>
    tpu.wait_indirect_dma semaphore(%arg10 : memref<!tpu.dma_semaphore, #tpu.memory_space<semaphore_mem>>) src(%dma_wait3A_903 : memref<1000000x64xf32, #tpu.memory_space<hbm>>) dst(%dma_wait3A_898 : memref<128x64xf32, #tpu.memory_space<vmem>>)
    %dma_wait3A_904 = arith.constant 128 : i32
    %dma_wait3A_905 = arith.constant 0 : i32
    %dma_wait3A_906 = tpu.memref_slice %arg8[%dma_wait3A_904, %dma_wait3A_905] : memref<200x64xf32, #tpu.memory_space<vmem>> -> memref<72x64xf32, #tpu.memory_space<vmem>>
    %dma_wait3A_907 = arith.constant 3728 : i32
    %dma_wait3A_908 = tpu.memref_slice %arg6[%dma_wait3A_907] : memref<6400xi32, #tpu.memory_space<vmem>> -> memref<72xi32, #tpu.memory_space<vmem>>
    %dma_wait3A_909 = arith.constant 0 : i32
    %dma_wait3A_910 = arith.constant 0 : i32
    %dma_wait3A_911 = tpu.memref_slice %arg3[%dma_wait3A_909, %dma_wait3A_910] : memref<1000000x64xf32, #tpu.memory_space<hbm>> -> memref<1000000x64xf32, #tpu.memory_space<hbm>>
    tpu.wait_indirect_dma semaphore(%arg10 : memref<!tpu.dma_semaphore, #tpu.memory_space<semaphore_mem>>) src(%dma_wait3A_911 : memref<1000000x64xf32, #tpu.memory_space<hbm>>) dst(%dma_wait3A_906 : memref<72x64xf32, #tpu.memory_space<vmem>>)
    %scan3A_912 = arith.constant 0 : i32
    %scan3A_913 = arith.constant 0 : i32
    %scan3A_914 = arith.constant 200 : i32
    %scan3A_915 = arith.addi %scan3A_913, %scan3A_914 : i32
    %scan3A_916 = arith.constant 1 : i32
    scf.for %scan3A_1536 = %scan3A_913 to %scan3A_915 step %scan3A_916  : i32 {
      %get3A = arith.index_cast %scan3A_1536 : i32 to index
      %get3A_1537 = arith.constant 0 : index
      %get3A_1538 = tpu.vector_load %arg7[%get3A, %get3A_1537] {strides = array<i32>} : memref<200x64xf32, #tpu.memory_space<vmem>>, vector<1x16xf32>,
      %get3A_1539 = vector.shape_cast %get3A_1538 : vector<1x16xf32> to vector<16xf32>
      %swap3A = arith.index_cast %scan3A_1536 : i32 to index
      %swap3A_1540 = arith.constant 0 : index
      %swap3A_1541 = tpu.vector_load %arg8[%swap3A, %swap3A_1540] {strides = array<i32>} : memref<200x64xf32, #tpu.memory_space<vmem>>, vector<1x16xf32>,
      %swap3A_1542 = vector.shape_cast %swap3A_1541 : vector<1x16xf32> to vector<16xf32>
      %swap3A_1543 = vector.shape_cast %get3A_1539 : vector<16xf32> to vector<1x16xf32>
      tpu.vector_store %arg8[%swap3A, %swap3A_1540], %swap3A_1543 {add = true, strides = array<i32>} : memref<200x64xf32, #tpu.memory_space<vmem>>, vector<1x16xf32>,
      %get3A_1544 = arith.index_cast %scan3A_1536 : i32 to index
      %get3A_1545 = arith.constant 16 : index
      %get3A_1546 = tpu.vector_load %arg7[%get3A_1544, %get3A_1545] {strides = array<i32>} : memref<200x64xf32, #tpu.memory_space<vmem>>, vector<1x16xf32>,
      %get3A_1547 = vector.shape_cast %get3A_1546 : vector<1x16xf32> to vector<16xf32>
      %swap3A_1548 = arith.index_cast %scan3A_1536 : i32 to index
      %swap3A_1549 = arith.constant 16 : index
      %swap3A_1550 = tpu.vector_load %arg8[%swap3A_1548, %swap3A_1549] {strides = array<i32>} : memref<200x64xf32, #tpu.memory_space<vmem>>, vector<1x16xf32>,
      %swap3A_1551 = vector.shape_cast %swap3A_1550 : vector<1x16xf32> to vector<16xf32>
      %swap3A_1552 = vector.shape_cast %get3A_1547 : vector<16xf32> to vector<1x16xf32>
      tpu.vector_store %arg8[%swap3A_1548, %swap3A_1549], %swap3A_1552 {add = true, strides = array<i32>} : memref<200x64xf32, #tpu.memory_space<vmem>>, vector<1x16xf32>,
      %get3A_1553 = arith.index_cast %scan3A_1536 : i32 to index
      %get3A_1554 = arith.constant 32 : index
      %get3A_1555 = tpu.vector_load %arg7[%get3A_1553, %get3A_1554] {strides = array<i32>} : memref<200x64xf32, #tpu.memory_space<vmem>>, vector<1x16xf32>,
      %get3A_1556 = vector.shape_cast %get3A_1555 : vector<1x16xf32> to vector<16xf32>
      %swap3A_1557 = arith.index_cast %scan3A_1536 : i32 to index
      %swap3A_1558 = arith.constant 32 : index
      %swap3A_1559 = tpu.vector_load %arg8[%swap3A_1557, %swap3A_1558] {strides = array<i32>} : memref<200x64xf32, #tpu.memory_space<vmem>>, vector<1x16xf32>,
      %swap3A_1560 = vector.shape_cast %swap3A_1559 : vector<1x16xf32> to vector<16xf32>
      %swap3A_1561 = vector.shape_cast %get3A_1556 : vector<16xf32> to vector<1x16xf32>
      tpu.vector_store %arg8[%swap3A_1557, %swap3A_1558], %swap3A_1561 {add = true, strides = array<i32>} : memref<200x64xf32, #tpu.memory_space<vmem>>, vector<1x16xf32>,
      %get3A_1562 = arith.index_cast %scan3A_1536 : i32 to index
      %get3A_1563 = arith.constant 48 : index
      %get3A_1564 = tpu.vector_load %arg7[%get3A_1562, %get3A_1563] {strides = array<i32>} : memref<200x64xf32, #tpu.memory_space<vmem>>, vector<1x16xf32>,
      %get3A_1565 = vector.shape_cast %get3A_1564 : vector<1x16xf32> to vector<16xf32>
      %swap3A_1566 = arith.index_cast %scan3A_1536 : i32 to index
      %swap3A_1567 = arith.constant 48 : index
      %swap3A_1568 = tpu.vector_load %arg8[%swap3A_1566, %swap3A_1567] {strides = array<i32>} : memref<200x64xf32, #tpu.memory_space<vmem>>, vector<1x16xf32>,
      %swap3A_1569 = vector.shape_cast %swap3A_1568 : vector<1x16xf32> to vector<16xf32>
      %swap3A_1570 = vector.shape_cast %get3A_1565 : vector<16xf32> to vector<1x16xf32>
      tpu.vector_store %arg8[%swap3A_1566, %swap3A_1567], %swap3A_1570 {add = true, strides = array<i32>} : memref<200x64xf32, #tpu.memory_space<vmem>>, vector<1x16xf32>,
    }
    %scan3A_917 = arith.constant 200 : i32
    %add3A_918 = arith.constant 3600 : i32
    %add3A_919 = arith.addi %mul3A_2, %add3A_918 : i32
    %dma_start3A_920 = arith.constant 0 : i32
    %dma_start3A_921 = tpu.memref_slice %arg5[%add3A_919, %dma_start3A_920] : memref<204800x64xf32, #tpu.memory_space<hbm>> -> memref<200x64xf32, #tpu.memory_space<hbm>>
    %dma_start3A_922 = arith.constant 0 : i32
    %dma_start3A_923 = tpu.memref_slice %arg5[%add3A_919, %dma_start3A_922] : memref<204800x64xf32, #tpu.memory_space<hbm>> -> memref<200x64xf32, #tpu.memory_space<hbm>>
    tpu.enqueue_dma source(%arg8 : memref<200x64xf32, #tpu.memory_space<vmem>>) target(%dma_start3A_923 : memref<200x64xf32, #tpu.memory_space<hbm>>) target_semaphore(%arg12 : memref<!tpu.dma_semaphore, #tpu.memory_space<semaphore_mem>>)
    %dma_wait3A_924 = arith.constant 0 : i32
    %dma_wait3A_925 = tpu.memref_slice %arg5[%add3A_919, %dma_wait3A_924] : memref<204800x64xf32, #tpu.memory_space<hbm>> -> memref<200x64xf32, #tpu.memory_space<hbm>>
    %dma_wait3A_926 = arith.constant 0 : i32
    %dma_wait3A_927 = tpu.memref_slice %arg5[%add3A_919, %dma_wait3A_926] : memref<204800x64xf32, #tpu.memory_space<hbm>> -> memref<200x64xf32, #tpu.memory_space<hbm>>
    tpu.wait_dma2 semaphore(%arg12 : memref<!tpu.dma_semaphore, #tpu.memory_space<semaphore_mem>>) src(%arg8 : memref<200x64xf32, #tpu.memory_space<vmem>>) dst(%dma_wait3A_927 : memref<200x64xf32, #tpu.memory_space<hbm>>)
    %dma_start3A_928 = arith.constant 0 : i32
    %dma_start3A_929 = arith.constant 0 : i32
    %dma_start3A_930 = tpu.memref_slice %arg8[%dma_start3A_928, %dma_start3A_929] : memref<200x64xf32, #tpu.memory_space<vmem>> -> memref<128x64xf32, #tpu.memory_space<vmem>>
    %dma_start3A_931 = arith.constant 4000 : i32
    %dma_start3A_932 = tpu.memref_slice %arg6[%dma_start3A_931] : memref<6400xi32, #tpu.memory_space<vmem>> -> memref<128xi32, #tpu.memory_space<vmem>>
    %dma_start3A_933 = arith.constant 0 : i32
    %dma_start3A_934 = arith.constant 0 : i32
    %dma_start3A_935 = tpu.memref_slice %arg3[%dma_start3A_933, %dma_start3A_934] : memref<1000000x64xf32, #tpu.memory_space<hbm>> -> memref<1000000x64xf32, #tpu.memory_space<hbm>>
    tpu.enqueue_indirect_dma source(%dma_start3A_935 : memref<1000000x64xf32, #tpu.memory_space<hbm>>) target(%dma_start3A_930 : memref<128x64xf32, #tpu.memory_space<vmem>>) offsets(%dma_start3A_932 : memref<128xi32, #tpu.memory_space<vmem>>) semaphore(%arg10 : memref<!tpu.dma_semaphore, #tpu.memory_space<semaphore_mem>>)
    %dma_start3A_936 = arith.constant 128 : i32
    %dma_start3A_937 = arith.constant 0 : i32
    %dma_start3A_938 = tpu.memref_slice %arg8[%dma_start3A_936, %dma_start3A_937] : memref<200x64xf32, #tpu.memory_space<vmem>> -> memref<72x64xf32, #tpu.memory_space<vmem>>
    %dma_start3A_939 = arith.constant 4128 : i32
    %dma_start3A_940 = tpu.memref_slice %arg6[%dma_start3A_939] : memref<6400xi32, #tpu.memory_space<vmem>> -> memref<72xi32, #tpu.memory_space<vmem>>
    %dma_start3A_941 = arith.constant 0 : i32
    %dma_start3A_942 = arith.constant 0 : i32
    %dma_start3A_943 = tpu.memref_slice %arg3[%dma_start3A_941, %dma_start3A_942] : memref<1000000x64xf32, #tpu.memory_space<hbm>> -> memref<1000000x64xf32, #tpu.memory_space<hbm>>
    tpu.enqueue_indirect_dma source(%dma_start3A_943 : memref<1000000x64xf32, #tpu.memory_space<hbm>>) target(%dma_start3A_938 : memref<72x64xf32, #tpu.memory_space<vmem>>) offsets(%dma_start3A_940 : memref<72xi32, #tpu.memory_space<vmem>>) semaphore(%arg10 : memref<!tpu.dma_semaphore, #tpu.memory_space<semaphore_mem>>)
    %dma_wait3A_944 = arith.constant 0 : i32
    %dma_wait3A_945 = arith.constant 0 : i32
    %dma_wait3A_946 = tpu.memref_slice %arg9[%dma_wait3A_944, %dma_wait3A_945] : memref<200x64xf32, #tpu.memory_space<vmem>> -> memref<128x64xf32, #tpu.memory_space<vmem>>
    %dma_wait3A_947 = arith.constant 3800 : i32
    %dma_wait3A_948 = tpu.memref_slice %arg6[%dma_wait3A_947] : memref<6400xi32, #tpu.memory_space<vmem>> -> memref<128xi32, #tpu.memory_space<vmem>>
    %dma_wait3A_949 = arith.constant 0 : i32
    %dma_wait3A_950 = arith.constant 0 : i32
    %dma_wait3A_951 = tpu.memref_slice %arg3[%dma_wait3A_949, %dma_wait3A_950] : memref<1000000x64xf32, #tpu.memory_space<hbm>> -> memref<1000000x64xf32, #tpu.memory_space<hbm>>
    tpu.wait_indirect_dma semaphore(%arg11 : memref<!tpu.dma_semaphore, #tpu.memory_space<semaphore_mem>>) src(%dma_wait3A_951 : memref<1000000x64xf32, #tpu.memory_space<hbm>>) dst(%dma_wait3A_946 : memref<128x64xf32, #tpu.memory_space<vmem>>)
    %dma_wait3A_952 = arith.constant 128 : i32
    %dma_wait3A_953 = arith.constant 0 : i32
    %dma_wait3A_954 = tpu.memref_slice %arg9[%dma_wait3A_952, %dma_wait3A_953] : memref<200x64xf32, #tpu.memory_space<vmem>> -> memref<72x64xf32, #tpu.memory_space<vmem>>
    %dma_wait3A_955 = arith.constant 3928 : i32
    %dma_wait3A_956 = tpu.memref_slice %arg6[%dma_wait3A_955] : memref<6400xi32, #tpu.memory_space<vmem>> -> memref<72xi32, #tpu.memory_space<vmem>>
    %dma_wait3A_957 = arith.constant 0 : i32
    %dma_wait3A_958 = arith.constant 0 : i32
    %dma_wait3A_959 = tpu.memref_slice %arg3[%dma_wait3A_957, %dma_wait3A_958] : memref<1000000x64xf32, #tpu.memory_space<hbm>> -> memref<1000000x64xf32, #tpu.memory_space<hbm>>
    tpu.wait_indirect_dma semaphore(%arg11 : memref<!tpu.dma_semaphore, #tpu.memory_space<semaphore_mem>>) src(%dma_wait3A_959 : memref<1000000x64xf32, #tpu.memory_space<hbm>>) dst(%dma_wait3A_954 : memref<72x64xf32, #tpu.memory_space<vmem>>)
    %scan3A_960 = arith.constant 0 : i32
    %scan3A_961 = arith.constant 0 : i32
    %scan3A_962 = arith.constant 200 : i32
    %scan3A_963 = arith.addi %scan3A_961, %scan3A_962 : i32
    %scan3A_964 = arith.constant 1 : i32
    scf.for %scan3A_1536 = %scan3A_961 to %scan3A_963 step %scan3A_964  : i32 {
      %get3A = arith.index_cast %scan3A_1536 : i32 to index
      %get3A_1537 = arith.constant 0 : index
      %get3A_1538 = tpu.vector_load %arg7[%get3A, %get3A_1537] {strides = array<i32>} : memref<200x64xf32, #tpu.memory_space<vmem>>, vector<1x16xf32>,
      %get3A_1539 = vector.shape_cast %get3A_1538 : vector<1x16xf32> to vector<16xf32>
      %swap3A = arith.index_cast %scan3A_1536 : i32 to index
      %swap3A_1540 = arith.constant 0 : index
      %swap3A_1541 = tpu.vector_load %arg9[%swap3A, %swap3A_1540] {strides = array<i32>} : memref<200x64xf32, #tpu.memory_space<vmem>>, vector<1x16xf32>,
      %swap3A_1542 = vector.shape_cast %swap3A_1541 : vector<1x16xf32> to vector<16xf32>
      %swap3A_1543 = vector.shape_cast %get3A_1539 : vector<16xf32> to vector<1x16xf32>
      tpu.vector_store %arg9[%swap3A, %swap3A_1540], %swap3A_1543 {add = true, strides = array<i32>} : memref<200x64xf32, #tpu.memory_space<vmem>>, vector<1x16xf32>,
      %get3A_1544 = arith.index_cast %scan3A_1536 : i32 to index
      %get3A_1545 = arith.constant 16 : index
      %get3A_1546 = tpu.vector_load %arg7[%get3A_1544, %get3A_1545] {strides = array<i32>} : memref<200x64xf32, #tpu.memory_space<vmem>>, vector<1x16xf32>,
      %get3A_1547 = vector.shape_cast %get3A_1546 : vector<1x16xf32> to vector<16xf32>
      %swap3A_1548 = arith.index_cast %scan3A_1536 : i32 to index
      %swap3A_1549 = arith.constant 16 : index
      %swap3A_1550 = tpu.vector_load %arg9[%swap3A_1548, %swap3A_1549] {strides = array<i32>} : memref<200x64xf32, #tpu.memory_space<vmem>>, vector<1x16xf32>,
      %swap3A_1551 = vector.shape_cast %swap3A_1550 : vector<1x16xf32> to vector<16xf32>
      %swap3A_1552 = vector.shape_cast %get3A_1547 : vector<16xf32> to vector<1x16xf32>
      tpu.vector_store %arg9[%swap3A_1548, %swap3A_1549], %swap3A_1552 {add = true, strides = array<i32>} : memref<200x64xf32, #tpu.memory_space<vmem>>, vector<1x16xf32>,
      %get3A_1553 = arith.index_cast %scan3A_1536 : i32 to index
      %get3A_1554 = arith.constant 32 : index
      %get3A_1555 = tpu.vector_load %arg7[%get3A_1553, %get3A_1554] {strides = array<i32>} : memref<200x64xf32, #tpu.memory_space<vmem>>, vector<1x16xf32>,
      %get3A_1556 = vector.shape_cast %get3A_1555 : vector<1x16xf32> to vector<16xf32>
      %swap3A_1557 = arith.index_cast %scan3A_1536 : i32 to index
      %swap3A_1558 = arith.constant 32 : index
      %swap3A_1559 = tpu.vector_load %arg9[%swap3A_1557, %swap3A_1558] {strides = array<i32>} : memref<200x64xf32, #tpu.memory_space<vmem>>, vector<1x16xf32>,
      %swap3A_1560 = vector.shape_cast %swap3A_1559 : vector<1x16xf32> to vector<16xf32>
      %swap3A_1561 = vector.shape_cast %get3A_1556 : vector<16xf32> to vector<1x16xf32>
      tpu.vector_store %arg9[%swap3A_1557, %swap3A_1558], %swap3A_1561 {add = true, strides = array<i32>} : memref<200x64xf32, #tpu.memory_space<vmem>>, vector<1x16xf32>,
      %get3A_1562 = arith.index_cast %scan3A_1536 : i32 to index
      %get3A_1563 = arith.constant 48 : index
      %get3A_1564 = tpu.vector_load %arg7[%get3A_1562, %get3A_1563] {strides = array<i32>} : memref<200x64xf32, #tpu.memory_space<vmem>>, vector<1x16xf32>,
      %get3A_1565 = vector.shape_cast %get3A_1564 : vector<1x16xf32> to vector<16xf32>
      %swap3A_1566 = arith.index_cast %scan3A_1536 : i32 to index
      %swap3A_1567 = arith.constant 48 : index
      %swap3A_1568 = tpu.vector_load %arg9[%swap3A_1566, %swap3A_1567] {strides = array<i32>} : memref<200x64xf32, #tpu.memory_space<vmem>>, vector<1x16xf32>,
      %swap3A_1569 = vector.shape_cast %swap3A_1568 : vector<1x16xf32> to vector<16xf32>
      %swap3A_1570 = vector.shape_cast %get3A_1565 : vector<16xf32> to vector<1x16xf32>
      tpu.vector_store %arg9[%swap3A_1566, %swap3A_1567], %swap3A_1570 {add = true, strides = array<i32>} : memref<200x64xf32, #tpu.memory_space<vmem>>, vector<1x16xf32>,
    }
    %scan3A_965 = arith.constant 200 : i32
    %add3A_966 = arith.constant 3800 : i32
    %add3A_967 = arith.addi %mul3A_2, %add3A_966 : i32
    %dma_start3A_968 = arith.constant 0 : i32
    %dma_start3A_969 = tpu.memref_slice %arg5[%add3A_967, %dma_start3A_968] : memref<204800x64xf32, #tpu.memory_space<hbm>> -> memref<200x64xf32, #tpu.memory_space<hbm>>
    %dma_start3A_970 = arith.constant 0 : i32
    %dma_start3A_971 = tpu.memref_slice %arg5[%add3A_967, %dma_start3A_970] : memref<204800x64xf32, #tpu.memory_space<hbm>> -> memref<200x64xf32, #tpu.memory_space<hbm>>
    tpu.enqueue_dma source(%arg9 : memref<200x64xf32, #tpu.memory_space<vmem>>) target(%dma_start3A_971 : memref<200x64xf32, #tpu.memory_space<hbm>>) target_semaphore(%arg13 : memref<!tpu.dma_semaphore, #tpu.memory_space<semaphore_mem>>)
    %dma_wait3A_972 = arith.constant 0 : i32
    %dma_wait3A_973 = tpu.memref_slice %arg5[%add3A_967, %dma_wait3A_972] : memref<204800x64xf32, #tpu.memory_space<hbm>> -> memref<200x64xf32, #tpu.memory_space<hbm>>
    %dma_wait3A_974 = arith.constant 0 : i32
    %dma_wait3A_975 = tpu.memref_slice %arg5[%add3A_967, %dma_wait3A_974] : memref<204800x64xf32, #tpu.memory_space<hbm>> -> memref<200x64xf32, #tpu.memory_space<hbm>>
    tpu.wait_dma2 semaphore(%arg13 : memref<!tpu.dma_semaphore, #tpu.memory_space<semaphore_mem>>) src(%arg9 : memref<200x64xf32, #tpu.memory_space<vmem>>) dst(%dma_wait3A_975 : memref<200x64xf32, #tpu.memory_space<hbm>>)
    %dma_start3A_976 = arith.constant 0 : i32
    %dma_start3A_977 = arith.constant 0 : i32
    %dma_start3A_978 = tpu.memref_slice %arg9[%dma_start3A_976, %dma_start3A_977] : memref<200x64xf32, #tpu.memory_space<vmem>> -> memref<128x64xf32, #tpu.memory_space<vmem>>
    %dma_start3A_979 = arith.constant 4200 : i32
    %dma_start3A_980 = tpu.memref_slice %arg6[%dma_start3A_979] : memref<6400xi32, #tpu.memory_space<vmem>> -> memref<128xi32, #tpu.memory_space<vmem>>
    %dma_start3A_981 = arith.constant 0 : i32
    %dma_start3A_982 = arith.constant 0 : i32
    %dma_start3A_983 = tpu.memref_slice %arg3[%dma_start3A_981, %dma_start3A_982] : memref<1000000x64xf32, #tpu.memory_space<hbm>> -> memref<1000000x64xf32, #tpu.memory_space<hbm>>
    tpu.enqueue_indirect_dma source(%dma_start3A_983 : memref<1000000x64xf32, #tpu.memory_space<hbm>>) target(%dma_start3A_978 : memref<128x64xf32, #tpu.memory_space<vmem>>) offsets(%dma_start3A_980 : memref<128xi32, #tpu.memory_space<vmem>>) semaphore(%arg11 : memref<!tpu.dma_semaphore, #tpu.memory_space<semaphore_mem>>)
    %dma_start3A_984 = arith.constant 128 : i32
    %dma_start3A_985 = arith.constant 0 : i32
    %dma_start3A_986 = tpu.memref_slice %arg9[%dma_start3A_984, %dma_start3A_985] : memref<200x64xf32, #tpu.memory_space<vmem>> -> memref<72x64xf32, #tpu.memory_space<vmem>>
    %dma_start3A_987 = arith.constant 4328 : i32
    %dma_start3A_988 = tpu.memref_slice %arg6[%dma_start3A_987] : memref<6400xi32, #tpu.memory_space<vmem>> -> memref<72xi32, #tpu.memory_space<vmem>>
    %dma_start3A_989 = arith.constant 0 : i32
    %dma_start3A_990 = arith.constant 0 : i32
    %dma_start3A_991 = tpu.memref_slice %arg3[%dma_start3A_989, %dma_start3A_990] : memref<1000000x64xf32, #tpu.memory_space<hbm>> -> memref<1000000x64xf32, #tpu.memory_space<hbm>>
    tpu.enqueue_indirect_dma source(%dma_start3A_991 : memref<1000000x64xf32, #tpu.memory_space<hbm>>) target(%dma_start3A_986 : memref<72x64xf32, #tpu.memory_space<vmem>>) offsets(%dma_start3A_988 : memref<72xi32, #tpu.memory_space<vmem>>) semaphore(%arg11 : memref<!tpu.dma_semaphore, #tpu.memory_space<semaphore_mem>>)
    %dma_wait3A_992 = arith.constant 0 : i32
    %dma_wait3A_993 = arith.constant 0 : i32
    %dma_wait3A_994 = tpu.memref_slice %arg8[%dma_wait3A_992, %dma_wait3A_993] : memref<200x64xf32, #tpu.memory_space<vmem>> -> memref<128x64xf32, #tpu.memory_space<vmem>>
    %dma_wait3A_995 = arith.constant 4000 : i32
    %dma_wait3A_996 = tpu.memref_slice %arg6[%dma_wait3A_995] : memref<6400xi32, #tpu.memory_space<vmem>> -> memref<128xi32, #tpu.memory_space<vmem>>
    %dma_wait3A_997 = arith.constant 0 : i32
    %dma_wait3A_998 = arith.constant 0 : i32
    %dma_wait3A_999 = tpu.memref_slice %arg3[%dma_wait3A_997, %dma_wait3A_998] : memref<1000000x64xf32, #tpu.memory_space<hbm>> -> memref<1000000x64xf32, #tpu.memory_space<hbm>>
    tpu.wait_indirect_dma semaphore(%arg10 : memref<!tpu.dma_semaphore, #tpu.memory_space<semaphore_mem>>) src(%dma_wait3A_999 : memref<1000000x64xf32, #tpu.memory_space<hbm>>) dst(%dma_wait3A_994 : memref<128x64xf32, #tpu.memory_space<vmem>>)
    %dma_wait3A_1000 = arith.constant 128 : i32
    %dma_wait3A_1001 = arith.constant 0 : i32
    %dma_wait3A_1002 = tpu.memref_slice %arg8[%dma_wait3A_1000, %dma_wait3A_1001] : memref<200x64xf32, #tpu.memory_space<vmem>> -> memref<72x64xf32, #tpu.memory_space<vmem>>
    %dma_wait3A_1003 = arith.constant 4128 : i32
    %dma_wait3A_1004 = tpu.memref_slice %arg6[%dma_wait3A_1003] : memref<6400xi32, #tpu.memory_space<vmem>> -> memref<72xi32, #tpu.memory_space<vmem>>
    %dma_wait3A_1005 = arith.constant 0 : i32
    %dma_wait3A_1006 = arith.constant 0 : i32
    %dma_wait3A_1007 = tpu.memref_slice %arg3[%dma_wait3A_1005, %dma_wait3A_1006] : memref<1000000x64xf32, #tpu.memory_space<hbm>> -> memref<1000000x64xf32, #tpu.memory_space<hbm>>
    tpu.wait_indirect_dma semaphore(%arg10 : memref<!tpu.dma_semaphore, #tpu.memory_space<semaphore_mem>>) src(%dma_wait3A_1007 : memref<1000000x64xf32, #tpu.memory_space<hbm>>) dst(%dma_wait3A_1002 : memref<72x64xf32, #tpu.memory_space<vmem>>)
    %scan3A_1008 = arith.constant 0 : i32
    %scan3A_1009 = arith.constant 0 : i32
    %scan3A_1010 = arith.constant 200 : i32
    %scan3A_1011 = arith.addi %scan3A_1009, %scan3A_1010 : i32
    %scan3A_1012 = arith.constant 1 : i32
    scf.for %scan3A_1536 = %scan3A_1009 to %scan3A_1011 step %scan3A_1012  : i32 {
      %get3A = arith.index_cast %scan3A_1536 : i32 to index
      %get3A_1537 = arith.constant 0 : index
      %get3A_1538 = tpu.vector_load %arg7[%get3A, %get3A_1537] {strides = array<i32>} : memref<200x64xf32, #tpu.memory_space<vmem>>, vector<1x16xf32>,
      %get3A_1539 = vector.shape_cast %get3A_1538 : vector<1x16xf32> to vector<16xf32>
      %swap3A = arith.index_cast %scan3A_1536 : i32 to index
      %swap3A_1540 = arith.constant 0 : index
      %swap3A_1541 = tpu.vector_load %arg8[%swap3A, %swap3A_1540] {strides = array<i32>} : memref<200x64xf32, #tpu.memory_space<vmem>>, vector<1x16xf32>,
      %swap3A_1542 = vector.shape_cast %swap3A_1541 : vector<1x16xf32> to vector<16xf32>
      %swap3A_1543 = vector.shape_cast %get3A_1539 : vector<16xf32> to vector<1x16xf32>
      tpu.vector_store %arg8[%swap3A, %swap3A_1540], %swap3A_1543 {add = true, strides = array<i32>} : memref<200x64xf32, #tpu.memory_space<vmem>>, vector<1x16xf32>,
      %get3A_1544 = arith.index_cast %scan3A_1536 : i32 to index
      %get3A_1545 = arith.constant 16 : index
      %get3A_1546 = tpu.vector_load %arg7[%get3A_1544, %get3A_1545] {strides = array<i32>} : memref<200x64xf32, #tpu.memory_space<vmem>>, vector<1x16xf32>,
      %get3A_1547 = vector.shape_cast %get3A_1546 : vector<1x16xf32> to vector<16xf32>
      %swap3A_1548 = arith.index_cast %scan3A_1536 : i32 to index
      %swap3A_1549 = arith.constant 16 : index
      %swap3A_1550 = tpu.vector_load %arg8[%swap3A_1548, %swap3A_1549] {strides = array<i32>} : memref<200x64xf32, #tpu.memory_space<vmem>>, vector<1x16xf32>,
      %swap3A_1551 = vector.shape_cast %swap3A_1550 : vector<1x16xf32> to vector<16xf32>
      %swap3A_1552 = vector.shape_cast %get3A_1547 : vector<16xf32> to vector<1x16xf32>
      tpu.vector_store %arg8[%swap3A_1548, %swap3A_1549], %swap3A_1552 {add = true, strides = array<i32>} : memref<200x64xf32, #tpu.memory_space<vmem>>, vector<1x16xf32>,
      %get3A_1553 = arith.index_cast %scan3A_1536 : i32 to index
      %get3A_1554 = arith.constant 32 : index
      %get3A_1555 = tpu.vector_load %arg7[%get3A_1553, %get3A_1554] {strides = array<i32>} : memref<200x64xf32, #tpu.memory_space<vmem>>, vector<1x16xf32>,
      %get3A_1556 = vector.shape_cast %get3A_1555 : vector<1x16xf32> to vector<16xf32>
      %swap3A_1557 = arith.index_cast %scan3A_1536 : i32 to index
      %swap3A_1558 = arith.constant 32 : index
      %swap3A_1559 = tpu.vector_load %arg8[%swap3A_1557, %swap3A_1558] {strides = array<i32>} : memref<200x64xf32, #tpu.memory_space<vmem>>, vector<1x16xf32>,
      %swap3A_1560 = vector.shape_cast %swap3A_1559 : vector<1x16xf32> to vector<16xf32>
      %swap3A_1561 = vector.shape_cast %get3A_1556 : vector<16xf32> to vector<1x16xf32>
      tpu.vector_store %arg8[%swap3A_1557, %swap3A_1558], %swap3A_1561 {add = true, strides = array<i32>} : memref<200x64xf32, #tpu.memory_space<vmem>>, vector<1x16xf32>,
      %get3A_1562 = arith.index_cast %scan3A_1536 : i32 to index
      %get3A_1563 = arith.constant 48 : index
      %get3A_1564 = tpu.vector_load %arg7[%get3A_1562, %get3A_1563] {strides = array<i32>} : memref<200x64xf32, #tpu.memory_space<vmem>>, vector<1x16xf32>,
      %get3A_1565 = vector.shape_cast %get3A_1564 : vector<1x16xf32> to vector<16xf32>
      %swap3A_1566 = arith.index_cast %scan3A_1536 : i32 to index
      %swap3A_1567 = arith.constant 48 : index
      %swap3A_1568 = tpu.vector_load %arg8[%swap3A_1566, %swap3A_1567] {strides = array<i32>} : memref<200x64xf32, #tpu.memory_space<vmem>>, vector<1x16xf32>,
      %swap3A_1569 = vector.shape_cast %swap3A_1568 : vector<1x16xf32> to vector<16xf32>
      %swap3A_1570 = vector.shape_cast %get3A_1565 : vector<16xf32> to vector<1x16xf32>
      tpu.vector_store %arg8[%swap3A_1566, %swap3A_1567], %swap3A_1570 {add = true, strides = array<i32>} : memref<200x64xf32, #tpu.memory_space<vmem>>, vector<1x16xf32>,
    }
    %scan3A_1013 = arith.constant 200 : i32
    %add3A_1014 = arith.constant 4000 : i32
    %add3A_1015 = arith.addi %mul3A_2, %add3A_1014 : i32
    %dma_start3A_1016 = arith.constant 0 : i32
    %dma_start3A_1017 = tpu.memref_slice %arg5[%add3A_1015, %dma_start3A_1016] : memref<204800x64xf32, #tpu.memory_space<hbm>> -> memref<200x64xf32, #tpu.memory_space<hbm>>
    %dma_start3A_1018 = arith.constant 0 : i32
    %dma_start3A_1019 = tpu.memref_slice %arg5[%add3A_1015, %dma_start3A_1018] : memref<204800x64xf32, #tpu.memory_space<hbm>> -> memref<200x64xf32, #tpu.memory_space<hbm>>
    tpu.enqueue_dma source(%arg8 : memref<200x64xf32, #tpu.memory_space<vmem>>) target(%dma_start3A_1019 : memref<200x64xf32, #tpu.memory_space<hbm>>) target_semaphore(%arg12 : memref<!tpu.dma_semaphore, #tpu.memory_space<semaphore_mem>>)
    %dma_wait3A_1020 = arith.constant 0 : i32
    %dma_wait3A_1021 = tpu.memref_slice %arg5[%add3A_1015, %dma_wait3A_1020] : memref<204800x64xf32, #tpu.memory_space<hbm>> -> memref<200x64xf32, #tpu.memory_space<hbm>>
    %dma_wait3A_1022 = arith.constant 0 : i32
    %dma_wait3A_1023 = tpu.memref_slice %arg5[%add3A_1015, %dma_wait3A_1022] : memref<204800x64xf32, #tpu.memory_space<hbm>> -> memref<200x64xf32, #tpu.memory_space<hbm>>
    tpu.wait_dma2 semaphore(%arg12 : memref<!tpu.dma_semaphore, #tpu.memory_space<semaphore_mem>>) src(%arg8 : memref<200x64xf32, #tpu.memory_space<vmem>>) dst(%dma_wait3A_1023 : memref<200x64xf32, #tpu.memory_space<hbm>>)
    %dma_start3A_1024 = arith.constant 0 : i32
    %dma_start3A_1025 = arith.constant 0 : i32
    %dma_start3A_1026 = tpu.memref_slice %arg8[%dma_start3A_1024, %dma_start3A_1025] : memref<200x64xf32, #tpu.memory_space<vmem>> -> memref<128x64xf32, #tpu.memory_space<vmem>>
    %dma_start3A_1027 = arith.constant 4400 : i32
    %dma_start3A_1028 = tpu.memref_slice %arg6[%dma_start3A_1027] : memref<6400xi32, #tpu.memory_space<vmem>> -> memref<128xi32, #tpu.memory_space<vmem>>
    %dma_start3A_1029 = arith.constant 0 : i32
    %dma_start3A_1030 = arith.constant 0 : i32
    %dma_start3A_1031 = tpu.memref_slice %arg3[%dma_start3A_1029, %dma_start3A_1030] : memref<1000000x64xf32, #tpu.memory_space<hbm>> -> memref<1000000x64xf32, #tpu.memory_space<hbm>>
    tpu.enqueue_indirect_dma source(%dma_start3A_1031 : memref<1000000x64xf32, #tpu.memory_space<hbm>>) target(%dma_start3A_1026 : memref<128x64xf32, #tpu.memory_space<vmem>>) offsets(%dma_start3A_1028 : memref<128xi32, #tpu.memory_space<vmem>>) semaphore(%arg10 : memref<!tpu.dma_semaphore, #tpu.memory_space<semaphore_mem>>)
    %dma_start3A_1032 = arith.constant 128 : i32
    %dma_start3A_1033 = arith.constant 0 : i32
    %dma_start3A_1034 = tpu.memref_slice %arg8[%dma_start3A_1032, %dma_start3A_1033] : memref<200x64xf32, #tpu.memory_space<vmem>> -> memref<72x64xf32, #tpu.memory_space<vmem>>
    %dma_start3A_1035 = arith.constant 4528 : i32
    %dma_start3A_1036 = tpu.memref_slice %arg6[%dma_start3A_1035] : memref<6400xi32, #tpu.memory_space<vmem>> -> memref<72xi32, #tpu.memory_space<vmem>>
    %dma_start3A_1037 = arith.constant 0 : i32
    %dma_start3A_1038 = arith.constant 0 : i32
    %dma_start3A_1039 = tpu.memref_slice %arg3[%dma_start3A_1037, %dma_start3A_1038] : memref<1000000x64xf32, #tpu.memory_space<hbm>> -> memref<1000000x64xf32, #tpu.memory_space<hbm>>
    tpu.enqueue_indirect_dma source(%dma_start3A_1039 : memref<1000000x64xf32, #tpu.memory_space<hbm>>) target(%dma_start3A_1034 : memref<72x64xf32, #tpu.memory_space<vmem>>) offsets(%dma_start3A_1036 : memref<72xi32, #tpu.memory_space<vmem>>) semaphore(%arg10 : memref<!tpu.dma_semaphore, #tpu.memory_space<semaphore_mem>>)
    %dma_wait3A_1040 = arith.constant 0 : i32
    %dma_wait3A_1041 = arith.constant 0 : i32
    %dma_wait3A_1042 = tpu.memref_slice %arg9[%dma_wait3A_1040, %dma_wait3A_1041] : memref<200x64xf32, #tpu.memory_space<vmem>> -> memref<128x64xf32, #tpu.memory_space<vmem>>
    %dma_wait3A_1043 = arith.constant 4200 : i32
    %dma_wait3A_1044 = tpu.memref_slice %arg6[%dma_wait3A_1043] : memref<6400xi32, #tpu.memory_space<vmem>> -> memref<128xi32, #tpu.memory_space<vmem>>
    %dma_wait3A_1045 = arith.constant 0 : i32
    %dma_wait3A_1046 = arith.constant 0 : i32
    %dma_wait3A_1047 = tpu.memref_slice %arg3[%dma_wait3A_1045, %dma_wait3A_1046] : memref<1000000x64xf32, #tpu.memory_space<hbm>> -> memref<1000000x64xf32, #tpu.memory_space<hbm>>
    tpu.wait_indirect_dma semaphore(%arg11 : memref<!tpu.dma_semaphore, #tpu.memory_space<semaphore_mem>>) src(%dma_wait3A_1047 : memref<1000000x64xf32, #tpu.memory_space<hbm>>) dst(%dma_wait3A_1042 : memref<128x64xf32, #tpu.memory_space<vmem>>)
    %dma_wait3A_1048 = arith.constant 128 : i32
    %dma_wait3A_1049 = arith.constant 0 : i32
    %dma_wait3A_1050 = tpu.memref_slice %arg9[%dma_wait3A_1048, %dma_wait3A_1049] : memref<200x64xf32, #tpu.memory_space<vmem>> -> memref<72x64xf32, #tpu.memory_space<vmem>>
    %dma_wait3A_1051 = arith.constant 4328 : i32
    %dma_wait3A_1052 = tpu.memref_slice %arg6[%dma_wait3A_1051] : memref<6400xi32, #tpu.memory_space<vmem>> -> memref<72xi32, #tpu.memory_space<vmem>>
    %dma_wait3A_1053 = arith.constant 0 : i32
    %dma_wait3A_1054 = arith.constant 0 : i32
    %dma_wait3A_1055 = tpu.memref_slice %arg3[%dma_wait3A_1053, %dma_wait3A_1054] : memref<1000000x64xf32, #tpu.memory_space<hbm>> -> memref<1000000x64xf32, #tpu.memory_space<hbm>>
    tpu.wait_indirect_dma semaphore(%arg11 : memref<!tpu.dma_semaphore, #tpu.memory_space<semaphore_mem>>) src(%dma_wait3A_1055 : memref<1000000x64xf32, #tpu.memory_space<hbm>>) dst(%dma_wait3A_1050 : memref<72x64xf32, #tpu.memory_space<vmem>>)
    %scan3A_1056 = arith.constant 0 : i32
    %scan3A_1057 = arith.constant 0 : i32
    %scan3A_1058 = arith.constant 200 : i32
    %scan3A_1059 = arith.addi %scan3A_1057, %scan3A_1058 : i32
    %scan3A_1060 = arith.constant 1 : i32
    scf.for %scan3A_1536 = %scan3A_1057 to %scan3A_1059 step %scan3A_1060  : i32 {
      %get3A = arith.index_cast %scan3A_1536 : i32 to index
      %get3A_1537 = arith.constant 0 : index
      %get3A_1538 = tpu.vector_load %arg7[%get3A, %get3A_1537] {strides = array<i32>} : memref<200x64xf32, #tpu.memory_space<vmem>>, vector<1x16xf32>,
      %get3A_1539 = vector.shape_cast %get3A_1538 : vector<1x16xf32> to vector<16xf32>
      %swap3A = arith.index_cast %scan3A_1536 : i32 to index
      %swap3A_1540 = arith.constant 0 : index
      %swap3A_1541 = tpu.vector_load %arg9[%swap3A, %swap3A_1540] {strides = array<i32>} : memref<200x64xf32, #tpu.memory_space<vmem>>, vector<1x16xf32>,
      %swap3A_1542 = vector.shape_cast %swap3A_1541 : vector<1x16xf32> to vector<16xf32>
      %swap3A_1543 = vector.shape_cast %get3A_1539 : vector<16xf32> to vector<1x16xf32>
      tpu.vector_store %arg9[%swap3A, %swap3A_1540], %swap3A_1543 {add = true, strides = array<i32>} : memref<200x64xf32, #tpu.memory_space<vmem>>, vector<1x16xf32>,
      %get3A_1544 = arith.index_cast %scan3A_1536 : i32 to index
      %get3A_1545 = arith.constant 16 : index
      %get3A_1546 = tpu.vector_load %arg7[%get3A_1544, %get3A_1545] {strides = array<i32>} : memref<200x64xf32, #tpu.memory_space<vmem>>, vector<1x16xf32>,
      %get3A_1547 = vector.shape_cast %get3A_1546 : vector<1x16xf32> to vector<16xf32>
      %swap3A_1548 = arith.index_cast %scan3A_1536 : i32 to index
      %swap3A_1549 = arith.constant 16 : index
      %swap3A_1550 = tpu.vector_load %arg9[%swap3A_1548, %swap3A_1549] {strides = array<i32>} : memref<200x64xf32, #tpu.memory_space<vmem>>, vector<1x16xf32>,
      %swap3A_1551 = vector.shape_cast %swap3A_1550 : vector<1x16xf32> to vector<16xf32>
      %swap3A_1552 = vector.shape_cast %get3A_1547 : vector<16xf32> to vector<1x16xf32>
      tpu.vector_store %arg9[%swap3A_1548, %swap3A_1549], %swap3A_1552 {add = true, strides = array<i32>} : memref<200x64xf32, #tpu.memory_space<vmem>>, vector<1x16xf32>,
      %get3A_1553 = arith.index_cast %scan3A_1536 : i32 to index
      %get3A_1554 = arith.constant 32 : index
      %get3A_1555 = tpu.vector_load %arg7[%get3A_1553, %get3A_1554] {strides = array<i32>} : memref<200x64xf32, #tpu.memory_space<vmem>>, vector<1x16xf32>,
      %get3A_1556 = vector.shape_cast %get3A_1555 : vector<1x16xf32> to vector<16xf32>
      %swap3A_1557 = arith.index_cast %scan3A_1536 : i32 to index
      %swap3A_1558 = arith.constant 32 : index
      %swap3A_1559 = tpu.vector_load %arg9[%swap3A_1557, %swap3A_1558] {strides = array<i32>} : memref<200x64xf32, #tpu.memory_space<vmem>>, vector<1x16xf32>,
      %swap3A_1560 = vector.shape_cast %swap3A_1559 : vector<1x16xf32> to vector<16xf32>
      %swap3A_1561 = vector.shape_cast %get3A_1556 : vector<16xf32> to vector<1x16xf32>
      tpu.vector_store %arg9[%swap3A_1557, %swap3A_1558], %swap3A_1561 {add = true, strides = array<i32>} : memref<200x64xf32, #tpu.memory_space<vmem>>, vector<1x16xf32>,
      %get3A_1562 = arith.index_cast %scan3A_1536 : i32 to index
      %get3A_1563 = arith.constant 48 : index
      %get3A_1564 = tpu.vector_load %arg7[%get3A_1562, %get3A_1563] {strides = array<i32>} : memref<200x64xf32, #tpu.memory_space<vmem>>, vector<1x16xf32>,
      %get3A_1565 = vector.shape_cast %get3A_1564 : vector<1x16xf32> to vector<16xf32>
      %swap3A_1566 = arith.index_cast %scan3A_1536 : i32 to index
      %swap3A_1567 = arith.constant 48 : index
      %swap3A_1568 = tpu.vector_load %arg9[%swap3A_1566, %swap3A_1567] {strides = array<i32>} : memref<200x64xf32, #tpu.memory_space<vmem>>, vector<1x16xf32>,
      %swap3A_1569 = vector.shape_cast %swap3A_1568 : vector<1x16xf32> to vector<16xf32>
      %swap3A_1570 = vector.shape_cast %get3A_1565 : vector<16xf32> to vector<1x16xf32>
      tpu.vector_store %arg9[%swap3A_1566, %swap3A_1567], %swap3A_1570 {add = true, strides = array<i32>} : memref<200x64xf32, #tpu.memory_space<vmem>>, vector<1x16xf32>,
    }
    %scan3A_1061 = arith.constant 200 : i32
    %add3A_1062 = arith.constant 4200 : i32
    %add3A_1063 = arith.addi %mul3A_2, %add3A_1062 : i32
    %dma_start3A_1064 = arith.constant 0 : i32
    %dma_start3A_1065 = tpu.memref_slice %arg5[%add3A_1063, %dma_start3A_1064] : memref<204800x64xf32, #tpu.memory_space<hbm>> -> memref<200x64xf32, #tpu.memory_space<hbm>>
    %dma_start3A_1066 = arith.constant 0 : i32
    %dma_start3A_1067 = tpu.memref_slice %arg5[%add3A_1063, %dma_start3A_1066] : memref<204800x64xf32, #tpu.memory_space<hbm>> -> memref<200x64xf32, #tpu.memory_space<hbm>>
    tpu.enqueue_dma source(%arg9 : memref<200x64xf32, #tpu.memory_space<vmem>>) target(%dma_start3A_1067 : memref<200x64xf32, #tpu.memory_space<hbm>>) target_semaphore(%arg13 : memref<!tpu.dma_semaphore, #tpu.memory_space<semaphore_mem>>)
    %dma_wait3A_1068 = arith.constant 0 : i32
    %dma_wait3A_1069 = tpu.memref_slice %arg5[%add3A_1063, %dma_wait3A_1068] : memref<204800x64xf32, #tpu.memory_space<hbm>> -> memref<200x64xf32, #tpu.memory_space<hbm>>
    %dma_wait3A_1070 = arith.constant 0 : i32
    %dma_wait3A_1071 = tpu.memref_slice %arg5[%add3A_1063, %dma_wait3A_1070] : memref<204800x64xf32, #tpu.memory_space<hbm>> -> memref<200x64xf32, #tpu.memory_space<hbm>>
    tpu.wait_dma2 semaphore(%arg13 : memref<!tpu.dma_semaphore, #tpu.memory_space<semaphore_mem>>) src(%arg9 : memref<200x64xf32, #tpu.memory_space<vmem>>) dst(%dma_wait3A_1071 : memref<200x64xf32, #tpu.memory_space<hbm>>)
    %dma_start3A_1072 = arith.constant 0 : i32
    %dma_start3A_1073 = arith.constant 0 : i32
    %dma_start3A_1074 = tpu.memref_slice %arg9[%dma_start3A_1072, %dma_start3A_1073] : memref<200x64xf32, #tpu.memory_space<vmem>> -> memref<128x64xf32, #tpu.memory_space<vmem>>
    %dma_start3A_1075 = arith.constant 4600 : i32
    %dma_start3A_1076 = tpu.memref_slice %arg6[%dma_start3A_1075] : memref<6400xi32, #tpu.memory_space<vmem>> -> memref<128xi32, #tpu.memory_space<vmem>>
    %dma_start3A_1077 = arith.constant 0 : i32
    %dma_start3A_1078 = arith.constant 0 : i32
    %dma_start3A_1079 = tpu.memref_slice %arg3[%dma_start3A_1077, %dma_start3A_1078] : memref<1000000x64xf32, #tpu.memory_space<hbm>> -> memref<1000000x64xf32, #tpu.memory_space<hbm>>
    tpu.enqueue_indirect_dma source(%dma_start3A_1079 : memref<1000000x64xf32, #tpu.memory_space<hbm>>) target(%dma_start3A_1074 : memref<128x64xf32, #tpu.memory_space<vmem>>) offsets(%dma_start3A_1076 : memref<128xi32, #tpu.memory_space<vmem>>) semaphore(%arg11 : memref<!tpu.dma_semaphore, #tpu.memory_space<semaphore_mem>>)
    %dma_start3A_1080 = arith.constant 128 : i32
    %dma_start3A_1081 = arith.constant 0 : i32
    %dma_start3A_1082 = tpu.memref_slice %arg9[%dma_start3A_1080, %dma_start3A_1081] : memref<200x64xf32, #tpu.memory_space<vmem>> -> memref<72x64xf32, #tpu.memory_space<vmem>>
    %dma_start3A_1083 = arith.constant 4728 : i32
    %dma_start3A_1084 = tpu.memref_slice %arg6[%dma_start3A_1083] : memref<6400xi32, #tpu.memory_space<vmem>> -> memref<72xi32, #tpu.memory_space<vmem>>
    %dma_start3A_1085 = arith.constant 0 : i32
    %dma_start3A_1086 = arith.constant 0 : i32
    %dma_start3A_1087 = tpu.memref_slice %arg3[%dma_start3A_1085, %dma_start3A_1086] : memref<1000000x64xf32, #tpu.memory_space<hbm>> -> memref<1000000x64xf32, #tpu.memory_space<hbm>>
    tpu.enqueue_indirect_dma source(%dma_start3A_1087 : memref<1000000x64xf32, #tpu.memory_space<hbm>>) target(%dma_start3A_1082 : memref<72x64xf32, #tpu.memory_space<vmem>>) offsets(%dma_start3A_1084 : memref<72xi32, #tpu.memory_space<vmem>>) semaphore(%arg11 : memref<!tpu.dma_semaphore, #tpu.memory_space<semaphore_mem>>)
    %dma_wait3A_1088 = arith.constant 0 : i32
    %dma_wait3A_1089 = arith.constant 0 : i32
    %dma_wait3A_1090 = tpu.memref_slice %arg8[%dma_wait3A_1088, %dma_wait3A_1089] : memref<200x64xf32, #tpu.memory_space<vmem>> -> memref<128x64xf32, #tpu.memory_space<vmem>>
    %dma_wait3A_1091 = arith.constant 4400 : i32
    %dma_wait3A_1092 = tpu.memref_slice %arg6[%dma_wait3A_1091] : memref<6400xi32, #tpu.memory_space<vmem>> -> memref<128xi32, #tpu.memory_space<vmem>>
    %dma_wait3A_1093 = arith.constant 0 : i32
    %dma_wait3A_1094 = arith.constant 0 : i32
    %dma_wait3A_1095 = tpu.memref_slice %arg3[%dma_wait3A_1093, %dma_wait3A_1094] : memref<1000000x64xf32, #tpu.memory_space<hbm>> -> memref<1000000x64xf32, #tpu.memory_space<hbm>>
    tpu.wait_indirect_dma semaphore(%arg10 : memref<!tpu.dma_semaphore, #tpu.memory_space<semaphore_mem>>) src(%dma_wait3A_1095 : memref<1000000x64xf32, #tpu.memory_space<hbm>>) dst(%dma_wait3A_1090 : memref<128x64xf32, #tpu.memory_space<vmem>>)
    %dma_wait3A_1096 = arith.constant 128 : i32
    %dma_wait3A_1097 = arith.constant 0 : i32
    %dma_wait3A_1098 = tpu.memref_slice %arg8[%dma_wait3A_1096, %dma_wait3A_1097] : memref<200x64xf32, #tpu.memory_space<vmem>> -> memref<72x64xf32, #tpu.memory_space<vmem>>
    %dma_wait3A_1099 = arith.constant 4528 : i32
    %dma_wait3A_1100 = tpu.memref_slice %arg6[%dma_wait3A_1099] : memref<6400xi32, #tpu.memory_space<vmem>> -> memref<72xi32, #tpu.memory_space<vmem>>
    %dma_wait3A_1101 = arith.constant 0 : i32
    %dma_wait3A_1102 = arith.constant 0 : i32
    %dma_wait3A_1103 = tpu.memref_slice %arg3[%dma_wait3A_1101, %dma_wait3A_1102] : memref<1000000x64xf32, #tpu.memory_space<hbm>> -> memref<1000000x64xf32, #tpu.memory_space<hbm>>
    tpu.wait_indirect_dma semaphore(%arg10 : memref<!tpu.dma_semaphore, #tpu.memory_space<semaphore_mem>>) src(%dma_wait3A_1103 : memref<1000000x64xf32, #tpu.memory_space<hbm>>) dst(%dma_wait3A_1098 : memref<72x64xf32, #tpu.memory_space<vmem>>)
    %scan3A_1104 = arith.constant 0 : i32
    %scan3A_1105 = arith.constant 0 : i32
    %scan3A_1106 = arith.constant 200 : i32
    %scan3A_1107 = arith.addi %scan3A_1105, %scan3A_1106 : i32
    %scan3A_1108 = arith.constant 1 : i32
    scf.for %scan3A_1536 = %scan3A_1105 to %scan3A_1107 step %scan3A_1108  : i32 {
      %get3A = arith.index_cast %scan3A_1536 : i32 to index
      %get3A_1537 = arith.constant 0 : index
      %get3A_1538 = tpu.vector_load %arg7[%get3A, %get3A_1537] {strides = array<i32>} : memref<200x64xf32, #tpu.memory_space<vmem>>, vector<1x16xf32>,
      %get3A_1539 = vector.shape_cast %get3A_1538 : vector<1x16xf32> to vector<16xf32>
      %swap3A = arith.index_cast %scan3A_1536 : i32 to index
      %swap3A_1540 = arith.constant 0 : index
      %swap3A_1541 = tpu.vector_load %arg8[%swap3A, %swap3A_1540] {strides = array<i32>} : memref<200x64xf32, #tpu.memory_space<vmem>>, vector<1x16xf32>,
      %swap3A_1542 = vector.shape_cast %swap3A_1541 : vector<1x16xf32> to vector<16xf32>
      %swap3A_1543 = vector.shape_cast %get3A_1539 : vector<16xf32> to vector<1x16xf32>
      tpu.vector_store %arg8[%swap3A, %swap3A_1540], %swap3A_1543 {add = true, strides = array<i32>} : memref<200x64xf32, #tpu.memory_space<vmem>>, vector<1x16xf32>,
      %get3A_1544 = arith.index_cast %scan3A_1536 : i32 to index
      %get3A_1545 = arith.constant 16 : index
      %get3A_1546 = tpu.vector_load %arg7[%get3A_1544, %get3A_1545] {strides = array<i32>} : memref<200x64xf32, #tpu.memory_space<vmem>>, vector<1x16xf32>,
      %get3A_1547 = vector.shape_cast %get3A_1546 : vector<1x16xf32> to vector<16xf32>
      %swap3A_1548 = arith.index_cast %scan3A_1536 : i32 to index
      %swap3A_1549 = arith.constant 16 : index
      %swap3A_1550 = tpu.vector_load %arg8[%swap3A_1548, %swap3A_1549] {strides = array<i32>} : memref<200x64xf32, #tpu.memory_space<vmem>>, vector<1x16xf32>,
      %swap3A_1551 = vector.shape_cast %swap3A_1550 : vector<1x16xf32> to vector<16xf32>
      %swap3A_1552 = vector.shape_cast %get3A_1547 : vector<16xf32> to vector<1x16xf32>
      tpu.vector_store %arg8[%swap3A_1548, %swap3A_1549], %swap3A_1552 {add = true, strides = array<i32>} : memref<200x64xf32, #tpu.memory_space<vmem>>, vector<1x16xf32>,
      %get3A_1553 = arith.index_cast %scan3A_1536 : i32 to index
      %get3A_1554 = arith.constant 32 : index
      %get3A_1555 = tpu.vector_load %arg7[%get3A_1553, %get3A_1554] {strides = array<i32>} : memref<200x64xf32, #tpu.memory_space<vmem>>, vector<1x16xf32>,
      %get3A_1556 = vector.shape_cast %get3A_1555 : vector<1x16xf32> to vector<16xf32>
      %swap3A_1557 = arith.index_cast %scan3A_1536 : i32 to index
      %swap3A_1558 = arith.constant 32 : index
      %swap3A_1559 = tpu.vector_load %arg8[%swap3A_1557, %swap3A_1558] {strides = array<i32>} : memref<200x64xf32, #tpu.memory_space<vmem>>, vector<1x16xf32>,
      %swap3A_1560 = vector.shape_cast %swap3A_1559 : vector<1x16xf32> to vector<16xf32>
      %swap3A_1561 = vector.shape_cast %get3A_1556 : vector<16xf32> to vector<1x16xf32>
      tpu.vector_store %arg8[%swap3A_1557, %swap3A_1558], %swap3A_1561 {add = true, strides = array<i32>} : memref<200x64xf32, #tpu.memory_space<vmem>>, vector<1x16xf32>,
      %get3A_1562 = arith.index_cast %scan3A_1536 : i32 to index
      %get3A_1563 = arith.constant 48 : index
      %get3A_1564 = tpu.vector_load %arg7[%get3A_1562, %get3A_1563] {strides = array<i32>} : memref<200x64xf32, #tpu.memory_space<vmem>>, vector<1x16xf32>,
      %get3A_1565 = vector.shape_cast %get3A_1564 : vector<1x16xf32> to vector<16xf32>
      %swap3A_1566 = arith.index_cast %scan3A_1536 : i32 to index
      %swap3A_1567 = arith.constant 48 : index
      %swap3A_1568 = tpu.vector_load %arg8[%swap3A_1566, %swap3A_1567] {strides = array<i32>} : memref<200x64xf32, #tpu.memory_space<vmem>>, vector<1x16xf32>,
      %swap3A_1569 = vector.shape_cast %swap3A_1568 : vector<1x16xf32> to vector<16xf32>
      %swap3A_1570 = vector.shape_cast %get3A_1565 : vector<16xf32> to vector<1x16xf32>
      tpu.vector_store %arg8[%swap3A_1566, %swap3A_1567], %swap3A_1570 {add = true, strides = array<i32>} : memref<200x64xf32, #tpu.memory_space<vmem>>, vector<1x16xf32>,
    }
    %scan3A_1109 = arith.constant 200 : i32
    %add3A_1110 = arith.constant 4400 : i32
    %add3A_1111 = arith.addi %mul3A_2, %add3A_1110 : i32
    %dma_start3A_1112 = arith.constant 0 : i32
    %dma_start3A_1113 = tpu.memref_slice %arg5[%add3A_1111, %dma_start3A_1112] : memref<204800x64xf32, #tpu.memory_space<hbm>> -> memref<200x64xf32, #tpu.memory_space<hbm>>
    %dma_start3A_1114 = arith.constant 0 : i32
    %dma_start3A_1115 = tpu.memref_slice %arg5[%add3A_1111, %dma_start3A_1114] : memref<204800x64xf32, #tpu.memory_space<hbm>> -> memref<200x64xf32, #tpu.memory_space<hbm>>
    tpu.enqueue_dma source(%arg8 : memref<200x64xf32, #tpu.memory_space<vmem>>) target(%dma_start3A_1115 : memref<200x64xf32, #tpu.memory_space<hbm>>) target_semaphore(%arg12 : memref<!tpu.dma_semaphore, #tpu.memory_space<semaphore_mem>>)
    %dma_wait3A_1116 = arith.constant 0 : i32
    %dma_wait3A_1117 = tpu.memref_slice %arg5[%add3A_1111, %dma_wait3A_1116] : memref<204800x64xf32, #tpu.memory_space<hbm>> -> memref<200x64xf32, #tpu.memory_space<hbm>>
    %dma_wait3A_1118 = arith.constant 0 : i32
    %dma_wait3A_1119 = tpu.memref_slice %arg5[%add3A_1111, %dma_wait3A_1118] : memref<204800x64xf32, #tpu.memory_space<hbm>> -> memref<200x64xf32, #tpu.memory_space<hbm>>
    tpu.wait_dma2 semaphore(%arg12 : memref<!tpu.dma_semaphore, #tpu.memory_space<semaphore_mem>>) src(%arg8 : memref<200x64xf32, #tpu.memory_space<vmem>>) dst(%dma_wait3A_1119 : memref<200x64xf32, #tpu.memory_space<hbm>>)
    %dma_start3A_1120 = arith.constant 0 : i32
    %dma_start3A_1121 = arith.constant 0 : i32
    %dma_start3A_1122 = tpu.memref_slice %arg8[%dma_start3A_1120, %dma_start3A_1121] : memref<200x64xf32, #tpu.memory_space<vmem>> -> memref<128x64xf32, #tpu.memory_space<vmem>>
    %dma_start3A_1123 = arith.constant 4800 : i32
    %dma_start3A_1124 = tpu.memref_slice %arg6[%dma_start3A_1123] : memref<6400xi32, #tpu.memory_space<vmem>> -> memref<128xi32, #tpu.memory_space<vmem>>
    %dma_start3A_1125 = arith.constant 0 : i32
    %dma_start3A_1126 = arith.constant 0 : i32
    %dma_start3A_1127 = tpu.memref_slice %arg3[%dma_start3A_1125, %dma_start3A_1126] : memref<1000000x64xf32, #tpu.memory_space<hbm>> -> memref<1000000x64xf32, #tpu.memory_space<hbm>>
    tpu.enqueue_indirect_dma source(%dma_start3A_1127 : memref<1000000x64xf32, #tpu.memory_space<hbm>>) target(%dma_start3A_1122 : memref<128x64xf32, #tpu.memory_space<vmem>>) offsets(%dma_start3A_1124 : memref<128xi32, #tpu.memory_space<vmem>>) semaphore(%arg10 : memref<!tpu.dma_semaphore, #tpu.memory_space<semaphore_mem>>)
    %dma_start3A_1128 = arith.constant 128 : i32
    %dma_start3A_1129 = arith.constant 0 : i32
    %dma_start3A_1130 = tpu.memref_slice %arg8[%dma_start3A_1128, %dma_start3A_1129] : memref<200x64xf32, #tpu.memory_space<vmem>> -> memref<72x64xf32, #tpu.memory_space<vmem>>
    %dma_start3A_1131 = arith.constant 4928 : i32
    %dma_start3A_1132 = tpu.memref_slice %arg6[%dma_start3A_1131] : memref<6400xi32, #tpu.memory_space<vmem>> -> memref<72xi32, #tpu.memory_space<vmem>>
    %dma_start3A_1133 = arith.constant 0 : i32
    %dma_start3A_1134 = arith.constant 0 : i32
    %dma_start3A_1135 = tpu.memref_slice %arg3[%dma_start3A_1133, %dma_start3A_1134] : memref<1000000x64xf32, #tpu.memory_space<hbm>> -> memref<1000000x64xf32, #tpu.memory_space<hbm>>
    tpu.enqueue_indirect_dma source(%dma_start3A_1135 : memref<1000000x64xf32, #tpu.memory_space<hbm>>) target(%dma_start3A_1130 : memref<72x64xf32, #tpu.memory_space<vmem>>) offsets(%dma_start3A_1132 : memref<72xi32, #tpu.memory_space<vmem>>) semaphore(%arg10 : memref<!tpu.dma_semaphore, #tpu.memory_space<semaphore_mem>>)
    %dma_wait3A_1136 = arith.constant 0 : i32
    %dma_wait3A_1137 = arith.constant 0 : i32
    %dma_wait3A_1138 = tpu.memref_slice %arg9[%dma_wait3A_1136, %dma_wait3A_1137] : memref<200x64xf32, #tpu.memory_space<vmem>> -> memref<128x64xf32, #tpu.memory_space<vmem>>
    %dma_wait3A_1139 = arith.constant 4600 : i32
    %dma_wait3A_1140 = tpu.memref_slice %arg6[%dma_wait3A_1139] : memref<6400xi32, #tpu.memory_space<vmem>> -> memref<128xi32, #tpu.memory_space<vmem>>
    %dma_wait3A_1141 = arith.constant 0 : i32
    %dma_wait3A_1142 = arith.constant 0 : i32
    %dma_wait3A_1143 = tpu.memref_slice %arg3[%dma_wait3A_1141, %dma_wait3A_1142] : memref<1000000x64xf32, #tpu.memory_space<hbm>> -> memref<1000000x64xf32, #tpu.memory_space<hbm>>
    tpu.wait_indirect_dma semaphore(%arg11 : memref<!tpu.dma_semaphore, #tpu.memory_space<semaphore_mem>>) src(%dma_wait3A_1143 : memref<1000000x64xf32, #tpu.memory_space<hbm>>) dst(%dma_wait3A_1138 : memref<128x64xf32, #tpu.memory_space<vmem>>)
    %dma_wait3A_1144 = arith.constant 128 : i32
    %dma_wait3A_1145 = arith.constant 0 : i32
    %dma_wait3A_1146 = tpu.memref_slice %arg9[%dma_wait3A_1144, %dma_wait3A_1145] : memref<200x64xf32, #tpu.memory_space<vmem>> -> memref<72x64xf32, #tpu.memory_space<vmem>>
    %dma_wait3A_1147 = arith.constant 4728 : i32
    %dma_wait3A_1148 = tpu.memref_slice %arg6[%dma_wait3A_1147] : memref<6400xi32, #tpu.memory_space<vmem>> -> memref<72xi32, #tpu.memory_space<vmem>>
    %dma_wait3A_1149 = arith.constant 0 : i32
    %dma_wait3A_1150 = arith.constant 0 : i32
    %dma_wait3A_1151 = tpu.memref_slice %arg3[%dma_wait3A_1149, %dma_wait3A_1150] : memref<1000000x64xf32, #tpu.memory_space<hbm>> -> memref<1000000x64xf32, #tpu.memory_space<hbm>>
    tpu.wait_indirect_dma semaphore(%arg11 : memref<!tpu.dma_semaphore, #tpu.memory_space<semaphore_mem>>) src(%dma_wait3A_1151 : memref<1000000x64xf32, #tpu.memory_space<hbm>>) dst(%dma_wait3A_1146 : memref<72x64xf32, #tpu.memory_space<vmem>>)
    %scan3A_1152 = arith.constant 0 : i32
    %scan3A_1153 = arith.constant 0 : i32
    %scan3A_1154 = arith.constant 200 : i32
    %scan3A_1155 = arith.addi %scan3A_1153, %scan3A_1154 : i32
    %scan3A_1156 = arith.constant 1 : i32
    scf.for %scan3A_1536 = %scan3A_1153 to %scan3A_1155 step %scan3A_1156  : i32 {
      %get3A = arith.index_cast %scan3A_1536 : i32 to index
      %get3A_1537 = arith.constant 0 : index
      %get3A_1538 = tpu.vector_load %arg7[%get3A, %get3A_1537] {strides = array<i32>} : memref<200x64xf32, #tpu.memory_space<vmem>>, vector<1x16xf32>,
      %get3A_1539 = vector.shape_cast %get3A_1538 : vector<1x16xf32> to vector<16xf32>
      %swap3A = arith.index_cast %scan3A_1536 : i32 to index
      %swap3A_1540 = arith.constant 0 : index
      %swap3A_1541 = tpu.vector_load %arg9[%swap3A, %swap3A_1540] {strides = array<i32>} : memref<200x64xf32, #tpu.memory_space<vmem>>, vector<1x16xf32>,
      %swap3A_1542 = vector.shape_cast %swap3A_1541 : vector<1x16xf32> to vector<16xf32>
      %swap3A_1543 = vector.shape_cast %get3A_1539 : vector<16xf32> to vector<1x16xf32>
      tpu.vector_store %arg9[%swap3A, %swap3A_1540], %swap3A_1543 {add = true, strides = array<i32>} : memref<200x64xf32, #tpu.memory_space<vmem>>, vector<1x16xf32>,
      %get3A_1544 = arith.index_cast %scan3A_1536 : i32 to index
      %get3A_1545 = arith.constant 16 : index
      %get3A_1546 = tpu.vector_load %arg7[%get3A_1544, %get3A_1545] {strides = array<i32>} : memref<200x64xf32, #tpu.memory_space<vmem>>, vector<1x16xf32>,
      %get3A_1547 = vector.shape_cast %get3A_1546 : vector<1x16xf32> to vector<16xf32>
      %swap3A_1548 = arith.index_cast %scan3A_1536 : i32 to index
      %swap3A_1549 = arith.constant 16 : index
      %swap3A_1550 = tpu.vector_load %arg9[%swap3A_1548, %swap3A_1549] {strides = array<i32>} : memref<200x64xf32, #tpu.memory_space<vmem>>, vector<1x16xf32>,
      %swap3A_1551 = vector.shape_cast %swap3A_1550 : vector<1x16xf32> to vector<16xf32>
      %swap3A_1552 = vector.shape_cast %get3A_1547 : vector<16xf32> to vector<1x16xf32>
      tpu.vector_store %arg9[%swap3A_1548, %swap3A_1549], %swap3A_1552 {add = true, strides = array<i32>} : memref<200x64xf32, #tpu.memory_space<vmem>>, vector<1x16xf32>,
      %get3A_1553 = arith.index_cast %scan3A_1536 : i32 to index
      %get3A_1554 = arith.constant 32 : index
      %get3A_1555 = tpu.vector_load %arg7[%get3A_1553, %get3A_1554] {strides = array<i32>} : memref<200x64xf32, #tpu.memory_space<vmem>>, vector<1x16xf32>,
      %get3A_1556 = vector.shape_cast %get3A_1555 : vector<1x16xf32> to vector<16xf32>
      %swap3A_1557 = arith.index_cast %scan3A_1536 : i32 to index
      %swap3A_1558 = arith.constant 32 : index
      %swap3A_1559 = tpu.vector_load %arg9[%swap3A_1557, %swap3A_1558] {strides = array<i32>} : memref<200x64xf32, #tpu.memory_space<vmem>>, vector<1x16xf32>,
      %swap3A_1560 = vector.shape_cast %swap3A_1559 : vector<1x16xf32> to vector<16xf32>
      %swap3A_1561 = vector.shape_cast %get3A_1556 : vector<16xf32> to vector<1x16xf32>
      tpu.vector_store %arg9[%swap3A_1557, %swap3A_1558], %swap3A_1561 {add = true, strides = array<i32>} : memref<200x64xf32, #tpu.memory_space<vmem>>, vector<1x16xf32>,
      %get3A_1562 = arith.index_cast %scan3A_1536 : i32 to index
      %get3A_1563 = arith.constant 48 : index
      %get3A_1564 = tpu.vector_load %arg7[%get3A_1562, %get3A_1563] {strides = array<i32>} : memref<200x64xf32, #tpu.memory_space<vmem>>, vector<1x16xf32>,
      %get3A_1565 = vector.shape_cast %get3A_1564 : vector<1x16xf32> to vector<16xf32>
      %swap3A_1566 = arith.index_cast %scan3A_1536 : i32 to index
      %swap3A_1567 = arith.constant 48 : index
      %swap3A_1568 = tpu.vector_load %arg9[%swap3A_1566, %swap3A_1567] {strides = array<i32>} : memref<200x64xf32, #tpu.memory_space<vmem>>, vector<1x16xf32>,
      %swap3A_1569 = vector.shape_cast %swap3A_1568 : vector<1x16xf32> to vector<16xf32>
      %swap3A_1570 = vector.shape_cast %get3A_1565 : vector<16xf32> to vector<1x16xf32>
      tpu.vector_store %arg9[%swap3A_1566, %swap3A_1567], %swap3A_1570 {add = true, strides = array<i32>} : memref<200x64xf32, #tpu.memory_space<vmem>>, vector<1x16xf32>,
    }
    %scan3A_1157 = arith.constant 200 : i32
    %add3A_1158 = arith.constant 4600 : i32
    %add3A_1159 = arith.addi %mul3A_2, %add3A_1158 : i32
    %dma_start3A_1160 = arith.constant 0 : i32
    %dma_start3A_1161 = tpu.memref_slice %arg5[%add3A_1159, %dma_start3A_1160] : memref<204800x64xf32, #tpu.memory_space<hbm>> -> memref<200x64xf32, #tpu.memory_space<hbm>>
    %dma_start3A_1162 = arith.constant 0 : i32
    %dma_start3A_1163 = tpu.memref_slice %arg5[%add3A_1159, %dma_start3A_1162] : memref<204800x64xf32, #tpu.memory_space<hbm>> -> memref<200x64xf32, #tpu.memory_space<hbm>>
    tpu.enqueue_dma source(%arg9 : memref<200x64xf32, #tpu.memory_space<vmem>>) target(%dma_start3A_1163 : memref<200x64xf32, #tpu.memory_space<hbm>>) target_semaphore(%arg13 : memref<!tpu.dma_semaphore, #tpu.memory_space<semaphore_mem>>)
    %dma_wait3A_1164 = arith.constant 0 : i32
    %dma_wait3A_1165 = tpu.memref_slice %arg5[%add3A_1159, %dma_wait3A_1164] : memref<204800x64xf32, #tpu.memory_space<hbm>> -> memref<200x64xf32, #tpu.memory_space<hbm>>
    %dma_wait3A_1166 = arith.constant 0 : i32
    %dma_wait3A_1167 = tpu.memref_slice %arg5[%add3A_1159, %dma_wait3A_1166] : memref<204800x64xf32, #tpu.memory_space<hbm>> -> memref<200x64xf32, #tpu.memory_space<hbm>>
    tpu.wait_dma2 semaphore(%arg13 : memref<!tpu.dma_semaphore, #tpu.memory_space<semaphore_mem>>) src(%arg9 : memref<200x64xf32, #tpu.memory_space<vmem>>) dst(%dma_wait3A_1167 : memref<200x64xf32, #tpu.memory_space<hbm>>)
    %dma_start3A_1168 = arith.constant 0 : i32
    %dma_start3A_1169 = arith.constant 0 : i32
    %dma_start3A_1170 = tpu.memref_slice %arg9[%dma_start3A_1168, %dma_start3A_1169] : memref<200x64xf32, #tpu.memory_space<vmem>> -> memref<128x64xf32, #tpu.memory_space<vmem>>
    %dma_start3A_1171 = arith.constant 5000 : i32
    %dma_start3A_1172 = tpu.memref_slice %arg6[%dma_start3A_1171] : memref<6400xi32, #tpu.memory_space<vmem>> -> memref<128xi32, #tpu.memory_space<vmem>>
    %dma_start3A_1173 = arith.constant 0 : i32
    %dma_start3A_1174 = arith.constant 0 : i32
    %dma_start3A_1175 = tpu.memref_slice %arg3[%dma_start3A_1173, %dma_start3A_1174] : memref<1000000x64xf32, #tpu.memory_space<hbm>> -> memref<1000000x64xf32, #tpu.memory_space<hbm>>
    tpu.enqueue_indirect_dma source(%dma_start3A_1175 : memref<1000000x64xf32, #tpu.memory_space<hbm>>) target(%dma_start3A_1170 : memref<128x64xf32, #tpu.memory_space<vmem>>) offsets(%dma_start3A_1172 : memref<128xi32, #tpu.memory_space<vmem>>) semaphore(%arg11 : memref<!tpu.dma_semaphore, #tpu.memory_space<semaphore_mem>>)
    %dma_start3A_1176 = arith.constant 128 : i32
    %dma_start3A_1177 = arith.constant 0 : i32
    %dma_start3A_1178 = tpu.memref_slice %arg9[%dma_start3A_1176, %dma_start3A_1177] : memref<200x64xf32, #tpu.memory_space<vmem>> -> memref<72x64xf32, #tpu.memory_space<vmem>>
    %dma_start3A_1179 = arith.constant 5128 : i32
    %dma_start3A_1180 = tpu.memref_slice %arg6[%dma_start3A_1179] : memref<6400xi32, #tpu.memory_space<vmem>> -> memref<72xi32, #tpu.memory_space<vmem>>
    %dma_start3A_1181 = arith.constant 0 : i32
    %dma_start3A_1182 = arith.constant 0 : i32
    %dma_start3A_1183 = tpu.memref_slice %arg3[%dma_start3A_1181, %dma_start3A_1182] : memref<1000000x64xf32, #tpu.memory_space<hbm>> -> memref<1000000x64xf32, #tpu.memory_space<hbm>>
    tpu.enqueue_indirect_dma source(%dma_start3A_1183 : memref<1000000x64xf32, #tpu.memory_space<hbm>>) target(%dma_start3A_1178 : memref<72x64xf32, #tpu.memory_space<vmem>>) offsets(%dma_start3A_1180 : memref<72xi32, #tpu.memory_space<vmem>>) semaphore(%arg11 : memref<!tpu.dma_semaphore, #tpu.memory_space<semaphore_mem>>)
    %dma_wait3A_1184 = arith.constant 0 : i32
    %dma_wait3A_1185 = arith.constant 0 : i32
    %dma_wait3A_1186 = tpu.memref_slice %arg8[%dma_wait3A_1184, %dma_wait3A_1185] : memref<200x64xf32, #tpu.memory_space<vmem>> -> memref<128x64xf32, #tpu.memory_space<vmem>>
    %dma_wait3A_1187 = arith.constant 4800 : i32
    %dma_wait3A_1188 = tpu.memref_slice %arg6[%dma_wait3A_1187] : memref<6400xi32, #tpu.memory_space<vmem>> -> memref<128xi32, #tpu.memory_space<vmem>>
    %dma_wait3A_1189 = arith.constant 0 : i32
    %dma_wait3A_1190 = arith.constant 0 : i32
    %dma_wait3A_1191 = tpu.memref_slice %arg3[%dma_wait3A_1189, %dma_wait3A_1190] : memref<1000000x64xf32, #tpu.memory_space<hbm>> -> memref<1000000x64xf32, #tpu.memory_space<hbm>>
    tpu.wait_indirect_dma semaphore(%arg10 : memref<!tpu.dma_semaphore, #tpu.memory_space<semaphore_mem>>) src(%dma_wait3A_1191 : memref<1000000x64xf32, #tpu.memory_space<hbm>>) dst(%dma_wait3A_1186 : memref<128x64xf32, #tpu.memory_space<vmem>>)
    %dma_wait3A_1192 = arith.constant 128 : i32
    %dma_wait3A_1193 = arith.constant 0 : i32
    %dma_wait3A_1194 = tpu.memref_slice %arg8[%dma_wait3A_1192, %dma_wait3A_1193] : memref<200x64xf32, #tpu.memory_space<vmem>> -> memref<72x64xf32, #tpu.memory_space<vmem>>
    %dma_wait3A_1195 = arith.constant 4928 : i32
    %dma_wait3A_1196 = tpu.memref_slice %arg6[%dma_wait3A_1195] : memref<6400xi32, #tpu.memory_space<vmem>> -> memref<72xi32, #tpu.memory_space<vmem>>
    %dma_wait3A_1197 = arith.constant 0 : i32
    %dma_wait3A_1198 = arith.constant 0 : i32
    %dma_wait3A_1199 = tpu.memref_slice %arg3[%dma_wait3A_1197, %dma_wait3A_1198] : memref<1000000x64xf32, #tpu.memory_space<hbm>> -> memref<1000000x64xf32, #tpu.memory_space<hbm>>
    tpu.wait_indirect_dma semaphore(%arg10 : memref<!tpu.dma_semaphore, #tpu.memory_space<semaphore_mem>>) src(%dma_wait3A_1199 : memref<1000000x64xf32, #tpu.memory_space<hbm>>) dst(%dma_wait3A_1194 : memref<72x64xf32, #tpu.memory_space<vmem>>)
    %scan3A_1200 = arith.constant 0 : i32
    %scan3A_1201 = arith.constant 0 : i32
    %scan3A_1202 = arith.constant 200 : i32
    %scan3A_1203 = arith.addi %scan3A_1201, %scan3A_1202 : i32
    %scan3A_1204 = arith.constant 1 : i32
    scf.for %scan3A_1536 = %scan3A_1201 to %scan3A_1203 step %scan3A_1204  : i32 {
      %get3A = arith.index_cast %scan3A_1536 : i32 to index
      %get3A_1537 = arith.constant 0 : index
      %get3A_1538 = tpu.vector_load %arg7[%get3A, %get3A_1537] {strides = array<i32>} : memref<200x64xf32, #tpu.memory_space<vmem>>, vector<1x16xf32>,
      %get3A_1539 = vector.shape_cast %get3A_1538 : vector<1x16xf32> to vector<16xf32>
      %swap3A = arith.index_cast %scan3A_1536 : i32 to index
      %swap3A_1540 = arith.constant 0 : index
      %swap3A_1541 = tpu.vector_load %arg8[%swap3A, %swap3A_1540] {strides = array<i32>} : memref<200x64xf32, #tpu.memory_space<vmem>>, vector<1x16xf32>,
      %swap3A_1542 = vector.shape_cast %swap3A_1541 : vector<1x16xf32> to vector<16xf32>
      %swap3A_1543 = vector.shape_cast %get3A_1539 : vector<16xf32> to vector<1x16xf32>
      tpu.vector_store %arg8[%swap3A, %swap3A_1540], %swap3A_1543 {add = true, strides = array<i32>} : memref<200x64xf32, #tpu.memory_space<vmem>>, vector<1x16xf32>,
      %get3A_1544 = arith.index_cast %scan3A_1536 : i32 to index
      %get3A_1545 = arith.constant 16 : index
      %get3A_1546 = tpu.vector_load %arg7[%get3A_1544, %get3A_1545] {strides = array<i32>} : memref<200x64xf32, #tpu.memory_space<vmem>>, vector<1x16xf32>,
      %get3A_1547 = vector.shape_cast %get3A_1546 : vector<1x16xf32> to vector<16xf32>
      %swap3A_1548 = arith.index_cast %scan3A_1536 : i32 to index
      %swap3A_1549 = arith.constant 16 : index
      %swap3A_1550 = tpu.vector_load %arg8[%swap3A_1548, %swap3A_1549] {strides = array<i32>} : memref<200x64xf32, #tpu.memory_space<vmem>>, vector<1x16xf32>,
      %swap3A_1551 = vector.shape_cast %swap3A_1550 : vector<1x16xf32> to vector<16xf32>
      %swap3A_1552 = vector.shape_cast %get3A_1547 : vector<16xf32> to vector<1x16xf32>
      tpu.vector_store %arg8[%swap3A_1548, %swap3A_1549], %swap3A_1552 {add = true, strides = array<i32>} : memref<200x64xf32, #tpu.memory_space<vmem>>, vector<1x16xf32>,
      %get3A_1553 = arith.index_cast %scan3A_1536 : i32 to index
      %get3A_1554 = arith.constant 32 : index
      %get3A_1555 = tpu.vector_load %arg7[%get3A_1553, %get3A_1554] {strides = array<i32>} : memref<200x64xf32, #tpu.memory_space<vmem>>, vector<1x16xf32>,
      %get3A_1556 = vector.shape_cast %get3A_1555 : vector<1x16xf32> to vector<16xf32>
      %swap3A_1557 = arith.index_cast %scan3A_1536 : i32 to index
      %swap3A_1558 = arith.constant 32 : index
      %swap3A_1559 = tpu.vector_load %arg8[%swap3A_1557, %swap3A_1558] {strides = array<i32>} : memref<200x64xf32, #tpu.memory_space<vmem>>, vector<1x16xf32>,
      %swap3A_1560 = vector.shape_cast %swap3A_1559 : vector<1x16xf32> to vector<16xf32>
      %swap3A_1561 = vector.shape_cast %get3A_1556 : vector<16xf32> to vector<1x16xf32>
      tpu.vector_store %arg8[%swap3A_1557, %swap3A_1558], %swap3A_1561 {add = true, strides = array<i32>} : memref<200x64xf32, #tpu.memory_space<vmem>>, vector<1x16xf32>,
      %get3A_1562 = arith.index_cast %scan3A_1536 : i32 to index
      %get3A_1563 = arith.constant 48 : index
      %get3A_1564 = tpu.vector_load %arg7[%get3A_1562, %get3A_1563] {strides = array<i32>} : memref<200x64xf32, #tpu.memory_space<vmem>>, vector<1x16xf32>,
      %get3A_1565 = vector.shape_cast %get3A_1564 : vector<1x16xf32> to vector<16xf32>
      %swap3A_1566 = arith.index_cast %scan3A_1536 : i32 to index
      %swap3A_1567 = arith.constant 48 : index
      %swap3A_1568 = tpu.vector_load %arg8[%swap3A_1566, %swap3A_1567] {strides = array<i32>} : memref<200x64xf32, #tpu.memory_space<vmem>>, vector<1x16xf32>,
      %swap3A_1569 = vector.shape_cast %swap3A_1568 : vector<1x16xf32> to vector<16xf32>
      %swap3A_1570 = vector.shape_cast %get3A_1565 : vector<16xf32> to vector<1x16xf32>
      tpu.vector_store %arg8[%swap3A_1566, %swap3A_1567], %swap3A_1570 {add = true, strides = array<i32>} : memref<200x64xf32, #tpu.memory_space<vmem>>, vector<1x16xf32>,
    }
    %scan3A_1205 = arith.constant 200 : i32
    %add3A_1206 = arith.constant 4800 : i32
    %add3A_1207 = arith.addi %mul3A_2, %add3A_1206 : i32
    %dma_start3A_1208 = arith.constant 0 : i32
    %dma_start3A_1209 = tpu.memref_slice %arg5[%add3A_1207, %dma_start3A_1208] : memref<204800x64xf32, #tpu.memory_space<hbm>> -> memref<200x64xf32, #tpu.memory_space<hbm>>
    %dma_start3A_1210 = arith.constant 0 : i32
    %dma_start3A_1211 = tpu.memref_slice %arg5[%add3A_1207, %dma_start3A_1210] : memref<204800x64xf32, #tpu.memory_space<hbm>> -> memref<200x64xf32, #tpu.memory_space<hbm>>
    tpu.enqueue_dma source(%arg8 : memref<200x64xf32, #tpu.memory_space<vmem>>) target(%dma_start3A_1211 : memref<200x64xf32, #tpu.memory_space<hbm>>) target_semaphore(%arg12 : memref<!tpu.dma_semaphore, #tpu.memory_space<semaphore_mem>>)
    %dma_wait3A_1212 = arith.constant 0 : i32
    %dma_wait3A_1213 = tpu.memref_slice %arg5[%add3A_1207, %dma_wait3A_1212] : memref<204800x64xf32, #tpu.memory_space<hbm>> -> memref<200x64xf32, #tpu.memory_space<hbm>>
    %dma_wait3A_1214 = arith.constant 0 : i32
    %dma_wait3A_1215 = tpu.memref_slice %arg5[%add3A_1207, %dma_wait3A_1214] : memref<204800x64xf32, #tpu.memory_space<hbm>> -> memref<200x64xf32, #tpu.memory_space<hbm>>
    tpu.wait_dma2 semaphore(%arg12 : memref<!tpu.dma_semaphore, #tpu.memory_space<semaphore_mem>>) src(%arg8 : memref<200x64xf32, #tpu.memory_space<vmem>>) dst(%dma_wait3A_1215 : memref<200x64xf32, #tpu.memory_space<hbm>>)
    %dma_start3A_1216 = arith.constant 0 : i32
    %dma_start3A_1217 = arith.constant 0 : i32
    %dma_start3A_1218 = tpu.memref_slice %arg8[%dma_start3A_1216, %dma_start3A_1217] : memref<200x64xf32, #tpu.memory_space<vmem>> -> memref<128x64xf32, #tpu.memory_space<vmem>>
    %dma_start3A_1219 = arith.constant 5200 : i32
    %dma_start3A_1220 = tpu.memref_slice %arg6[%dma_start3A_1219] : memref<6400xi32, #tpu.memory_space<vmem>> -> memref<128xi32, #tpu.memory_space<vmem>>
    %dma_start3A_1221 = arith.constant 0 : i32
    %dma_start3A_1222 = arith.constant 0 : i32
    %dma_start3A_1223 = tpu.memref_slice %arg3[%dma_start3A_1221, %dma_start3A_1222] : memref<1000000x64xf32, #tpu.memory_space<hbm>> -> memref<1000000x64xf32, #tpu.memory_space<hbm>>
    tpu.enqueue_indirect_dma source(%dma_start3A_1223 : memref<1000000x64xf32, #tpu.memory_space<hbm>>) target(%dma_start3A_1218 : memref<128x64xf32, #tpu.memory_space<vmem>>) offsets(%dma_start3A_1220 : memref<128xi32, #tpu.memory_space<vmem>>) semaphore(%arg10 : memref<!tpu.dma_semaphore, #tpu.memory_space<semaphore_mem>>)
    %dma_start3A_1224 = arith.constant 128 : i32
    %dma_start3A_1225 = arith.constant 0 : i32
    %dma_start3A_1226 = tpu.memref_slice %arg8[%dma_start3A_1224, %dma_start3A_1225] : memref<200x64xf32, #tpu.memory_space<vmem>> -> memref<72x64xf32, #tpu.memory_space<vmem>>
    %dma_start3A_1227 = arith.constant 5328 : i32
    %dma_start3A_1228 = tpu.memref_slice %arg6[%dma_start3A_1227] : memref<6400xi32, #tpu.memory_space<vmem>> -> memref<72xi32, #tpu.memory_space<vmem>>
    %dma_start3A_1229 = arith.constant 0 : i32
    %dma_start3A_1230 = arith.constant 0 : i32
    %dma_start3A_1231 = tpu.memref_slice %arg3[%dma_start3A_1229, %dma_start3A_1230] : memref<1000000x64xf32, #tpu.memory_space<hbm>> -> memref<1000000x64xf32, #tpu.memory_space<hbm>>
    tpu.enqueue_indirect_dma source(%dma_start3A_1231 : memref<1000000x64xf32, #tpu.memory_space<hbm>>) target(%dma_start3A_1226 : memref<72x64xf32, #tpu.memory_space<vmem>>) offsets(%dma_start3A_1228 : memref<72xi32, #tpu.memory_space<vmem>>) semaphore(%arg10 : memref<!tpu.dma_semaphore, #tpu.memory_space<semaphore_mem>>)
    %dma_wait3A_1232 = arith.constant 0 : i32
    %dma_wait3A_1233 = arith.constant 0 : i32
    %dma_wait3A_1234 = tpu.memref_slice %arg9[%dma_wait3A_1232, %dma_wait3A_1233] : memref<200x64xf32, #tpu.memory_space<vmem>> -> memref<128x64xf32, #tpu.memory_space<vmem>>
    %dma_wait3A_1235 = arith.constant 5000 : i32
    %dma_wait3A_1236 = tpu.memref_slice %arg6[%dma_wait3A_1235] : memref<6400xi32, #tpu.memory_space<vmem>> -> memref<128xi32, #tpu.memory_space<vmem>>
    %dma_wait3A_1237 = arith.constant 0 : i32
    %dma_wait3A_1238 = arith.constant 0 : i32
    %dma_wait3A_1239 = tpu.memref_slice %arg3[%dma_wait3A_1237, %dma_wait3A_1238] : memref<1000000x64xf32, #tpu.memory_space<hbm>> -> memref<1000000x64xf32, #tpu.memory_space<hbm>>
    tpu.wait_indirect_dma semaphore(%arg11 : memref<!tpu.dma_semaphore, #tpu.memory_space<semaphore_mem>>) src(%dma_wait3A_1239 : memref<1000000x64xf32, #tpu.memory_space<hbm>>) dst(%dma_wait3A_1234 : memref<128x64xf32, #tpu.memory_space<vmem>>)
    %dma_wait3A_1240 = arith.constant 128 : i32
    %dma_wait3A_1241 = arith.constant 0 : i32
    %dma_wait3A_1242 = tpu.memref_slice %arg9[%dma_wait3A_1240, %dma_wait3A_1241] : memref<200x64xf32, #tpu.memory_space<vmem>> -> memref<72x64xf32, #tpu.memory_space<vmem>>
    %dma_wait3A_1243 = arith.constant 5128 : i32
    %dma_wait3A_1244 = tpu.memref_slice %arg6[%dma_wait3A_1243] : memref<6400xi32, #tpu.memory_space<vmem>> -> memref<72xi32, #tpu.memory_space<vmem>>
    %dma_wait3A_1245 = arith.constant 0 : i32
    %dma_wait3A_1246 = arith.constant 0 : i32
    %dma_wait3A_1247 = tpu.memref_slice %arg3[%dma_wait3A_1245, %dma_wait3A_1246] : memref<1000000x64xf32, #tpu.memory_space<hbm>> -> memref<1000000x64xf32, #tpu.memory_space<hbm>>
    tpu.wait_indirect_dma semaphore(%arg11 : memref<!tpu.dma_semaphore, #tpu.memory_space<semaphore_mem>>) src(%dma_wait3A_1247 : memref<1000000x64xf32, #tpu.memory_space<hbm>>) dst(%dma_wait3A_1242 : memref<72x64xf32, #tpu.memory_space<vmem>>)
    %scan3A_1248 = arith.constant 0 : i32
    %scan3A_1249 = arith.constant 0 : i32
    %scan3A_1250 = arith.constant 200 : i32
    %scan3A_1251 = arith.addi %scan3A_1249, %scan3A_1250 : i32
    %scan3A_1252 = arith.constant 1 : i32
    scf.for %scan3A_1536 = %scan3A_1249 to %scan3A_1251 step %scan3A_1252  : i32 {
      %get3A = arith.index_cast %scan3A_1536 : i32 to index
      %get3A_1537 = arith.constant 0 : index
      %get3A_1538 = tpu.vector_load %arg7[%get3A, %get3A_1537] {strides = array<i32>} : memref<200x64xf32, #tpu.memory_space<vmem>>, vector<1x16xf32>,
      %get3A_1539 = vector.shape_cast %get3A_1538 : vector<1x16xf32> to vector<16xf32>
      %swap3A = arith.index_cast %scan3A_1536 : i32 to index
      %swap3A_1540 = arith.constant 0 : index
      %swap3A_1541 = tpu.vector_load %arg9[%swap3A, %swap3A_1540] {strides = array<i32>} : memref<200x64xf32, #tpu.memory_space<vmem>>, vector<1x16xf32>,
      %swap3A_1542 = vector.shape_cast %swap3A_1541 : vector<1x16xf32> to vector<16xf32>
      %swap3A_1543 = vector.shape_cast %get3A_1539 : vector<16xf32> to vector<1x16xf32>
      tpu.vector_store %arg9[%swap3A, %swap3A_1540], %swap3A_1543 {add = true, strides = array<i32>} : memref<200x64xf32, #tpu.memory_space<vmem>>, vector<1x16xf32>,
      %get3A_1544 = arith.index_cast %scan3A_1536 : i32 to index
      %get3A_1545 = arith.constant 16 : index
      %get3A_1546 = tpu.vector_load %arg7[%get3A_1544, %get3A_1545] {strides = array<i32>} : memref<200x64xf32, #tpu.memory_space<vmem>>, vector<1x16xf32>,
      %get3A_1547 = vector.shape_cast %get3A_1546 : vector<1x16xf32> to vector<16xf32>
      %swap3A_1548 = arith.index_cast %scan3A_1536 : i32 to index
      %swap3A_1549 = arith.constant 16 : index
      %swap3A_1550 = tpu.vector_load %arg9[%swap3A_1548, %swap3A_1549] {strides = array<i32>} : memref<200x64xf32, #tpu.memory_space<vmem>>, vector<1x16xf32>,
      %swap3A_1551 = vector.shape_cast %swap3A_1550 : vector<1x16xf32> to vector<16xf32>
      %swap3A_1552 = vector.shape_cast %get3A_1547 : vector<16xf32> to vector<1x16xf32>
      tpu.vector_store %arg9[%swap3A_1548, %swap3A_1549], %swap3A_1552 {add = true, strides = array<i32>} : memref<200x64xf32, #tpu.memory_space<vmem>>, vector<1x16xf32>,
      %get3A_1553 = arith.index_cast %scan3A_1536 : i32 to index
      %get3A_1554 = arith.constant 32 : index
      %get3A_1555 = tpu.vector_load %arg7[%get3A_1553, %get3A_1554] {strides = array<i32>} : memref<200x64xf32, #tpu.memory_space<vmem>>, vector<1x16xf32>,
      %get3A_1556 = vector.shape_cast %get3A_1555 : vector<1x16xf32> to vector<16xf32>
      %swap3A_1557 = arith.index_cast %scan3A_1536 : i32 to index
      %swap3A_1558 = arith.constant 32 : index
      %swap3A_1559 = tpu.vector_load %arg9[%swap3A_1557, %swap3A_1558] {strides = array<i32>} : memref<200x64xf32, #tpu.memory_space<vmem>>, vector<1x16xf32>,
      %swap3A_1560 = vector.shape_cast %swap3A_1559 : vector<1x16xf32> to vector<16xf32>
      %swap3A_1561 = vector.shape_cast %get3A_1556 : vector<16xf32> to vector<1x16xf32>
      tpu.vector_store %arg9[%swap3A_1557, %swap3A_1558], %swap3A_1561 {add = true, strides = array<i32>} : memref<200x64xf32, #tpu.memory_space<vmem>>, vector<1x16xf32>,
      %get3A_1562 = arith.index_cast %scan3A_1536 : i32 to index
      %get3A_1563 = arith.constant 48 : index
      %get3A_1564 = tpu.vector_load %arg7[%get3A_1562, %get3A_1563] {strides = array<i32>} : memref<200x64xf32, #tpu.memory_space<vmem>>, vector<1x16xf32>,
      %get3A_1565 = vector.shape_cast %get3A_1564 : vector<1x16xf32> to vector<16xf32>
      %swap3A_1566 = arith.index_cast %scan3A_1536 : i32 to index
      %swap3A_1567 = arith.constant 48 : index
      %swap3A_1568 = tpu.vector_load %arg9[%swap3A_1566, %swap3A_1567] {strides = array<i32>} : memref<200x64xf32, #tpu.memory_space<vmem>>, vector<1x16xf32>,
      %swap3A_1569 = vector.shape_cast %swap3A_1568 : vector<1x16xf32> to vector<16xf32>
      %swap3A_1570 = vector.shape_cast %get3A_1565 : vector<16xf32> to vector<1x16xf32>
      tpu.vector_store %arg9[%swap3A_1566, %swap3A_1567], %swap3A_1570 {add = true, strides = array<i32>} : memref<200x64xf32, #tpu.memory_space<vmem>>, vector<1x16xf32>,
    }
    %scan3A_1253 = arith.constant 200 : i32
    %add3A_1254 = arith.constant 5000 : i32
    %add3A_1255 = arith.addi %mul3A_2, %add3A_1254 : i32
    %dma_start3A_1256 = arith.constant 0 : i32
    %dma_start3A_1257 = tpu.memref_slice %arg5[%add3A_1255, %dma_start3A_1256] : memref<204800x64xf32, #tpu.memory_space<hbm>> -> memref<200x64xf32, #tpu.memory_space<hbm>>
    %dma_start3A_1258 = arith.constant 0 : i32
    %dma_start3A_1259 = tpu.memref_slice %arg5[%add3A_1255, %dma_start3A_1258] : memref<204800x64xf32, #tpu.memory_space<hbm>> -> memref<200x64xf32, #tpu.memory_space<hbm>>
    tpu.enqueue_dma source(%arg9 : memref<200x64xf32, #tpu.memory_space<vmem>>) target(%dma_start3A_1259 : memref<200x64xf32, #tpu.memory_space<hbm>>) target_semaphore(%arg13 : memref<!tpu.dma_semaphore, #tpu.memory_space<semaphore_mem>>)
    %dma_wait3A_1260 = arith.constant 0 : i32
    %dma_wait3A_1261 = tpu.memref_slice %arg5[%add3A_1255, %dma_wait3A_1260] : memref<204800x64xf32, #tpu.memory_space<hbm>> -> memref<200x64xf32, #tpu.memory_space<hbm>>
    %dma_wait3A_1262 = arith.constant 0 : i32
    %dma_wait3A_1263 = tpu.memref_slice %arg5[%add3A_1255, %dma_wait3A_1262] : memref<204800x64xf32, #tpu.memory_space<hbm>> -> memref<200x64xf32, #tpu.memory_space<hbm>>
    tpu.wait_dma2 semaphore(%arg13 : memref<!tpu.dma_semaphore, #tpu.memory_space<semaphore_mem>>) src(%arg9 : memref<200x64xf32, #tpu.memory_space<vmem>>) dst(%dma_wait3A_1263 : memref<200x64xf32, #tpu.memory_space<hbm>>)
    %dma_start3A_1264 = arith.constant 0 : i32
    %dma_start3A_1265 = arith.constant 0 : i32
    %dma_start3A_1266 = tpu.memref_slice %arg9[%dma_start3A_1264, %dma_start3A_1265] : memref<200x64xf32, #tpu.memory_space<vmem>> -> memref<128x64xf32, #tpu.memory_space<vmem>>
    %dma_start3A_1267 = arith.constant 5400 : i32
    %dma_start3A_1268 = tpu.memref_slice %arg6[%dma_start3A_1267] : memref<6400xi32, #tpu.memory_space<vmem>> -> memref<128xi32, #tpu.memory_space<vmem>>
    %dma_start3A_1269 = arith.constant 0 : i32
    %dma_start3A_1270 = arith.constant 0 : i32
    %dma_start3A_1271 = tpu.memref_slice %arg3[%dma_start3A_1269, %dma_start3A_1270] : memref<1000000x64xf32, #tpu.memory_space<hbm>> -> memref<1000000x64xf32, #tpu.memory_space<hbm>>
    tpu.enqueue_indirect_dma source(%dma_start3A_1271 : memref<1000000x64xf32, #tpu.memory_space<hbm>>) target(%dma_start3A_1266 : memref<128x64xf32, #tpu.memory_space<vmem>>) offsets(%dma_start3A_1268 : memref<128xi32, #tpu.memory_space<vmem>>) semaphore(%arg11 : memref<!tpu.dma_semaphore, #tpu.memory_space<semaphore_mem>>)
    %dma_start3A_1272 = arith.constant 128 : i32
    %dma_start3A_1273 = arith.constant 0 : i32
    %dma_start3A_1274 = tpu.memref_slice %arg9[%dma_start3A_1272, %dma_start3A_1273] : memref<200x64xf32, #tpu.memory_space<vmem>> -> memref<72x64xf32, #tpu.memory_space<vmem>>
    %dma_start3A_1275 = arith.constant 5528 : i32
    %dma_start3A_1276 = tpu.memref_slice %arg6[%dma_start3A_1275] : memref<6400xi32, #tpu.memory_space<vmem>> -> memref<72xi32, #tpu.memory_space<vmem>>
    %dma_start3A_1277 = arith.constant 0 : i32
    %dma_start3A_1278 = arith.constant 0 : i32
    %dma_start3A_1279 = tpu.memref_slice %arg3[%dma_start3A_1277, %dma_start3A_1278] : memref<1000000x64xf32, #tpu.memory_space<hbm>> -> memref<1000000x64xf32, #tpu.memory_space<hbm>>
    tpu.enqueue_indirect_dma source(%dma_start3A_1279 : memref<1000000x64xf32, #tpu.memory_space<hbm>>) target(%dma_start3A_1274 : memref<72x64xf32, #tpu.memory_space<vmem>>) offsets(%dma_start3A_1276 : memref<72xi32, #tpu.memory_space<vmem>>) semaphore(%arg11 : memref<!tpu.dma_semaphore, #tpu.memory_space<semaphore_mem>>)
    %dma_wait3A_1280 = arith.constant 0 : i32
    %dma_wait3A_1281 = arith.constant 0 : i32
    %dma_wait3A_1282 = tpu.memref_slice %arg8[%dma_wait3A_1280, %dma_wait3A_1281] : memref<200x64xf32, #tpu.memory_space<vmem>> -> memref<128x64xf32, #tpu.memory_space<vmem>>
    %dma_wait3A_1283 = arith.constant 5200 : i32
    %dma_wait3A_1284 = tpu.memref_slice %arg6[%dma_wait3A_1283] : memref<6400xi32, #tpu.memory_space<vmem>> -> memref<128xi32, #tpu.memory_space<vmem>>
    %dma_wait3A_1285 = arith.constant 0 : i32
    %dma_wait3A_1286 = arith.constant 0 : i32
    %dma_wait3A_1287 = tpu.memref_slice %arg3[%dma_wait3A_1285, %dma_wait3A_1286] : memref<1000000x64xf32, #tpu.memory_space<hbm>> -> memref<1000000x64xf32, #tpu.memory_space<hbm>>
    tpu.wait_indirect_dma semaphore(%arg10 : memref<!tpu.dma_semaphore, #tpu.memory_space<semaphore_mem>>) src(%dma_wait3A_1287 : memref<1000000x64xf32, #tpu.memory_space<hbm>>) dst(%dma_wait3A_1282 : memref<128x64xf32, #tpu.memory_space<vmem>>)
    %dma_wait3A_1288 = arith.constant 128 : i32
    %dma_wait3A_1289 = arith.constant 0 : i32
    %dma_wait3A_1290 = tpu.memref_slice %arg8[%dma_wait3A_1288, %dma_wait3A_1289] : memref<200x64xf32, #tpu.memory_space<vmem>> -> memref<72x64xf32, #tpu.memory_space<vmem>>
    %dma_wait3A_1291 = arith.constant 5328 : i32
    %dma_wait3A_1292 = tpu.memref_slice %arg6[%dma_wait3A_1291] : memref<6400xi32, #tpu.memory_space<vmem>> -> memref<72xi32, #tpu.memory_space<vmem>>
    %dma_wait3A_1293 = arith.constant 0 : i32
    %dma_wait3A_1294 = arith.constant 0 : i32
    %dma_wait3A_1295 = tpu.memref_slice %arg3[%dma_wait3A_1293, %dma_wait3A_1294] : memref<1000000x64xf32, #tpu.memory_space<hbm>> -> memref<1000000x64xf32, #tpu.memory_space<hbm>>
    tpu.wait_indirect_dma semaphore(%arg10 : memref<!tpu.dma_semaphore, #tpu.memory_space<semaphore_mem>>) src(%dma_wait3A_1295 : memref<1000000x64xf32, #tpu.memory_space<hbm>>) dst(%dma_wait3A_1290 : memref<72x64xf32, #tpu.memory_space<vmem>>)
    %scan3A_1296 = arith.constant 0 : i32
    %scan3A_1297 = arith.constant 0 : i32
    %scan3A_1298 = arith.constant 200 : i32
    %scan3A_1299 = arith.addi %scan3A_1297, %scan3A_1298 : i32
    %scan3A_1300 = arith.constant 1 : i32
    scf.for %scan3A_1536 = %scan3A_1297 to %scan3A_1299 step %scan3A_1300  : i32 {
      %get3A = arith.index_cast %scan3A_1536 : i32 to index
      %get3A_1537 = arith.constant 0 : index
      %get3A_1538 = tpu.vector_load %arg7[%get3A, %get3A_1537] {strides = array<i32>} : memref<200x64xf32, #tpu.memory_space<vmem>>, vector<1x16xf32>,
      %get3A_1539 = vector.shape_cast %get3A_1538 : vector<1x16xf32> to vector<16xf32>
      %swap3A = arith.index_cast %scan3A_1536 : i32 to index
      %swap3A_1540 = arith.constant 0 : index
      %swap3A_1541 = tpu.vector_load %arg8[%swap3A, %swap3A_1540] {strides = array<i32>} : memref<200x64xf32, #tpu.memory_space<vmem>>, vector<1x16xf32>,
      %swap3A_1542 = vector.shape_cast %swap3A_1541 : vector<1x16xf32> to vector<16xf32>
      %swap3A_1543 = vector.shape_cast %get3A_1539 : vector<16xf32> to vector<1x16xf32>
      tpu.vector_store %arg8[%swap3A, %swap3A_1540], %swap3A_1543 {add = true, strides = array<i32>} : memref<200x64xf32, #tpu.memory_space<vmem>>, vector<1x16xf32>,
      %get3A_1544 = arith.index_cast %scan3A_1536 : i32 to index
      %get3A_1545 = arith.constant 16 : index
      %get3A_1546 = tpu.vector_load %arg7[%get3A_1544, %get3A_1545] {strides = array<i32>} : memref<200x64xf32, #tpu.memory_space<vmem>>, vector<1x16xf32>,
      %get3A_1547 = vector.shape_cast %get3A_1546 : vector<1x16xf32> to vector<16xf32>
      %swap3A_1548 = arith.index_cast %scan3A_1536 : i32 to index
      %swap3A_1549 = arith.constant 16 : index
      %swap3A_1550 = tpu.vector_load %arg8[%swap3A_1548, %swap3A_1549] {strides = array<i32>} : memref<200x64xf32, #tpu.memory_space<vmem>>, vector<1x16xf32>,
      %swap3A_1551 = vector.shape_cast %swap3A_1550 : vector<1x16xf32> to vector<16xf32>
      %swap3A_1552 = vector.shape_cast %get3A_1547 : vector<16xf32> to vector<1x16xf32>
      tpu.vector_store %arg8[%swap3A_1548, %swap3A_1549], %swap3A_1552 {add = true, strides = array<i32>} : memref<200x64xf32, #tpu.memory_space<vmem>>, vector<1x16xf32>,
      %get3A_1553 = arith.index_cast %scan3A_1536 : i32 to index
      %get3A_1554 = arith.constant 32 : index
      %get3A_1555 = tpu.vector_load %arg7[%get3A_1553, %get3A_1554] {strides = array<i32>} : memref<200x64xf32, #tpu.memory_space<vmem>>, vector<1x16xf32>,
      %get3A_1556 = vector.shape_cast %get3A_1555 : vector<1x16xf32> to vector<16xf32>
      %swap3A_1557 = arith.index_cast %scan3A_1536 : i32 to index
      %swap3A_1558 = arith.constant 32 : index
      %swap3A_1559 = tpu.vector_load %arg8[%swap3A_1557, %swap3A_1558] {strides = array<i32>} : memref<200x64xf32, #tpu.memory_space<vmem>>, vector<1x16xf32>,
      %swap3A_1560 = vector.shape_cast %swap3A_1559 : vector<1x16xf32> to vector<16xf32>
      %swap3A_1561 = vector.shape_cast %get3A_1556 : vector<16xf32> to vector<1x16xf32>
      tpu.vector_store %arg8[%swap3A_1557, %swap3A_1558], %swap3A_1561 {add = true, strides = array<i32>} : memref<200x64xf32, #tpu.memory_space<vmem>>, vector<1x16xf32>,
      %get3A_1562 = arith.index_cast %scan3A_1536 : i32 to index
      %get3A_1563 = arith.constant 48 : index
      %get3A_1564 = tpu.vector_load %arg7[%get3A_1562, %get3A_1563] {strides = array<i32>} : memref<200x64xf32, #tpu.memory_space<vmem>>, vector<1x16xf32>,
      %get3A_1565 = vector.shape_cast %get3A_1564 : vector<1x16xf32> to vector<16xf32>
      %swap3A_1566 = arith.index_cast %scan3A_1536 : i32 to index
      %swap3A_1567 = arith.constant 48 : index
      %swap3A_1568 = tpu.vector_load %arg8[%swap3A_1566, %swap3A_1567] {strides = array<i32>} : memref<200x64xf32, #tpu.memory_space<vmem>>, vector<1x16xf32>,
      %swap3A_1569 = vector.shape_cast %swap3A_1568 : vector<1x16xf32> to vector<16xf32>
      %swap3A_1570 = vector.shape_cast %get3A_1565 : vector<16xf32> to vector<1x16xf32>
      tpu.vector_store %arg8[%swap3A_1566, %swap3A_1567], %swap3A_1570 {add = true, strides = array<i32>} : memref<200x64xf32, #tpu.memory_space<vmem>>, vector<1x16xf32>,
    }
    %scan3A_1301 = arith.constant 200 : i32
    %add3A_1302 = arith.constant 5200 : i32
    %add3A_1303 = arith.addi %mul3A_2, %add3A_1302 : i32
    %dma_start3A_1304 = arith.constant 0 : i32
    %dma_start3A_1305 = tpu.memref_slice %arg5[%add3A_1303, %dma_start3A_1304] : memref<204800x64xf32, #tpu.memory_space<hbm>> -> memref<200x64xf32, #tpu.memory_space<hbm>>
    %dma_start3A_1306 = arith.constant 0 : i32
    %dma_start3A_1307 = tpu.memref_slice %arg5[%add3A_1303, %dma_start3A_1306] : memref<204800x64xf32, #tpu.memory_space<hbm>> -> memref<200x64xf32, #tpu.memory_space<hbm>>
    tpu.enqueue_dma source(%arg8 : memref<200x64xf32, #tpu.memory_space<vmem>>) target(%dma_start3A_1307 : memref<200x64xf32, #tpu.memory_space<hbm>>) target_semaphore(%arg12 : memref<!tpu.dma_semaphore, #tpu.memory_space<semaphore_mem>>)
    %dma_wait3A_1308 = arith.constant 0 : i32
    %dma_wait3A_1309 = tpu.memref_slice %arg5[%add3A_1303, %dma_wait3A_1308] : memref<204800x64xf32, #tpu.memory_space<hbm>> -> memref<200x64xf32, #tpu.memory_space<hbm>>
    %dma_wait3A_1310 = arith.constant 0 : i32
    %dma_wait3A_1311 = tpu.memref_slice %arg5[%add3A_1303, %dma_wait3A_1310] : memref<204800x64xf32, #tpu.memory_space<hbm>> -> memref<200x64xf32, #tpu.memory_space<hbm>>
    tpu.wait_dma2 semaphore(%arg12 : memref<!tpu.dma_semaphore, #tpu.memory_space<semaphore_mem>>) src(%arg8 : memref<200x64xf32, #tpu.memory_space<vmem>>) dst(%dma_wait3A_1311 : memref<200x64xf32, #tpu.memory_space<hbm>>)
    %dma_start3A_1312 = arith.constant 0 : i32
    %dma_start3A_1313 = arith.constant 0 : i32
    %dma_start3A_1314 = tpu.memref_slice %arg8[%dma_start3A_1312, %dma_start3A_1313] : memref<200x64xf32, #tpu.memory_space<vmem>> -> memref<128x64xf32, #tpu.memory_space<vmem>>
    %dma_start3A_1315 = arith.constant 5600 : i32
    %dma_start3A_1316 = tpu.memref_slice %arg6[%dma_start3A_1315] : memref<6400xi32, #tpu.memory_space<vmem>> -> memref<128xi32, #tpu.memory_space<vmem>>
    %dma_start3A_1317 = arith.constant 0 : i32
    %dma_start3A_1318 = arith.constant 0 : i32
    %dma_start3A_1319 = tpu.memref_slice %arg3[%dma_start3A_1317, %dma_start3A_1318] : memref<1000000x64xf32, #tpu.memory_space<hbm>> -> memref<1000000x64xf32, #tpu.memory_space<hbm>>
    tpu.enqueue_indirect_dma source(%dma_start3A_1319 : memref<1000000x64xf32, #tpu.memory_space<hbm>>) target(%dma_start3A_1314 : memref<128x64xf32, #tpu.memory_space<vmem>>) offsets(%dma_start3A_1316 : memref<128xi32, #tpu.memory_space<vmem>>) semaphore(%arg10 : memref<!tpu.dma_semaphore, #tpu.memory_space<semaphore_mem>>)
    %dma_start3A_1320 = arith.constant 128 : i32
    %dma_start3A_1321 = arith.constant 0 : i32
    %dma_start3A_1322 = tpu.memref_slice %arg8[%dma_start3A_1320, %dma_start3A_1321] : memref<200x64xf32, #tpu.memory_space<vmem>> -> memref<72x64xf32, #tpu.memory_space<vmem>>
    %dma_start3A_1323 = arith.constant 5728 : i32
    %dma_start3A_1324 = tpu.memref_slice %arg6[%dma_start3A_1323] : memref<6400xi32, #tpu.memory_space<vmem>> -> memref<72xi32, #tpu.memory_space<vmem>>
    %dma_start3A_1325 = arith.constant 0 : i32
    %dma_start3A_1326 = arith.constant 0 : i32
    %dma_start3A_1327 = tpu.memref_slice %arg3[%dma_start3A_1325, %dma_start3A_1326] : memref<1000000x64xf32, #tpu.memory_space<hbm>> -> memref<1000000x64xf32, #tpu.memory_space<hbm>>
    tpu.enqueue_indirect_dma source(%dma_start3A_1327 : memref<1000000x64xf32, #tpu.memory_space<hbm>>) target(%dma_start3A_1322 : memref<72x64xf32, #tpu.memory_space<vmem>>) offsets(%dma_start3A_1324 : memref<72xi32, #tpu.memory_space<vmem>>) semaphore(%arg10 : memref<!tpu.dma_semaphore, #tpu.memory_space<semaphore_mem>>)
    %dma_wait3A_1328 = arith.constant 0 : i32
    %dma_wait3A_1329 = arith.constant 0 : i32
    %dma_wait3A_1330 = tpu.memref_slice %arg9[%dma_wait3A_1328, %dma_wait3A_1329] : memref<200x64xf32, #tpu.memory_space<vmem>> -> memref<128x64xf32, #tpu.memory_space<vmem>>
    %dma_wait3A_1331 = arith.constant 5400 : i32
    %dma_wait3A_1332 = tpu.memref_slice %arg6[%dma_wait3A_1331] : memref<6400xi32, #tpu.memory_space<vmem>> -> memref<128xi32, #tpu.memory_space<vmem>>
    %dma_wait3A_1333 = arith.constant 0 : i32
    %dma_wait3A_1334 = arith.constant 0 : i32
    %dma_wait3A_1335 = tpu.memref_slice %arg3[%dma_wait3A_1333, %dma_wait3A_1334] : memref<1000000x64xf32, #tpu.memory_space<hbm>> -> memref<1000000x64xf32, #tpu.memory_space<hbm>>
    tpu.wait_indirect_dma semaphore(%arg11 : memref<!tpu.dma_semaphore, #tpu.memory_space<semaphore_mem>>) src(%dma_wait3A_1335 : memref<1000000x64xf32, #tpu.memory_space<hbm>>) dst(%dma_wait3A_1330 : memref<128x64xf32, #tpu.memory_space<vmem>>)
    %dma_wait3A_1336 = arith.constant 128 : i32
    %dma_wait3A_1337 = arith.constant 0 : i32
    %dma_wait3A_1338 = tpu.memref_slice %arg9[%dma_wait3A_1336, %dma_wait3A_1337] : memref<200x64xf32, #tpu.memory_space<vmem>> -> memref<72x64xf32, #tpu.memory_space<vmem>>
    %dma_wait3A_1339 = arith.constant 5528 : i32
    %dma_wait3A_1340 = tpu.memref_slice %arg6[%dma_wait3A_1339] : memref<6400xi32, #tpu.memory_space<vmem>> -> memref<72xi32, #tpu.memory_space<vmem>>
    %dma_wait3A_1341 = arith.constant 0 : i32
    %dma_wait3A_1342 = arith.constant 0 : i32
    %dma_wait3A_1343 = tpu.memref_slice %arg3[%dma_wait3A_1341, %dma_wait3A_1342] : memref<1000000x64xf32, #tpu.memory_space<hbm>> -> memref<1000000x64xf32, #tpu.memory_space<hbm>>
    tpu.wait_indirect_dma semaphore(%arg11 : memref<!tpu.dma_semaphore, #tpu.memory_space<semaphore_mem>>) src(%dma_wait3A_1343 : memref<1000000x64xf32, #tpu.memory_space<hbm>>) dst(%dma_wait3A_1338 : memref<72x64xf32, #tpu.memory_space<vmem>>)
    %scan3A_1344 = arith.constant 0 : i32
    %scan3A_1345 = arith.constant 0 : i32
    %scan3A_1346 = arith.constant 200 : i32
    %scan3A_1347 = arith.addi %scan3A_1345, %scan3A_1346 : i32
    %scan3A_1348 = arith.constant 1 : i32
    scf.for %scan3A_1536 = %scan3A_1345 to %scan3A_1347 step %scan3A_1348  : i32 {
      %get3A = arith.index_cast %scan3A_1536 : i32 to index
      %get3A_1537 = arith.constant 0 : index
      %get3A_1538 = tpu.vector_load %arg7[%get3A, %get3A_1537] {strides = array<i32>} : memref<200x64xf32, #tpu.memory_space<vmem>>, vector<1x16xf32>,
      %get3A_1539 = vector.shape_cast %get3A_1538 : vector<1x16xf32> to vector<16xf32>
      %swap3A = arith.index_cast %scan3A_1536 : i32 to index
      %swap3A_1540 = arith.constant 0 : index
      %swap3A_1541 = tpu.vector_load %arg9[%swap3A, %swap3A_1540] {strides = array<i32>} : memref<200x64xf32, #tpu.memory_space<vmem>>, vector<1x16xf32>,
      %swap3A_1542 = vector.shape_cast %swap3A_1541 : vector<1x16xf32> to vector<16xf32>
      %swap3A_1543 = vector.shape_cast %get3A_1539 : vector<16xf32> to vector<1x16xf32>
      tpu.vector_store %arg9[%swap3A, %swap3A_1540], %swap3A_1543 {add = true, strides = array<i32>} : memref<200x64xf32, #tpu.memory_space<vmem>>, vector<1x16xf32>,
      %get3A_1544 = arith.index_cast %scan3A_1536 : i32 to index
      %get3A_1545 = arith.constant 16 : index
      %get3A_1546 = tpu.vector_load %arg7[%get3A_1544, %get3A_1545] {strides = array<i32>} : memref<200x64xf32, #tpu.memory_space<vmem>>, vector<1x16xf32>,
      %get3A_1547 = vector.shape_cast %get3A_1546 : vector<1x16xf32> to vector<16xf32>
      %swap3A_1548 = arith.index_cast %scan3A_1536 : i32 to index
      %swap3A_1549 = arith.constant 16 : index
      %swap3A_1550 = tpu.vector_load %arg9[%swap3A_1548, %swap3A_1549] {strides = array<i32>} : memref<200x64xf32, #tpu.memory_space<vmem>>, vector<1x16xf32>,
      %swap3A_1551 = vector.shape_cast %swap3A_1550 : vector<1x16xf32> to vector<16xf32>
      %swap3A_1552 = vector.shape_cast %get3A_1547 : vector<16xf32> to vector<1x16xf32>
      tpu.vector_store %arg9[%swap3A_1548, %swap3A_1549], %swap3A_1552 {add = true, strides = array<i32>} : memref<200x64xf32, #tpu.memory_space<vmem>>, vector<1x16xf32>,
      %get3A_1553 = arith.index_cast %scan3A_1536 : i32 to index
      %get3A_1554 = arith.constant 32 : index
      %get3A_1555 = tpu.vector_load %arg7[%get3A_1553, %get3A_1554] {strides = array<i32>} : memref<200x64xf32, #tpu.memory_space<vmem>>, vector<1x16xf32>,
      %get3A_1556 = vector.shape_cast %get3A_1555 : vector<1x16xf32> to vector<16xf32>
      %swap3A_1557 = arith.index_cast %scan3A_1536 : i32 to index
      %swap3A_1558 = arith.constant 32 : index
      %swap3A_1559 = tpu.vector_load %arg9[%swap3A_1557, %swap3A_1558] {strides = array<i32>} : memref<200x64xf32, #tpu.memory_space<vmem>>, vector<1x16xf32>,
      %swap3A_1560 = vector.shape_cast %swap3A_1559 : vector<1x16xf32> to vector<16xf32>
      %swap3A_1561 = vector.shape_cast %get3A_1556 : vector<16xf32> to vector<1x16xf32>
      tpu.vector_store %arg9[%swap3A_1557, %swap3A_1558], %swap3A_1561 {add = true, strides = array<i32>} : memref<200x64xf32, #tpu.memory_space<vmem>>, vector<1x16xf32>,
      %get3A_1562 = arith.index_cast %scan3A_1536 : i32 to index
      %get3A_1563 = arith.constant 48 : index
      %get3A_1564 = tpu.vector_load %arg7[%get3A_1562, %get3A_1563] {strides = array<i32>} : memref<200x64xf32, #tpu.memory_space<vmem>>, vector<1x16xf32>,
      %get3A_1565 = vector.shape_cast %get3A_1564 : vector<1x16xf32> to vector<16xf32>
      %swap3A_1566 = arith.index_cast %scan3A_1536 : i32 to index
      %swap3A_1567 = arith.constant 48 : index
      %swap3A_1568 = tpu.vector_load %arg9[%swap3A_1566, %swap3A_1567] {strides = array<i32>} : memref<200x64xf32, #tpu.memory_space<vmem>>, vector<1x16xf32>,
      %swap3A_1569 = vector.shape_cast %swap3A_1568 : vector<1x16xf32> to vector<16xf32>
      %swap3A_1570 = vector.shape_cast %get3A_1565 : vector<16xf32> to vector<1x16xf32>
      tpu.vector_store %arg9[%swap3A_1566, %swap3A_1567], %swap3A_1570 {add = true, strides = array<i32>} : memref<200x64xf32, #tpu.memory_space<vmem>>, vector<1x16xf32>,
    }
    %scan3A_1349 = arith.constant 200 : i32
    %add3A_1350 = arith.constant 5400 : i32
    %add3A_1351 = arith.addi %mul3A_2, %add3A_1350 : i32
    %dma_start3A_1352 = arith.constant 0 : i32
    %dma_start3A_1353 = tpu.memref_slice %arg5[%add3A_1351, %dma_start3A_1352] : memref<204800x64xf32, #tpu.memory_space<hbm>> -> memref<200x64xf32, #tpu.memory_space<hbm>>
    %dma_start3A_1354 = arith.constant 0 : i32
    %dma_start3A_1355 = tpu.memref_slice %arg5[%add3A_1351, %dma_start3A_1354] : memref<204800x64xf32, #tpu.memory_space<hbm>> -> memref<200x64xf32, #tpu.memory_space<hbm>>
    tpu.enqueue_dma source(%arg9 : memref<200x64xf32, #tpu.memory_space<vmem>>) target(%dma_start3A_1355 : memref<200x64xf32, #tpu.memory_space<hbm>>) target_semaphore(%arg13 : memref<!tpu.dma_semaphore, #tpu.memory_space<semaphore_mem>>)
    %dma_wait3A_1356 = arith.constant 0 : i32
    %dma_wait3A_1357 = tpu.memref_slice %arg5[%add3A_1351, %dma_wait3A_1356] : memref<204800x64xf32, #tpu.memory_space<hbm>> -> memref<200x64xf32, #tpu.memory_space<hbm>>
    %dma_wait3A_1358 = arith.constant 0 : i32
    %dma_wait3A_1359 = tpu.memref_slice %arg5[%add3A_1351, %dma_wait3A_1358] : memref<204800x64xf32, #tpu.memory_space<hbm>> -> memref<200x64xf32, #tpu.memory_space<hbm>>
    tpu.wait_dma2 semaphore(%arg13 : memref<!tpu.dma_semaphore, #tpu.memory_space<semaphore_mem>>) src(%arg9 : memref<200x64xf32, #tpu.memory_space<vmem>>) dst(%dma_wait3A_1359 : memref<200x64xf32, #tpu.memory_space<hbm>>)
    %dma_start3A_1360 = arith.constant 0 : i32
    %dma_start3A_1361 = arith.constant 0 : i32
    %dma_start3A_1362 = tpu.memref_slice %arg9[%dma_start3A_1360, %dma_start3A_1361] : memref<200x64xf32, #tpu.memory_space<vmem>> -> memref<128x64xf32, #tpu.memory_space<vmem>>
    %dma_start3A_1363 = arith.constant 5800 : i32
    %dma_start3A_1364 = tpu.memref_slice %arg6[%dma_start3A_1363] : memref<6400xi32, #tpu.memory_space<vmem>> -> memref<128xi32, #tpu.memory_space<vmem>>
    %dma_start3A_1365 = arith.constant 0 : i32
    %dma_start3A_1366 = arith.constant 0 : i32
    %dma_start3A_1367 = tpu.memref_slice %arg3[%dma_start3A_1365, %dma_start3A_1366] : memref<1000000x64xf32, #tpu.memory_space<hbm>> -> memref<1000000x64xf32, #tpu.memory_space<hbm>>
    tpu.enqueue_indirect_dma source(%dma_start3A_1367 : memref<1000000x64xf32, #tpu.memory_space<hbm>>) target(%dma_start3A_1362 : memref<128x64xf32, #tpu.memory_space<vmem>>) offsets(%dma_start3A_1364 : memref<128xi32, #tpu.memory_space<vmem>>) semaphore(%arg11 : memref<!tpu.dma_semaphore, #tpu.memory_space<semaphore_mem>>)
    %dma_start3A_1368 = arith.constant 128 : i32
    %dma_start3A_1369 = arith.constant 0 : i32
    %dma_start3A_1370 = tpu.memref_slice %arg9[%dma_start3A_1368, %dma_start3A_1369] : memref<200x64xf32, #tpu.memory_space<vmem>> -> memref<72x64xf32, #tpu.memory_space<vmem>>
    %dma_start3A_1371 = arith.constant 5928 : i32
    %dma_start3A_1372 = tpu.memref_slice %arg6[%dma_start3A_1371] : memref<6400xi32, #tpu.memory_space<vmem>> -> memref<72xi32, #tpu.memory_space<vmem>>
    %dma_start3A_1373 = arith.constant 0 : i32
    %dma_start3A_1374 = arith.constant 0 : i32
    %dma_start3A_1375 = tpu.memref_slice %arg3[%dma_start3A_1373, %dma_start3A_1374] : memref<1000000x64xf32, #tpu.memory_space<hbm>> -> memref<1000000x64xf32, #tpu.memory_space<hbm>>
    tpu.enqueue_indirect_dma source(%dma_start3A_1375 : memref<1000000x64xf32, #tpu.memory_space<hbm>>) target(%dma_start3A_1370 : memref<72x64xf32, #tpu.memory_space<vmem>>) offsets(%dma_start3A_1372 : memref<72xi32, #tpu.memory_space<vmem>>) semaphore(%arg11 : memref<!tpu.dma_semaphore, #tpu.memory_space<semaphore_mem>>)
    %dma_wait3A_1376 = arith.constant 0 : i32
    %dma_wait3A_1377 = arith.constant 0 : i32
    %dma_wait3A_1378 = tpu.memref_slice %arg8[%dma_wait3A_1376, %dma_wait3A_1377] : memref<200x64xf32, #tpu.memory_space<vmem>> -> memref<128x64xf32, #tpu.memory_space<vmem>>
    %dma_wait3A_1379 = arith.constant 5600 : i32
    %dma_wait3A_1380 = tpu.memref_slice %arg6[%dma_wait3A_1379] : memref<6400xi32, #tpu.memory_space<vmem>> -> memref<128xi32, #tpu.memory_space<vmem>>
    %dma_wait3A_1381 = arith.constant 0 : i32
    %dma_wait3A_1382 = arith.constant 0 : i32
    %dma_wait3A_1383 = tpu.memref_slice %arg3[%dma_wait3A_1381, %dma_wait3A_1382] : memref<1000000x64xf32, #tpu.memory_space<hbm>> -> memref<1000000x64xf32, #tpu.memory_space<hbm>>
    tpu.wait_indirect_dma semaphore(%arg10 : memref<!tpu.dma_semaphore, #tpu.memory_space<semaphore_mem>>) src(%dma_wait3A_1383 : memref<1000000x64xf32, #tpu.memory_space<hbm>>) dst(%dma_wait3A_1378 : memref<128x64xf32, #tpu.memory_space<vmem>>)
    %dma_wait3A_1384 = arith.constant 128 : i32
    %dma_wait3A_1385 = arith.constant 0 : i32
    %dma_wait3A_1386 = tpu.memref_slice %arg8[%dma_wait3A_1384, %dma_wait3A_1385] : memref<200x64xf32, #tpu.memory_space<vmem>> -> memref<72x64xf32, #tpu.memory_space<vmem>>
    %dma_wait3A_1387 = arith.constant 5728 : i32
    %dma_wait3A_1388 = tpu.memref_slice %arg6[%dma_wait3A_1387] : memref<6400xi32, #tpu.memory_space<vmem>> -> memref<72xi32, #tpu.memory_space<vmem>>
    %dma_wait3A_1389 = arith.constant 0 : i32
    %dma_wait3A_1390 = arith.constant 0 : i32
    %dma_wait3A_1391 = tpu.memref_slice %arg3[%dma_wait3A_1389, %dma_wait3A_1390] : memref<1000000x64xf32, #tpu.memory_space<hbm>> -> memref<1000000x64xf32, #tpu.memory_space<hbm>>
    tpu.wait_indirect_dma semaphore(%arg10 : memref<!tpu.dma_semaphore, #tpu.memory_space<semaphore_mem>>) src(%dma_wait3A_1391 : memref<1000000x64xf32, #tpu.memory_space<hbm>>) dst(%dma_wait3A_1386 : memref<72x64xf32, #tpu.memory_space<vmem>>)
    %scan3A_1392 = arith.constant 0 : i32
    %scan3A_1393 = arith.constant 0 : i32
    %scan3A_1394 = arith.constant 200 : i32
    %scan3A_1395 = arith.addi %scan3A_1393, %scan3A_1394 : i32
    %scan3A_1396 = arith.constant 1 : i32
    scf.for %scan3A_1536 = %scan3A_1393 to %scan3A_1395 step %scan3A_1396  : i32 {
      %get3A = arith.index_cast %scan3A_1536 : i32 to index
      %get3A_1537 = arith.constant 0 : index
      %get3A_1538 = tpu.vector_load %arg7[%get3A, %get3A_1537] {strides = array<i32>} : memref<200x64xf32, #tpu.memory_space<vmem>>, vector<1x16xf32>,
      %get3A_1539 = vector.shape_cast %get3A_1538 : vector<1x16xf32> to vector<16xf32>
      %swap3A = arith.index_cast %scan3A_1536 : i32 to index
      %swap3A_1540 = arith.constant 0 : index
      %swap3A_1541 = tpu.vector_load %arg8[%swap3A, %swap3A_1540] {strides = array<i32>} : memref<200x64xf32, #tpu.memory_space<vmem>>, vector<1x16xf32>,
      %swap3A_1542 = vector.shape_cast %swap3A_1541 : vector<1x16xf32> to vector<16xf32>
      %swap3A_1543 = vector.shape_cast %get3A_1539 : vector<16xf32> to vector<1x16xf32>
      tpu.vector_store %arg8[%swap3A, %swap3A_1540], %swap3A_1543 {add = true, strides = array<i32>} : memref<200x64xf32, #tpu.memory_space<vmem>>, vector<1x16xf32>,
      %get3A_1544 = arith.index_cast %scan3A_1536 : i32 to index
      %get3A_1545 = arith.constant 16 : index
      %get3A_1546 = tpu.vector_load %arg7[%get3A_1544, %get3A_1545] {strides = array<i32>} : memref<200x64xf32, #tpu.memory_space<vmem>>, vector<1x16xf32>,
      %get3A_1547 = vector.shape_cast %get3A_1546 : vector<1x16xf32> to vector<16xf32>
      %swap3A_1548 = arith.index_cast %scan3A_1536 : i32 to index
      %swap3A_1549 = arith.constant 16 : index
      %swap3A_1550 = tpu.vector_load %arg8[%swap3A_1548, %swap3A_1549] {strides = array<i32>} : memref<200x64xf32, #tpu.memory_space<vmem>>, vector<1x16xf32>,
      %swap3A_1551 = vector.shape_cast %swap3A_1550 : vector<1x16xf32> to vector<16xf32>
      %swap3A_1552 = vector.shape_cast %get3A_1547 : vector<16xf32> to vector<1x16xf32>
      tpu.vector_store %arg8[%swap3A_1548, %swap3A_1549], %swap3A_1552 {add = true, strides = array<i32>} : memref<200x64xf32, #tpu.memory_space<vmem>>, vector<1x16xf32>,
      %get3A_1553 = arith.index_cast %scan3A_1536 : i32 to index
      %get3A_1554 = arith.constant 32 : index
      %get3A_1555 = tpu.vector_load %arg7[%get3A_1553, %get3A_1554] {strides = array<i32>} : memref<200x64xf32, #tpu.memory_space<vmem>>, vector<1x16xf32>,
      %get3A_1556 = vector.shape_cast %get3A_1555 : vector<1x16xf32> to vector<16xf32>
      %swap3A_1557 = arith.index_cast %scan3A_1536 : i32 to index
      %swap3A_1558 = arith.constant 32 : index
      %swap3A_1559 = tpu.vector_load %arg8[%swap3A_1557, %swap3A_1558] {strides = array<i32>} : memref<200x64xf32, #tpu.memory_space<vmem>>, vector<1x16xf32>,
      %swap3A_1560 = vector.shape_cast %swap3A_1559 : vector<1x16xf32> to vector<16xf32>
      %swap3A_1561 = vector.shape_cast %get3A_1556 : vector<16xf32> to vector<1x16xf32>
      tpu.vector_store %arg8[%swap3A_1557, %swap3A_1558], %swap3A_1561 {add = true, strides = array<i32>} : memref<200x64xf32, #tpu.memory_space<vmem>>, vector<1x16xf32>,
      %get3A_1562 = arith.index_cast %scan3A_1536 : i32 to index
      %get3A_1563 = arith.constant 48 : index
      %get3A_1564 = tpu.vector_load %arg7[%get3A_1562, %get3A_1563] {strides = array<i32>} : memref<200x64xf32, #tpu.memory_space<vmem>>, vector<1x16xf32>,
      %get3A_1565 = vector.shape_cast %get3A_1564 : vector<1x16xf32> to vector<16xf32>
      %swap3A_1566 = arith.index_cast %scan3A_1536 : i32 to index
      %swap3A_1567 = arith.constant 48 : index
      %swap3A_1568 = tpu.vector_load %arg8[%swap3A_1566, %swap3A_1567] {strides = array<i32>} : memref<200x64xf32, #tpu.memory_space<vmem>>, vector<1x16xf32>,
      %swap3A_1569 = vector.shape_cast %swap3A_1568 : vector<1x16xf32> to vector<16xf32>
      %swap3A_1570 = vector.shape_cast %get3A_1565 : vector<16xf32> to vector<1x16xf32>
      tpu.vector_store %arg8[%swap3A_1566, %swap3A_1567], %swap3A_1570 {add = true, strides = array<i32>} : memref<200x64xf32, #tpu.memory_space<vmem>>, vector<1x16xf32>,
    }
    %scan3A_1397 = arith.constant 200 : i32
    %add3A_1398 = arith.constant 5600 : i32
    %add3A_1399 = arith.addi %mul3A_2, %add3A_1398 : i32
    %dma_start3A_1400 = arith.constant 0 : i32
    %dma_start3A_1401 = tpu.memref_slice %arg5[%add3A_1399, %dma_start3A_1400] : memref<204800x64xf32, #tpu.memory_space<hbm>> -> memref<200x64xf32, #tpu.memory_space<hbm>>
    %dma_start3A_1402 = arith.constant 0 : i32
    %dma_start3A_1403 = tpu.memref_slice %arg5[%add3A_1399, %dma_start3A_1402] : memref<204800x64xf32, #tpu.memory_space<hbm>> -> memref<200x64xf32, #tpu.memory_space<hbm>>
    tpu.enqueue_dma source(%arg8 : memref<200x64xf32, #tpu.memory_space<vmem>>) target(%dma_start3A_1403 : memref<200x64xf32, #tpu.memory_space<hbm>>) target_semaphore(%arg12 : memref<!tpu.dma_semaphore, #tpu.memory_space<semaphore_mem>>)
    %dma_wait3A_1404 = arith.constant 0 : i32
    %dma_wait3A_1405 = tpu.memref_slice %arg5[%add3A_1399, %dma_wait3A_1404] : memref<204800x64xf32, #tpu.memory_space<hbm>> -> memref<200x64xf32, #tpu.memory_space<hbm>>
    %dma_wait3A_1406 = arith.constant 0 : i32
    %dma_wait3A_1407 = tpu.memref_slice %arg5[%add3A_1399, %dma_wait3A_1406] : memref<204800x64xf32, #tpu.memory_space<hbm>> -> memref<200x64xf32, #tpu.memory_space<hbm>>
    tpu.wait_dma2 semaphore(%arg12 : memref<!tpu.dma_semaphore, #tpu.memory_space<semaphore_mem>>) src(%arg8 : memref<200x64xf32, #tpu.memory_space<vmem>>) dst(%dma_wait3A_1407 : memref<200x64xf32, #tpu.memory_space<hbm>>)
    %dma_start3A_1408 = arith.constant 0 : i32
    %dma_start3A_1409 = arith.constant 0 : i32
    %dma_start3A_1410 = tpu.memref_slice %arg8[%dma_start3A_1408, %dma_start3A_1409] : memref<200x64xf32, #tpu.memory_space<vmem>> -> memref<128x64xf32, #tpu.memory_space<vmem>>
    %dma_start3A_1411 = arith.constant 6000 : i32
    %dma_start3A_1412 = tpu.memref_slice %arg6[%dma_start3A_1411] : memref<6400xi32, #tpu.memory_space<vmem>> -> memref<128xi32, #tpu.memory_space<vmem>>
    %dma_start3A_1413 = arith.constant 0 : i32
    %dma_start3A_1414 = arith.constant 0 : i32
    %dma_start3A_1415 = tpu.memref_slice %arg3[%dma_start3A_1413, %dma_start3A_1414] : memref<1000000x64xf32, #tpu.memory_space<hbm>> -> memref<1000000x64xf32, #tpu.memory_space<hbm>>
    tpu.enqueue_indirect_dma source(%dma_start3A_1415 : memref<1000000x64xf32, #tpu.memory_space<hbm>>) target(%dma_start3A_1410 : memref<128x64xf32, #tpu.memory_space<vmem>>) offsets(%dma_start3A_1412 : memref<128xi32, #tpu.memory_space<vmem>>) semaphore(%arg10 : memref<!tpu.dma_semaphore, #tpu.memory_space<semaphore_mem>>)
    %dma_start3A_1416 = arith.constant 128 : i32
    %dma_start3A_1417 = arith.constant 0 : i32
    %dma_start3A_1418 = tpu.memref_slice %arg8[%dma_start3A_1416, %dma_start3A_1417] : memref<200x64xf32, #tpu.memory_space<vmem>> -> memref<72x64xf32, #tpu.memory_space<vmem>>
    %dma_start3A_1419 = arith.constant 6128 : i32
    %dma_start3A_1420 = tpu.memref_slice %arg6[%dma_start3A_1419] : memref<6400xi32, #tpu.memory_space<vmem>> -> memref<72xi32, #tpu.memory_space<vmem>>
    %dma_start3A_1421 = arith.constant 0 : i32
    %dma_start3A_1422 = arith.constant 0 : i32
    %dma_start3A_1423 = tpu.memref_slice %arg3[%dma_start3A_1421, %dma_start3A_1422] : memref<1000000x64xf32, #tpu.memory_space<hbm>> -> memref<1000000x64xf32, #tpu.memory_space<hbm>>
    tpu.enqueue_indirect_dma source(%dma_start3A_1423 : memref<1000000x64xf32, #tpu.memory_space<hbm>>) target(%dma_start3A_1418 : memref<72x64xf32, #tpu.memory_space<vmem>>) offsets(%dma_start3A_1420 : memref<72xi32, #tpu.memory_space<vmem>>) semaphore(%arg10 : memref<!tpu.dma_semaphore, #tpu.memory_space<semaphore_mem>>)
    %dma_wait3A_1424 = arith.constant 0 : i32
    %dma_wait3A_1425 = arith.constant 0 : i32
    %dma_wait3A_1426 = tpu.memref_slice %arg9[%dma_wait3A_1424, %dma_wait3A_1425] : memref<200x64xf32, #tpu.memory_space<vmem>> -> memref<128x64xf32, #tpu.memory_space<vmem>>
    %dma_wait3A_1427 = arith.constant 5800 : i32
    %dma_wait3A_1428 = tpu.memref_slice %arg6[%dma_wait3A_1427] : memref<6400xi32, #tpu.memory_space<vmem>> -> memref<128xi32, #tpu.memory_space<vmem>>
    %dma_wait3A_1429 = arith.constant 0 : i32
    %dma_wait3A_1430 = arith.constant 0 : i32
    %dma_wait3A_1431 = tpu.memref_slice %arg3[%dma_wait3A_1429, %dma_wait3A_1430] : memref<1000000x64xf32, #tpu.memory_space<hbm>> -> memref<1000000x64xf32, #tpu.memory_space<hbm>>
    tpu.wait_indirect_dma semaphore(%arg11 : memref<!tpu.dma_semaphore, #tpu.memory_space<semaphore_mem>>) src(%dma_wait3A_1431 : memref<1000000x64xf32, #tpu.memory_space<hbm>>) dst(%dma_wait3A_1426 : memref<128x64xf32, #tpu.memory_space<vmem>>)
    %dma_wait3A_1432 = arith.constant 128 : i32
    %dma_wait3A_1433 = arith.constant 0 : i32
    %dma_wait3A_1434 = tpu.memref_slice %arg9[%dma_wait3A_1432, %dma_wait3A_1433] : memref<200x64xf32, #tpu.memory_space<vmem>> -> memref<72x64xf32, #tpu.memory_space<vmem>>
    %dma_wait3A_1435 = arith.constant 5928 : i32
    %dma_wait3A_1436 = tpu.memref_slice %arg6[%dma_wait3A_1435] : memref<6400xi32, #tpu.memory_space<vmem>> -> memref<72xi32, #tpu.memory_space<vmem>>
    %dma_wait3A_1437 = arith.constant 0 : i32
    %dma_wait3A_1438 = arith.constant 0 : i32
    %dma_wait3A_1439 = tpu.memref_slice %arg3[%dma_wait3A_1437, %dma_wait3A_1438] : memref<1000000x64xf32, #tpu.memory_space<hbm>> -> memref<1000000x64xf32, #tpu.memory_space<hbm>>
    tpu.wait_indirect_dma semaphore(%arg11 : memref<!tpu.dma_semaphore, #tpu.memory_space<semaphore_mem>>) src(%dma_wait3A_1439 : memref<1000000x64xf32, #tpu.memory_space<hbm>>) dst(%dma_wait3A_1434 : memref<72x64xf32, #tpu.memory_space<vmem>>)
    %scan3A_1440 = arith.constant 0 : i32
    %scan3A_1441 = arith.constant 0 : i32
    %scan3A_1442 = arith.constant 200 : i32
    %scan3A_1443 = arith.addi %scan3A_1441, %scan3A_1442 : i32
    %scan3A_1444 = arith.constant 1 : i32
    scf.for %scan3A_1536 = %scan3A_1441 to %scan3A_1443 step %scan3A_1444  : i32 {
      %get3A = arith.index_cast %scan3A_1536 : i32 to index
      %get3A_1537 = arith.constant 0 : index
      %get3A_1538 = tpu.vector_load %arg7[%get3A, %get3A_1537] {strides = array<i32>} : memref<200x64xf32, #tpu.memory_space<vmem>>, vector<1x16xf32>,
      %get3A_1539 = vector.shape_cast %get3A_1538 : vector<1x16xf32> to vector<16xf32>
      %swap3A = arith.index_cast %scan3A_1536 : i32 to index
      %swap3A_1540 = arith.constant 0 : index
      %swap3A_1541 = tpu.vector_load %arg9[%swap3A, %swap3A_1540] {strides = array<i32>} : memref<200x64xf32, #tpu.memory_space<vmem>>, vector<1x16xf32>,
      %swap3A_1542 = vector.shape_cast %swap3A_1541 : vector<1x16xf32> to vector<16xf32>
      %swap3A_1543 = vector.shape_cast %get3A_1539 : vector<16xf32> to vector<1x16xf32>
      tpu.vector_store %arg9[%swap3A, %swap3A_1540], %swap3A_1543 {add = true, strides = array<i32>} : memref<200x64xf32, #tpu.memory_space<vmem>>, vector<1x16xf32>,
      %get3A_1544 = arith.index_cast %scan3A_1536 : i32 to index
      %get3A_1545 = arith.constant 16 : index
      %get3A_1546 = tpu.vector_load %arg7[%get3A_1544, %get3A_1545] {strides = array<i32>} : memref<200x64xf32, #tpu.memory_space<vmem>>, vector<1x16xf32>,
      %get3A_1547 = vector.shape_cast %get3A_1546 : vector<1x16xf32> to vector<16xf32>
      %swap3A_1548 = arith.index_cast %scan3A_1536 : i32 to index
      %swap3A_1549 = arith.constant 16 : index
      %swap3A_1550 = tpu.vector_load %arg9[%swap3A_1548, %swap3A_1549] {strides = array<i32>} : memref<200x64xf32, #tpu.memory_space<vmem>>, vector<1x16xf32>,
      %swap3A_1551 = vector.shape_cast %swap3A_1550 : vector<1x16xf32> to vector<16xf32>
      %swap3A_1552 = vector.shape_cast %get3A_1547 : vector<16xf32> to vector<1x16xf32>
      tpu.vector_store %arg9[%swap3A_1548, %swap3A_1549], %swap3A_1552 {add = true, strides = array<i32>} : memref<200x64xf32, #tpu.memory_space<vmem>>, vector<1x16xf32>,
      %get3A_1553 = arith.index_cast %scan3A_1536 : i32 to index
      %get3A_1554 = arith.constant 32 : index
      %get3A_1555 = tpu.vector_load %arg7[%get3A_1553, %get3A_1554] {strides = array<i32>} : memref<200x64xf32, #tpu.memory_space<vmem>>, vector<1x16xf32>,
      %get3A_1556 = vector.shape_cast %get3A_1555 : vector<1x16xf32> to vector<16xf32>
      %swap3A_1557 = arith.index_cast %scan3A_1536 : i32 to index
      %swap3A_1558 = arith.constant 32 : index
      %swap3A_1559 = tpu.vector_load %arg9[%swap3A_1557, %swap3A_1558] {strides = array<i32>} : memref<200x64xf32, #tpu.memory_space<vmem>>, vector<1x16xf32>,
      %swap3A_1560 = vector.shape_cast %swap3A_1559 : vector<1x16xf32> to vector<16xf32>
      %swap3A_1561 = vector.shape_cast %get3A_1556 : vector<16xf32> to vector<1x16xf32>
      tpu.vector_store %arg9[%swap3A_1557, %swap3A_1558], %swap3A_1561 {add = true, strides = array<i32>} : memref<200x64xf32, #tpu.memory_space<vmem>>, vector<1x16xf32>,
      %get3A_1562 = arith.index_cast %scan3A_1536 : i32 to index
      %get3A_1563 = arith.constant 48 : index
      %get3A_1564 = tpu.vector_load %arg7[%get3A_1562, %get3A_1563] {strides = array<i32>} : memref<200x64xf32, #tpu.memory_space<vmem>>, vector<1x16xf32>,
      %get3A_1565 = vector.shape_cast %get3A_1564 : vector<1x16xf32> to vector<16xf32>
      %swap3A_1566 = arith.index_cast %scan3A_1536 : i32 to index
      %swap3A_1567 = arith.constant 48 : index
      %swap3A_1568 = tpu.vector_load %arg9[%swap3A_1566, %swap3A_1567] {strides = array<i32>} : memref<200x64xf32, #tpu.memory_space<vmem>>, vector<1x16xf32>,
      %swap3A_1569 = vector.shape_cast %swap3A_1568 : vector<1x16xf32> to vector<16xf32>
      %swap3A_1570 = vector.shape_cast %get3A_1565 : vector<16xf32> to vector<1x16xf32>
      tpu.vector_store %arg9[%swap3A_1566, %swap3A_1567], %swap3A_1570 {add = true, strides = array<i32>} : memref<200x64xf32, #tpu.memory_space<vmem>>, vector<1x16xf32>,
    }
    %scan3A_1445 = arith.constant 200 : i32
    %add3A_1446 = arith.constant 5800 : i32
    %add3A_1447 = arith.addi %mul3A_2, %add3A_1446 : i32
    %dma_start3A_1448 = arith.constant 0 : i32
    %dma_start3A_1449 = tpu.memref_slice %arg5[%add3A_1447, %dma_start3A_1448] : memref<204800x64xf32, #tpu.memory_space<hbm>> -> memref<200x64xf32, #tpu.memory_space<hbm>>
    %dma_start3A_1450 = arith.constant 0 : i32
    %dma_start3A_1451 = tpu.memref_slice %arg5[%add3A_1447, %dma_start3A_1450] : memref<204800x64xf32, #tpu.memory_space<hbm>> -> memref<200x64xf32, #tpu.memory_space<hbm>>
    tpu.enqueue_dma source(%arg9 : memref<200x64xf32, #tpu.memory_space<vmem>>) target(%dma_start3A_1451 : memref<200x64xf32, #tpu.memory_space<hbm>>) target_semaphore(%arg13 : memref<!tpu.dma_semaphore, #tpu.memory_space<semaphore_mem>>)
    %dma_wait3A_1452 = arith.constant 0 : i32
    %dma_wait3A_1453 = tpu.memref_slice %arg5[%add3A_1447, %dma_wait3A_1452] : memref<204800x64xf32, #tpu.memory_space<hbm>> -> memref<200x64xf32, #tpu.memory_space<hbm>>
    %dma_wait3A_1454 = arith.constant 0 : i32
    %dma_wait3A_1455 = tpu.memref_slice %arg5[%add3A_1447, %dma_wait3A_1454] : memref<204800x64xf32, #tpu.memory_space<hbm>> -> memref<200x64xf32, #tpu.memory_space<hbm>>
    tpu.wait_dma2 semaphore(%arg13 : memref<!tpu.dma_semaphore, #tpu.memory_space<semaphore_mem>>) src(%arg9 : memref<200x64xf32, #tpu.memory_space<vmem>>) dst(%dma_wait3A_1455 : memref<200x64xf32, #tpu.memory_space<hbm>>)
    %dma_start3A_1456 = arith.constant 0 : i32
    %dma_start3A_1457 = arith.constant 0 : i32
    %dma_start3A_1458 = tpu.memref_slice %arg9[%dma_start3A_1456, %dma_start3A_1457] : memref<200x64xf32, #tpu.memory_space<vmem>> -> memref<128x64xf32, #tpu.memory_space<vmem>>
    %dma_start3A_1459 = arith.constant 6200 : i32
    %dma_start3A_1460 = tpu.memref_slice %arg6[%dma_start3A_1459] : memref<6400xi32, #tpu.memory_space<vmem>> -> memref<128xi32, #tpu.memory_space<vmem>>
    %dma_start3A_1461 = arith.constant 0 : i32
    %dma_start3A_1462 = arith.constant 0 : i32
    %dma_start3A_1463 = tpu.memref_slice %arg3[%dma_start3A_1461, %dma_start3A_1462] : memref<1000000x64xf32, #tpu.memory_space<hbm>> -> memref<1000000x64xf32, #tpu.memory_space<hbm>>
    tpu.enqueue_indirect_dma source(%dma_start3A_1463 : memref<1000000x64xf32, #tpu.memory_space<hbm>>) target(%dma_start3A_1458 : memref<128x64xf32, #tpu.memory_space<vmem>>) offsets(%dma_start3A_1460 : memref<128xi32, #tpu.memory_space<vmem>>) semaphore(%arg11 : memref<!tpu.dma_semaphore, #tpu.memory_space<semaphore_mem>>)
    %dma_start3A_1464 = arith.constant 128 : i32
    %dma_start3A_1465 = arith.constant 0 : i32
    %dma_start3A_1466 = tpu.memref_slice %arg9[%dma_start3A_1464, %dma_start3A_1465] : memref<200x64xf32, #tpu.memory_space<vmem>> -> memref<72x64xf32, #tpu.memory_space<vmem>>
    %dma_start3A_1467 = arith.constant 6328 : i32
    %dma_start3A_1468 = tpu.memref_slice %arg6[%dma_start3A_1467] : memref<6400xi32, #tpu.memory_space<vmem>> -> memref<72xi32, #tpu.memory_space<vmem>>
    %dma_start3A_1469 = arith.constant 0 : i32
    %dma_start3A_1470 = arith.constant 0 : i32
    %dma_start3A_1471 = tpu.memref_slice %arg3[%dma_start3A_1469, %dma_start3A_1470] : memref<1000000x64xf32, #tpu.memory_space<hbm>> -> memref<1000000x64xf32, #tpu.memory_space<hbm>>
    tpu.enqueue_indirect_dma source(%dma_start3A_1471 : memref<1000000x64xf32, #tpu.memory_space<hbm>>) target(%dma_start3A_1466 : memref<72x64xf32, #tpu.memory_space<vmem>>) offsets(%dma_start3A_1468 : memref<72xi32, #tpu.memory_space<vmem>>) semaphore(%arg11 : memref<!tpu.dma_semaphore, #tpu.memory_space<semaphore_mem>>)
    %dma_wait3A_1472 = arith.constant 0 : i32
    %dma_wait3A_1473 = arith.constant 0 : i32
    %dma_wait3A_1474 = tpu.memref_slice %arg8[%dma_wait3A_1472, %dma_wait3A_1473] : memref<200x64xf32, #tpu.memory_space<vmem>> -> memref<128x64xf32, #tpu.memory_space<vmem>>
    %dma_wait3A_1475 = arith.constant 6000 : i32
    %dma_wait3A_1476 = tpu.memref_slice %arg6[%dma_wait3A_1475] : memref<6400xi32, #tpu.memory_space<vmem>> -> memref<128xi32, #tpu.memory_space<vmem>>
    %dma_wait3A_1477 = arith.constant 0 : i32
    %dma_wait3A_1478 = arith.constant 0 : i32
    %dma_wait3A_1479 = tpu.memref_slice %arg3[%dma_wait3A_1477, %dma_wait3A_1478] : memref<1000000x64xf32, #tpu.memory_space<hbm>> -> memref<1000000x64xf32, #tpu.memory_space<hbm>>
    tpu.wait_indirect_dma semaphore(%arg10 : memref<!tpu.dma_semaphore, #tpu.memory_space<semaphore_mem>>) src(%dma_wait3A_1479 : memref<1000000x64xf32, #tpu.memory_space<hbm>>) dst(%dma_wait3A_1474 : memref<128x64xf32, #tpu.memory_space<vmem>>)
    %dma_wait3A_1480 = arith.constant 128 : i32
    %dma_wait3A_1481 = arith.constant 0 : i32
    %dma_wait3A_1482 = tpu.memref_slice %arg8[%dma_wait3A_1480, %dma_wait3A_1481] : memref<200x64xf32, #tpu.memory_space<vmem>> -> memref<72x64xf32, #tpu.memory_space<vmem>>
    %dma_wait3A_1483 = arith.constant 6128 : i32
    %dma_wait3A_1484 = tpu.memref_slice %arg6[%dma_wait3A_1483] : memref<6400xi32, #tpu.memory_space<vmem>> -> memref<72xi32, #tpu.memory_space<vmem>>
    %dma_wait3A_1485 = arith.constant 0 : i32
    %dma_wait3A_1486 = arith.constant 0 : i32
    %dma_wait3A_1487 = tpu.memref_slice %arg3[%dma_wait3A_1485, %dma_wait3A_1486] : memref<1000000x64xf32, #tpu.memory_space<hbm>> -> memref<1000000x64xf32, #tpu.memory_space<hbm>>
    tpu.wait_indirect_dma semaphore(%arg10 : memref<!tpu.dma_semaphore, #tpu.memory_space<semaphore_mem>>) src(%dma_wait3A_1487 : memref<1000000x64xf32, #tpu.memory_space<hbm>>) dst(%dma_wait3A_1482 : memref<72x64xf32, #tpu.memory_space<vmem>>)
    %scan3A_1488 = arith.constant 0 : i32
    %scan3A_1489 = arith.constant 0 : i32
    %scan3A_1490 = arith.constant 200 : i32
    %scan3A_1491 = arith.addi %scan3A_1489, %scan3A_1490 : i32
    %scan3A_1492 = arith.constant 1 : i32
    scf.for %scan3A_1536 = %scan3A_1489 to %scan3A_1491 step %scan3A_1492  : i32 {
      %get3A = arith.index_cast %scan3A_1536 : i32 to index
      %get3A_1537 = arith.constant 0 : index
      %get3A_1538 = tpu.vector_load %arg7[%get3A, %get3A_1537] {strides = array<i32>} : memref<200x64xf32, #tpu.memory_space<vmem>>, vector<1x16xf32>,
      %get3A_1539 = vector.shape_cast %get3A_1538 : vector<1x16xf32> to vector<16xf32>
      %swap3A = arith.index_cast %scan3A_1536 : i32 to index
      %swap3A_1540 = arith.constant 0 : index
      %swap3A_1541 = tpu.vector_load %arg8[%swap3A, %swap3A_1540] {strides = array<i32>} : memref<200x64xf32, #tpu.memory_space<vmem>>, vector<1x16xf32>,
      %swap3A_1542 = vector.shape_cast %swap3A_1541 : vector<1x16xf32> to vector<16xf32>
      %swap3A_1543 = vector.shape_cast %get3A_1539 : vector<16xf32> to vector<1x16xf32>
      tpu.vector_store %arg8[%swap3A, %swap3A_1540], %swap3A_1543 {add = true, strides = array<i32>} : memref<200x64xf32, #tpu.memory_space<vmem>>, vector<1x16xf32>,
      %get3A_1544 = arith.index_cast %scan3A_1536 : i32 to index
      %get3A_1545 = arith.constant 16 : index
      %get3A_1546 = tpu.vector_load %arg7[%get3A_1544, %get3A_1545] {strides = array<i32>} : memref<200x64xf32, #tpu.memory_space<vmem>>, vector<1x16xf32>,
      %get3A_1547 = vector.shape_cast %get3A_1546 : vector<1x16xf32> to vector<16xf32>
      %swap3A_1548 = arith.index_cast %scan3A_1536 : i32 to index
      %swap3A_1549 = arith.constant 16 : index
      %swap3A_1550 = tpu.vector_load %arg8[%swap3A_1548, %swap3A_1549] {strides = array<i32>} : memref<200x64xf32, #tpu.memory_space<vmem>>, vector<1x16xf32>,
      %swap3A_1551 = vector.shape_cast %swap3A_1550 : vector<1x16xf32> to vector<16xf32>
      %swap3A_1552 = vector.shape_cast %get3A_1547 : vector<16xf32> to vector<1x16xf32>
      tpu.vector_store %arg8[%swap3A_1548, %swap3A_1549], %swap3A_1552 {add = true, strides = array<i32>} : memref<200x64xf32, #tpu.memory_space<vmem>>, vector<1x16xf32>,
      %get3A_1553 = arith.index_cast %scan3A_1536 : i32 to index
      %get3A_1554 = arith.constant 32 : index
      %get3A_1555 = tpu.vector_load %arg7[%get3A_1553, %get3A_1554] {strides = array<i32>} : memref<200x64xf32, #tpu.memory_space<vmem>>, vector<1x16xf32>,
      %get3A_1556 = vector.shape_cast %get3A_1555 : vector<1x16xf32> to vector<16xf32>
      %swap3A_1557 = arith.index_cast %scan3A_1536 : i32 to index
      %swap3A_1558 = arith.constant 32 : index
      %swap3A_1559 = tpu.vector_load %arg8[%swap3A_1557, %swap3A_1558] {strides = array<i32>} : memref<200x64xf32, #tpu.memory_space<vmem>>, vector<1x16xf32>,
      %swap3A_1560 = vector.shape_cast %swap3A_1559 : vector<1x16xf32> to vector<16xf32>
      %swap3A_1561 = vector.shape_cast %get3A_1556 : vector<16xf32> to vector<1x16xf32>
      tpu.vector_store %arg8[%swap3A_1557, %swap3A_1558], %swap3A_1561 {add = true, strides = array<i32>} : memref<200x64xf32, #tpu.memory_space<vmem>>, vector<1x16xf32>,
      %get3A_1562 = arith.index_cast %scan3A_1536 : i32 to index
      %get3A_1563 = arith.constant 48 : index
      %get3A_1564 = tpu.vector_load %arg7[%get3A_1562, %get3A_1563] {strides = array<i32>} : memref<200x64xf32, #tpu.memory_space<vmem>>, vector<1x16xf32>,
      %get3A_1565 = vector.shape_cast %get3A_1564 : vector<1x16xf32> to vector<16xf32>
      %swap3A_1566 = arith.index_cast %scan3A_1536 : i32 to index
      %swap3A_1567 = arith.constant 48 : index
      %swap3A_1568 = tpu.vector_load %arg8[%swap3A_1566, %swap3A_1567] {strides = array<i32>} : memref<200x64xf32, #tpu.memory_space<vmem>>, vector<1x16xf32>,
      %swap3A_1569 = vector.shape_cast %swap3A_1568 : vector<1x16xf32> to vector<16xf32>
      %swap3A_1570 = vector.shape_cast %get3A_1565 : vector<16xf32> to vector<1x16xf32>
      tpu.vector_store %arg8[%swap3A_1566, %swap3A_1567], %swap3A_1570 {add = true, strides = array<i32>} : memref<200x64xf32, #tpu.memory_space<vmem>>, vector<1x16xf32>,
    }
    %scan3A_1493 = arith.constant 200 : i32
    %add3A_1494 = arith.constant 6000 : i32
    %add3A_1495 = arith.addi %mul3A_2, %add3A_1494 : i32
    %dma_start3A_1496 = arith.constant 0 : i32
    %dma_start3A_1497 = tpu.memref_slice %arg5[%add3A_1495, %dma_start3A_1496] : memref<204800x64xf32, #tpu.memory_space<hbm>> -> memref<200x64xf32, #tpu.memory_space<hbm>>
    %dma_start3A_1498 = arith.constant 0 : i32
    %dma_start3A_1499 = tpu.memref_slice %arg5[%add3A_1495, %dma_start3A_1498] : memref<204800x64xf32, #tpu.memory_space<hbm>> -> memref<200x64xf32, #tpu.memory_space<hbm>>
    tpu.enqueue_dma source(%arg8 : memref<200x64xf32, #tpu.memory_space<vmem>>) target(%dma_start3A_1499 : memref<200x64xf32, #tpu.memory_space<hbm>>) target_semaphore(%arg12 : memref<!tpu.dma_semaphore, #tpu.memory_space<semaphore_mem>>)
    %dma_wait3A_1500 = arith.constant 0 : i32
    %dma_wait3A_1501 = arith.constant 0 : i32
    %dma_wait3A_1502 = tpu.memref_slice %arg9[%dma_wait3A_1500, %dma_wait3A_1501] : memref<200x64xf32, #tpu.memory_space<vmem>> -> memref<128x64xf32, #tpu.memory_space<vmem>>
    %dma_wait3A_1503 = arith.constant 6200 : i32
    %dma_wait3A_1504 = tpu.memref_slice %arg6[%dma_wait3A_1503] : memref<6400xi32, #tpu.memory_space<vmem>> -> memref<128xi32, #tpu.memory_space<vmem>>
    %dma_wait3A_1505 = arith.constant 0 : i32
    %dma_wait3A_1506 = arith.constant 0 : i32
    %dma_wait3A_1507 = tpu.memref_slice %arg3[%dma_wait3A_1505, %dma_wait3A_1506] : memref<1000000x64xf32, #tpu.memory_space<hbm>> -> memref<1000000x64xf32, #tpu.memory_space<hbm>>
    tpu.wait_indirect_dma semaphore(%arg11 : memref<!tpu.dma_semaphore, #tpu.memory_space<semaphore_mem>>) src(%dma_wait3A_1507 : memref<1000000x64xf32, #tpu.memory_space<hbm>>) dst(%dma_wait3A_1502 : memref<128x64xf32, #tpu.memory_space<vmem>>)
    %dma_wait3A_1508 = arith.constant 128 : i32
    %dma_wait3A_1509 = arith.constant 0 : i32
    %dma_wait3A_1510 = tpu.memref_slice %arg9[%dma_wait3A_1508, %dma_wait3A_1509] : memref<200x64xf32, #tpu.memory_space<vmem>> -> memref<72x64xf32, #tpu.memory_space<vmem>>
    %dma_wait3A_1511 = arith.constant 6328 : i32
    %dma_wait3A_1512 = tpu.memref_slice %arg6[%dma_wait3A_1511] : memref<6400xi32, #tpu.memory_space<vmem>> -> memref<72xi32, #tpu.memory_space<vmem>>
    %dma_wait3A_1513 = arith.constant 0 : i32
    %dma_wait3A_1514 = arith.constant 0 : i32
    %dma_wait3A_1515 = tpu.memref_slice %arg3[%dma_wait3A_1513, %dma_wait3A_1514] : memref<1000000x64xf32, #tpu.memory_space<hbm>> -> memref<1000000x64xf32, #tpu.memory_space<hbm>>
    tpu.wait_indirect_dma semaphore(%arg11 : memref<!tpu.dma_semaphore, #tpu.memory_space<semaphore_mem>>) src(%dma_wait3A_1515 : memref<1000000x64xf32, #tpu.memory_space<hbm>>) dst(%dma_wait3A_1510 : memref<72x64xf32, #tpu.memory_space<vmem>>)
    %scan3A_1516 = arith.constant 0 : i32
    %scan3A_1517 = arith.constant 0 : i32
    %scan3A_1518 = arith.constant 200 : i32
    %scan3A_1519 = arith.addi %scan3A_1517, %scan3A_1518 : i32
    %scan3A_1520 = arith.constant 1 : i32
    scf.for %scan3A_1536 = %scan3A_1517 to %scan3A_1519 step %scan3A_1520  : i32 {
      %get3A = arith.index_cast %scan3A_1536 : i32 to index
      %get3A_1537 = arith.constant 0 : index
      %get3A_1538 = tpu.vector_load %arg7[%get3A, %get3A_1537] {strides = array<i32>} : memref<200x64xf32, #tpu.memory_space<vmem>>, vector<1x16xf32>,
      %get3A_1539 = vector.shape_cast %get3A_1538 : vector<1x16xf32> to vector<16xf32>
      %swap3A = arith.index_cast %scan3A_1536 : i32 to index
      %swap3A_1540 = arith.constant 0 : index
      %swap3A_1541 = tpu.vector_load %arg9[%swap3A, %swap3A_1540] {strides = array<i32>} : memref<200x64xf32, #tpu.memory_space<vmem>>, vector<1x16xf32>,
      %swap3A_1542 = vector.shape_cast %swap3A_1541 : vector<1x16xf32> to vector<16xf32>
      %swap3A_1543 = vector.shape_cast %get3A_1539 : vector<16xf32> to vector<1x16xf32>
      tpu.vector_store %arg9[%swap3A, %swap3A_1540], %swap3A_1543 {add = true, strides = array<i32>} : memref<200x64xf32, #tpu.memory_space<vmem>>, vector<1x16xf32>,
      %get3A_1544 = arith.index_cast %scan3A_1536 : i32 to index
      %get3A_1545 = arith.constant 16 : index
      %get3A_1546 = tpu.vector_load %arg7[%get3A_1544, %get3A_1545] {strides = array<i32>} : memref<200x64xf32, #tpu.memory_space<vmem>>, vector<1x16xf32>,
      %get3A_1547 = vector.shape_cast %get3A_1546 : vector<1x16xf32> to vector<16xf32>
      %swap3A_1548 = arith.index_cast %scan3A_1536 : i32 to index
      %swap3A_1549 = arith.constant 16 : index
      %swap3A_1550 = tpu.vector_load %arg9[%swap3A_1548, %swap3A_1549] {strides = array<i32>} : memref<200x64xf32, #tpu.memory_space<vmem>>, vector<1x16xf32>,
      %swap3A_1551 = vector.shape_cast %swap3A_1550 : vector<1x16xf32> to vector<16xf32>
      %swap3A_1552 = vector.shape_cast %get3A_1547 : vector<16xf32> to vector<1x16xf32>
      tpu.vector_store %arg9[%swap3A_1548, %swap3A_1549], %swap3A_1552 {add = true, strides = array<i32>} : memref<200x64xf32, #tpu.memory_space<vmem>>, vector<1x16xf32>,
      %get3A_1553 = arith.index_cast %scan3A_1536 : i32 to index
      %get3A_1554 = arith.constant 32 : index
      %get3A_1555 = tpu.vector_load %arg7[%get3A_1553, %get3A_1554] {strides = array<i32>} : memref<200x64xf32, #tpu.memory_space<vmem>>, vector<1x16xf32>,
      %get3A_1556 = vector.shape_cast %get3A_1555 : vector<1x16xf32> to vector<16xf32>
      %swap3A_1557 = arith.index_cast %scan3A_1536 : i32 to index
      %swap3A_1558 = arith.constant 32 : index
      %swap3A_1559 = tpu.vector_load %arg9[%swap3A_1557, %swap3A_1558] {strides = array<i32>} : memref<200x64xf32, #tpu.memory_space<vmem>>, vector<1x16xf32>,
      %swap3A_1560 = vector.shape_cast %swap3A_1559 : vector<1x16xf32> to vector<16xf32>
      %swap3A_1561 = vector.shape_cast %get3A_1556 : vector<16xf32> to vector<1x16xf32>
      tpu.vector_store %arg9[%swap3A_1557, %swap3A_1558], %swap3A_1561 {add = true, strides = array<i32>} : memref<200x64xf32, #tpu.memory_space<vmem>>, vector<1x16xf32>,
      %get3A_1562 = arith.index_cast %scan3A_1536 : i32 to index
      %get3A_1563 = arith.constant 48 : index
      %get3A_1564 = tpu.vector_load %arg7[%get3A_1562, %get3A_1563] {strides = array<i32>} : memref<200x64xf32, #tpu.memory_space<vmem>>, vector<1x16xf32>,
      %get3A_1565 = vector.shape_cast %get3A_1564 : vector<1x16xf32> to vector<16xf32>
      %swap3A_1566 = arith.index_cast %scan3A_1536 : i32 to index
      %swap3A_1567 = arith.constant 48 : index
      %swap3A_1568 = tpu.vector_load %arg9[%swap3A_1566, %swap3A_1567] {strides = array<i32>} : memref<200x64xf32, #tpu.memory_space<vmem>>, vector<1x16xf32>,
      %swap3A_1569 = vector.shape_cast %swap3A_1568 : vector<1x16xf32> to vector<16xf32>
      %swap3A_1570 = vector.shape_cast %get3A_1565 : vector<16xf32> to vector<1x16xf32>
      tpu.vector_store %arg9[%swap3A_1566, %swap3A_1567], %swap3A_1570 {add = true, strides = array<i32>} : memref<200x64xf32, #tpu.memory_space<vmem>>, vector<1x16xf32>,
    }
    %scan3A_1521 = arith.constant 200 : i32
    %add3A_1522 = arith.constant 6200 : i32
    %add3A_1523 = arith.addi %mul3A_2, %add3A_1522 : i32
    %dma_start3A_1524 = arith.constant 0 : i32
    %dma_start3A_1525 = tpu.memref_slice %arg5[%add3A_1523, %dma_start3A_1524] : memref<204800x64xf32, #tpu.memory_space<hbm>> -> memref<200x64xf32, #tpu.memory_space<hbm>>
    %dma_start3A_1526 = arith.constant 0 : i32
    %dma_start3A_1527 = tpu.memref_slice %arg5[%add3A_1523, %dma_start3A_1526] : memref<204800x64xf32, #tpu.memory_space<hbm>> -> memref<200x64xf32, #tpu.memory_space<hbm>>
    tpu.enqueue_dma source(%arg9 : memref<200x64xf32, #tpu.memory_space<vmem>>) target(%dma_start3A_1527 : memref<200x64xf32, #tpu.memory_space<hbm>>) target_semaphore(%arg13 : memref<!tpu.dma_semaphore, #tpu.memory_space<semaphore_mem>>)
    %dma_wait3A_1528 = arith.constant 0 : i32
    %dma_wait3A_1529 = tpu.memref_slice %arg5[%add3A_1495, %dma_wait3A_1528] : memref<204800x64xf32, #tpu.memory_space<hbm>> -> memref<200x64xf32, #tpu.memory_space<hbm>>
    %dma_wait3A_1530 = arith.constant 0 : i32
    %dma_wait3A_1531 = tpu.memref_slice %arg5[%add3A_1495, %dma_wait3A_1530] : memref<204800x64xf32, #tpu.memory_space<hbm>> -> memref<200x64xf32, #tpu.memory_space<hbm>>
    tpu.wait_dma2 semaphore(%arg12 : memref<!tpu.dma_semaphore, #tpu.memory_space<semaphore_mem>>) src(%arg8 : memref<200x64xf32, #tpu.memory_space<vmem>>) dst(%dma_wait3A_1531 : memref<200x64xf32, #tpu.memory_space<hbm>>)
    %dma_wait3A_1532 = arith.constant 0 : i32
    %dma_wait3A_1533 = tpu.memref_slice %arg5[%add3A_1523, %dma_wait3A_1532] : memref<204800x64xf32, #tpu.memory_space<hbm>> -> memref<200x64xf32, #tpu.memory_space<hbm>>
    %dma_wait3A_1534 = arith.constant 0 : i32
    %dma_wait3A_1535 = tpu.memref_slice %arg5[%add3A_1523, %dma_wait3A_1534] : memref<204800x64xf32, #tpu.memory_space<hbm>> -> memref<200x64xf32, #tpu.memory_space<hbm>>
    tpu.wait_dma2 semaphore(%arg13 : memref<!tpu.dma_semaphore, #tpu.memory_space<semaphore_mem>>) src(%arg9 : memref<200x64xf32, #tpu.memory_space<vmem>>) dst(%dma_wait3A_1535 : memref<200x64xf32, #tpu.memory_space<hbm>>)
    return
  }
}

</mosaic_0001>

<sc_bundles>
// kernel: kernel.3.cloned.1.call-start
scs
__scs_entry_jumppad:
0x0: {  	(pc) =	sbr.rel $0x88, $3  }
0x1: {  	(tag) =	ssettag $0x0;
	lr =	simm.s32 $0x1  }
0x2: {  	[smem:$0x3F9E] =	sst lr;
	_ =	strace $0xD0000000  }
0x3: {  	_ = 	snop  }
0x4: {  	_ = 	snop  }
0x5: {  	_ = 	snop  }
0x6: {  	_ = 	snop  }
0x7: {  	_ = 	snop  }
__scs_overlays_trampoline_lowered:
0x8: {  	[smem:$0x3FAD] =	sst s0  }
0x9: {  	[smem:$0x3FAE] =	sst s1  }
0xa: {  	[smem:$0x3FAF] =	sst s2  }
0xb: {  	[smem:$0x3FB0] =	sst s3  }
0xc: {  	[smem:$0x3FB1] =	sst s4  }
0xd: {  	[smem:$0x3FB2] =	sst s5  }
0xe: {  	[smem:$0x3FB3] =	sst s6  }
0xf: {  	[smem:$0x3FB4] =	sst s7  }
0x10: {  	[smem:$0x3FB5] =	sst s8  }
0x11: {  	[smem:$0x3FB6] =	sst s9;
	s0 =	simm.s32 @!p0 $0x0  }
0x12: {  	s1 =	sld [smem:$0x3F9C];
	s0 =	simm.s32 @p0 $0x1  }
0x13: {  	[smem:$0x3FB7] =	sst s0;
	s0 =	simm.s32 @!p1 $0x0  }
0x14: {  	s2 =	sld [smem:$0x3F9B];
	s0 =	simm.s32 @p1 $0x1  }
0x15: {  	[smem:$0x3FB8] =	sst s0;
	s0 =	simm.s32 @!p2 $0x0  }
0x16: {  	s3 =	sld [smem:$0x3FDB];
	s0 =	simm.s32 @p2 $0x1  }
0x17: {  	s4 =	simm.s32 $0x1BF5;
	[smem:$0x3FBA] =	sst s0  }
0x18: {  	s0 =	sld [smem:$0x3F9D];
	_ =	swait.ge [sflag:s4], $0x0  }
0x19: {  	s7 =	sld [smem:$0x3F9E]  }
0x1a: {  	s8 =	sadd.s32 $0xFFFFE003, lr  }
0x1b: {  	s9 =	sadd.s32 $0xFFFFFEF7, lr;
	s5 =	simm.s32 $0xFFFFFFFF;
	p2 =	slt.u32 s8, $0xFFFFF086  }
0x1c: {  	p1 =	slt.u32 s9, $0xF7A;
	s5 =	simm.s32 @!p2 $0x0  }
0x1d: {  	s5 =	simm.s32 @p1 $0x1;
	p0 =	seq.s32 s7, s2  }
0x1e: {  	s7 =	smul.u32 @!p0 $0xF7A, s2;
	p2 =	seq.s32 @!p0 s5, $0x0  }
0x1f: {  	s9 =	smul.u32 $0xF7A, s1;
	s8 =	simm.s32 @!p0 $0x1BF5;
	p2 =	por !p2, p0  }
0x20: {  	[sflag:s8] =	ssyncset.s32 @!p0 $0xFFFFF086;
	s6 =	sadd.s32 @!p0 s3, s7;
	s7 =	simm.s32 @!p0 $0x108  }
0x21: {  	s3 =	sadd.s32 s3, s9;
	s6 =	sadd.s32 @!p0 $0x88, s6;
	s7 =	simm.s32 @p2 $0x1082  }
0x22: {  	[simem:s7], [sflag:s8] =	dma.local @!p0 [hbm:s6], $0xF7A  }
0x23: {  	s9 =	sor.u32 $0xD0000000, s2;
	s6 =	simm.s32 $0x108;
	_ =	swait.ge @!p0 [sflag:s8], $0x0  }
0x24: {  	s3 =	sadd.s32 $0x88, s3;
	s6 =	simm.s32 @!p1 $0x1082;
	[sflag:s4] =	ssyncset.s32 $0xFFFFF086  }
0x25: {  	[simem:s6], [sflag:s4] =	dma.local [hbm:s3], $0xF7A  }
0x26: {  	[smem:$0x3F9E] =	sst s1;
	(tag) =	ssettag s2;
	_ =	strace s9  }
0x27: {  	s1 =	sld [smem:$0x3FAE]  }
0x28: {  	s2 =	sld [smem:$0x3FAF]  }
0x29: {  	s4 =	sld [smem:$0x3FB1]  }
0x2a: {  	p0 =	seq.s32 s5, $0x0;
	s5 =	sld [smem:$0x3FB2]  }
0x2b: {  	s6 =	sld [smem:$0x3FB3]  }
0x2c: {  	s7 =	sld [smem:$0x3FB4]  }
0x2d: {  	s3 =	simm.s32 $0x108;
	s8 =	sld [smem:$0x3FB5]  }
0x2e: {  	s3 =	simm.s32 @!p0 $0x1082;
	s9 =	sld [smem:$0x3FB6]  }
0x2f: {  	lr =	sadd.s32 s0, s3;
	s0 =	sld [smem:$0x3FAD]  }
0x30: {  	s3 =	sld [smem:$0x3FB0]  }
0x31: {  	[smem:$0x3FB9] =	sst s10  }
0x32: {  	s10 =	sld [smem:$0x3FB7];
	_ =	sdelay $0x3  }
0x33: {  	p0 =	seq.s32 s10, $0x1;
	s10 =	sld [smem:$0x3FB9];
	_ =	sdelay $0x3  }
0x34: {  	[smem:$0x3FB9] =	sst s10  }
0x35: {  	s10 =	sld [smem:$0x3FB8];
	_ =	sdelay $0x3  }
0x36: {  	p1 =	seq.s32 s10, $0x1;
	s10 =	sld [smem:$0x3FB9];
	_ =	sdelay $0x3  }
0x37: {  	[smem:$0x3FB9] =	sst s10  }
0x38: {  	s10 =	sld [smem:$0x3FBA]  }
0x39: {  	_ = 	snop;
	(pc) =	sbr.ind lr, $3  }
0x3a: {  	_ = 	snop  }
0x3b: {  	_ = 	snop  }
0x3c: {  	p2 =	seq.s32 s10, $0x1;
	s10 =	sld [smem:$0x3FB9]  }
0x3d: {  	_ =	shalt  }
0x3e: {  	_ =	shalt  }
0x3f: {  	_ =	shalt  }
0x40: {  	_ =	shalt  }
0x41: {  	_ =	shalt  }
0x42: {  	_ =	shalt  }
0x43: {  	_ =	shalt  }
0x44: {  	_ =	shalt  }
0x45: {  	_ =	shalt  }
0x46: {  	_ =	shalt  }
0x47: {  	_ =	shalt  }
0x48: {  	_ =	shalt  }
0x49: {  	_ =	shalt  }
0x4a: {  	_ =	shalt  }
0x4b: {  	_ =	shalt  }
0x4c: {  	_ =	shalt  }
0x4d: {  	_ =	shalt  }
0x4e: {  	_ =	shalt  }
0x4f: {  	_ =	shalt  }
0x50: {  	_ =	shalt  }
0x51: {  	_ =	shalt  }
0x52: {  	_ =	shalt  }
0x53: {  	_ =	shalt  }
0x54: {  	_ =	shalt  }
0x55: {  	_ =	shalt  }
0x56: {  	_ =	shalt  }
0x57: {  	_ =	shalt  }
0x58: {  	_ =	shalt  }
0x59: {  	_ =	shalt  }
0x5a: {  	_ =	shalt  }
0x5b: {  	_ =	shalt  }
0x5c: {  	_ =	shalt  }
0x5d: {  	_ =	shalt  }
0x5e: {  	_ =	shalt  }
0x5f: {  	_ =	shalt  }
0x60: {  	_ =	shalt  }
0x61: {  	_ =	shalt  }
0x62: {  	_ =	shalt  }
0x63: {  	_ =	shalt  }
0x64: {  	_ =	shalt  }
0x65: {  	_ =	shalt  }
0x66: {  	_ =	shalt  }
0x67: {  	_ =	shalt  }
0x68: {  	_ =	shalt  }
0x69: {  	_ =	shalt  }
0x6a: {  	_ =	shalt  }
0x6b: {  	_ =	shalt  }
0x6c: {  	_ =	shalt  }
0x6d: {  	_ =	shalt  }
0x6e: {  	_ =	shalt  }
0x6f: {  	_ =	shalt  }
0x70: {  	_ =	shalt  }
0x71: {  	_ =	shalt  }
0x72: {  	_ =	shalt  }
0x73: {  	_ =	shalt  }
0x74: {  	_ =	shalt  }
0x75: {  	_ =	shalt  }
0x76: {  	_ =	shalt  }
0x77: {  	_ =	shalt  }
0x78: {  	_ =	shalt  }
0x79: {  	_ =	shalt  }
0x7a: {  	_ =	shalt  }
0x7b: {  	_ =	shalt  }
0x7c: {  	_ =	shalt  }
0x7d: {  	_ =	shalt  }
0x7e: {  	_ =	shalt  }
0x7f: {  	_ =	shalt  }
0x80: {  	_ =	shalt  }
0x81: {  	_ =	shalt  }
0x82: {  	_ =	shalt  }
0x83: {  	_ =	shalt  }
0x84: {  	_ =	shalt  }
0x85: {  	_ =	shalt  }
0x86: {  	_ =	shalt  }
0x87: {  	_ =	shalt  }
.Lfunc_end0:
.L_simem_size_0:
called_computation.1_lowered:
.L_overlay_start_0:
0x88: {  	s2 =	sld [smem:$0x3FD9]  }
0x89: {  	s3 =	sld [smem:$0x3FFE];
	_ =	sdelay $0x1  }
0x8a: {  	s1 =	srdreg.scid  }
0x8b: {  	s0 =	sand.u32 $0x1, s1  }
0x8c: {  	s17 =	sshll.u32 s0, $0xA;
	s2 =	sadd.s32 s3, s2  }
0x8d: {  	s2 =	sadd.s32 s2, s17  }
0x8e: {  	[smem:$0x3FC5] =	sst s2  }
0x8f: {  	_ = 	snop  }
0x90: {  	s2 =	sld [smem:$0x3FD0];
	(tm) =	ssettm $0x1  }
0x91: {  	s18 =	sld [smem:$0x3FFB];
	_ =	sdelay $0x3  }
0x92: {  	_ =	strace s18  }
0x93: {  	s3 =	sld [smem:$0x3FFC];
	_ =	sdelay $0x3  }
0x94: {  	_ =	strace s3  }
0x95: {  	s3 =	sld [smem:$0x3FFD];
	_ =	sdelay $0x3  }
0x96: {  	_ =	strace s3  }
0x97: {  	_ =	strace $0x8FFFFFFF  }
0x98: {  	s19 =	sld [smem:$0x3FDB];
	_ =	sdelay $0x1  }
0x99: {  	s4 =	simm.s32 $_scs_section_size  }
0x9a: {  	s5 =	simm.s32 $_size__tile_overlayer_lowered;
	s6 =	simm.s32 $_tile_overlayer_lowered  }
0x9b: {  	s22 =	simm.s32 $0x1BFF;
	s21 =	sshll.u32 s6, $0x1;
	s3 =	sadd.s32 s4, s19  }
0x9c: {  	s7 =	simm.s32 $0x0;
	s20 =	sshll.u32 s5, $0x1;
	s5 =	sadd.s32 s21, s3  }
0x9d: {  	[timem:s7], [sflag:s22] =	dma.local [hbm:s5], s20  }
0x9e: {  	_ =	swait.ge [sflag:s22], s20  }
0x9f: {  	s4 =	ssub.s32 $0x0, s20;
	[sflag:s22] =	ssyncset.done $0x0  }
0xa0: {  	[sflag:s22] =	ssyncadd.s32 s4;
	_ =	sdelay $0x1  }
0xa1: {  	s23 =	simm.s32 $0x1B8B  }
0xa2: {  	_ =	swait.ge [sflag:s23], $0x1  }
0xa3: {  	[sflag:s23] =	ssyncset.done $0x0  }
0xa4: {  	s25 =	simm.s32 $0x1B8E;
	s24 =	sld [smem:$0x3FFE];
	[sflag:s23] =	ssyncadd.s32 $0xFFFFFFFF  }
0xa5: {  	s26 =	simm.s32 $execute0_lowered;
	[smem:$0x3FD2] =	sst s25  }
0xa6: {  	s5 =	sshll.u32 s26, $0x1;
	_ =	strace $0x80000046;
	[dreg:$0x1] =	wrdreg $0xFFFFFFFF  }
0xa7: {  	s28 =	simm.s32 $_size_execute0_lowered;
	s3 =	sadd.s32 s3, s5;
	[dreg:$0x0] =	wrdreg $0x0  }
0xa8: {  	s5 =	sshll.u32 s28, $0x1;
	[dreg:$0x2] =	wrdreg s3  }
0xa9: {  	[dreg:$0x3] =	wrdreg s5  }
0xaa: {  	[dreg:$0x4] =	wrdreg $0xC0  }
0xab: {  	_ =	task [dreg:s7], $0x5FFFF  }
0xac: {  	[dreg:$0x1] =	wrdreg $0xFFFFFFFF  }
0xad: {  	[dreg:$0x0] =	wrdreg $0x60  }
0xae: {  	[dreg:$0x2] =	wrdreg s24  }
0xaf: {  	[dreg:$0x3] =	wrdreg s2  }
0xb0: {  	[dreg:$0x4] =	wrdreg $0x9  }
0xb1: {  	_ =	task.clear_ibuf [dreg:s7], $0x5FFFF;
	_ =	strace $0x90000046  }
0xb2: {  	s29 =	simm.s32 $0x9;
	_ =	strace $0x80000048  }
0xb3: {  	_ =	swait.ge [sflag:s29], $0x1  }
0xb4: {  	[sflag:s29] =	ssyncadd.s32 $0xFFFFFFFF  }
0xb5: {  	_ =	strace $0x90000048  }
0xb6: {  	_ =	sfence  }
0xb7: {  	s30 =	sld [smem:$0x0];
	_ =	sdelay $0x2  }
0xb8: {  	s31 =	sshll.u32 s1, $0xD;
	s1 =	sshrl.u32 s1, $0x2  }
0xb9: {  	s3 =	sand.u32 $0x4000, s31;
	s1 =	sadd.s32 s1, s30  }
0xba: {  	s0 =	sor.u32 s3, s0;
	s1 =	sshll.u32 s1, $0x11  }
0xbb: {  	s0 =	sor.u32 s1, s0  }
0xbc: {  	s0 =	sadd.s32 $0x8F2B, s0  }
0xbd: {  	[sflag:s0] =	ssyncadd.remote.s32 $0x1  }
0xbe: {  	_ =	sfence.sel $0xFFFF  }
0xbf: {  	[dreg:$0x0] =	wrdreg $0xFFFFFFFF;
	(pc) =	sbr.abs _section_cstart, $3  }
0xc0: {  	[dreg:$0x1] =	wrdreg $0xFFFFFFFF  }
0xc1: {  	_ =	task.clear_ibuf [dreg:s7], $0x2FFFF;
	_ =	strace $0x9FFFFFFF  }
0xc2: {  	(tm) =	ssettm $0x7FFFFFFF  }
0xc3: {  	_ =	shalt  }
tec
execute0_lowered:
.L_overlay_start_1:
0x0: {  	(tag) =	ssettag $0x1  }
0x1: {  	s0 =	srdreg.scid;
	s2 =	stileid.u32  }
0x2: {  	s0 =	sand.u32 $0x1, s0;
	s2 =	sshll.u32 s2, $0x1  }
0x3: {  	s1 =	rddreg [dreg:$0x0];
	s5 =	sor.u32 s0, s2  }
0x4: {  	s4 =	rddreg [dreg:$0x1];
	s2 =	simm.s32 $0x0;
	s3 =	smul.u32 $0x320, s5  }
0x5: {  	[smem:$0x7FF] =	sst s2;
	s7 =	smul.u32 $0x64000, s5  }
0x6: {  	s5 =	smul.u32 $0xC800, s5;
	_ =	strace $0x80000047;
	s6 =	sadd.s32 s3, s1  }
0x7: {  	s3 =	sadd.s32 $0xF43000, s1;
	s1 =	sadd.s32 $0x7000, s1;
	s7 =	sshrl.u32 s7, $0x3  }
0x8: {  	[dreg:$0x3] =	wrdreg s1;
	s1 =	sadd.s32 $0xC00, s6;
	s8 =	sadd.s32 s4, s7  }
0x9: {  	s6 =	sadd.s32 s4, s5;
	[dreg:$0x4] =	wrdreg s1;
	s5 =	sadd.s32 $0xC80, s8  }
0xa: {  	s7 =	sadd.s32 $0x12C0, s8;
	[dreg:$0x5] =	wrdreg s5  }
0xb: {  	s10 =	sadd.s32 $0x1900, s8;
	[dreg:$0x6] =	wrdreg s7  }
0xc: {  	s11 =	sadd.s32 $0x1F40, s8;
	[dreg:$0x7] =	wrdreg s10  }
0xd: {  	s12 =	sadd.s32 $0x2580, s8;
	[dreg:$0x8] =	wrdreg s11  }
0xe: {  	s13 =	sadd.s32 $0x2BC0, s8;
	[dreg:$0x9] =	wrdreg s12  }
0xf: {  	s14 =	sadd.s32 $0x3200, s8;
	[dreg:$0xa] =	wrdreg s13  }
0x10: {  	s15 =	sadd.s32 $0x3840, s8;
	[dreg:$0xb] =	wrdreg s14  }
0x11: {  	s0 =	ssub.s32 $0x2, s0;
	s16 =	sadd.s32 $0x3E80, s8;
	[dreg:$0xc] =	wrdreg s15  }
0x12: {  	s26 =	sshrl.u32 s0, $0x1;
	s17 =	sadd.s32 $0x44C0, s8;
	[dreg:$0xd] =	wrdreg s16  }
0x13: {  	s9 =	ssub.s32 s0, s26;
	s18 =	sadd.s32 $0x4B00, s8;
	[dreg:$0xe] =	wrdreg s17  }
0x14: {  	s9 =	smax.u32 s9, $0x1;
	s19 =	sadd.s32 $0x5140, s8;
	[dreg:$0xf] =	wrdreg s18  }
0x15: {  	s20 =	sadd.s32 $0x5780, s8;
	s21 =	sadd.s32 $0x5DC0, s8;
	[dreg:$0x10] =	wrdreg s19  }
0x16: {  	s22 =	sadd.s32 $0x6400, s8;
	s23 =	sadd.s32 $0x6A40, s8;
	[dreg:$0x11] =	wrdreg s20  }
0x17: {  	s24 =	sadd.s32 $0x7080, s8;
	s25 =	sadd.s32 $0x76C0, s8;
	[dreg:$0x12] =	wrdreg s21  }
0x18: {  	s26 =	sadd.s32 $0x7D00, s8;
	s28 =	sadd.s32 $0x8980, s8;
	[dreg:$0x13] =	wrdreg s22  }
0x19: {  	s29 =	sadd.s32 $0x8FC0, s8;
	s30 =	sadd.s32 $0x9600, s8;
	[dreg:$0x14] =	wrdreg s23  }
0x1a: {  	s31 =	sadd.s32 $0x9C40, s8;
	s1 =	sadd.s32 $0xA280, s8;
	[dreg:$0x15] =	wrdreg s24  }
0x1b: {  	s0 =	sadd.s32 $0xA8C0, s8;
	s4 =	sadd.s32 $0xAF00, s8;
	[dreg:$0x16] =	wrdreg s25  }
0x1c: {  	[dreg:$0x17] =	wrdreg s26;
	s26 =	sadd.s32 $0x8340, s8;
	s5 =	sadd.s32 $0xB540, s8  }
0x1d: {  	s7 =	sadd.s32 $0xBB80, s8;
	s8 =	sadd.s32 $0xC1C0, s8;
	s10 =	sadd.s32 $0x640, s6  }
0x1e: {  	s11 =	simm.s32 $0x5;
	s12 =	simm.s32 $0x80;
	s13 =	simm.s32 $0x4B00  }
0x1f: {  	s14 =	simm.s32 $0x48;
	s15 =	simm.s32 $0x6B00;
	s16 =	simm.s32 $0x7D00  }
0x20: {  	s17 =	simm.s32 $0x9D00;
	s18 =	simm.s32 $0x1;
	s19 =	simm.s32 $0x3  }
0x21: {  	s20 =	simm.s32 $0x2;
	s21 =	simm.s32 $0x4;
	s22 =	simm.s32 $0x0  }
.LBB2_1:
0x22: {  	s23 =	rddreg [dreg:$0x3];
	s24 =	simm.s32 $0x1900  }
0x23: {  	[tilespmem:s24], [sflag:$0x5] =	stream.linear.gather [hbm4b:s23+s2], $0x3200, $0x38;
	[tilespmem:$0xAF00] =	vst v63  }
0x24: {  	_ =	swait.ge [sflag:s11], $0x3200  }
0x25: {  	[sflag:s11] =	ssyncset.done $0x0  }
0x26: {  	s25 =	rddreg [dreg:$0x4];
	[sflag:s11] =	ssyncadd.s32 $0xFFFFCE00  }
0x27: {  	[tilespmem:s2], [sflag:$0x5] =	stream.linear.gather [hbm4b:s25+s2], $0x1900, $0x38;
	[tilespmem:$0xAF00] =	vst v63  }
0x28: {  	_ =	swait.ge [sflag:s11], $0x1900  }
0x29: {  	[sflag:s11] =	ssyncset.done $0x0  }
0x2a: {  	[sflag:s11] =	ssyncadd.s32 $0xFFFFE700  }
0x2b: {  	[tilespmem:s13], [sflag:$0x1] =	stream.indirect.gather [hbm4b:s3+s12], $0x40, s2, s12, $0xb8;
	[tilespmem:$0xAF00] =	vst v63  }
0x2c: {  	_ = 	snop  }
0x2d: {  	[tilespmem:s15], [sflag:$0x1] =	stream.indirect.gather [hbm4b:s3+s14], $0x40, s12, s14, $0xb8;
	[tilespmem:$0xAF00] =	vst v63  }
0x2e: {  	s24 =	simm.s32 $0xC8  }
0x2f: {  	[tilespmem:s16], [sflag:$0x2] =	stream.indirect.gather [hbm4b:s3+s12], $0x40, s24, s12, $0xb8;
	[tilespmem:$0xAF00] =	vst v63  }
0x30: {  	s25 =	simm.s32 $0x148  }
0x31: {  	[tilespmem:s17], [sflag:$0x2] =	stream.indirect.gather [hbm4b:s3+s14], $0x40, s25, s14, $0xb8;
	[tilespmem:$0xAF00] =	vst v63  }
0x32: {  	_ =	swait.ge [sflag:s18], $0x2000  }
0x33: {  	[sflag:s18] =	ssyncset.done $0x0  }
0x34: {  	[sflag:s18] =	ssyncadd.s32 $0xFFFFE000  }
0x35: {  	_ =	swait.ge [sflag:s18], $0x1200  }
0x36: {  	[sflag:s18] =	ssyncset.done $0x0  }
0x37: {  	s23 =	simm.s32 $0x0;
	[sflag:s18] =	ssyncadd.s32 $0xFFFFEE00  }
0x38: {  	v1 =	vld [tilespmem:s23+$0x1930]  }
0x39: {  	v2 =	vld [tilespmem:s23+$0x1900]  }
0x3a: {  	v3 =	vld [tilespmem:s23+$0x1910]  }
0x3b: {  	v0 =	vld [tilespmem:s23+$0x1920];
	_ =	sdelay $0x1  }
0x3c: {  	[tilespmem:s23+$0x4B30] =	vst.add.f32.msk $0xffff, v1  }
0x3d: {  	[tilespmem:s23+$0x4B00] =	vst.add.f32.msk $0xffff, v2  }
0x3e: {  	s24 =	simm.s32 $0x40;
	s25 =	simm.s32 $0x200;
	[tilespmem:s23+$0x4B10] =	vst.add.f32.msk $0xffff, v3  }
.LBB2_2:
0x3f: {  	p0 =	sne.s32 s25, $0xC700;
	v1 =	vld [tilespmem:s24+$0x1930];
	v2 =	vmov v0  }
0x40: {  	v3 =	vld [tilespmem:s24+$0x1900]  }
0x41: {  	v4 =	vld [tilespmem:s24+$0x1910]  }
.Ltmp0:
0x42: {  	v0 =	vld [tilespmem:s24+$0x1920];
	(pc) =	sbr.rel @p0 .LBB2_2-.Ltmp0, $4  }
0x43: {  	[tilespmem:s23+$0x4B20] =	vst.add.f32.msk $0xffff, v2;
	s23 =	smov.u32 s24  }
0x44: {  	[tilespmem:s23+$0x4B30] =	vst.add.f32.msk $0xffff, v1  }
0x45: {  	[tilespmem:s23+$0x4B00] =	vst.add.f32.msk $0xffff, v3  }
0x46: {  	s24 =	sshra.s32 s25, $0x2;
	s25 =	sadd.s32 $0x100, s25;
	[tilespmem:s23+$0x4B10] =	vst.add.f32.msk $0xffff, v4  }
0x47: {  	v1 =	vld [tilespmem:s24+$0x1930]  }
0x48: {  	v2 =	vld [tilespmem:s24+$0x1900]  }
0x49: {  	v3 =	vld [tilespmem:s24+$0x1910]  }
0x4a: {  	v4 =	vld [tilespmem:s24+$0x1920]  }
0x4b: {  	[tilespmem:s23+$0x4B20] =	vst.add.f32.msk $0xffff, v0  }
0x4c: {  	[tilespmem:s24+$0x4B30] =	vst.add.f32.msk $0xffff, v1  }
0x4d: {  	[tilespmem:s24+$0x4B00] =	vst.add.f32.msk $0xffff, v2  }
0x4e: {  	[tilespmem:s24+$0x4B10] =	vst.add.f32.msk $0xffff, v3  }
0x4f: {  	s25 =	simm.s32 $0x0;
	[tilespmem:s24+$0x4B20] =	vst.add.f32.msk $0xffff, v4  }
0x50: {  	[hbm4b:s6+s25] =	stream.linear.scatter [tilespmem:s13], [sflag:$0x3], $0x3200, $0x38;
	[tilespmem:$0xAF00] =	vst v63  }
0x51: {  	_ =	swait.ge [sflag:s19], $0x3200  }
0x52: {  	[sflag:s19] =	ssyncset.done $0x0  }
0x53: {  	s24 =	simm.s32 $0x190;
	[sflag:s19] =	ssyncadd.s32 $0xFFFFCE00  }
0x54: {  	[tilespmem:s13], [sflag:$0x1] =	stream.indirect.gather [hbm4b:s3+s12], $0x40, s24, s12, $0xb8;
	[tilespmem:$0xAF00] =	vst v63  }
0x55: {  	s25 =	simm.s32 $0x210  }
0x56: {  	[tilespmem:s15], [sflag:$0x1] =	stream.indirect.gather [hbm4b:s3+s14], $0x40, s25, s14, $0xb8;
	[tilespmem:$0xAF00] =	vst v63  }
0x57: {  	_ =	swait.ge [sflag:s20], $0x2000  }
0x58: {  	[sflag:s20] =	ssyncset.done $0x0  }
0x59: {  	[sflag:s20] =	ssyncadd.s32 $0xFFFFE000  }
0x5a: {  	_ =	swait.ge [sflag:s20], $0x1200  }
0x5b: {  	[sflag:s20] =	ssyncset.done $0x0  }
0x5c: {  	s23 =	simm.s32 $0x0;
	[sflag:s20] =	ssyncadd.s32 $0xFFFFEE00  }
0x5d: {  	v1 =	vld [tilespmem:s23+$0x1930]  }
0x5e: {  	v2 =	vld [tilespmem:s23+$0x1900]  }
0x5f: {  	v3 =	vld [tilespmem:s23+$0x1910]  }
0x60: {  	v0 =	vld [tilespmem:s23+$0x1920];
	_ =	sdelay $0x1  }
0x61: {  	[tilespmem:s23+$0x7D30] =	vst.add.f32.msk $0xffff, v1  }
0x62: {  	[tilespmem:s23+$0x7D00] =	vst.add.f32.msk $0xffff, v2  }
0x63: {  	s24 =	simm.s32 $0x40;
	s25 =	simm.s32 $0x200;
	[tilespmem:s23+$0x7D10] =	vst.add.f32.msk $0xffff, v3  }
.LBB2_4:
0x64: {  	p0 =	sne.s32 s25, $0xC700;
	v1 =	vld [tilespmem:s24+$0x1930];
	v2 =	vmov v0  }
0x65: {  	v3 =	vld [tilespmem:s24+$0x1900]  }
0x66: {  	v4 =	vld [tilespmem:s24+$0x1910]  }
.Ltmp1:
0x67: {  	v0 =	vld [tilespmem:s24+$0x1920];
	(pc) =	sbr.rel @p0 .LBB2_4-.Ltmp1, $4  }
0x68: {  	[tilespmem:s23+$0x7D20] =	vst.add.f32.msk $0xffff, v2;
	s23 =	smov.u32 s24  }
0x69: {  	[tilespmem:s23+$0x7D30] =	vst.add.f32.msk $0xffff, v1  }
0x6a: {  	[tilespmem:s23+$0x7D00] =	vst.add.f32.msk $0xffff, v3  }
0x6b: {  	s24 =	sshra.s32 s25, $0x2;
	s25 =	sadd.s32 $0x100, s25;
	[tilespmem:s23+$0x7D10] =	vst.add.f32.msk $0xffff, v4  }
0x6c: {  	v1 =	vld [tilespmem:s24+$0x1930]  }
0x6d: {  	v2 =	vld [tilespmem:s24+$0x1900]  }
0x6e: {  	v3 =	vld [tilespmem:s24+$0x1910]  }
0x6f: {  	v4 =	vld [tilespmem:s24+$0x1920]  }
0x70: {  	[tilespmem:s23+$0x7D20] =	vst.add.f32.msk $0xffff, v0  }
0x71: {  	[tilespmem:s24+$0x7D30] =	vst.add.f32.msk $0xffff, v1  }
0x72: {  	[tilespmem:s24+$0x7D00] =	vst.add.f32.msk $0xffff, v2  }
0x73: {  	[tilespmem:s24+$0x7D10] =	vst.add.f32.msk $0xffff, v3  }
0x74: {  	s25 =	simm.s32 $0x0;
	[tilespmem:s24+$0x7D20] =	vst.add.f32.msk $0xffff, v4  }
0x75: {  	[hbm4b:s10+s25] =	stream.linear.scatter [tilespmem:s16], [sflag:$0x4], $0x3200, $0x38;
	[tilespmem:$0xAF00] =	vst v63  }
0x76: {  	_ =	swait.ge [sflag:s21], $0x3200  }
0x77: {  	[sflag:s21] =	ssyncset.done $0x0  }
0x78: {  	s24 =	simm.s32 $0x258;
	[sflag:s21] =	ssyncadd.s32 $0xFFFFCE00  }
0x79: {  	[tilespmem:s16], [sflag:$0x2] =	stream.indirect.gather [hbm4b:s3+s12], $0x40, s24, s12, $0xb8;
	[tilespmem:$0xAF00] =	vst v63  }
0x7a: {  	s25 =	simm.s32 $0x2D8  }
0x7b: {  	[tilespmem:s17], [sflag:$0x2] =	stream.indirect.gather [hbm4b:s3+s14], $0x40, s25, s14, $0xb8;
	[tilespmem:$0xAF00] =	vst v63  }
0x7c: {  	_ =	swait.ge [sflag:s18], $0x2000  }
0x7d: {  	[sflag:s18] =	ssyncset.done $0x0  }
0x7e: {  	[sflag:s18] =	ssyncadd.s32 $0xFFFFE000  }
0x7f: {  	_ =	swait.ge [sflag:s18], $0x1200  }
0x80: {  	[sflag:s18] =	ssyncset.done $0x0  }
0x81: {  	s23 =	simm.s32 $0x0;
	[sflag:s18] =	ssyncadd.s32 $0xFFFFEE00  }
0x82: {  	v1 =	vld [tilespmem:s23+$0x1930]  }
0x83: {  	v2 =	vld [tilespmem:s23+$0x1900]  }
0x84: {  	v3 =	vld [tilespmem:s23+$0x1910]  }
0x85: {  	v0 =	vld [tilespmem:s23+$0x1920];
	_ =	sdelay $0x1  }
0x86: {  	[tilespmem:s23+$0x4B30] =	vst.add.f32.msk $0xffff, v1  }
0x87: {  	[tilespmem:s23+$0x4B00] =	vst.add.f32.msk $0xffff, v2  }
0x88: {  	s24 =	simm.s32 $0x40;
	s25 =	simm.s32 $0x200;
	[tilespmem:s23+$0x4B10] =	vst.add.f32.msk $0xffff, v3  }
.LBB2_6:
0x89: {  	p0 =	sne.s32 s25, $0xC700;
	v1 =	vld [tilespmem:s24+$0x1930];
	v2 =	vmov v0  }
0x8a: {  	v3 =	vld [tilespmem:s24+$0x1900]  }
0x8b: {  	v4 =	vld [tilespmem:s24+$0x1910]  }
.Ltmp2:
0x8c: {  	v0 =	vld [tilespmem:s24+$0x1920];
	(pc) =	sbr.rel @p0 .LBB2_6-.Ltmp2, $4  }
0x8d: {  	[tilespmem:s23+$0x4B20] =	vst.add.f32.msk $0xffff, v2;
	s23 =	smov.u32 s24  }
0x8e: {  	[tilespmem:s23+$0x4B30] =	vst.add.f32.msk $0xffff, v1  }
0x8f: {  	[tilespmem:s23+$0x4B00] =	vst.add.f32.msk $0xffff, v3  }
0x90: {  	s24 =	sshra.s32 s25, $0x2;
	s25 =	sadd.s32 $0x100, s25;
	[tilespmem:s23+$0x4B10] =	vst.add.f32.msk $0xffff, v4  }
0x91: {  	v1 =	vld [tilespmem:s24+$0x1930]  }
0x92: {  	v2 =	vld [tilespmem:s24+$0x1900]  }
0x93: {  	v3 =	vld [tilespmem:s24+$0x1910]  }
0x94: {  	v4 =	vld [tilespmem:s24+$0x1920]  }
0x95: {  	[tilespmem:s23+$0x4B20] =	vst.add.f32.msk $0xffff, v0  }
0x96: {  	[tilespmem:s24+$0x4B30] =	vst.add.f32.msk $0xffff, v1  }
0x97: {  	[tilespmem:s24+$0x4B00] =	vst.add.f32.msk $0xffff, v2  }
0x98: {  	[tilespmem:s24+$0x4B10] =	vst.add.f32.msk $0xffff, v3  }
0x99: {  	s25 =	rddreg [dreg:$0x5];
	[tilespmem:s24+$0x4B20] =	vst.add.f32.msk $0xffff, v4;
	s24 =	simm.s32 $0x0  }
0x9a: {  	[hbm4b:s25+s24] =	stream.linear.scatter [tilespmem:s13], [sflag:$0x3], $0x3200, $0x38;
	[tilespmem:$0xAF00] =	vst v63  }
0x9b: {  	_ =	swait.ge [sflag:s19], $0x3200  }
0x9c: {  	[sflag:s19] =	ssyncset.done $0x0  }
0x9d: {  	s24 =	simm.s32 $0x320;
	[sflag:s19] =	ssyncadd.s32 $0xFFFFCE00  }
0x9e: {  	[tilespmem:s13], [sflag:$0x1] =	stream.indirect.gather [hbm4b:s3+s12], $0x40, s24, s12, $0xb8;
	[tilespmem:$0xAF00] =	vst v63  }
0x9f: {  	s25 =	simm.s32 $0x3A0  }
0xa0: {  	[tilespmem:s15], [sflag:$0x1] =	stream.indirect.gather [hbm4b:s3+s14], $0x40, s25, s14, $0xb8;
	[tilespmem:$0xAF00] =	vst v63  }
0xa1: {  	_ =	swait.ge [sflag:s20], $0x2000  }
0xa2: {  	[sflag:s20] =	ssyncset.done $0x0  }
0xa3: {  	[sflag:s20] =	ssyncadd.s32 $0xFFFFE000  }
0xa4: {  	_ =	swait.ge [sflag:s20], $0x1200  }
0xa5: {  	[sflag:s20] =	ssyncset.done $0x0  }
0xa6: {  	s23 =	simm.s32 $0x0;
	[sflag:s20] =	ssyncadd.s32 $0xFFFFEE00  }
0xa7: {  	v1 =	vld [tilespmem:s23+$0x1930]  }
0xa8: {  	v2 =	vld [tilespmem:s23+$0x1900]  }
0xa9: {  	v3 =	vld [tilespmem:s23+$0x1910]  }
0xaa: {  	v0 =	vld [tilespmem:s23+$0x1920];
	_ =	sdelay $0x1  }
0xab: {  	[tilespmem:s23+$0x7D30] =	vst.add.f32.msk $0xffff, v1  }
0xac: {  	[tilespmem:s23+$0x7D00] =	vst.add.f32.msk $0xffff, v2  }
0xad: {  	s24 =	simm.s32 $0x40;
	s25 =	simm.s32 $0x200;
	[tilespmem:s23+$0x7D10] =	vst.add.f32.msk $0xffff, v3  }
.LBB2_8:
0xae: {  	p0 =	sne.s32 s25, $0xC700;
	v1 =	vld [tilespmem:s24+$0x1930];
	v2 =	vmov v0  }
0xaf: {  	v3 =	vld [tilespmem:s24+$0x1900]  }
0xb0: {  	v4 =	vld [tilespmem:s24+$0x1910]  }
.Ltmp3:
0xb1: {  	v0 =	vld [tilespmem:s24+$0x1920];
	(pc) =	sbr.rel @p0 .LBB2_8-.Ltmp3, $4  }
0xb2: {  	[tilespmem:s23+$0x7D20] =	vst.add.f32.msk $0xffff, v2;
	s23 =	smov.u32 s24  }
0xb3: {  	[tilespmem:s23+$0x7D30] =	vst.add.f32.msk $0xffff, v1  }
0xb4: {  	[tilespmem:s23+$0x7D00] =	vst.add.f32.msk $0xffff, v3  }
0xb5: {  	s24 =	sshra.s32 s25, $0x2;
	s25 =	sadd.s32 $0x100, s25;
	[tilespmem:s23+$0x7D10] =	vst.add.f32.msk $0xffff, v4  }
0xb6: {  	v1 =	vld [tilespmem:s24+$0x1930]  }
0xb7: {  	v2 =	vld [tilespmem:s24+$0x1900]  }
0xb8: {  	v3 =	vld [tilespmem:s24+$0x1910]  }
0xb9: {  	v4 =	vld [tilespmem:s24+$0x1920]  }
0xba: {  	[tilespmem:s23+$0x7D20] =	vst.add.f32.msk $0xffff, v0  }
0xbb: {  	[tilespmem:s24+$0x7D30] =	vst.add.f32.msk $0xffff, v1  }
0xbc: {  	[tilespmem:s24+$0x7D00] =	vst.add.f32.msk $0xffff, v2  }
0xbd: {  	[tilespmem:s24+$0x7D10] =	vst.add.f32.msk $0xffff, v3  }
0xbe: {  	s25 =	rddreg [dreg:$0x6];
	[tilespmem:s24+$0x7D20] =	vst.add.f32.msk $0xffff, v4;
	s24 =	simm.s32 $0x0  }
0xbf: {  	[hbm4b:s25+s24] =	stream.linear.scatter [tilespmem:s16], [sflag:$0x4], $0x3200, $0x38;
	[tilespmem:$0xAF00] =	vst v63  }
0xc0: {  	_ =	swait.ge [sflag:s21], $0x3200  }
0xc1: {  	[sflag:s21] =	ssyncset.done $0x0  }
0xc2: {  	s24 =	simm.s32 $0x3E8;
	[sflag:s21] =	ssyncadd.s32 $0xFFFFCE00  }
0xc3: {  	[tilespmem:s16], [sflag:$0x2] =	stream.indirect.gather [hbm4b:s3+s12], $0x40, s24, s12, $0xb8;
	[tilespmem:$0xAF00] =	vst v63  }
0xc4: {  	s25 =	simm.s32 $0x468  }
0xc5: {  	[tilespmem:s17], [sflag:$0x2] =	stream.indirect.gather [hbm4b:s3+s14], $0x40, s25, s14, $0xb8;
	[tilespmem:$0xAF00] =	vst v63  }
0xc6: {  	_ =	swait.ge [sflag:s18], $0x2000  }
0xc7: {  	[sflag:s18] =	ssyncset.done $0x0  }
0xc8: {  	[sflag:s18] =	ssyncadd.s32 $0xFFFFE000  }
0xc9: {  	_ =	swait.ge [sflag:s18], $0x1200  }
0xca: {  	[sflag:s18] =	ssyncset.done $0x0  }
0xcb: {  	s23 =	simm.s32 $0x0;
	[sflag:s18] =	ssyncadd.s32 $0xFFFFEE00  }
0xcc: {  	v1 =	vld [tilespmem:s23+$0x1930]  }
0xcd: {  	v2 =	vld [tilespmem:s23+$0x1900]  }
0xce: {  	v3 =	vld [tilespmem:s23+$0x1910]  }
0xcf: {  	v0 =	vld [tilespmem:s23+$0x1920];
	_ =	sdelay $0x1  }
0xd0: {  	[tilespmem:s23+$0x4B30] =	vst.add.f32.msk $0xffff, v1  }
0xd1: {  	[tilespmem:s23+$0x4B00] =	vst.add.f32.msk $0xffff, v2  }
0xd2: {  	s24 =	simm.s32 $0x40;
	s25 =	simm.s32 $0x200;
	[tilespmem:s23+$0x4B10] =	vst.add.f32.msk $0xffff, v3  }
.LBB2_10:
0xd3: {  	p0 =	sne.s32 s25, $0xC700;
	v1 =	vld [tilespmem:s24+$0x1930];
	v2 =	vmov v0  }
0xd4: {  	v3 =	vld [tilespmem:s24+$0x1900]  }
0xd5: {  	v4 =	vld [tilespmem:s24+$0x1910]  }
.Ltmp4:
0xd6: {  	v0 =	vld [tilespmem:s24+$0x1920];
	(pc) =	sbr.rel @p0 .LBB2_10-.Ltmp4, $4  }
0xd7: {  	[tilespmem:s23+$0x4B20] =	vst.add.f32.msk $0xffff, v2;
	s23 =	smov.u32 s24  }
0xd8: {  	[tilespmem:s23+$0x4B30] =	vst.add.f32.msk $0xffff, v1  }
0xd9: {  	[tilespmem:s23+$0x4B00] =	vst.add.f32.msk $0xffff, v3  }
0xda: {  	s24 =	sshra.s32 s25, $0x2;
	s25 =	sadd.s32 $0x100, s25;
	[tilespmem:s23+$0x4B10] =	vst.add.f32.msk $0xffff, v4  }
0xdb: {  	v1 =	vld [tilespmem:s24+$0x1930]  }
0xdc: {  	v2 =	vld [tilespmem:s24+$0x1900]  }
0xdd: {  	v3 =	vld [tilespmem:s24+$0x1910]  }
0xde: {  	v4 =	vld [tilespmem:s24+$0x1920]  }
0xdf: {  	[tilespmem:s23+$0x4B20] =	vst.add.f32.msk $0xffff, v0  }
0xe0: {  	[tilespmem:s24+$0x4B30] =	vst.add.f32.msk $0xffff, v1  }
0xe1: {  	[tilespmem:s24+$0x4B00] =	vst.add.f32.msk $0xffff, v2  }
0xe2: {  	[tilespmem:s24+$0x4B10] =	vst.add.f32.msk $0xffff, v3  }
0xe3: {  	s25 =	rddreg [dreg:$0x7];
	[tilespmem:s24+$0x4B20] =	vst.add.f32.msk $0xffff, v4;
	s24 =	simm.s32 $0x0  }
0xe4: {  	[hbm4b:s25+s24] =	stream.linear.scatter [tilespmem:s13], [sflag:$0x3], $0x3200, $0x38;
	[tilespmem:$0xAF00] =	vst v63  }
0xe5: {  	_ =	swait.ge [sflag:s19], $0x3200  }
0xe6: {  	[sflag:s19] =	ssyncset.done $0x0  }
0xe7: {  	s24 =	simm.s32 $0x4B0;
	[sflag:s19] =	ssyncadd.s32 $0xFFFFCE00  }
0xe8: {  	[tilespmem:s13], [sflag:$0x1] =	stream.indirect.gather [hbm4b:s3+s12], $0x40, s24, s12, $0xb8;
	[tilespmem:$0xAF00] =	vst v63  }
0xe9: {  	s25 =	simm.s32 $0x530  }
0xea: {  	[tilespmem:s15], [sflag:$0x1] =	stream.indirect.gather [hbm4b:s3+s14], $0x40, s25, s14, $0xb8;
	[tilespmem:$0xAF00] =	vst v63  }
0xeb: {  	_ =	swait.ge [sflag:s20], $0x2000  }
0xec: {  	[sflag:s20] =	ssyncset.done $0x0  }
0xed: {  	[sflag:s20] =	ssyncadd.s32 $0xFFFFE000  }
0xee: {  	_ =	swait.ge [sflag:s20], $0x1200  }
0xef: {  	[sflag:s20] =	ssyncset.done $0x0  }
0xf0: {  	s23 =	simm.s32 $0x0;
	[sflag:s20] =	ssyncadd.s32 $0xFFFFEE00  }
0xf1: {  	v1 =	vld [tilespmem:s23+$0x1930]  }
0xf2: {  	v2 =	vld [tilespmem:s23+$0x1900]  }
0xf3: {  	v3 =	vld [tilespmem:s23+$0x1910]  }
0xf4: {  	v0 =	vld [tilespmem:s23+$0x1920];
	_ =	sdelay $0x1  }
0xf5: {  	[tilespmem:s23+$0x7D30] =	vst.add.f32.msk $0xffff, v1  }
0xf6: {  	[tilespmem:s23+$0x7D00] =	vst.add.f32.msk $0xffff, v2  }
0xf7: {  	s24 =	simm.s32 $0x40;
	s25 =	simm.s32 $0x200;
	[tilespmem:s23+$0x7D10] =	vst.add.f32.msk $0xffff, v3  }
.LBB2_12:
0xf8: {  	p0 =	sne.s32 s25, $0xC700;
	v1 =	vld [tilespmem:s24+$0x1930];
	v2 =	vmov v0  }
0xf9: {  	v3 =	vld [tilespmem:s24+$0x1900]  }
0xfa: {  	v4 =	vld [tilespmem:s24+$0x1910]  }
.Ltmp5:
0xfb: {  	v0 =	vld [tilespmem:s24+$0x1920];
	(pc) =	sbr.rel @p0 .LBB2_12-.Ltmp5, $4  }
0xfc: {  	[tilespmem:s23+$0x7D20] =	vst.add.f32.msk $0xffff, v2;
	s23 =	smov.u32 s24  }
0xfd: {  	[tilespmem:s23+$0x7D30] =	vst.add.f32.msk $0xffff, v1  }
0xfe: {  	[tilespmem:s23+$0x7D00] =	vst.add.f32.msk $0xffff, v3  }
0xff: {  	s24 =	sshra.s32 s25, $0x2;
	s25 =	sadd.s32 $0x100, s25;
	[tilespmem:s23+$0x7D10] =	vst.add.f32.msk $0xffff, v4  }
0x100: {  	v1 =	vld [tilespmem:s24+$0x1930]  }
0x101: {  	v2 =	vld [tilespmem:s24+$0x1900]  }
0x102: {  	v3 =	vld [tilespmem:s24+$0x1910]  }
0x103: {  	v4 =	vld [tilespmem:s24+$0x1920]  }
0x104: {  	[tilespmem:s23+$0x7D20] =	vst.add.f32.msk $0xffff, v0  }
0x105: {  	[tilespmem:s24+$0x7D30] =	vst.add.f32.msk $0xffff, v1  }
0x106: {  	[tilespmem:s24+$0x7D00] =	vst.add.f32.msk $0xffff, v2  }
0x107: {  	[tilespmem:s24+$0x7D10] =	vst.add.f32.msk $0xffff, v3  }
0x108: {  	s25 =	rddreg [dreg:$0x8];
	[tilespmem:s24+$0x7D20] =	vst.add.f32.msk $0xffff, v4;
	s24 =	simm.s32 $0x0  }
0x109: {  	[hbm4b:s25+s24] =	stream.linear.scatter [tilespmem:s16], [sflag:$0x4], $0x3200, $0x38;
	[tilespmem:$0xAF00] =	vst v63  }
0x10a: {  	_ =	swait.ge [sflag:s21], $0x3200  }
0x10b: {  	[sflag:s21] =	ssyncset.done $0x0  }
0x10c: {  	s24 =	simm.s32 $0x578;
	[sflag:s21] =	ssyncadd.s32 $0xFFFFCE00  }
0x10d: {  	[tilespmem:s16], [sflag:$0x2] =	stream.indirect.gather [hbm4b:s3+s12], $0x40, s24, s12, $0xb8;
	[tilespmem:$0xAF00] =	vst v63  }
0x10e: {  	s25 =	simm.s32 $0x5F8  }
0x10f: {  	[tilespmem:s17], [sflag:$0x2] =	stream.indirect.gather [hbm4b:s3+s14], $0x40, s25, s14, $0xb8;
	[tilespmem:$0xAF00] =	vst v63  }
0x110: {  	_ =	swait.ge [sflag:s18], $0x2000  }
0x111: {  	[sflag:s18] =	ssyncset.done $0x0  }
0x112: {  	[sflag:s18] =	ssyncadd.s32 $0xFFFFE000  }
0x113: {  	_ =	swait.ge [sflag:s18], $0x1200  }
0x114: {  	[sflag:s18] =	ssyncset.done $0x0  }
0x115: {  	s23 =	simm.s32 $0x0;
	[sflag:s18] =	ssyncadd.s32 $0xFFFFEE00  }
0x116: {  	v1 =	vld [tilespmem:s23+$0x1930]  }
0x117: {  	v2 =	vld [tilespmem:s23+$0x1900]  }
0x118: {  	v3 =	vld [tilespmem:s23+$0x1910]  }
0x119: {  	v0 =	vld [tilespmem:s23+$0x1920];
	_ =	sdelay $0x1  }
0x11a: {  	[tilespmem:s23+$0x4B30] =	vst.add.f32.msk $0xffff, v1  }
0x11b: {  	[tilespmem:s23+$0x4B00] =	vst.add.f32.msk $0xffff, v2  }
0x11c: {  	s24 =	simm.s32 $0x40;
	s25 =	simm.s32 $0x200;
	[tilespmem:s23+$0x4B10] =	vst.add.f32.msk $0xffff, v3  }
.LBB2_14:
0x11d: {  	p0 =	sne.s32 s25, $0xC700;
	v1 =	vld [tilespmem:s24+$0x1930];
	v2 =	vmov v0  }
0x11e: {  	v3 =	vld [tilespmem:s24+$0x1900]  }
0x11f: {  	v4 =	vld [tilespmem:s24+$0x1910]  }
.Ltmp6:
0x120: {  	v0 =	vld [tilespmem:s24+$0x1920];
	(pc) =	sbr.rel @p0 .LBB2_14-.Ltmp6, $4  }
0x121: {  	[tilespmem:s23+$0x4B20] =	vst.add.f32.msk $0xffff, v2;
	s23 =	smov.u32 s24  }
0x122: {  	[tilespmem:s23+$0x4B30] =	vst.add.f32.msk $0xffff, v1  }
0x123: {  	[tilespmem:s23+$0x4B00] =	vst.add.f32.msk $0xffff, v3  }
0x124: {  	s24 =	sshra.s32 s25, $0x2;
	s25 =	sadd.s32 $0x100, s25;
	[tilespmem:s23+$0x4B10] =	vst.add.f32.msk $0xffff, v4  }
0x125: {  	v1 =	vld [tilespmem:s24+$0x1930]  }
0x126: {  	v2 =	vld [tilespmem:s24+$0x1900]  }
0x127: {  	v3 =	vld [tilespmem:s24+$0x1910]  }
0x128: {  	v4 =	vld [tilespmem:s24+$0x1920]  }
0x129: {  	[tilespmem:s23+$0x4B20] =	vst.add.f32.msk $0xffff, v0  }
0x12a: {  	[tilespmem:s24+$0x4B30] =	vst.add.f32.msk $0xffff, v1  }
0x12b: {  	[tilespmem:s24+$0x4B00] =	vst.add.f32.msk $0xffff, v2  }
0x12c: {  	[tilespmem:s24+$0x4B10] =	vst.add.f32.msk $0xffff, v3  }
0x12d: {  	s25 =	rddreg [dreg:$0x9];
	[tilespmem:s24+$0x4B20] =	vst.add.f32.msk $0xffff, v4;
	s24 =	simm.s32 $0x0  }
0x12e: {  	[hbm4b:s25+s24] =	stream.linear.scatter [tilespmem:s13], [sflag:$0x3], $0x3200, $0x38;
	[tilespmem:$0xAF00] =	vst v63  }
0x12f: {  	_ =	swait.ge [sflag:s19], $0x3200  }
0x130: {  	[sflag:s19] =	ssyncset.done $0x0  }
0x131: {  	s24 =	simm.s32 $0x640;
	[sflag:s19] =	ssyncadd.s32 $0xFFFFCE00  }
0x132: {  	[tilespmem:s13], [sflag:$0x1] =	stream.indirect.gather [hbm4b:s3+s12], $0x40, s24, s12, $0xb8;
	[tilespmem:$0xAF00] =	vst v63  }
0x133: {  	s25 =	simm.s32 $0x6C0  }
0x134: {  	[tilespmem:s15], [sflag:$0x1] =	stream.indirect.gather [hbm4b:s3+s14], $0x40, s25, s14, $0xb8;
	[tilespmem:$0xAF00] =	vst v63  }
0x135: {  	_ =	swait.ge [sflag:s20], $0x2000  }
0x136: {  	[sflag:s20] =	ssyncset.done $0x0  }
0x137: {  	[sflag:s20] =	ssyncadd.s32 $0xFFFFE000  }
0x138: {  	_ =	swait.ge [sflag:s20], $0x1200  }
0x139: {  	[sflag:s20] =	ssyncset.done $0x0  }
0x13a: {  	s23 =	simm.s32 $0x0;
	[sflag:s20] =	ssyncadd.s32 $0xFFFFEE00  }
0x13b: {  	v1 =	vld [tilespmem:s23+$0x1930]  }
0x13c: {  	v2 =	vld [tilespmem:s23+$0x1900]  }
0x13d: {  	v3 =	vld [tilespmem:s23+$0x1910]  }
0x13e: {  	v0 =	vld [tilespmem:s23+$0x1920];
	_ =	sdelay $0x1  }
0x13f: {  	[tilespmem:s23+$0x7D30] =	vst.add.f32.msk $0xffff, v1  }
0x140: {  	[tilespmem:s23+$0x7D00] =	vst.add.f32.msk $0xffff, v2  }
0x141: {  	s24 =	simm.s32 $0x40;
	s25 =	simm.s32 $0x200;
	[tilespmem:s23+$0x7D10] =	vst.add.f32.msk $0xffff, v3  }
.LBB2_16:
0x142: {  	p0 =	sne.s32 s25, $0xC700;
	v1 =	vld [tilespmem:s24+$0x1930];
	v2 =	vmov v0  }
0x143: {  	v3 =	vld [tilespmem:s24+$0x1900]  }
0x144: {  	v4 =	vld [tilespmem:s24+$0x1910]  }
.Ltmp7:
0x145: {  	v0 =	vld [tilespmem:s24+$0x1920];
	(pc) =	sbr.rel @p0 .LBB2_16-.Ltmp7, $4  }
0x146: {  	[tilespmem:s23+$0x7D20] =	vst.add.f32.msk $0xffff, v2;
	s23 =	smov.u32 s24  }
0x147: {  	[tilespmem:s23+$0x7D30] =	vst.add.f32.msk $0xffff, v1  }
0x148: {  	[tilespmem:s23+$0x7D00] =	vst.add.f32.msk $0xffff, v3  }
0x149: {  	s24 =	sshra.s32 s25, $0x2;
	s25 =	sadd.s32 $0x100, s25;
	[tilespmem:s23+$0x7D10] =	vst.add.f32.msk $0xffff, v4  }
0x14a: {  	v1 =	vld [tilespmem:s24+$0x1930]  }
0x14b: {  	v2 =	vld [tilespmem:s24+$0x1900]  }
0x14c: {  	v3 =	vld [tilespmem:s24+$0x1910]  }
0x14d: {  	v4 =	vld [tilespmem:s24+$0x1920]  }
0x14e: {  	[tilespmem:s23+$0x7D20] =	vst.add.f32.msk $0xffff, v0  }
0x14f: {  	[tilespmem:s24+$0x7D30] =	vst.add.f32.msk $0xffff, v1  }
0x150: {  	[tilespmem:s24+$0x7D00] =	vst.add.f32.msk $0xffff, v2  }
0x151: {  	[tilespmem:s24+$0x7D10] =	vst.add.f32.msk $0xffff, v3  }
0x152: {  	s25 =	rddreg [dreg:$0xa];
	[tilespmem:s24+$0x7D20] =	vst.add.f32.msk $0xffff, v4;
	s24 =	simm.s32 $0x0  }
0x153: {  	[hbm4b:s25+s24] =	stream.linear.scatter [tilespmem:s16], [sflag:$0x4], $0x3200, $0x38;
	[tilespmem:$0xAF00] =	vst v63  }
0x154: {  	_ =	swait.ge [sflag:s21], $0x3200  }
0x155: {  	[sflag:s21] =	ssyncset.done $0x0  }
0x156: {  	s24 =	simm.s32 $0x708;
	[sflag:s21] =	ssyncadd.s32 $0xFFFFCE00  }
0x157: {  	[tilespmem:s16], [sflag:$0x2] =	stream.indirect.gather [hbm4b:s3+s12], $0x40, s24, s12, $0xb8;
	[tilespmem:$0xAF00] =	vst v63  }
0x158: {  	s25 =	simm.s32 $0x788  }
0x159: {  	[tilespmem:s17], [sflag:$0x2] =	stream.indirect.gather [hbm4b:s3+s14], $0x40, s25, s14, $0xb8;
	[tilespmem:$0xAF00] =	vst v63  }
0x15a: {  	_ =	swait.ge [sflag:s18], $0x2000  }
0x15b: {  	[sflag:s18] =	ssyncset.done $0x0  }
0x15c: {  	[sflag:s18] =	ssyncadd.s32 $0xFFFFE000  }
0x15d: {  	_ =	swait.ge [sflag:s18], $0x1200  }
0x15e: {  	[sflag:s18] =	ssyncset.done $0x0  }
0x15f: {  	s23 =	simm.s32 $0x0;
	[sflag:s18] =	ssyncadd.s32 $0xFFFFEE00  }
0x160: {  	v1 =	vld [tilespmem:s23+$0x1930]  }
0x161: {  	v2 =	vld [tilespmem:s23+$0x1900]  }
0x162: {  	v3 =	vld [tilespmem:s23+$0x1910]  }
0x163: {  	v0 =	vld [tilespmem:s23+$0x1920];
	_ =	sdelay $0x1  }
0x164: {  	[tilespmem:s23+$0x4B30] =	vst.add.f32.msk $0xffff, v1  }
0x165: {  	[tilespmem:s23+$0x4B00] =	vst.add.f32.msk $0xffff, v2  }
0x166: {  	s24 =	simm.s32 $0x40;
	s25 =	simm.s32 $0x200;
	[tilespmem:s23+$0x4B10] =	vst.add.f32.msk $0xffff, v3  }
.LBB2_18:
0x167: {  	p0 =	sne.s32 s25, $0xC700;
	v1 =	vld [tilespmem:s24+$0x1930];
	v2 =	vmov v0  }
0x168: {  	v3 =	vld [tilespmem:s24+$0x1900]  }
0x169: {  	v4 =	vld [tilespmem:s24+$0x1910]  }
.Ltmp8:
0x16a: {  	v0 =	vld [tilespmem:s24+$0x1920];
	(pc) =	sbr.rel @p0 .LBB2_18-.Ltmp8, $4  }
0x16b: {  	[tilespmem:s23+$0x4B20] =	vst.add.f32.msk $0xffff, v2;
	s23 =	smov.u32 s24  }
0x16c: {  	[tilespmem:s23+$0x4B30] =	vst.add.f32.msk $0xffff, v1  }
0x16d: {  	[tilespmem:s23+$0x4B00] =	vst.add.f32.msk $0xffff, v3  }
0x16e: {  	s24 =	sshra.s32 s25, $0x2;
	s25 =	sadd.s32 $0x100, s25;
	[tilespmem:s23+$0x4B10] =	vst.add.f32.msk $0xffff, v4  }
0x16f: {  	v1 =	vld [tilespmem:s24+$0x1930]  }
0x170: {  	v2 =	vld [tilespmem:s24+$0x1900]  }
0x171: {  	v3 =	vld [tilespmem:s24+$0x1910]  }
0x172: {  	v4 =	vld [tilespmem:s24+$0x1920]  }
0x173: {  	[tilespmem:s23+$0x4B20] =	vst.add.f32.msk $0xffff, v0  }
0x174: {  	[tilespmem:s24+$0x4B30] =	vst.add.f32.msk $0xffff, v1  }
0x175: {  	[tilespmem:s24+$0x4B00] =	vst.add.f32.msk $0xffff, v2  }
0x176: {  	[tilespmem:s24+$0x4B10] =	vst.add.f32.msk $0xffff, v3  }
0x177: {  	s25 =	rddreg [dreg:$0xb];
	[tilespmem:s24+$0x4B20] =	vst.add.f32.msk $0xffff, v4;
	s24 =	simm.s32 $0x0  }
0x178: {  	[hbm4b:s25+s24] =	stream.linear.scatter [tilespmem:s13], [sflag:$0x3], $0x3200, $0x38;
	[tilespmem:$0xAF00] =	vst v63  }
0x179: {  	_ =	swait.ge [sflag:s19], $0x3200  }
0x17a: {  	[sflag:s19] =	ssyncset.done $0x0  }
0x17b: {  	s24 =	simm.s32 $0x7D0;
	[sflag:s19] =	ssyncadd.s32 $0xFFFFCE00  }
0x17c: {  	[tilespmem:s13], [sflag:$0x1] =	stream.indirect.gather [hbm4b:s3+s12], $0x40, s24, s12, $0xb8;
	[tilespmem:$0xAF00] =	vst v63  }
0x17d: {  	s25 =	simm.s32 $0x850  }
0x17e: {  	[tilespmem:s15], [sflag:$0x1] =	stream.indirect.gather [hbm4b:s3+s14], $0x40, s25, s14, $0xb8;
	[tilespmem:$0xAF00] =	vst v63  }
0x17f: {  	_ =	swait.ge [sflag:s20], $0x2000  }
0x180: {  	[sflag:s20] =	ssyncset.done $0x0  }
0x181: {  	[sflag:s20] =	ssyncadd.s32 $0xFFFFE000  }
0x182: {  	_ =	swait.ge [sflag:s20], $0x1200  }
0x183: {  	[sflag:s20] =	ssyncset.done $0x0  }
0x184: {  	s23 =	simm.s32 $0x0;
	[sflag:s20] =	ssyncadd.s32 $0xFFFFEE00  }
0x185: {  	v1 =	vld [tilespmem:s23+$0x1930]  }
0x186: {  	v2 =	vld [tilespmem:s23+$0x1900]  }
0x187: {  	v3 =	vld [tilespmem:s23+$0x1910]  }
0x188: {  	v0 =	vld [tilespmem:s23+$0x1920];
	_ =	sdelay $0x1  }
0x189: {  	[tilespmem:s23+$0x7D30] =	vst.add.f32.msk $0xffff, v1  }
0x18a: {  	[tilespmem:s23+$0x7D00] =	vst.add.f32.msk $0xffff, v2  }
0x18b: {  	s24 =	simm.s32 $0x40;
	s25 =	simm.s32 $0x200;
	[tilespmem:s23+$0x7D10] =	vst.add.f32.msk $0xffff, v3  }
.LBB2_20:
0x18c: {  	p0 =	sne.s32 s25, $0xC700;
	v1 =	vld [tilespmem:s24+$0x1930];
	v2 =	vmov v0  }
0x18d: {  	v3 =	vld [tilespmem:s24+$0x1900]  }
0x18e: {  	v4 =	vld [tilespmem:s24+$0x1910]  }
.Ltmp9:
0x18f: {  	v0 =	vld [tilespmem:s24+$0x1920];
	(pc) =	sbr.rel @p0 .LBB2_20-.Ltmp9, $4  }
0x190: {  	[tilespmem:s23+$0x7D20] =	vst.add.f32.msk $0xffff, v2;
	s23 =	smov.u32 s24  }
0x191: {  	[tilespmem:s23+$0x7D30] =	vst.add.f32.msk $0xffff, v1  }
0x192: {  	[tilespmem:s23+$0x7D00] =	vst.add.f32.msk $0xffff, v3  }
0x193: {  	s24 =	sshra.s32 s25, $0x2;
	s25 =	sadd.s32 $0x100, s25;
	[tilespmem:s23+$0x7D10] =	vst.add.f32.msk $0xffff, v4  }
0x194: {  	v1 =	vld [tilespmem:s24+$0x1930]  }
0x195: {  	v2 =	vld [tilespmem:s24+$0x1900]  }
0x196: {  	v3 =	vld [tilespmem:s24+$0x1910]  }
0x197: {  	v4 =	vld [tilespmem:s24+$0x1920]  }
0x198: {  	[tilespmem:s23+$0x7D20] =	vst.add.f32.msk $0xffff, v0  }
0x199: {  	[tilespmem:s24+$0x7D30] =	vst.add.f32.msk $0xffff, v1  }
0x19a: {  	[tilespmem:s24+$0x7D00] =	vst.add.f32.msk $0xffff, v2  }
0x19b: {  	[tilespmem:s24+$0x7D10] =	vst.add.f32.msk $0xffff, v3  }
0x19c: {  	s25 =	rddreg [dreg:$0xc];
	[tilespmem:s24+$0x7D20] =	vst.add.f32.msk $0xffff, v4;
	s24 =	simm.s32 $0x0  }
0x19d: {  	[hbm4b:s25+s24] =	stream.linear.scatter [tilespmem:s16], [sflag:$0x4], $0x3200, $0x38;
	[tilespmem:$0xAF00] =	vst v63  }
0x19e: {  	_ =	swait.ge [sflag:s21], $0x3200  }
0x19f: {  	[sflag:s21] =	ssyncset.done $0x0  }
0x1a0: {  	s24 =	simm.s32 $0x898;
	[sflag:s21] =	ssyncadd.s32 $0xFFFFCE00  }
0x1a1: {  	[tilespmem:s16], [sflag:$0x2] =	stream.indirect.gather [hbm4b:s3+s12], $0x40, s24, s12, $0xb8;
	[tilespmem:$0xAF00] =	vst v63  }
0x1a2: {  	s25 =	simm.s32 $0x918  }
0x1a3: {  	[tilespmem:s17], [sflag:$0x2] =	stream.indirect.gather [hbm4b:s3+s14], $0x40, s25, s14, $0xb8;
	[tilespmem:$0xAF00] =	vst v63  }
0x1a4: {  	_ =	swait.ge [sflag:s18], $0x2000  }
0x1a5: {  	[sflag:s18] =	ssyncset.done $0x0  }
0x1a6: {  	[sflag:s18] =	ssyncadd.s32 $0xFFFFE000  }
0x1a7: {  	_ =	swait.ge [sflag:s18], $0x1200  }
0x1a8: {  	[sflag:s18] =	ssyncset.done $0x0  }
0x1a9: {  	s23 =	simm.s32 $0x0;
	[sflag:s18] =	ssyncadd.s32 $0xFFFFEE00  }
0x1aa: {  	v1 =	vld [tilespmem:s23+$0x1930]  }
0x1ab: {  	v2 =	vld [tilespmem:s23+$0x1900]  }
0x1ac: {  	v3 =	vld [tilespmem:s23+$0x1910]  }
0x1ad: {  	v0 =	vld [tilespmem:s23+$0x1920];
	_ =	sdelay $0x1  }
0x1ae: {  	[tilespmem:s23+$0x4B30] =	vst.add.f32.msk $0xffff, v1  }
0x1af: {  	[tilespmem:s23+$0x4B00] =	vst.add.f32.msk $0xffff, v2  }
0x1b0: {  	s24 =	simm.s32 $0x40;
	s25 =	simm.s32 $0x200;
	[tilespmem:s23+$0x4B10] =	vst.add.f32.msk $0xffff, v3  }
.LBB2_22:
0x1b1: {  	p0 =	sne.s32 s25, $0xC700;
	v1 =	vld [tilespmem:s24+$0x1930];
	v2 =	vmov v0  }
0x1b2: {  	v3 =	vld [tilespmem:s24+$0x1900]  }
0x1b3: {  	v4 =	vld [tilespmem:s24+$0x1910]  }
.Ltmp10:
0x1b4: {  	v0 =	vld [tilespmem:s24+$0x1920];
	(pc) =	sbr.rel @p0 .LBB2_22-.Ltmp10, $4  }
0x1b5: {  	[tilespmem:s23+$0x4B20] =	vst.add.f32.msk $0xffff, v2;
	s23 =	smov.u32 s24  }
0x1b6: {  	[tilespmem:s23+$0x4B30] =	vst.add.f32.msk $0xffff, v1  }
0x1b7: {  	[tilespmem:s23+$0x4B00] =	vst.add.f32.msk $0xffff, v3  }
0x1b8: {  	s24 =	sshra.s32 s25, $0x2;
	s25 =	sadd.s32 $0x100, s25;
	[tilespmem:s23+$0x4B10] =	vst.add.f32.msk $0xffff, v4  }
0x1b9: {  	v1 =	vld [tilespmem:s24+$0x1930]  }
0x1ba: {  	v2 =	vld [tilespmem:s24+$0x1900]  }
0x1bb: {  	v3 =	vld [tilespmem:s24+$0x1910]  }
0x1bc: {  	v4 =	vld [tilespmem:s24+$0x1920]  }
0x1bd: {  	[tilespmem:s23+$0x4B20] =	vst.add.f32.msk $0xffff, v0  }
0x1be: {  	[tilespmem:s24+$0x4B30] =	vst.add.f32.msk $0xffff, v1  }
0x1bf: {  	[tilespmem:s24+$0x4B00] =	vst.add.f32.msk $0xffff, v2  }
0x1c0: {  	[tilespmem:s24+$0x4B10] =	vst.add.f32.msk $0xffff, v3  }
0x1c1: {  	s25 =	rddreg [dreg:$0xd];
	[tilespmem:s24+$0x4B20] =	vst.add.f32.msk $0xffff, v4;
	s24 =	simm.s32 $0x0  }
0x1c2: {  	[hbm4b:s25+s24] =	stream.linear.scatter [tilespmem:s13], [sflag:$0x3], $0x3200, $0x38;
	[tilespmem:$0xAF00] =	vst v63  }
0x1c3: {  	_ =	swait.ge [sflag:s19], $0x3200  }
0x1c4: {  	[sflag:s19] =	ssyncset.done $0x0  }
0x1c5: {  	s24 =	simm.s32 $0x960;
	[sflag:s19] =	ssyncadd.s32 $0xFFFFCE00  }
0x1c6: {  	[tilespmem:s13], [sflag:$0x1] =	stream.indirect.gather [hbm4b:s3+s12], $0x40, s24, s12, $0xb8;
	[tilespmem:$0xAF00] =	vst v63  }
0x1c7: {  	s25 =	simm.s32 $0x9E0  }
0x1c8: {  	[tilespmem:s15], [sflag:$0x1] =	stream.indirect.gather [hbm4b:s3+s14], $0x40, s25, s14, $0xb8;
	[tilespmem:$0xAF00] =	vst v63  }
0x1c9: {  	_ =	swait.ge [sflag:s20], $0x2000  }
0x1ca: {  	[sflag:s20] =	ssyncset.done $0x0  }
0x1cb: {  	[sflag:s20] =	ssyncadd.s32 $0xFFFFE000  }
0x1cc: {  	_ =	swait.ge [sflag:s20], $0x1200  }
0x1cd: {  	[sflag:s20] =	ssyncset.done $0x0  }
0x1ce: {  	s23 =	simm.s32 $0x0;
	[sflag:s20] =	ssyncadd.s32 $0xFFFFEE00  }
0x1cf: {  	v1 =	vld [tilespmem:s23+$0x1930]  }
0x1d0: {  	v2 =	vld [tilespmem:s23+$0x1900]  }
0x1d1: {  	v3 =	vld [tilespmem:s23+$0x1910]  }
0x1d2: {  	v0 =	vld [tilespmem:s23+$0x1920];
	_ =	sdelay $0x1  }
0x1d3: {  	[tilespmem:s23+$0x7D30] =	vst.add.f32.msk $0xffff, v1  }
0x1d4: {  	[tilespmem:s23+$0x7D00] =	vst.add.f32.msk $0xffff, v2  }
0x1d5: {  	s24 =	simm.s32 $0x40;
	s25 =	simm.s32 $0x200;
	[tilespmem:s23+$0x7D10] =	vst.add.f32.msk $0xffff, v3  }
.LBB2_24:
0x1d6: {  	p0 =	sne.s32 s25, $0xC700;
	v1 =	vld [tilespmem:s24+$0x1930];
	v2 =	vmov v0  }
0x1d7: {  	v3 =	vld [tilespmem:s24+$0x1900]  }
0x1d8: {  	v4 =	vld [tilespmem:s24+$0x1910]  }
.Ltmp11:
0x1d9: {  	v0 =	vld [tilespmem:s24+$0x1920];
	(pc) =	sbr.rel @p0 .LBB2_24-.Ltmp11, $4  }
0x1da: {  	[tilespmem:s23+$0x7D20] =	vst.add.f32.msk $0xffff, v2;
	s23 =	smov.u32 s24  }
0x1db: {  	[tilespmem:s23+$0x7D30] =	vst.add.f32.msk $0xffff, v1  }
0x1dc: {  	[tilespmem:s23+$0x7D00] =	vst.add.f32.msk $0xffff, v3  }
0x1dd: {  	s24 =	sshra.s32 s25, $0x2;
	s25 =	sadd.s32 $0x100, s25;
	[tilespmem:s23+$0x7D10] =	vst.add.f32.msk $0xffff, v4  }
0x1de: {  	v1 =	vld [tilespmem:s24+$0x1930]  }
0x1df: {  	v2 =	vld [tilespmem:s24+$0x1900]  }
0x1e0: {  	v3 =	vld [tilespmem:s24+$0x1910]  }
0x1e1: {  	v4 =	vld [tilespmem:s24+$0x1920]  }
0x1e2: {  	[tilespmem:s23+$0x7D20] =	vst.add.f32.msk $0xffff, v0  }
0x1e3: {  	[tilespmem:s24+$0x7D30] =	vst.add.f32.msk $0xffff, v1  }
0x1e4: {  	[tilespmem:s24+$0x7D00] =	vst.add.f32.msk $0xffff, v2  }
0x1e5: {  	[tilespmem:s24+$0x7D10] =	vst.add.f32.msk $0xffff, v3  }
0x1e6: {  	s25 =	rddreg [dreg:$0xe];
	[tilespmem:s24+$0x7D20] =	vst.add.f32.msk $0xffff, v4;
	s24 =	simm.s32 $0x0  }
0x1e7: {  	[hbm4b:s25+s24] =	stream.linear.scatter [tilespmem:s16], [sflag:$0x4], $0x3200, $0x38;
	[tilespmem:$0xAF00] =	vst v63  }
0x1e8: {  	_ =	swait.ge [sflag:s21], $0x3200  }
0x1e9: {  	[sflag:s21] =	ssyncset.done $0x0  }
0x1ea: {  	s24 =	simm.s32 $0xA28;
	[sflag:s21] =	ssyncadd.s32 $0xFFFFCE00  }
0x1eb: {  	[tilespmem:s16], [sflag:$0x2] =	stream.indirect.gather [hbm4b:s3+s12], $0x40, s24, s12, $0xb8;
	[tilespmem:$0xAF00] =	vst v63  }
0x1ec: {  	s25 =	simm.s32 $0xAA8  }
0x1ed: {  	[tilespmem:s17], [sflag:$0x2] =	stream.indirect.gather [hbm4b:s3+s14], $0x40, s25, s14, $0xb8;
	[tilespmem:$0xAF00] =	vst v63  }
0x1ee: {  	_ =	swait.ge [sflag:s18], $0x2000  }
0x1ef: {  	[sflag:s18] =	ssyncset.done $0x0  }
0x1f0: {  	[sflag:s18] =	ssyncadd.s32 $0xFFFFE000  }
0x1f1: {  	_ =	swait.ge [sflag:s18], $0x1200  }
0x1f2: {  	[sflag:s18] =	ssyncset.done $0x0  }
0x1f3: {  	s23 =	simm.s32 $0x0;
	[sflag:s18] =	ssyncadd.s32 $0xFFFFEE00  }
0x1f4: {  	v1 =	vld [tilespmem:s23+$0x1930]  }
0x1f5: {  	v2 =	vld [tilespmem:s23+$0x1900]  }
0x1f6: {  	v3 =	vld [tilespmem:s23+$0x1910]  }
0x1f7: {  	v0 =	vld [tilespmem:s23+$0x1920];
	_ =	sdelay $0x1  }
0x1f8: {  	[tilespmem:s23+$0x4B30] =	vst.add.f32.msk $0xffff, v1  }
0x1f9: {  	[tilespmem:s23+$0x4B00] =	vst.add.f32.msk $0xffff, v2  }
0x1fa: {  	s24 =	simm.s32 $0x40;
	s25 =	simm.s32 $0x200;
	[tilespmem:s23+$0x4B10] =	vst.add.f32.msk $0xffff, v3  }
.LBB2_26:
0x1fb: {  	p0 =	sne.s32 s25, $0xC700;
	v1 =	vld [tilespmem:s24+$0x1930];
	v2 =	vmov v0  }
0x1fc: {  	v3 =	vld [tilespmem:s24+$0x1900]  }
0x1fd: {  	v4 =	vld [tilespmem:s24+$0x1910]  }
.Ltmp12:
0x1fe: {  	v0 =	vld [tilespmem:s24+$0x1920];
	(pc) =	sbr.rel @p0 .LBB2_26-.Ltmp12, $4  }
0x1ff: {  	[tilespmem:s23+$0x4B20] =	vst.add.f32.msk $0xffff, v2;
	s23 =	smov.u32 s24  }
0x200: {  	[tilespmem:s23+$0x4B30] =	vst.add.f32.msk $0xffff, v1  }
0x201: {  	[tilespmem:s23+$0x4B00] =	vst.add.f32.msk $0xffff, v3  }
0x202: {  	s24 =	sshra.s32 s25, $0x2;
	s25 =	sadd.s32 $0x100, s25;
	[tilespmem:s23+$0x4B10] =	vst.add.f32.msk $0xffff, v4  }
0x203: {  	v1 =	vld [tilespmem:s24+$0x1930]  }
0x204: {  	v2 =	vld [tilespmem:s24+$0x1900]  }
0x205: {  	v3 =	vld [tilespmem:s24+$0x1910]  }
0x206: {  	v4 =	vld [tilespmem:s24+$0x1920]  }
0x207: {  	[tilespmem:s23+$0x4B20] =	vst.add.f32.msk $0xffff, v0  }
0x208: {  	[tilespmem:s24+$0x4B30] =	vst.add.f32.msk $0xffff, v1  }
0x209: {  	[tilespmem:s24+$0x4B00] =	vst.add.f32.msk $0xffff, v2  }
0x20a: {  	[tilespmem:s24+$0x4B10] =	vst.add.f32.msk $0xffff, v3  }
0x20b: {  	s25 =	rddreg [dreg:$0xf];
	[tilespmem:s24+$0x4B20] =	vst.add.f32.msk $0xffff, v4;
	s24 =	simm.s32 $0x0  }
0x20c: {  	[hbm4b:s25+s24] =	stream.linear.scatter [tilespmem:s13], [sflag:$0x3], $0x3200, $0x38;
	[tilespmem:$0xAF00] =	vst v63  }
0x20d: {  	_ =	swait.ge [sflag:s19], $0x3200  }
0x20e: {  	[sflag:s19] =	ssyncset.done $0x0  }
0x20f: {  	s24 =	simm.s32 $0xAF0;
	[sflag:s19] =	ssyncadd.s32 $0xFFFFCE00  }
0x210: {  	[tilespmem:s13], [sflag:$0x1] =	stream.indirect.gather [hbm4b:s3+s12], $0x40, s24, s12, $0xb8;
	[tilespmem:$0xAF00] =	vst v63  }
0x211: {  	s25 =	simm.s32 $0xB70  }
0x212: {  	[tilespmem:s15], [sflag:$0x1] =	stream.indirect.gather [hbm4b:s3+s14], $0x40, s25, s14, $0xb8;
	[tilespmem:$0xAF00] =	vst v63  }
0x213: {  	_ =	swait.ge [sflag:s20], $0x2000  }
0x214: {  	[sflag:s20] =	ssyncset.done $0x0  }
0x215: {  	[sflag:s20] =	ssyncadd.s32 $0xFFFFE000  }
0x216: {  	_ =	swait.ge [sflag:s20], $0x1200  }
0x217: {  	[sflag:s20] =	ssyncset.done $0x0  }
0x218: {  	s23 =	simm.s32 $0x0;
	[sflag:s20] =	ssyncadd.s32 $0xFFFFEE00  }
0x219: {  	v1 =	vld [tilespmem:s23+$0x1930]  }
0x21a: {  	v2 =	vld [tilespmem:s23+$0x1900]  }
0x21b: {  	v3 =	vld [tilespmem:s23+$0x1910]  }
0x21c: {  	v0 =	vld [tilespmem:s23+$0x1920];
	_ =	sdelay $0x1  }
0x21d: {  	[tilespmem:s23+$0x7D30] =	vst.add.f32.msk $0xffff, v1  }
0x21e: {  	[tilespmem:s23+$0x7D00] =	vst.add.f32.msk $0xffff, v2  }
0x21f: {  	s24 =	simm.s32 $0x40;
	s25 =	simm.s32 $0x200;
	[tilespmem:s23+$0x7D10] =	vst.add.f32.msk $0xffff, v3  }
.LBB2_28:
0x220: {  	p0 =	sne.s32 s25, $0xC700;
	v1 =	vld [tilespmem:s24+$0x1930];
	v2 =	vmov v0  }
0x221: {  	v3 =	vld [tilespmem:s24+$0x1900]  }
0x222: {  	v4 =	vld [tilespmem:s24+$0x1910]  }
.Ltmp13:
0x223: {  	v0 =	vld [tilespmem:s24+$0x1920];
	(pc) =	sbr.rel @p0 .LBB2_28-.Ltmp13, $4  }
0x224: {  	[tilespmem:s23+$0x7D20] =	vst.add.f32.msk $0xffff, v2;
	s23 =	smov.u32 s24  }
0x225: {  	[tilespmem:s23+$0x7D30] =	vst.add.f32.msk $0xffff, v1  }
0x226: {  	[tilespmem:s23+$0x7D00] =	vst.add.f32.msk $0xffff, v3  }
0x227: {  	s24 =	sshra.s32 s25, $0x2;
	s25 =	sadd.s32 $0x100, s25;
	[tilespmem:s23+$0x7D10] =	vst.add.f32.msk $0xffff, v4  }
0x228: {  	v1 =	vld [tilespmem:s24+$0x1930]  }
0x229: {  	v2 =	vld [tilespmem:s24+$0x1900]  }
0x22a: {  	v3 =	vld [tilespmem:s24+$0x1910]  }
0x22b: {  	v4 =	vld [tilespmem:s24+$0x1920]  }
0x22c: {  	[tilespmem:s23+$0x7D20] =	vst.add.f32.msk $0xffff, v0  }
0x22d: {  	[tilespmem:s24+$0x7D30] =	vst.add.f32.msk $0xffff, v1  }
0x22e: {  	[tilespmem:s24+$0x7D00] =	vst.add.f32.msk $0xffff, v2  }
0x22f: {  	[tilespmem:s24+$0x7D10] =	vst.add.f32.msk $0xffff, v3  }
0x230: {  	s25 =	rddreg [dreg:$0x10];
	[tilespmem:s24+$0x7D20] =	vst.add.f32.msk $0xffff, v4;
	s24 =	simm.s32 $0x0  }
0x231: {  	[hbm4b:s25+s24] =	stream.linear.scatter [tilespmem:s16], [sflag:$0x4], $0x3200, $0x38;
	[tilespmem:$0xAF00] =	vst v63  }
0x232: {  	_ =	swait.ge [sflag:s21], $0x3200  }
0x233: {  	[sflag:s21] =	ssyncset.done $0x0  }
0x234: {  	s24 =	simm.s32 $0xBB8;
	[sflag:s21] =	ssyncadd.s32 $0xFFFFCE00  }
0x235: {  	[tilespmem:s16], [sflag:$0x2] =	stream.indirect.gather [hbm4b:s3+s12], $0x40, s24, s12, $0xb8;
	[tilespmem:$0xAF00] =	vst v63  }
0x236: {  	s25 =	simm.s32 $0xC38  }
0x237: {  	[tilespmem:s17], [sflag:$0x2] =	stream.indirect.gather [hbm4b:s3+s14], $0x40, s25, s14, $0xb8;
	[tilespmem:$0xAF00] =	vst v63  }
0x238: {  	_ =	swait.ge [sflag:s18], $0x2000  }
0x239: {  	[sflag:s18] =	ssyncset.done $0x0  }
0x23a: {  	[sflag:s18] =	ssyncadd.s32 $0xFFFFE000  }
0x23b: {  	_ =	swait.ge [sflag:s18], $0x1200  }
0x23c: {  	[sflag:s18] =	ssyncset.done $0x0  }
0x23d: {  	s23 =	simm.s32 $0x0;
	[sflag:s18] =	ssyncadd.s32 $0xFFFFEE00  }
0x23e: {  	v1 =	vld [tilespmem:s23+$0x1930]  }
0x23f: {  	v2 =	vld [tilespmem:s23+$0x1900]  }
0x240: {  	v3 =	vld [tilespmem:s23+$0x1910]  }
0x241: {  	v0 =	vld [tilespmem:s23+$0x1920];
	_ =	sdelay $0x1  }
0x242: {  	[tilespmem:s23+$0x4B30] =	vst.add.f32.msk $0xffff, v1  }
0x243: {  	[tilespmem:s23+$0x4B00] =	vst.add.f32.msk $0xffff, v2  }
0x244: {  	s24 =	simm.s32 $0x40;
	s25 =	simm.s32 $0x200;
	[tilespmem:s23+$0x4B10] =	vst.add.f32.msk $0xffff, v3  }
.LBB2_30:
0x245: {  	p0 =	sne.s32 s25, $0xC700;
	v1 =	vld [tilespmem:s24+$0x1930];
	v2 =	vmov v0  }
0x246: {  	v3 =	vld [tilespmem:s24+$0x1900]  }
0x247: {  	v4 =	vld [tilespmem:s24+$0x1910]  }
.Ltmp14:
0x248: {  	v0 =	vld [tilespmem:s24+$0x1920];
	(pc) =	sbr.rel @p0 .LBB2_30-.Ltmp14, $4  }
0x249: {  	[tilespmem:s23+$0x4B20] =	vst.add.f32.msk $0xffff, v2;
	s23 =	smov.u32 s24  }
0x24a: {  	[tilespmem:s23+$0x4B30] =	vst.add.f32.msk $0xffff, v1  }
0x24b: {  	[tilespmem:s23+$0x4B00] =	vst.add.f32.msk $0xffff, v3  }
0x24c: {  	s24 =	sshra.s32 s25, $0x2;
	s25 =	sadd.s32 $0x100, s25;
	[tilespmem:s23+$0x4B10] =	vst.add.f32.msk $0xffff, v4  }
0x24d: {  	v1 =	vld [tilespmem:s24+$0x1930]  }
0x24e: {  	v2 =	vld [tilespmem:s24+$0x1900]  }
0x24f: {  	v3 =	vld [tilespmem:s24+$0x1910]  }
0x250: {  	v4 =	vld [tilespmem:s24+$0x1920]  }
0x251: {  	[tilespmem:s23+$0x4B20] =	vst.add.f32.msk $0xffff, v0  }
0x252: {  	[tilespmem:s24+$0x4B30] =	vst.add.f32.msk $0xffff, v1  }
0x253: {  	[tilespmem:s24+$0x4B00] =	vst.add.f32.msk $0xffff, v2  }
0x254: {  	[tilespmem:s24+$0x4B10] =	vst.add.f32.msk $0xffff, v3  }
0x255: {  	s25 =	rddreg [dreg:$0x11];
	[tilespmem:s24+$0x4B20] =	vst.add.f32.msk $0xffff, v4;
	s24 =	simm.s32 $0x0  }
0x256: {  	[hbm4b:s25+s24] =	stream.linear.scatter [tilespmem:s13], [sflag:$0x3], $0x3200, $0x38;
	[tilespmem:$0xAF00] =	vst v63  }
0x257: {  	_ =	swait.ge [sflag:s19], $0x3200  }
0x258: {  	[sflag:s19] =	ssyncset.done $0x0  }
0x259: {  	s24 =	simm.s32 $0xC80;
	[sflag:s19] =	ssyncadd.s32 $0xFFFFCE00  }
0x25a: {  	[tilespmem:s13], [sflag:$0x1] =	stream.indirect.gather [hbm4b:s3+s12], $0x40, s24, s12, $0xb8;
	[tilespmem:$0xAF00] =	vst v63  }
0x25b: {  	s25 =	simm.s32 $0xD00  }
0x25c: {  	[tilespmem:s15], [sflag:$0x1] =	stream.indirect.gather [hbm4b:s3+s14], $0x40, s25, s14, $0xb8;
	[tilespmem:$0xAF00] =	vst v63  }
0x25d: {  	_ =	swait.ge [sflag:s20], $0x2000  }
0x25e: {  	[sflag:s20] =	ssyncset.done $0x0  }
0x25f: {  	[sflag:s20] =	ssyncadd.s32 $0xFFFFE000  }
0x260: {  	_ =	swait.ge [sflag:s20], $0x1200  }
0x261: {  	[sflag:s20] =	ssyncset.done $0x0  }
0x262: {  	s23 =	simm.s32 $0x0;
	[sflag:s20] =	ssyncadd.s32 $0xFFFFEE00  }
0x263: {  	v1 =	vld [tilespmem:s23+$0x1930]  }
0x264: {  	v2 =	vld [tilespmem:s23+$0x1900]  }
0x265: {  	v3 =	vld [tilespmem:s23+$0x1910]  }
0x266: {  	v0 =	vld [tilespmem:s23+$0x1920];
	_ =	sdelay $0x1  }
0x267: {  	[tilespmem:s23+$0x7D30] =	vst.add.f32.msk $0xffff, v1  }
0x268: {  	[tilespmem:s23+$0x7D00] =	vst.add.f32.msk $0xffff, v2  }
0x269: {  	s24 =	simm.s32 $0x40;
	s25 =	simm.s32 $0x200;
	[tilespmem:s23+$0x7D10] =	vst.add.f32.msk $0xffff, v3  }
.LBB2_32:
0x26a: {  	p0 =	sne.s32 s25, $0xC700;
	v1 =	vld [tilespmem:s24+$0x1930];
	v2 =	vmov v0  }
0x26b: {  	v3 =	vld [tilespmem:s24+$0x1900]  }
0x26c: {  	v4 =	vld [tilespmem:s24+$0x1910]  }
.Ltmp15:
0x26d: {  	v0 =	vld [tilespmem:s24+$0x1920];
	(pc) =	sbr.rel @p0 .LBB2_32-.Ltmp15, $4  }
0x26e: {  	[tilespmem:s23+$0x7D20] =	vst.add.f32.msk $0xffff, v2;
	s23 =	smov.u32 s24  }
0x26f: {  	[tilespmem:s23+$0x7D30] =	vst.add.f32.msk $0xffff, v1  }
0x270: {  	[tilespmem:s23+$0x7D00] =	vst.add.f32.msk $0xffff, v3  }
0x271: {  	s24 =	sshra.s32 s25, $0x2;
	s25 =	sadd.s32 $0x100, s25;
	[tilespmem:s23+$0x7D10] =	vst.add.f32.msk $0xffff, v4  }
0x272: {  	v1 =	vld [tilespmem:s24+$0x1930]  }
0x273: {  	v2 =	vld [tilespmem:s24+$0x1900]  }
0x274: {  	v3 =	vld [tilespmem:s24+$0x1910]  }
0x275: {  	v4 =	vld [tilespmem:s24+$0x1920]  }
0x276: {  	[tilespmem:s23+$0x7D20] =	vst.add.f32.msk $0xffff, v0  }
0x277: {  	[tilespmem:s24+$0x7D30] =	vst.add.f32.msk $0xffff, v1  }
0x278: {  	[tilespmem:s24+$0x7D00] =	vst.add.f32.msk $0xffff, v2  }
0x279: {  	[tilespmem:s24+$0x7D10] =	vst.add.f32.msk $0xffff, v3  }
0x27a: {  	s25 =	rddreg [dreg:$0x12];
	[tilespmem:s24+$0x7D20] =	vst.add.f32.msk $0xffff, v4;
	s24 =	simm.s32 $0x0  }
0x27b: {  	[hbm4b:s25+s24] =	stream.linear.scatter [tilespmem:s16], [sflag:$0x4], $0x3200, $0x38;
	[tilespmem:$0xAF00] =	vst v63  }
0x27c: {  	_ =	swait.ge [sflag:s21], $0x3200  }
0x27d: {  	[sflag:s21] =	ssyncset.done $0x0  }
0x27e: {  	s24 =	simm.s32 $0xD48;
	[sflag:s21] =	ssyncadd.s32 $0xFFFFCE00  }
0x27f: {  	[tilespmem:s16], [sflag:$0x2] =	stream.indirect.gather [hbm4b:s3+s12], $0x40, s24, s12, $0xb8;
	[tilespmem:$0xAF00] =	vst v63  }
0x280: {  	s25 =	simm.s32 $0xDC8  }
0x281: {  	[tilespmem:s17], [sflag:$0x2] =	stream.indirect.gather [hbm4b:s3+s14], $0x40, s25, s14, $0xb8;
	[tilespmem:$0xAF00] =	vst v63  }
0x282: {  	_ =	swait.ge [sflag:s18], $0x2000  }
0x283: {  	[sflag:s18] =	ssyncset.done $0x0  }
0x284: {  	[sflag:s18] =	ssyncadd.s32 $0xFFFFE000  }
0x285: {  	_ =	swait.ge [sflag:s18], $0x1200  }
0x286: {  	[sflag:s18] =	ssyncset.done $0x0  }
0x287: {  	s23 =	simm.s32 $0x0;
	[sflag:s18] =	ssyncadd.s32 $0xFFFFEE00  }
0x288: {  	v1 =	vld [tilespmem:s23+$0x1930]  }
0x289: {  	v2 =	vld [tilespmem:s23+$0x1900]  }
0x28a: {  	v3 =	vld [tilespmem:s23+$0x1910]  }
0x28b: {  	v0 =	vld [tilespmem:s23+$0x1920];
	_ =	sdelay $0x1  }
0x28c: {  	[tilespmem:s23+$0x4B30] =	vst.add.f32.msk $0xffff, v1  }
0x28d: {  	[tilespmem:s23+$0x4B00] =	vst.add.f32.msk $0xffff, v2  }
0x28e: {  	s24 =	simm.s32 $0x40;
	s25 =	simm.s32 $0x200;
	[tilespmem:s23+$0x4B10] =	vst.add.f32.msk $0xffff, v3  }
.LBB2_34:
0x28f: {  	p0 =	sne.s32 s25, $0xC700;
	v1 =	vld [tilespmem:s24+$0x1930];
	v2 =	vmov v0  }
0x290: {  	v3 =	vld [tilespmem:s24+$0x1900]  }
0x291: {  	v4 =	vld [tilespmem:s24+$0x1910]  }
.Ltmp16:
0x292: {  	v0 =	vld [tilespmem:s24+$0x1920];
	(pc) =	sbr.rel @p0 .LBB2_34-.Ltmp16, $4  }
0x293: {  	[tilespmem:s23+$0x4B20] =	vst.add.f32.msk $0xffff, v2;
	s23 =	smov.u32 s24  }
0x294: {  	[tilespmem:s23+$0x4B30] =	vst.add.f32.msk $0xffff, v1  }
0x295: {  	[tilespmem:s23+$0x4B00] =	vst.add.f32.msk $0xffff, v3  }
0x296: {  	s24 =	sshra.s32 s25, $0x2;
	s25 =	sadd.s32 $0x100, s25;
	[tilespmem:s23+$0x4B10] =	vst.add.f32.msk $0xffff, v4  }
0x297: {  	v1 =	vld [tilespmem:s24+$0x1930]  }
0x298: {  	v2 =	vld [tilespmem:s24+$0x1900]  }
0x299: {  	v3 =	vld [tilespmem:s24+$0x1910]  }
0x29a: {  	v4 =	vld [tilespmem:s24+$0x1920]  }
0x29b: {  	[tilespmem:s23+$0x4B20] =	vst.add.f32.msk $0xffff, v0  }
0x29c: {  	[tilespmem:s24+$0x4B30] =	vst.add.f32.msk $0xffff, v1  }
0x29d: {  	[tilespmem:s24+$0x4B00] =	vst.add.f32.msk $0xffff, v2  }
0x29e: {  	[tilespmem:s24+$0x4B10] =	vst.add.f32.msk $0xffff, v3  }
0x29f: {  	s25 =	rddreg [dreg:$0x13];
	[tilespmem:s24+$0x4B20] =	vst.add.f32.msk $0xffff, v4;
	s24 =	simm.s32 $0x0  }
0x2a0: {  	[hbm4b:s25+s24] =	stream.linear.scatter [tilespmem:s13], [sflag:$0x3], $0x3200, $0x38;
	[tilespmem:$0xAF00] =	vst v63  }
0x2a1: {  	_ =	swait.ge [sflag:s19], $0x3200  }
0x2a2: {  	[sflag:s19] =	ssyncset.done $0x0  }
0x2a3: {  	s24 =	simm.s32 $0xE10;
	[sflag:s19] =	ssyncadd.s32 $0xFFFFCE00  }
0x2a4: {  	[tilespmem:s13], [sflag:$0x1] =	stream.indirect.gather [hbm4b:s3+s12], $0x40, s24, s12, $0xb8;
	[tilespmem:$0xAF00] =	vst v63  }
0x2a5: {  	s25 =	simm.s32 $0xE90  }
0x2a6: {  	[tilespmem:s15], [sflag:$0x1] =	stream.indirect.gather [hbm4b:s3+s14], $0x40, s25, s14, $0xb8;
	[tilespmem:$0xAF00] =	vst v63  }
0x2a7: {  	_ =	swait.ge [sflag:s20], $0x2000  }
0x2a8: {  	[sflag:s20] =	ssyncset.done $0x0  }
0x2a9: {  	[sflag:s20] =	ssyncadd.s32 $0xFFFFE000  }
0x2aa: {  	_ =	swait.ge [sflag:s20], $0x1200  }
0x2ab: {  	[sflag:s20] =	ssyncset.done $0x0  }
0x2ac: {  	s23 =	simm.s32 $0x0;
	[sflag:s20] =	ssyncadd.s32 $0xFFFFEE00  }
0x2ad: {  	v1 =	vld [tilespmem:s23+$0x1930]  }
0x2ae: {  	v2 =	vld [tilespmem:s23+$0x1900]  }
0x2af: {  	v3 =	vld [tilespmem:s23+$0x1910]  }
0x2b0: {  	v0 =	vld [tilespmem:s23+$0x1920];
	_ =	sdelay $0x1  }
0x2b1: {  	[tilespmem:s23+$0x7D30] =	vst.add.f32.msk $0xffff, v1  }
0x2b2: {  	[tilespmem:s23+$0x7D00] =	vst.add.f32.msk $0xffff, v2  }
0x2b3: {  	s24 =	simm.s32 $0x40;
	s25 =	simm.s32 $0x200;
	[tilespmem:s23+$0x7D10] =	vst.add.f32.msk $0xffff, v3  }
.LBB2_36:
0x2b4: {  	p0 =	sne.s32 s25, $0xC700;
	v1 =	vld [tilespmem:s24+$0x1930];
	v2 =	vmov v0  }
0x2b5: {  	v3 =	vld [tilespmem:s24+$0x1900]  }
0x2b6: {  	v4 =	vld [tilespmem:s24+$0x1910]  }
.Ltmp17:
0x2b7: {  	v0 =	vld [tilespmem:s24+$0x1920];
	(pc) =	sbr.rel @p0 .LBB2_36-.Ltmp17, $4  }
0x2b8: {  	[tilespmem:s23+$0x7D20] =	vst.add.f32.msk $0xffff, v2;
	s23 =	smov.u32 s24  }
0x2b9: {  	[tilespmem:s23+$0x7D30] =	vst.add.f32.msk $0xffff, v1  }
0x2ba: {  	[tilespmem:s23+$0x7D00] =	vst.add.f32.msk $0xffff, v3  }
0x2bb: {  	s24 =	sshra.s32 s25, $0x2;
	s25 =	sadd.s32 $0x100, s25;
	[tilespmem:s23+$0x7D10] =	vst.add.f32.msk $0xffff, v4  }
0x2bc: {  	v1 =	vld [tilespmem:s24+$0x1930]  }
0x2bd: {  	v2 =	vld [tilespmem:s24+$0x1900]  }
0x2be: {  	v3 =	vld [tilespmem:s24+$0x1910]  }
0x2bf: {  	v4 =	vld [tilespmem:s24+$0x1920]  }
0x2c0: {  	[tilespmem:s23+$0x7D20] =	vst.add.f32.msk $0xffff, v0  }
0x2c1: {  	[tilespmem:s24+$0x7D30] =	vst.add.f32.msk $0xffff, v1  }
0x2c2: {  	[tilespmem:s24+$0x7D00] =	vst.add.f32.msk $0xffff, v2  }
0x2c3: {  	[tilespmem:s24+$0x7D10] =	vst.add.f32.msk $0xffff, v3  }
0x2c4: {  	s25 =	rddreg [dreg:$0x14];
	[tilespmem:s24+$0x7D20] =	vst.add.f32.msk $0xffff, v4;
	s24 =	simm.s32 $0x0  }
0x2c5: {  	[hbm4b:s25+s24] =	stream.linear.scatter [tilespmem:s16], [sflag:$0x4], $0x3200, $0x38;
	[tilespmem:$0xAF00] =	vst v63  }
0x2c6: {  	_ =	swait.ge [sflag:s21], $0x3200  }
0x2c7: {  	[sflag:s21] =	ssyncset.done $0x0  }
0x2c8: {  	s24 =	simm.s32 $0xED8;
	[sflag:s21] =	ssyncadd.s32 $0xFFFFCE00  }
0x2c9: {  	[tilespmem:s16], [sflag:$0x2] =	stream.indirect.gather [hbm4b:s3+s12], $0x40, s24, s12, $0xb8;
	[tilespmem:$0xAF00] =	vst v63  }
0x2ca: {  	s25 =	simm.s32 $0xF58  }
0x2cb: {  	[tilespmem:s17], [sflag:$0x2] =	stream.indirect.gather [hbm4b:s3+s14], $0x40, s25, s14, $0xb8;
	[tilespmem:$0xAF00] =	vst v63  }
0x2cc: {  	_ =	swait.ge [sflag:s18], $0x2000  }
0x2cd: {  	[sflag:s18] =	ssyncset.done $0x0  }
0x2ce: {  	[sflag:s18] =	ssyncadd.s32 $0xFFFFE000  }
0x2cf: {  	_ =	swait.ge [sflag:s18], $0x1200  }
0x2d0: {  	[sflag:s18] =	ssyncset.done $0x0  }
0x2d1: {  	s23 =	simm.s32 $0x0;
	[sflag:s18] =	ssyncadd.s32 $0xFFFFEE00  }
0x2d2: {  	v1 =	vld [tilespmem:s23+$0x1930]  }
0x2d3: {  	v2 =	vld [tilespmem:s23+$0x1900]  }
0x2d4: {  	v3 =	vld [tilespmem:s23+$0x1910]  }
0x2d5: {  	v0 =	vld [tilespmem:s23+$0x1920];
	_ =	sdelay $0x1  }
0x2d6: {  	[tilespmem:s23+$0x4B30] =	vst.add.f32.msk $0xffff, v1  }
0x2d7: {  	[tilespmem:s23+$0x4B00] =	vst.add.f32.msk $0xffff, v2  }
0x2d8: {  	s24 =	simm.s32 $0x40;
	s25 =	simm.s32 $0x200;
	[tilespmem:s23+$0x4B10] =	vst.add.f32.msk $0xffff, v3  }
.LBB2_38:
0x2d9: {  	p0 =	sne.s32 s25, $0xC700;
	v1 =	vld [tilespmem:s24+$0x1930];
	v2 =	vmov v0  }
0x2da: {  	v3 =	vld [tilespmem:s24+$0x1900]  }
0x2db: {  	v4 =	vld [tilespmem:s24+$0x1910]  }
.Ltmp18:
0x2dc: {  	v0 =	vld [tilespmem:s24+$0x1920];
	(pc) =	sbr.rel @p0 .LBB2_38-.Ltmp18, $4  }
0x2dd: {  	[tilespmem:s23+$0x4B20] =	vst.add.f32.msk $0xffff, v2;
	s23 =	smov.u32 s24  }
0x2de: {  	[tilespmem:s23+$0x4B30] =	vst.add.f32.msk $0xffff, v1  }
0x2df: {  	[tilespmem:s23+$0x4B00] =	vst.add.f32.msk $0xffff, v3  }
0x2e0: {  	s24 =	sshra.s32 s25, $0x2;
	s25 =	sadd.s32 $0x100, s25;
	[tilespmem:s23+$0x4B10] =	vst.add.f32.msk $0xffff, v4  }
0x2e1: {  	v1 =	vld [tilespmem:s24+$0x1930]  }
0x2e2: {  	v2 =	vld [tilespmem:s24+$0x1900]  }
0x2e3: {  	v3 =	vld [tilespmem:s24+$0x1910]  }
0x2e4: {  	v4 =	vld [tilespmem:s24+$0x1920]  }
0x2e5: {  	[tilespmem:s23+$0x4B20] =	vst.add.f32.msk $0xffff, v0  }
0x2e6: {  	[tilespmem:s24+$0x4B30] =	vst.add.f32.msk $0xffff, v1  }
0x2e7: {  	[tilespmem:s24+$0x4B00] =	vst.add.f32.msk $0xffff, v2  }
0x2e8: {  	[tilespmem:s24+$0x4B10] =	vst.add.f32.msk $0xffff, v3  }
0x2e9: {  	s25 =	rddreg [dreg:$0x15];
	[tilespmem:s24+$0x4B20] =	vst.add.f32.msk $0xffff, v4;
	s24 =	simm.s32 $0x0  }
0x2ea: {  	[hbm4b:s25+s24] =	stream.linear.scatter [tilespmem:s13], [sflag:$0x3], $0x3200, $0x38;
	[tilespmem:$0xAF00] =	vst v63  }
0x2eb: {  	_ =	swait.ge [sflag:s19], $0x3200  }
0x2ec: {  	[sflag:s19] =	ssyncset.done $0x0  }
0x2ed: {  	s24 =	simm.s32 $0xFA0;
	[sflag:s19] =	ssyncadd.s32 $0xFFFFCE00  }
0x2ee: {  	[tilespmem:s13], [sflag:$0x1] =	stream.indirect.gather [hbm4b:s3+s12], $0x40, s24, s12, $0xb8;
	[tilespmem:$0xAF00] =	vst v63  }
0x2ef: {  	s25 =	simm.s32 $0x1020  }
0x2f0: {  	[tilespmem:s15], [sflag:$0x1] =	stream.indirect.gather [hbm4b:s3+s14], $0x40, s25, s14, $0xb8;
	[tilespmem:$0xAF00] =	vst v63  }
0x2f1: {  	_ =	swait.ge [sflag:s20], $0x2000  }
0x2f2: {  	[sflag:s20] =	ssyncset.done $0x0  }
0x2f3: {  	[sflag:s20] =	ssyncadd.s32 $0xFFFFE000  }
0x2f4: {  	_ =	swait.ge [sflag:s20], $0x1200  }
0x2f5: {  	[sflag:s20] =	ssyncset.done $0x0  }
0x2f6: {  	s23 =	simm.s32 $0x0;
	[sflag:s20] =	ssyncadd.s32 $0xFFFFEE00  }
0x2f7: {  	v1 =	vld [tilespmem:s23+$0x1930]  }
0x2f8: {  	v2 =	vld [tilespmem:s23+$0x1900]  }
0x2f9: {  	v3 =	vld [tilespmem:s23+$0x1910]  }
0x2fa: {  	v0 =	vld [tilespmem:s23+$0x1920];
	_ =	sdelay $0x1  }
0x2fb: {  	[tilespmem:s23+$0x7D30] =	vst.add.f32.msk $0xffff, v1  }
0x2fc: {  	[tilespmem:s23+$0x7D00] =	vst.add.f32.msk $0xffff, v2  }
0x2fd: {  	s24 =	simm.s32 $0x40;
	s25 =	simm.s32 $0x200;
	[tilespmem:s23+$0x7D10] =	vst.add.f32.msk $0xffff, v3  }
.LBB2_40:
0x2fe: {  	p0 =	sne.s32 s25, $0xC700;
	v1 =	vld [tilespmem:s24+$0x1930];
	v2 =	vmov v0  }
0x2ff: {  	v3 =	vld [tilespmem:s24+$0x1900]  }
0x300: {  	v4 =	vld [tilespmem:s24+$0x1910]  }
.Ltmp19:
0x301: {  	v0 =	vld [tilespmem:s24+$0x1920];
	(pc) =	sbr.rel @p0 .LBB2_40-.Ltmp19, $4  }
0x302: {  	[tilespmem:s23+$0x7D20] =	vst.add.f32.msk $0xffff, v2;
	s23 =	smov.u32 s24  }
0x303: {  	[tilespmem:s23+$0x7D30] =	vst.add.f32.msk $0xffff, v1  }
0x304: {  	[tilespmem:s23+$0x7D00] =	vst.add.f32.msk $0xffff, v3  }
0x305: {  	s24 =	sshra.s32 s25, $0x2;
	s25 =	sadd.s32 $0x100, s25;
	[tilespmem:s23+$0x7D10] =	vst.add.f32.msk $0xffff, v4  }
0x306: {  	v1 =	vld [tilespmem:s24+$0x1930]  }
0x307: {  	v2 =	vld [tilespmem:s24+$0x1900]  }
0x308: {  	v3 =	vld [tilespmem:s24+$0x1910]  }
0x309: {  	v4 =	vld [tilespmem:s24+$0x1920]  }
0x30a: {  	[tilespmem:s23+$0x7D20] =	vst.add.f32.msk $0xffff, v0  }
0x30b: {  	[tilespmem:s24+$0x7D30] =	vst.add.f32.msk $0xffff, v1  }
0x30c: {  	[tilespmem:s24+$0x7D00] =	vst.add.f32.msk $0xffff, v2  }
0x30d: {  	[tilespmem:s24+$0x7D10] =	vst.add.f32.msk $0xffff, v3  }
0x30e: {  	s25 =	rddreg [dreg:$0x16];
	[tilespmem:s24+$0x7D20] =	vst.add.f32.msk $0xffff, v4;
	s24 =	simm.s32 $0x0  }
0x30f: {  	[hbm4b:s25+s24] =	stream.linear.scatter [tilespmem:s16], [sflag:$0x4], $0x3200, $0x38;
	[tilespmem:$0xAF00] =	vst v63  }
0x310: {  	_ =	swait.ge [sflag:s21], $0x3200  }
0x311: {  	[sflag:s21] =	ssyncset.done $0x0  }
0x312: {  	s24 =	simm.s32 $0x1068;
	[sflag:s21] =	ssyncadd.s32 $0xFFFFCE00  }
0x313: {  	[tilespmem:s16], [sflag:$0x2] =	stream.indirect.gather [hbm4b:s3+s12], $0x40, s24, s12, $0xb8;
	[tilespmem:$0xAF00] =	vst v63  }
0x314: {  	s25 =	simm.s32 $0x10E8  }
0x315: {  	[tilespmem:s17], [sflag:$0x2] =	stream.indirect.gather [hbm4b:s3+s14], $0x40, s25, s14, $0xb8;
	[tilespmem:$0xAF00] =	vst v63  }
0x316: {  	_ =	swait.ge [sflag:s18], $0x2000  }
0x317: {  	[sflag:s18] =	ssyncset.done $0x0  }
0x318: {  	[sflag:s18] =	ssyncadd.s32 $0xFFFFE000  }
0x319: {  	_ =	swait.ge [sflag:s18], $0x1200  }
0x31a: {  	[sflag:s18] =	ssyncset.done $0x0  }
0x31b: {  	s23 =	simm.s32 $0x0;
	[sflag:s18] =	ssyncadd.s32 $0xFFFFEE00  }
0x31c: {  	v1 =	vld [tilespmem:s23+$0x1930]  }
0x31d: {  	v2 =	vld [tilespmem:s23+$0x1900]  }
0x31e: {  	v3 =	vld [tilespmem:s23+$0x1910]  }
0x31f: {  	v0 =	vld [tilespmem:s23+$0x1920];
	_ =	sdelay $0x1  }
0x320: {  	[tilespmem:s23+$0x4B30] =	vst.add.f32.msk $0xffff, v1  }
0x321: {  	[tilespmem:s23+$0x4B00] =	vst.add.f32.msk $0xffff, v2  }
0x322: {  	s24 =	simm.s32 $0x40;
	s25 =	simm.s32 $0x200;
	[tilespmem:s23+$0x4B10] =	vst.add.f32.msk $0xffff, v3  }
.LBB2_42:
0x323: {  	p0 =	sne.s32 s25, $0xC700;
	v1 =	vld [tilespmem:s24+$0x1930];
	v2 =	vmov v0  }
0x324: {  	v3 =	vld [tilespmem:s24+$0x1900]  }
0x325: {  	v4 =	vld [tilespmem:s24+$0x1910]  }
.Ltmp20:
0x326: {  	v0 =	vld [tilespmem:s24+$0x1920];
	(pc) =	sbr.rel @p0 .LBB2_42-.Ltmp20, $4  }
0x327: {  	[tilespmem:s23+$0x4B20] =	vst.add.f32.msk $0xffff, v2;
	s23 =	smov.u32 s24  }
0x328: {  	[tilespmem:s23+$0x4B30] =	vst.add.f32.msk $0xffff, v1  }
0x329: {  	[tilespmem:s23+$0x4B00] =	vst.add.f32.msk $0xffff, v3  }
0x32a: {  	s24 =	sshra.s32 s25, $0x2;
	s25 =	sadd.s32 $0x100, s25;
	[tilespmem:s23+$0x4B10] =	vst.add.f32.msk $0xffff, v4  }
0x32b: {  	v1 =	vld [tilespmem:s24+$0x1930]  }
0x32c: {  	v2 =	vld [tilespmem:s24+$0x1900]  }
0x32d: {  	v3 =	vld [tilespmem:s24+$0x1910]  }
0x32e: {  	v4 =	vld [tilespmem:s24+$0x1920]  }
0x32f: {  	[tilespmem:s23+$0x4B20] =	vst.add.f32.msk $0xffff, v0  }
0x330: {  	[tilespmem:s24+$0x4B30] =	vst.add.f32.msk $0xffff, v1  }
0x331: {  	[tilespmem:s24+$0x4B00] =	vst.add.f32.msk $0xffff, v2  }
0x332: {  	[tilespmem:s24+$0x4B10] =	vst.add.f32.msk $0xffff, v3  }
0x333: {  	s25 =	rddreg [dreg:$0x17];
	[tilespmem:s24+$0x4B20] =	vst.add.f32.msk $0xffff, v4;
	s24 =	simm.s32 $0x0  }
0x334: {  	[hbm4b:s25+s24] =	stream.linear.scatter [tilespmem:s13], [sflag:$0x3], $0x3200, $0x38;
	[tilespmem:$0xAF00] =	vst v63  }
0x335: {  	_ =	swait.ge [sflag:s19], $0x3200  }
0x336: {  	[sflag:s19] =	ssyncset.done $0x0  }
0x337: {  	s24 =	simm.s32 $0x1130;
	[sflag:s19] =	ssyncadd.s32 $0xFFFFCE00  }
0x338: {  	[tilespmem:s13], [sflag:$0x1] =	stream.indirect.gather [hbm4b:s3+s12], $0x40, s24, s12, $0xb8;
	[tilespmem:$0xAF00] =	vst v63  }
0x339: {  	s25 =	simm.s32 $0x11B0  }
0x33a: {  	[tilespmem:s15], [sflag:$0x1] =	stream.indirect.gather [hbm4b:s3+s14], $0x40, s25, s14, $0xb8;
	[tilespmem:$0xAF00] =	vst v63  }
0x33b: {  	_ =	swait.ge [sflag:s20], $0x2000  }
0x33c: {  	[sflag:s20] =	ssyncset.done $0x0  }
0x33d: {  	[sflag:s20] =	ssyncadd.s32 $0xFFFFE000  }
0x33e: {  	_ =	swait.ge [sflag:s20], $0x1200  }
0x33f: {  	[sflag:s20] =	ssyncset.done $0x0  }
0x340: {  	s23 =	simm.s32 $0x0;
	[sflag:s20] =	ssyncadd.s32 $0xFFFFEE00  }
0x341: {  	v1 =	vld [tilespmem:s23+$0x1930]  }
0x342: {  	v2 =	vld [tilespmem:s23+$0x1900]  }
0x343: {  	v3 =	vld [tilespmem:s23+$0x1910]  }
0x344: {  	v0 =	vld [tilespmem:s23+$0x1920];
	_ =	sdelay $0x1  }
0x345: {  	[tilespmem:s23+$0x7D30] =	vst.add.f32.msk $0xffff, v1  }
0x346: {  	[tilespmem:s23+$0x7D00] =	vst.add.f32.msk $0xffff, v2  }
0x347: {  	s24 =	simm.s32 $0x40;
	s25 =	simm.s32 $0x200;
	[tilespmem:s23+$0x7D10] =	vst.add.f32.msk $0xffff, v3  }
.LBB2_44:
0x348: {  	p0 =	sne.s32 s25, $0xC700;
	v1 =	vld [tilespmem:s24+$0x1930];
	v2 =	vmov v0  }
0x349: {  	v3 =	vld [tilespmem:s24+$0x1900]  }
0x34a: {  	v4 =	vld [tilespmem:s24+$0x1910]  }
.Ltmp21:
0x34b: {  	v0 =	vld [tilespmem:s24+$0x1920];
	(pc) =	sbr.rel @p0 .LBB2_44-.Ltmp21, $4  }
0x34c: {  	[tilespmem:s23+$0x7D20] =	vst.add.f32.msk $0xffff, v2;
	s23 =	smov.u32 s24  }
0x34d: {  	[tilespmem:s23+$0x7D30] =	vst.add.f32.msk $0xffff, v1  }
0x34e: {  	[tilespmem:s23+$0x7D00] =	vst.add.f32.msk $0xffff, v3  }
0x34f: {  	s24 =	sshra.s32 s25, $0x2;
	s25 =	sadd.s32 $0x100, s25;
	[tilespmem:s23+$0x7D10] =	vst.add.f32.msk $0xffff, v4  }
0x350: {  	v1 =	vld [tilespmem:s24+$0x1930]  }
0x351: {  	v2 =	vld [tilespmem:s24+$0x1900]  }
0x352: {  	v3 =	vld [tilespmem:s24+$0x1910]  }
0x353: {  	v4 =	vld [tilespmem:s24+$0x1920]  }
0x354: {  	[tilespmem:s23+$0x7D20] =	vst.add.f32.msk $0xffff, v0  }
0x355: {  	[tilespmem:s24+$0x7D30] =	vst.add.f32.msk $0xffff, v1  }
0x356: {  	[tilespmem:s24+$0x7D00] =	vst.add.f32.msk $0xffff, v2  }
0x357: {  	[tilespmem:s24+$0x7D10] =	vst.add.f32.msk $0xffff, v3  }
0x358: {  	s25 =	simm.s32 $0x0;
	[tilespmem:s24+$0x7D20] =	vst.add.f32.msk $0xffff, v4  }
0x359: {  	[hbm4b:s26+s25] =	stream.linear.scatter [tilespmem:s16], [sflag:$0x4], $0x3200, $0x38;
	[tilespmem:$0xAF00] =	vst v63  }
0x35a: {  	_ =	swait.ge [sflag:s21], $0x3200  }
0x35b: {  	[sflag:s21] =	ssyncset.done $0x0  }
0x35c: {  	s24 =	simm.s32 $0x11F8;
	[sflag:s21] =	ssyncadd.s32 $0xFFFFCE00  }
0x35d: {  	[tilespmem:s16], [sflag:$0x2] =	stream.indirect.gather [hbm4b:s3+s12], $0x40, s24, s12, $0xb8;
	[tilespmem:$0xAF00] =	vst v63  }
0x35e: {  	s25 =	simm.s32 $0x1278  }
0x35f: {  	[tilespmem:s17], [sflag:$0x2] =	stream.indirect.gather [hbm4b:s3+s14], $0x40, s25, s14, $0xb8;
	[tilespmem:$0xAF00] =	vst v63  }
0x360: {  	_ =	swait.ge [sflag:s18], $0x2000  }
0x361: {  	[sflag:s18] =	ssyncset.done $0x0  }
0x362: {  	[sflag:s18] =	ssyncadd.s32 $0xFFFFE000  }
0x363: {  	_ =	swait.ge [sflag:s18], $0x1200  }
0x364: {  	[sflag:s18] =	ssyncset.done $0x0  }
0x365: {  	s23 =	simm.s32 $0x0;
	[sflag:s18] =	ssyncadd.s32 $0xFFFFEE00  }
0x366: {  	v1 =	vld [tilespmem:s23+$0x1930]  }
0x367: {  	v2 =	vld [tilespmem:s23+$0x1900]  }
0x368: {  	v3 =	vld [tilespmem:s23+$0x1910]  }
0x369: {  	v0 =	vld [tilespmem:s23+$0x1920];
	_ =	sdelay $0x1  }
0x36a: {  	[tilespmem:s23+$0x4B30] =	vst.add.f32.msk $0xffff, v1  }
0x36b: {  	[tilespmem:s23+$0x4B00] =	vst.add.f32.msk $0xffff, v2  }
0x36c: {  	s24 =	simm.s32 $0x40;
	s25 =	simm.s32 $0x200;
	[tilespmem:s23+$0x4B10] =	vst.add.f32.msk $0xffff, v3  }
.LBB2_46:
0x36d: {  	p0 =	sne.s32 s25, $0xC700;
	v1 =	vld [tilespmem:s24+$0x1930];
	v2 =	vmov v0  }
0x36e: {  	v3 =	vld [tilespmem:s24+$0x1900]  }
0x36f: {  	v4 =	vld [tilespmem:s24+$0x1910]  }
.Ltmp22:
0x370: {  	v0 =	vld [tilespmem:s24+$0x1920];
	(pc) =	sbr.rel @p0 .LBB2_46-.Ltmp22, $4  }
0x371: {  	[tilespmem:s23+$0x4B20] =	vst.add.f32.msk $0xffff, v2;
	s23 =	smov.u32 s24  }
0x372: {  	[tilespmem:s23+$0x4B30] =	vst.add.f32.msk $0xffff, v1  }
0x373: {  	[tilespmem:s23+$0x4B00] =	vst.add.f32.msk $0xffff, v3  }
0x374: {  	s24 =	sshra.s32 s25, $0x2;
	s25 =	sadd.s32 $0x100, s25;
	[tilespmem:s23+$0x4B10] =	vst.add.f32.msk $0xffff, v4  }
0x375: {  	v1 =	vld [tilespmem:s24+$0x1930]  }
0x376: {  	v2 =	vld [tilespmem:s24+$0x1900]  }
0x377: {  	v3 =	vld [tilespmem:s24+$0x1910]  }
0x378: {  	v4 =	vld [tilespmem:s24+$0x1920]  }
0x379: {  	[tilespmem:s23+$0x4B20] =	vst.add.f32.msk $0xffff, v0  }
0x37a: {  	[tilespmem:s24+$0x4B30] =	vst.add.f32.msk $0xffff, v1  }
0x37b: {  	[tilespmem:s24+$0x4B00] =	vst.add.f32.msk $0xffff, v2  }
0x37c: {  	[tilespmem:s24+$0x4B10] =	vst.add.f32.msk $0xffff, v3  }
0x37d: {  	s25 =	simm.s32 $0x0;
	[tilespmem:s24+$0x4B20] =	vst.add.f32.msk $0xffff, v4  }
0x37e: {  	[hbm4b:s28+s25] =	stream.linear.scatter [tilespmem:s13], [sflag:$0x3], $0x3200, $0x38;
	[tilespmem:$0xAF00] =	vst v63  }
0x37f: {  	_ =	swait.ge [sflag:s19], $0x3200  }
0x380: {  	[sflag:s19] =	ssyncset.done $0x0  }
0x381: {  	s24 =	simm.s32 $0x12C0;
	[sflag:s19] =	ssyncadd.s32 $0xFFFFCE00  }
0x382: {  	[tilespmem:s13], [sflag:$0x1] =	stream.indirect.gather [hbm4b:s3+s12], $0x40, s24, s12, $0xb8;
	[tilespmem:$0xAF00] =	vst v63  }
0x383: {  	s25 =	simm.s32 $0x1340  }
0x384: {  	[tilespmem:s15], [sflag:$0x1] =	stream.indirect.gather [hbm4b:s3+s14], $0x40, s25, s14, $0xb8;
	[tilespmem:$0xAF00] =	vst v63  }
0x385: {  	_ =	swait.ge [sflag:s20], $0x2000  }
0x386: {  	[sflag:s20] =	ssyncset.done $0x0  }
0x387: {  	[sflag:s20] =	ssyncadd.s32 $0xFFFFE000  }
0x388: {  	_ =	swait.ge [sflag:s20], $0x1200  }
0x389: {  	[sflag:s20] =	ssyncset.done $0x0  }
0x38a: {  	s23 =	simm.s32 $0x0;
	[sflag:s20] =	ssyncadd.s32 $0xFFFFEE00  }
0x38b: {  	v1 =	vld [tilespmem:s23+$0x1930]  }
0x38c: {  	v2 =	vld [tilespmem:s23+$0x1900]  }
0x38d: {  	v3 =	vld [tilespmem:s23+$0x1910]  }
0x38e: {  	v0 =	vld [tilespmem:s23+$0x1920];
	_ =	sdelay $0x1  }
0x38f: {  	[tilespmem:s23+$0x7D30] =	vst.add.f32.msk $0xffff, v1  }
0x390: {  	[tilespmem:s23+$0x7D00] =	vst.add.f32.msk $0xffff, v2  }
0x391: {  	s24 =	simm.s32 $0x40;
	s25 =	simm.s32 $0x200;
	[tilespmem:s23+$0x7D10] =	vst.add.f32.msk $0xffff, v3  }
.LBB2_48:
0x392: {  	p0 =	sne.s32 s25, $0xC700;
	v1 =	vld [tilespmem:s24+$0x1930];
	v2 =	vmov v0  }
0x393: {  	v3 =	vld [tilespmem:s24+$0x1900]  }
0x394: {  	v4 =	vld [tilespmem:s24+$0x1910]  }
.Ltmp23:
0x395: {  	v0 =	vld [tilespmem:s24+$0x1920];
	(pc) =	sbr.rel @p0 .LBB2_48-.Ltmp23, $4  }
0x396: {  	[tilespmem:s23+$0x7D20] =	vst.add.f32.msk $0xffff, v2;
	s23 =	smov.u32 s24  }
0x397: {  	[tilespmem:s23+$0x7D30] =	vst.add.f32.msk $0xffff, v1  }
0x398: {  	[tilespmem:s23+$0x7D00] =	vst.add.f32.msk $0xffff, v3  }
0x399: {  	s24 =	sshra.s32 s25, $0x2;
	s25 =	sadd.s32 $0x100, s25;
	[tilespmem:s23+$0x7D10] =	vst.add.f32.msk $0xffff, v4  }
0x39a: {  	v1 =	vld [tilespmem:s24+$0x1930]  }
0x39b: {  	v2 =	vld [tilespmem:s24+$0x1900]  }
0x39c: {  	v3 =	vld [tilespmem:s24+$0x1910]  }
0x39d: {  	v4 =	vld [tilespmem:s24+$0x1920]  }
0x39e: {  	[tilespmem:s23+$0x7D20] =	vst.add.f32.msk $0xffff, v0  }
0x39f: {  	[tilespmem:s24+$0x7D30] =	vst.add.f32.msk $0xffff, v1  }
0x3a0: {  	[tilespmem:s24+$0x7D00] =	vst.add.f32.msk $0xffff, v2  }
0x3a1: {  	[tilespmem:s24+$0x7D10] =	vst.add.f32.msk $0xffff, v3  }
0x3a2: {  	s25 =	simm.s32 $0x0;
	[tilespmem:s24+$0x7D20] =	vst.add.f32.msk $0xffff, v4  }
0x3a3: {  	[hbm4b:s29+s25] =	stream.linear.scatter [tilespmem:s16], [sflag:$0x4], $0x3200, $0x38;
	[tilespmem:$0xAF00] =	vst v63  }
0x3a4: {  	_ =	swait.ge [sflag:s21], $0x3200  }
0x3a5: {  	[sflag:s21] =	ssyncset.done $0x0  }
0x3a6: {  	s24 =	simm.s32 $0x1388;
	[sflag:s21] =	ssyncadd.s32 $0xFFFFCE00  }
0x3a7: {  	[tilespmem:s16], [sflag:$0x2] =	stream.indirect.gather [hbm4b:s3+s12], $0x40, s24, s12, $0xb8;
	[tilespmem:$0xAF00] =	vst v63  }
0x3a8: {  	s25 =	simm.s32 $0x1408  }
0x3a9: {  	[tilespmem:s17], [sflag:$0x2] =	stream.indirect.gather [hbm4b:s3+s14], $0x40, s25, s14, $0xb8;
	[tilespmem:$0xAF00] =	vst v63  }
0x3aa: {  	_ =	swait.ge [sflag:s18], $0x2000  }
0x3ab: {  	[sflag:s18] =	ssyncset.done $0x0  }
0x3ac: {  	[sflag:s18] =	ssyncadd.s32 $0xFFFFE000  }
0x3ad: {  	_ =	swait.ge [sflag:s18], $0x1200  }
0x3ae: {  	[sflag:s18] =	ssyncset.done $0x0  }
0x3af: {  	s23 =	simm.s32 $0x0;
	[sflag:s18] =	ssyncadd.s32 $0xFFFFEE00  }
0x3b0: {  	v1 =	vld [tilespmem:s23+$0x1930]  }
0x3b1: {  	v2 =	vld [tilespmem:s23+$0x1900]  }
0x3b2: {  	v3 =	vld [tilespmem:s23+$0x1910]  }
0x3b3: {  	v0 =	vld [tilespmem:s23+$0x1920];
	_ =	sdelay $0x1  }
0x3b4: {  	[tilespmem:s23+$0x4B30] =	vst.add.f32.msk $0xffff, v1  }
0x3b5: {  	[tilespmem:s23+$0x4B00] =	vst.add.f32.msk $0xffff, v2  }
0x3b6: {  	s24 =	simm.s32 $0x40;
	s25 =	simm.s32 $0x200;
	[tilespmem:s23+$0x4B10] =	vst.add.f32.msk $0xffff, v3  }
.LBB2_50:
0x3b7: {  	p0 =	sne.s32 s25, $0xC700;
	v1 =	vld [tilespmem:s24+$0x1930];
	v2 =	vmov v0  }
0x3b8: {  	v3 =	vld [tilespmem:s24+$0x1900]  }
0x3b9: {  	v4 =	vld [tilespmem:s24+$0x1910]  }
.Ltmp24:
0x3ba: {  	v0 =	vld [tilespmem:s24+$0x1920];
	(pc) =	sbr.rel @p0 .LBB2_50-.Ltmp24, $4  }
0x3bb: {  	[tilespmem:s23+$0x4B20] =	vst.add.f32.msk $0xffff, v2;
	s23 =	smov.u32 s24  }
0x3bc: {  	[tilespmem:s23+$0x4B30] =	vst.add.f32.msk $0xffff, v1  }
0x3bd: {  	[tilespmem:s23+$0x4B00] =	vst.add.f32.msk $0xffff, v3  }
0x3be: {  	s24 =	sshra.s32 s25, $0x2;
	s25 =	sadd.s32 $0x100, s25;
	[tilespmem:s23+$0x4B10] =	vst.add.f32.msk $0xffff, v4  }
0x3bf: {  	v1 =	vld [tilespmem:s24+$0x1930]  }
0x3c0: {  	v2 =	vld [tilespmem:s24+$0x1900]  }
0x3c1: {  	v3 =	vld [tilespmem:s24+$0x1910]  }
0x3c2: {  	v4 =	vld [tilespmem:s24+$0x1920]  }
0x3c3: {  	[tilespmem:s23+$0x4B20] =	vst.add.f32.msk $0xffff, v0  }
0x3c4: {  	[tilespmem:s24+$0x4B30] =	vst.add.f32.msk $0xffff, v1  }
0x3c5: {  	[tilespmem:s24+$0x4B00] =	vst.add.f32.msk $0xffff, v2  }
0x3c6: {  	[tilespmem:s24+$0x4B10] =	vst.add.f32.msk $0xffff, v3  }
0x3c7: {  	s25 =	simm.s32 $0x0;
	[tilespmem:s24+$0x4B20] =	vst.add.f32.msk $0xffff, v4  }
0x3c8: {  	[hbm4b:s30+s25] =	stream.linear.scatter [tilespmem:s13], [sflag:$0x3], $0x3200, $0x38;
	[tilespmem:$0xAF00] =	vst v63  }
0x3c9: {  	_ =	swait.ge [sflag:s19], $0x3200  }
0x3ca: {  	[sflag:s19] =	ssyncset.done $0x0  }
0x3cb: {  	s24 =	simm.s32 $0x1450;
	[sflag:s19] =	ssyncadd.s32 $0xFFFFCE00  }
0x3cc: {  	[tilespmem:s13], [sflag:$0x1] =	stream.indirect.gather [hbm4b:s3+s12], $0x40, s24, s12, $0xb8;
	[tilespmem:$0xAF00] =	vst v63  }
0x3cd: {  	s25 =	simm.s32 $0x14D0  }
0x3ce: {  	[tilespmem:s15], [sflag:$0x1] =	stream.indirect.gather [hbm4b:s3+s14], $0x40, s25, s14, $0xb8;
	[tilespmem:$0xAF00] =	vst v63  }
0x3cf: {  	_ =	swait.ge [sflag:s20], $0x2000  }
0x3d0: {  	[sflag:s20] =	ssyncset.done $0x0  }
0x3d1: {  	[sflag:s20] =	ssyncadd.s32 $0xFFFFE000  }
0x3d2: {  	_ =	swait.ge [sflag:s20], $0x1200  }
0x3d3: {  	[sflag:s20] =	ssyncset.done $0x0  }
0x3d4: {  	s23 =	simm.s32 $0x0;
	[sflag:s20] =	ssyncadd.s32 $0xFFFFEE00  }
0x3d5: {  	v1 =	vld [tilespmem:s23+$0x1930]  }
0x3d6: {  	v2 =	vld [tilespmem:s23+$0x1900]  }
0x3d7: {  	v3 =	vld [tilespmem:s23+$0x1910]  }
0x3d8: {  	v0 =	vld [tilespmem:s23+$0x1920];
	_ =	sdelay $0x1  }
0x3d9: {  	[tilespmem:s23+$0x7D30] =	vst.add.f32.msk $0xffff, v1  }
0x3da: {  	[tilespmem:s23+$0x7D00] =	vst.add.f32.msk $0xffff, v2  }
0x3db: {  	s24 =	simm.s32 $0x40;
	s25 =	simm.s32 $0x200;
	[tilespmem:s23+$0x7D10] =	vst.add.f32.msk $0xffff, v3  }
.LBB2_52:
0x3dc: {  	p0 =	sne.s32 s25, $0xC700;
	v1 =	vld [tilespmem:s24+$0x1930];
	v2 =	vmov v0  }
0x3dd: {  	v3 =	vld [tilespmem:s24+$0x1900]  }
0x3de: {  	v4 =	vld [tilespmem:s24+$0x1910]  }
.Ltmp25:
0x3df: {  	v0 =	vld [tilespmem:s24+$0x1920];
	(pc) =	sbr.rel @p0 .LBB2_52-.Ltmp25, $4  }
0x3e0: {  	[tilespmem:s23+$0x7D20] =	vst.add.f32.msk $0xffff, v2;
	s23 =	smov.u32 s24  }
0x3e1: {  	[tilespmem:s23+$0x7D30] =	vst.add.f32.msk $0xffff, v1  }
0x3e2: {  	[tilespmem:s23+$0x7D00] =	vst.add.f32.msk $0xffff, v3  }
0x3e3: {  	s24 =	sshra.s32 s25, $0x2;
	s25 =	sadd.s32 $0x100, s25;
	[tilespmem:s23+$0x7D10] =	vst.add.f32.msk $0xffff, v4  }
0x3e4: {  	v1 =	vld [tilespmem:s24+$0x1930]  }
0x3e5: {  	v2 =	vld [tilespmem:s24+$0x1900]  }
0x3e6: {  	v3 =	vld [tilespmem:s24+$0x1910]  }
0x3e7: {  	v4 =	vld [tilespmem:s24+$0x1920]  }
0x3e8: {  	[tilespmem:s23+$0x7D20] =	vst.add.f32.msk $0xffff, v0  }
0x3e9: {  	[tilespmem:s24+$0x7D30] =	vst.add.f32.msk $0xffff, v1  }
0x3ea: {  	[tilespmem:s24+$0x7D00] =	vst.add.f32.msk $0xffff, v2  }
0x3eb: {  	[tilespmem:s24+$0x7D10] =	vst.add.f32.msk $0xffff, v3  }
0x3ec: {  	s25 =	simm.s32 $0x0;
	[tilespmem:s24+$0x7D20] =	vst.add.f32.msk $0xffff, v4  }
0x3ed: {  	[hbm4b:s31+s25] =	stream.linear.scatter [tilespmem:s16], [sflag:$0x4], $0x3200, $0x38;
	[tilespmem:$0xAF00] =	vst v63  }
0x3ee: {  	_ =	swait.ge [sflag:s21], $0x3200  }
0x3ef: {  	[sflag:s21] =	ssyncset.done $0x0  }
0x3f0: {  	s24 =	simm.s32 $0x1518;
	[sflag:s21] =	ssyncadd.s32 $0xFFFFCE00  }
0x3f1: {  	[tilespmem:s16], [sflag:$0x2] =	stream.indirect.gather [hbm4b:s3+s12], $0x40, s24, s12, $0xb8;
	[tilespmem:$0xAF00] =	vst v63  }
0x3f2: {  	s25 =	simm.s32 $0x1598  }
0x3f3: {  	[tilespmem:s17], [sflag:$0x2] =	stream.indirect.gather [hbm4b:s3+s14], $0x40, s25, s14, $0xb8;
	[tilespmem:$0xAF00] =	vst v63  }
0x3f4: {  	_ =	swait.ge [sflag:s18], $0x2000  }
0x3f5: {  	[sflag:s18] =	ssyncset.done $0x0  }
0x3f6: {  	[sflag:s18] =	ssyncadd.s32 $0xFFFFE000  }
0x3f7: {  	_ =	swait.ge [sflag:s18], $0x1200  }
0x3f8: {  	[sflag:s18] =	ssyncset.done $0x0  }
0x3f9: {  	s23 =	simm.s32 $0x0;
	[sflag:s18] =	ssyncadd.s32 $0xFFFFEE00  }
0x3fa: {  	v1 =	vld [tilespmem:s23+$0x1930]  }
0x3fb: {  	v2 =	vld [tilespmem:s23+$0x1900]  }
0x3fc: {  	v3 =	vld [tilespmem:s23+$0x1910]  }
0x3fd: {  	v0 =	vld [tilespmem:s23+$0x1920];
	_ =	sdelay $0x1  }
0x3fe: {  	[tilespmem:s23+$0x4B30] =	vst.add.f32.msk $0xffff, v1  }
0x3ff: {  	[tilespmem:s23+$0x4B00] =	vst.add.f32.msk $0xffff, v2  }
0x400: {  	s24 =	simm.s32 $0x40;
	s25 =	simm.s32 $0x200;
	[tilespmem:s23+$0x4B10] =	vst.add.f32.msk $0xffff, v3  }
.LBB2_54:
0x401: {  	p0 =	sne.s32 s25, $0xC700;
	v1 =	vld [tilespmem:s24+$0x1930];
	v2 =	vmov v0  }
0x402: {  	v3 =	vld [tilespmem:s24+$0x1900]  }
0x403: {  	v4 =	vld [tilespmem:s24+$0x1910]  }
.Ltmp26:
0x404: {  	v0 =	vld [tilespmem:s24+$0x1920];
	(pc) =	sbr.rel @p0 .LBB2_54-.Ltmp26, $4  }
0x405: {  	[tilespmem:s23+$0x4B20] =	vst.add.f32.msk $0xffff, v2;
	s23 =	smov.u32 s24  }
0x406: {  	[tilespmem:s23+$0x4B30] =	vst.add.f32.msk $0xffff, v1  }
0x407: {  	[tilespmem:s23+$0x4B00] =	vst.add.f32.msk $0xffff, v3  }
0x408: {  	s24 =	sshra.s32 s25, $0x2;
	s25 =	sadd.s32 $0x100, s25;
	[tilespmem:s23+$0x4B10] =	vst.add.f32.msk $0xffff, v4  }
0x409: {  	v1 =	vld [tilespmem:s24+$0x1930]  }
0x40a: {  	v2 =	vld [tilespmem:s24+$0x1900]  }
0x40b: {  	v3 =	vld [tilespmem:s24+$0x1910]  }
0x40c: {  	v4 =	vld [tilespmem:s24+$0x1920]  }
0x40d: {  	[tilespmem:s23+$0x4B20] =	vst.add.f32.msk $0xffff, v0  }
0x40e: {  	[tilespmem:s24+$0x4B30] =	vst.add.f32.msk $0xffff, v1  }
0x40f: {  	[tilespmem:s24+$0x4B00] =	vst.add.f32.msk $0xffff, v2  }
0x410: {  	[tilespmem:s24+$0x4B10] =	vst.add.f32.msk $0xffff, v3  }
0x411: {  	s25 =	simm.s32 $0x0;
	[tilespmem:s24+$0x4B20] =	vst.add.f32.msk $0xffff, v4  }
0x412: {  	[hbm4b:s1+s25] =	stream.linear.scatter [tilespmem:s13], [sflag:$0x3], $0x3200, $0x38;
	[tilespmem:$0xAF00] =	vst v63  }
0x413: {  	_ =	swait.ge [sflag:s19], $0x3200  }
0x414: {  	[sflag:s19] =	ssyncset.done $0x0  }
0x415: {  	s24 =	simm.s32 $0x15E0;
	[sflag:s19] =	ssyncadd.s32 $0xFFFFCE00  }
0x416: {  	[tilespmem:s13], [sflag:$0x1] =	stream.indirect.gather [hbm4b:s3+s12], $0x40, s24, s12, $0xb8;
	[tilespmem:$0xAF00] =	vst v63  }
0x417: {  	s25 =	simm.s32 $0x1660  }
0x418: {  	[tilespmem:s15], [sflag:$0x1] =	stream.indirect.gather [hbm4b:s3+s14], $0x40, s25, s14, $0xb8;
	[tilespmem:$0xAF00] =	vst v63  }
0x419: {  	_ =	swait.ge [sflag:s20], $0x2000  }
0x41a: {  	[sflag:s20] =	ssyncset.done $0x0  }
0x41b: {  	[sflag:s20] =	ssyncadd.s32 $0xFFFFE000  }
0x41c: {  	_ =	swait.ge [sflag:s20], $0x1200  }
0x41d: {  	[sflag:s20] =	ssyncset.done $0x0  }
0x41e: {  	s23 =	simm.s32 $0x0;
	[sflag:s20] =	ssyncadd.s32 $0xFFFFEE00  }
0x41f: {  	v1 =	vld [tilespmem:s23+$0x1930]  }
0x420: {  	v2 =	vld [tilespmem:s23+$0x1900]  }
0x421: {  	v3 =	vld [tilespmem:s23+$0x1910]  }
0x422: {  	v0 =	vld [tilespmem:s23+$0x1920];
	_ =	sdelay $0x1  }
0x423: {  	[tilespmem:s23+$0x7D30] =	vst.add.f32.msk $0xffff, v1  }
0x424: {  	[tilespmem:s23+$0x7D00] =	vst.add.f32.msk $0xffff, v2  }
0x425: {  	s24 =	simm.s32 $0x40;
	s25 =	simm.s32 $0x200;
	[tilespmem:s23+$0x7D10] =	vst.add.f32.msk $0xffff, v3  }
.LBB2_56:
0x426: {  	p0 =	sne.s32 s25, $0xC700;
	v1 =	vld [tilespmem:s24+$0x1930];
	v2 =	vmov v0  }
0x427: {  	v3 =	vld [tilespmem:s24+$0x1900]  }
0x428: {  	v4 =	vld [tilespmem:s24+$0x1910]  }
.Ltmp27:
0x429: {  	v0 =	vld [tilespmem:s24+$0x1920];
	(pc) =	sbr.rel @p0 .LBB2_56-.Ltmp27, $4  }
0x42a: {  	[tilespmem:s23+$0x7D20] =	vst.add.f32.msk $0xffff, v2;
	s23 =	smov.u32 s24  }
0x42b: {  	[tilespmem:s23+$0x7D30] =	vst.add.f32.msk $0xffff, v1  }
0x42c: {  	[tilespmem:s23+$0x7D00] =	vst.add.f32.msk $0xffff, v3  }
0x42d: {  	s24 =	sshra.s32 s25, $0x2;
	s25 =	sadd.s32 $0x100, s25;
	[tilespmem:s23+$0x7D10] =	vst.add.f32.msk $0xffff, v4  }
0x42e: {  	v1 =	vld [tilespmem:s24+$0x1930]  }
0x42f: {  	v2 =	vld [tilespmem:s24+$0x1900]  }
0x430: {  	v3 =	vld [tilespmem:s24+$0x1910]  }
0x431: {  	v4 =	vld [tilespmem:s24+$0x1920]  }
0x432: {  	[tilespmem:s23+$0x7D20] =	vst.add.f32.msk $0xffff, v0  }
0x433: {  	[tilespmem:s24+$0x7D30] =	vst.add.f32.msk $0xffff, v1  }
0x434: {  	[tilespmem:s24+$0x7D00] =	vst.add.f32.msk $0xffff, v2  }
0x435: {  	[tilespmem:s24+$0x7D10] =	vst.add.f32.msk $0xffff, v3  }
0x436: {  	s25 =	simm.s32 $0x0;
	[tilespmem:s24+$0x7D20] =	vst.add.f32.msk $0xffff, v4  }
0x437: {  	[hbm4b:s0+s25] =	stream.linear.scatter [tilespmem:s16], [sflag:$0x4], $0x3200, $0x38;
	[tilespmem:$0xAF00] =	vst v63  }
0x438: {  	_ =	swait.ge [sflag:s21], $0x3200  }
0x439: {  	[sflag:s21] =	ssyncset.done $0x0  }
0x43a: {  	s24 =	simm.s32 $0x16A8;
	[sflag:s21] =	ssyncadd.s32 $0xFFFFCE00  }
0x43b: {  	[tilespmem:s16], [sflag:$0x2] =	stream.indirect.gather [hbm4b:s3+s12], $0x40, s24, s12, $0xb8;
	[tilespmem:$0xAF00] =	vst v63  }
0x43c: {  	s25 =	simm.s32 $0x1728  }
0x43d: {  	[tilespmem:s17], [sflag:$0x2] =	stream.indirect.gather [hbm4b:s3+s14], $0x40, s25, s14, $0xb8;
	[tilespmem:$0xAF00] =	vst v63  }
0x43e: {  	_ =	swait.ge [sflag:s18], $0x2000  }
0x43f: {  	[sflag:s18] =	ssyncset.done $0x0  }
0x440: {  	[sflag:s18] =	ssyncadd.s32 $0xFFFFE000  }
0x441: {  	_ =	swait.ge [sflag:s18], $0x1200  }
0x442: {  	[sflag:s18] =	ssyncset.done $0x0  }
0x443: {  	s23 =	simm.s32 $0x0;
	[sflag:s18] =	ssyncadd.s32 $0xFFFFEE00  }
0x444: {  	v1 =	vld [tilespmem:s23+$0x1930]  }
0x445: {  	v2 =	vld [tilespmem:s23+$0x1900]  }
0x446: {  	v3 =	vld [tilespmem:s23+$0x1910]  }
0x447: {  	v0 =	vld [tilespmem:s23+$0x1920];
	_ =	sdelay $0x1  }
0x448: {  	[tilespmem:s23+$0x4B30] =	vst.add.f32.msk $0xffff, v1  }
0x449: {  	[tilespmem:s23+$0x4B00] =	vst.add.f32.msk $0xffff, v2  }
0x44a: {  	s24 =	simm.s32 $0x40;
	s25 =	simm.s32 $0x200;
	[tilespmem:s23+$0x4B10] =	vst.add.f32.msk $0xffff, v3  }
.LBB2_58:
0x44b: {  	p0 =	sne.s32 s25, $0xC700;
	v1 =	vld [tilespmem:s24+$0x1930];
	v2 =	vmov v0  }
0x44c: {  	v3 =	vld [tilespmem:s24+$0x1900]  }
0x44d: {  	v4 =	vld [tilespmem:s24+$0x1910]  }
.Ltmp28:
0x44e: {  	v0 =	vld [tilespmem:s24+$0x1920];
	(pc) =	sbr.rel @p0 .LBB2_58-.Ltmp28, $4  }
0x44f: {  	[tilespmem:s23+$0x4B20] =	vst.add.f32.msk $0xffff, v2;
	s23 =	smov.u32 s24  }
0x450: {  	[tilespmem:s23+$0x4B30] =	vst.add.f32.msk $0xffff, v1  }
0x451: {  	[tilespmem:s23+$0x4B00] =	vst.add.f32.msk $0xffff, v3  }
0x452: {  	s24 =	sshra.s32 s25, $0x2;
	s25 =	sadd.s32 $0x100, s25;
	[tilespmem:s23+$0x4B10] =	vst.add.f32.msk $0xffff, v4  }
0x453: {  	v1 =	vld [tilespmem:s24+$0x1930]  }
0x454: {  	v2 =	vld [tilespmem:s24+$0x1900]  }
0x455: {  	v3 =	vld [tilespmem:s24+$0x1910]  }
0x456: {  	v4 =	vld [tilespmem:s24+$0x1920]  }
0x457: {  	[tilespmem:s23+$0x4B20] =	vst.add.f32.msk $0xffff, v0  }
0x458: {  	[tilespmem:s24+$0x4B30] =	vst.add.f32.msk $0xffff, v1  }
0x459: {  	[tilespmem:s24+$0x4B00] =	vst.add.f32.msk $0xffff, v2  }
0x45a: {  	[tilespmem:s24+$0x4B10] =	vst.add.f32.msk $0xffff, v3  }
0x45b: {  	s25 =	simm.s32 $0x0;
	[tilespmem:s24+$0x4B20] =	vst.add.f32.msk $0xffff, v4  }
0x45c: {  	[hbm4b:s4+s25] =	stream.linear.scatter [tilespmem:s13], [sflag:$0x3], $0x3200, $0x38;
	[tilespmem:$0xAF00] =	vst v63  }
0x45d: {  	_ =	swait.ge [sflag:s19], $0x3200  }
0x45e: {  	[sflag:s19] =	ssyncset.done $0x0  }
0x45f: {  	s24 =	simm.s32 $0x1770;
	[sflag:s19] =	ssyncadd.s32 $0xFFFFCE00  }
0x460: {  	[tilespmem:s13], [sflag:$0x1] =	stream.indirect.gather [hbm4b:s3+s12], $0x40, s24, s12, $0xb8;
	[tilespmem:$0xAF00] =	vst v63  }
0x461: {  	s25 =	simm.s32 $0x17F0  }
0x462: {  	[tilespmem:s15], [sflag:$0x1] =	stream.indirect.gather [hbm4b:s3+s14], $0x40, s25, s14, $0xb8;
	[tilespmem:$0xAF00] =	vst v63  }
0x463: {  	_ =	swait.ge [sflag:s20], $0x2000  }
0x464: {  	[sflag:s20] =	ssyncset.done $0x0  }
0x465: {  	[sflag:s20] =	ssyncadd.s32 $0xFFFFE000  }
0x466: {  	_ =	swait.ge [sflag:s20], $0x1200  }
0x467: {  	[sflag:s20] =	ssyncset.done $0x0  }
0x468: {  	s23 =	simm.s32 $0x0;
	[sflag:s20] =	ssyncadd.s32 $0xFFFFEE00  }
0x469: {  	v1 =	vld [tilespmem:s23+$0x1930]  }
0x46a: {  	v2 =	vld [tilespmem:s23+$0x1900]  }
0x46b: {  	v3 =	vld [tilespmem:s23+$0x1910]  }
0x46c: {  	v0 =	vld [tilespmem:s23+$0x1920];
	_ =	sdelay $0x1  }
0x46d: {  	[tilespmem:s23+$0x7D30] =	vst.add.f32.msk $0xffff, v1  }
0x46e: {  	[tilespmem:s23+$0x7D00] =	vst.add.f32.msk $0xffff, v2  }
0x46f: {  	s24 =	simm.s32 $0x40;
	s25 =	simm.s32 $0x200;
	[tilespmem:s23+$0x7D10] =	vst.add.f32.msk $0xffff, v3  }
.LBB2_60:
0x470: {  	p0 =	sne.s32 s25, $0xC700;
	v1 =	vld [tilespmem:s24+$0x1930];
	v2 =	vmov v0  }
0x471: {  	v3 =	vld [tilespmem:s24+$0x1900]  }
0x472: {  	v4 =	vld [tilespmem:s24+$0x1910]  }
.Ltmp29:
0x473: {  	v0 =	vld [tilespmem:s24+$0x1920];
	(pc) =	sbr.rel @p0 .LBB2_60-.Ltmp29, $4  }
0x474: {  	[tilespmem:s23+$0x7D20] =	vst.add.f32.msk $0xffff, v2;
	s23 =	smov.u32 s24  }
0x475: {  	[tilespmem:s23+$0x7D30] =	vst.add.f32.msk $0xffff, v1  }
0x476: {  	[tilespmem:s23+$0x7D00] =	vst.add.f32.msk $0xffff, v3  }
0x477: {  	s24 =	sshra.s32 s25, $0x2;
	s25 =	sadd.s32 $0x100, s25;
	[tilespmem:s23+$0x7D10] =	vst.add.f32.msk $0xffff, v4  }
0x478: {  	v1 =	vld [tilespmem:s24+$0x1930]  }
0x479: {  	v2 =	vld [tilespmem:s24+$0x1900]  }
0x47a: {  	v3 =	vld [tilespmem:s24+$0x1910]  }
0x47b: {  	v4 =	vld [tilespmem:s24+$0x1920]  }
0x47c: {  	[tilespmem:s23+$0x7D20] =	vst.add.f32.msk $0xffff, v0  }
0x47d: {  	[tilespmem:s24+$0x7D30] =	vst.add.f32.msk $0xffff, v1  }
0x47e: {  	[tilespmem:s24+$0x7D00] =	vst.add.f32.msk $0xffff, v2  }
0x47f: {  	[tilespmem:s24+$0x7D10] =	vst.add.f32.msk $0xffff, v3  }
0x480: {  	s25 =	simm.s32 $0x0;
	[tilespmem:s24+$0x7D20] =	vst.add.f32.msk $0xffff, v4  }
0x481: {  	[hbm4b:s5+s25] =	stream.linear.scatter [tilespmem:s16], [sflag:$0x4], $0x3200, $0x38;
	[tilespmem:$0xAF00] =	vst v63  }
0x482: {  	_ =	swait.ge [sflag:s21], $0x3200  }
0x483: {  	[sflag:s21] =	ssyncset.done $0x0  }
0x484: {  	s24 =	simm.s32 $0x1838;
	[sflag:s21] =	ssyncadd.s32 $0xFFFFCE00  }
0x485: {  	[tilespmem:s16], [sflag:$0x2] =	stream.indirect.gather [hbm4b:s3+s12], $0x40, s24, s12, $0xb8;
	[tilespmem:$0xAF00] =	vst v63  }
0x486: {  	s25 =	simm.s32 $0x18B8  }
0x487: {  	[tilespmem:s17], [sflag:$0x2] =	stream.indirect.gather [hbm4b:s3+s14], $0x40, s25, s14, $0xb8;
	[tilespmem:$0xAF00] =	vst v63  }
0x488: {  	_ =	swait.ge [sflag:s18], $0x2000  }
0x489: {  	[sflag:s18] =	ssyncset.done $0x0  }
0x48a: {  	[sflag:s18] =	ssyncadd.s32 $0xFFFFE000  }
0x48b: {  	_ =	swait.ge [sflag:s18], $0x1200  }
0x48c: {  	[sflag:s18] =	ssyncset.done $0x0  }
0x48d: {  	s23 =	simm.s32 $0x0;
	[sflag:s18] =	ssyncadd.s32 $0xFFFFEE00  }
0x48e: {  	v1 =	vld [tilespmem:s23+$0x1930]  }
0x48f: {  	v2 =	vld [tilespmem:s23+$0x1900]  }
0x490: {  	v3 =	vld [tilespmem:s23+$0x1910]  }
0x491: {  	v0 =	vld [tilespmem:s23+$0x1920];
	_ =	sdelay $0x1  }
0x492: {  	[tilespmem:s23+$0x4B30] =	vst.add.f32.msk $0xffff, v1  }
0x493: {  	[tilespmem:s23+$0x4B00] =	vst.add.f32.msk $0xffff, v2  }
0x494: {  	s24 =	simm.s32 $0x40;
	s25 =	simm.s32 $0x200;
	[tilespmem:s23+$0x4B10] =	vst.add.f32.msk $0xffff, v3  }
.LBB2_62:
0x495: {  	p0 =	sne.s32 s25, $0xC700;
	v1 =	vld [tilespmem:s24+$0x1930];
	v2 =	vmov v0  }
0x496: {  	v3 =	vld [tilespmem:s24+$0x1900]  }
0x497: {  	v4 =	vld [tilespmem:s24+$0x1910]  }
.Ltmp30:
0x498: {  	v0 =	vld [tilespmem:s24+$0x1920];
	(pc) =	sbr.rel @p0 .LBB2_62-.Ltmp30, $4  }
0x499: {  	[tilespmem:s23+$0x4B20] =	vst.add.f32.msk $0xffff, v2;
	s23 =	smov.u32 s24  }
0x49a: {  	[tilespmem:s23+$0x4B30] =	vst.add.f32.msk $0xffff, v1  }
0x49b: {  	[tilespmem:s23+$0x4B00] =	vst.add.f32.msk $0xffff, v3  }
0x49c: {  	s24 =	sshra.s32 s25, $0x2;
	s25 =	sadd.s32 $0x100, s25;
	[tilespmem:s23+$0x4B10] =	vst.add.f32.msk $0xffff, v4  }
0x49d: {  	v1 =	vld [tilespmem:s24+$0x1930]  }
0x49e: {  	v2 =	vld [tilespmem:s24+$0x1900]  }
0x49f: {  	v3 =	vld [tilespmem:s24+$0x1910]  }
0x4a0: {  	v4 =	vld [tilespmem:s24+$0x1920]  }
0x4a1: {  	[tilespmem:s23+$0x4B20] =	vst.add.f32.msk $0xffff, v0  }
0x4a2: {  	[tilespmem:s24+$0x4B30] =	vst.add.f32.msk $0xffff, v1  }
0x4a3: {  	[tilespmem:s24+$0x4B00] =	vst.add.f32.msk $0xffff, v2  }
0x4a4: {  	[tilespmem:s24+$0x4B10] =	vst.add.f32.msk $0xffff, v3  }
0x4a5: {  	s25 =	simm.s32 $0x0;
	[tilespmem:s24+$0x4B20] =	vst.add.f32.msk $0xffff, v4  }
0x4a6: {  	[hbm4b:s7+s25] =	stream.linear.scatter [tilespmem:s13], [sflag:$0x3], $0x3200, $0x38;
	[tilespmem:$0xAF00] =	vst v63  }
0x4a7: {  	_ =	swait.ge [sflag:s20], $0x2000  }
0x4a8: {  	[sflag:s20] =	ssyncset.done $0x0  }
0x4a9: {  	[sflag:s20] =	ssyncadd.s32 $0xFFFFE000  }
0x4aa: {  	_ =	swait.ge [sflag:s20], $0x1200  }
0x4ab: {  	[sflag:s20] =	ssyncset.done $0x0  }
0x4ac: {  	s23 =	simm.s32 $0x0;
	[sflag:s20] =	ssyncadd.s32 $0xFFFFEE00  }
0x4ad: {  	v1 =	vld [tilespmem:s23+$0x1930]  }
0x4ae: {  	v2 =	vld [tilespmem:s23+$0x1900]  }
0x4af: {  	v3 =	vld [tilespmem:s23+$0x1910]  }
0x4b0: {  	v0 =	vld [tilespmem:s23+$0x1920];
	_ =	sdelay $0x1  }
0x4b1: {  	[tilespmem:s23+$0x7D30] =	vst.add.f32.msk $0xffff, v1  }
0x4b2: {  	[tilespmem:s23+$0x7D00] =	vst.add.f32.msk $0xffff, v2  }
0x4b3: {  	s24 =	simm.s32 $0x40;
	s25 =	simm.s32 $0x200;
	[tilespmem:s23+$0x7D10] =	vst.add.f32.msk $0xffff, v3  }
.LBB2_64:
0x4b4: {  	p0 =	sne.s32 s25, $0xC700;
	v1 =	vld [tilespmem:s24+$0x1930];
	v2 =	vmov v0  }
0x4b5: {  	v3 =	vld [tilespmem:s24+$0x1900]  }
0x4b6: {  	v4 =	vld [tilespmem:s24+$0x1910]  }
.Ltmp31:
0x4b7: {  	v0 =	vld [tilespmem:s24+$0x1920];
	(pc) =	sbr.rel @p0 .LBB2_64-.Ltmp31, $4  }
0x4b8: {  	[tilespmem:s23+$0x7D20] =	vst.add.f32.msk $0xffff, v2;
	s23 =	smov.u32 s24  }
0x4b9: {  	[tilespmem:s23+$0x7D30] =	vst.add.f32.msk $0xffff, v1  }
0x4ba: {  	[tilespmem:s23+$0x7D00] =	vst.add.f32.msk $0xffff, v3  }
0x4bb: {  	s24 =	sshra.s32 s25, $0x2;
	s25 =	sadd.s32 $0x100, s25;
	[tilespmem:s23+$0x7D10] =	vst.add.f32.msk $0xffff, v4  }
0x4bc: {  	v1 =	vld [tilespmem:s24+$0x1930]  }
0x4bd: {  	v2 =	vld [tilespmem:s24+$0x1900]  }
0x4be: {  	v3 =	vld [tilespmem:s24+$0x1910]  }
0x4bf: {  	v4 =	vld [tilespmem:s24+$0x1920]  }
0x4c0: {  	[tilespmem:s23+$0x7D20] =	vst.add.f32.msk $0xffff, v0  }
0x4c1: {  	[tilespmem:s24+$0x7D30] =	vst.add.f32.msk $0xffff, v1  }
0x4c2: {  	[tilespmem:s24+$0x7D00] =	vst.add.f32.msk $0xffff, v2  }
0x4c3: {  	[tilespmem:s24+$0x7D10] =	vst.add.f32.msk $0xffff, v3  }
0x4c4: {  	s22 =	sadd.s32 $0x1, s22;
	[tilespmem:s24+$0x7D20] =	vst.add.f32.msk $0xffff, v4  }
0x4c5: {  	[hbm4b:s8+s2] =	stream.linear.scatter [tilespmem:s16], [sflag:$0x4], $0x3200, $0x38;
	[tilespmem:$0xAF00] =	vst v63  }
0x4c6: {  	p0 =	sne.s32 s22, s9;
	_ =	swait.ge [sflag:s19], $0x3200  }
.Ltmp32:
0x4c7: {  	[sflag:s19] =	ssyncset.done $0x0;
	(pc) =	sbr.rel @p0 .LBB2_1-.Ltmp32, $4  }
0x4c8: {  	[sflag:s19] =	ssyncadd.s32 $0xFFFFCE00  }
0x4c9: {  	_ =	swait.ge [sflag:s21], $0x3200  }
0x4ca: {  	[sflag:s21] =	ssyncset.done $0x0  }
0x4cb: {  	[sflag:s21] =	ssyncadd.s32 $0xFFFFCE00  }
0x4cc: {  	_ =	sfence.sel $0x180000  }
0x4cd: {  	[bflag:$0x0] =	sbarrier.arrive $0xFFFF  }
0x4ce: {  	_ =	strace $0x90000047  }
0x4cf: {  	s0 =	stileid.u32;
	[bflag:$0x2] =	sbarrier.arrive $0xFFFF  }
0x4d0: {  	p0 =	sne.s32 s0, $0x0;
	s0 =	rddreg [dreg:$0x2]  }
0x4d1: {  	s0 =	sadd.s32 @!p0 $0x100000, s0  }
0x4d2: {  	[sflag:s0] =	ssyncadd.tile.s32 @!p0 $0x1;
	_ =	shalt  }
.Lfunc_end2:
_tile_overlayer_lowered:
.L_overlay_start_2:
0x4d3: {  	(tag) =	ssettag $0x2  }
0x4d4: {  	s0 =	rddreg [dreg:$0x0];
	s2 =	stileid.u32  }
0x4d5: {  	s1 =	rddreg [dreg:$0x1];
	p0 =	sne.s32 s2, $0x0  }
0x4d6: {  	s3 =	rddreg [dreg:$0x2];
	[bflag:$0x3] =	sbarrier.arrive $0xFFFF;
	s2 =	simm.s32 @!p0 $0x1C05  }
0x4d7: {  	[timem:s3], [sflag:s2] =	dma.local @!p0 [hbm:s0], s1  }
0x4d8: {  	s0 =	simm.s32 @!p0 $0x5  }
0x4d9: {  	_ =	swait.ge @!p0 [sflag:s0], s1  }
0x4da: {  	s1 =	ssub.s32 @!p0 $0x0, s1;
	[sflag:s0] =	ssyncset.done @!p0 $0x0  }
0x4db: {  	[sflag:s0] =	ssyncadd.s32 @!p0 s1  }
0x4dc: {  	[bflag:$0x3] =	sbarrier.arrive $0xFFFF  }
0x4dd: {  	_ =	shalt  }

// kernel: sparse-core-data-format-call.cloned.1.call-start
scs
called_computation_lowered:
.L_overlay_start_0:
0x0: {  	s2 =	sld [smem:$0x3FD9]  }
0x1: {  	s3 =	sld [smem:$0x3FFE];
	_ =	sdelay $0x1  }
0x2: {  	s1 =	srdreg.scid  }
0x3: {  	s0 =	sand.u32 $0x1, s1  }
0x4: {  	s18 =	sshll.u32 s0, $0xA;
	s2 =	sadd.s32 s3, s2  }
0x5: {  	s2 =	sadd.s32 s2, s18  }
0x6: {  	[smem:$0x3FC5] =	sst s2  }
0x7: {  	_ = 	snop  }
0x8: {  	s2 =	sld [smem:$0x3FD0];
	(tm) =	ssettm $0x1  }
0x9: {  	s19 =	sld [smem:$0x3FFB];
	_ =	sdelay $0x3  }
0xa: {  	_ =	strace s19  }
0xb: {  	s3 =	sld [smem:$0x3FFC];
	_ =	sdelay $0x3  }
0xc: {  	_ =	strace s3  }
0xd: {  	s3 =	sld [smem:$0x3FFD];
	_ =	sdelay $0x3  }
0xe: {  	_ =	strace s3  }
0xf: {  	_ =	strace $0x8FFFFFFF  }
0x10: {  	s20 =	sld [smem:$0x3FDB];
	_ =	sdelay $0x1  }
0x11: {  	s4 =	simm.s32 $_scs_section_size  }
0x12: {  	s5 =	simm.s32 $_size__tile_overlayer_lowered;
	s6 =	simm.s32 $_tile_overlayer_lowered  }
0x13: {  	s23 =	simm.s32 $0x1BFF;
	s22 =	sshll.u32 s6, $0x1;
	s3 =	sadd.s32 s4, s20  }
0x14: {  	s7 =	simm.s32 $0x0;
	s21 =	sshll.u32 s5, $0x1;
	s5 =	sadd.s32 s22, s3  }
0x15: {  	[timem:s7], [sflag:s23] =	dma.local [hbm:s5], s21  }
0x16: {  	_ =	swait.ge [sflag:s23], s21  }
0x17: {  	s4 =	ssub.s32 $0x0, s21;
	[sflag:s23] =	ssyncset.done $0x0  }
0x18: {  	[sflag:s23] =	ssyncadd.s32 s4;
	_ =	sdelay $0x1  }
0x19: {  	s24 =	simm.s32 $0x1B8B  }
0x1a: {  	_ =	swait.ge [sflag:s24], $0x1  }
0x1b: {  	[sflag:s24] =	ssyncset.done $0x0  }
0x1c: {  	s26 =	simm.s32 $0x1B8E;
	s25 =	sld [smem:$0x3FFE];
	[sflag:s24] =	ssyncadd.s32 $0xFFFFFFFF  }
0x1d: {  	s27 =	simm.s32 $execute0_lowered;
	[smem:$0x3FD2] =	sst s26  }
0x1e: {  	s5 =	sshll.u32 s27, $0x1;
	_ =	strace $0x80000049;
	[dreg:$0x1] =	wrdreg $0xFFFFFFFF  }
0x1f: {  	s28 =	simm.s32 $_size_execute0_lowered;
	s3 =	sadd.s32 s3, s5;
	[dreg:$0x0] =	wrdreg $0x0  }
0x20: {  	s5 =	sshll.u32 s28, $0x1;
	[dreg:$0x2] =	wrdreg s3  }
0x21: {  	[dreg:$0x3] =	wrdreg s5  }
0x22: {  	[dreg:$0x4] =	wrdreg $0xC0  }
0x23: {  	_ =	task [dreg:s7], $0x5FFFF  }
0x24: {  	[dreg:$0x1] =	wrdreg $0xFFFFFFFF  }
0x25: {  	[dreg:$0x0] =	wrdreg $0x60  }
0x26: {  	[dreg:$0x2] =	wrdreg s25  }
0x27: {  	[dreg:$0x3] =	wrdreg s2  }
0x28: {  	[dreg:$0x4] =	wrdreg $0x9  }
0x29: {  	_ =	task.clear_ibuf [dreg:s7], $0x5FFFF;
	_ =	strace $0x90000049  }
0x2a: {  	s29 =	simm.s32 $0x9;
	_ =	strace $0x8000004B  }
0x2b: {  	_ =	swait.ge [sflag:s29], $0x1  }
0x2c: {  	[sflag:s29] =	ssyncadd.s32 $0xFFFFFFFF  }
0x2d: {  	_ =	strace $0x9000004B  }
0x2e: {  	_ =	sfence  }
0x2f: {  	s30 =	sld [smem:$0x0];
	_ =	sdelay $0x2  }
0x30: {  	s31 =	sshll.u32 s1, $0xD;
	s1 =	sshrl.u32 s1, $0x2  }
0x31: {  	s3 =	sand.u32 $0x4000, s31;
	s1 =	sadd.s32 s1, s30  }
0x32: {  	s0 =	sor.u32 s3, s0;
	s1 =	sshll.u32 s1, $0x11  }
0x33: {  	s0 =	sor.u32 s1, s0  }
0x34: {  	s0 =	sadd.s32 $0x8F2B, s0  }
0x35: {  	[sflag:s0] =	ssyncadd.remote.s32 $0x1  }
0x36: {  	_ =	sfence.sel $0xFFFF  }
0x37: {  	[dreg:$0x0] =	wrdreg $0xFFFFFFFF;
	(pc) =	sbr.abs _section_cstart, $3  }
0x38: {  	[dreg:$0x1] =	wrdreg $0xFFFFFFFF  }
0x39: {  	_ =	task.clear_ibuf [dreg:s7], $0x2FFFF;
	_ =	strace $0x9FFFFFFF  }
0x3a: {  	(tm) =	ssettm $0x7FFFFFFF  }
0x3b: {  	_ =	shalt  }
tec
execute0_lowered:
.L_overlay_start_1:
0x0: {  	(tag) =	ssettag $0x1  }
0x1: {  	s0 =	stileid.u32;
	s6 =	rddreg [dreg:$0x0]  }
0x2: {  	s2 =	rddreg [dreg:$0x1];
	s5 =	srdreg.scid  }
0x3: {  	s31 =	simm.s32 $0x2;
	s13 =	simm.s32 $0x0;
	s1 =	sshll.u32 s0, $0x7  }
0x4: {  	s14 =	simm.s32 $0x0;
	s12 =	simm.s32 $0x0;
	s3 =	sand.u32 $0x380, s1  }
0x5: {  	s5 =	sshll.u32 s5, $0x4;
	s6 =	sadd.s32 $0xC00, s6;
	s4 =	ssub.s32 $0x400, s3  }
0x6: {  	s1 =	rddreg [dreg:$0x2];
	_ =	strace $0x8000004A;
	s7 =	sand.u32 $0x380, s4  }
0x7: {  	s5 =	sand.u32 $0x10, s5;
	p0 =	sne.s32 s7, $0x0;
	s7 =	simm.s32 $0x1  }
.Ltmp0:
0x8: {  	s8 =	sshrl.u32 s4, $0xA;
	s7 =	simm.s32 @!p0 $0x0;
	(pc) =	sbr.rel .LBB1_1-.Ltmp0, $4  }
0x9: {  	s9 =	sor.u32 s0, s5;
	s4 =	simm.s32 $0x1;
	s30 =	sadd.s32 s7, s8  }
0xa: {  	s11 =	smov.u32 s3;
	[sflag:s4] =	ssyncpa.u1 $0x0;
	s5 =	smul.u32 $0x32, s30  }
0xb: {  	[sflag:s31] =	ssyncpa.u1 $0x0;
	p0 =	por $0x0, $0x0;
	s7 =	sshrl.u32 s9, $0x3  }
0xc: {  	s9 =	simm.s32 $0x2000;
	s10 =	smov.u32 s7;
	s8 =	sor.u32 $0x1, s5  }
.LBB1_4:
0xd: {  	s17 =	sand.u32 $0x1F80, s14;
	s13 =	sshll.u32 s13, $0xD  }
0xe: {  	[tilespmem:s16+$0x810 ss:$0x81] =	vst.msk $0xffff, v2;
	s18 =	sshrl.u32 s14, $0x3;
	s31 =	sand.u32 $0x7, s14;
	s17 =	sadd.s32 s2, s17  }
0xf: {  	[tilespmem:s16+$0x1020 ss:$0x81] =	vst.msk $0xffff, v0;
	s18 =	sand.u32 $0xF, s18;
	s14 =	sshll.u32 s31, $0x12;
	s13 =	sadd.s32 s13, s17  }
0x10: {  	[tilespmem:s16+$0x0 ss:$0x81] =	vst.msk $0xffff, v1;
	s14 =	sor.u32 $0x400, s14;
	s13 =	sadd.s32 s18, s13  }
0x11: {  	[hbm4b:s13+s14] =	stream.strided.scatter [tilespmem:s15], [sflag:$0x2], $0x2000, s9, s14, $0x20;
	[tilespmem:$0x8080] =	vst v63  }
.LBB1_5:
0x12: {  	s15 =	sadd.s32 $0x4, s10  }
0x13: {  	s13 =	sadd.s32 $0x400, s11;
	s17 =	smov.u32 s11;
	p2 =	sgt.s32 s15, $0xC7  }
0x14: {  	s17 =	smov.u32 @p2 s13  }
0x15: {  	s15 =	smov.u32 @p2 s7;
	p2 =	sgt.s32 s17, $0x3FF  }
0x16: {  	s17 =	smov.u32 @p2 s3;
	p2 =	sne.s32 s12, s8  }
.Ltmp1:
0x17: {  	p1 =	slt.u32 s12, $0x2;
	(pc) =	sbr.rel @!p2 .LBB1_6-.Ltmp1, $4  }
0x18: {  	s16 =	simm.s32 @!p1 $0x2  }
0x19: {  	s14 =	smov.u32 s11;
	p0 =	por !p0, !p0;
	_ =	swait.ge @!p1 [sflag:s16], $0x2000  }
0x1a: {  	s13 =	smov.u32 s10;
	[sflag:s16] =	ssyncset.done @!p1 $0x0;
	s10 =	smov.u32 s15  }
0x1b: {  	s12 =	sadd.s32 $0x1, s12;
	[sflag:s16] =	ssyncadd.s32 @!p1 $0xFFFFE000;
	s11 =	smov.u32 s17  }
.LBB1_1:
0x1c: {  	p1 =	sge.u32 s12, s5  }
0x1d: {  	s15 =	sand.u32 @!p1 $0x1FFFFFF, s10  }
0x1e: {  	s16 =	smulhi.u32 @!p1 $0x147AE15, s15;
	_ =	sdelay $0x1  }
0x1f: {  	s16 =	smul.u32 @!p1 $0xC8, s16  }
0x20: {  	s17 =	sxor.u32 @!p1 $0xFFFFFFFF, s12;
	s18 =	smul.u32 @!p1 $0xC80, s11  }
0x21: {  	s31 =	sadd.s32 $0xFFFFFFFF, s12;
	s17 =	sshll.u32 @!p1 s17, $0xD;
	s15 =	ssub.s32 @!p1 s15, s16  }
0x22: {  	s16 =	sand.u32 @!p1 $0x2000, s17;
	s17 =	sadd.s32 @!p1 s6, s18;
	s15 =	sshll.u32 @!p1 s15, $0x4  }
0x23: {  	s18 =	simm.s32 @!p1 $0x6400;
	s15 =	sadd.s32 @!p1 s15, s17;
	s17 =	simm.s32 @!p1 $0x40  }
0x24: {  	[tilespmem:s16], [sflag:$0x1] =	stream.strided.gather @!p1 [hbm4b:s15+s17], $0x2000, s18, s17, $0x38;
	[tilespmem:$0x8080] =	vst v63  }
0x25: {  	p1 =	sge.u32 s31, s5  }
.Ltmp2:
0x26: {  	_ = 	snop;
	(pc) =	sbr.rel @p1 .LBB1_5-.Ltmp2, $1  }
0x27: {  	_ =	sdelay $0x3  }
0x28: {  	s15 =	simm.s32 $0x1  }
0x29: {  	_ =	swait.ge [sflag:s4], $0x2000;
	s15 =	simm.s32 @!p0 $0x0  }
0x2a: {  	[sflag:s4] =	ssyncset.done $0x0;
	s16 =	sshll.u32 s15, $0xD  }
0x2b: {  	[sflag:s4] =	ssyncadd.s32 $0xFFFFE000;
	s19 =	sor.u32 $0x20, s16  }
0x2c: {  	s15 =	smul.u32 $0x8100, s15;
	v3 =	vld [tilespmem:s19+$0x10]  }
0x2d: {  	s30 =	sand.u32 $0x1, s12;
	v2 =	vld [tilespmem:s19+$0xFFFFFFF0]  }
0x2e: {  	s16 =	smul.u32 $0x8100, s30;
	s15 =	sshrl.u32 s15, $0x2;
	v0 =	vld [tilespmem:s19+$0x0]  }
0x2f: {  	v1 =	vld [tilespmem:s19+$0xFFFFFFE0];
	s17 =	sor.u32 $0x4000, s15  }
0x30: {  	s31 =	sshrl.u32 s16, $0x2;
	s16 =	sadd.s32 $0x0, s17  }
0x31: {  	s18 =	simm.s32 $0x4;
	s19 =	sadd.s32 $0x40, s19;
	s15 =	sor.u32 $0x4000, s31;
	[tilespmem:s16+$0x1830 ss:$0x81] =	vst.msk $0xffff, v3  }
.LBB1_3:
0x32: {  	v3 =	vld [tilespmem:s19+$0x10];
	p1 =	sne.s32 s18, $0x1FC;
	[tilespmem:s16+$0x810 ss:$0x81] =	vst.msk $0xffff, v2;
	s20 =	smov.u32 s18;
	s18 =	sadd.s32 $0x4, s18  }
.Ltmp3:
0x33: {  	v2 =	vld [tilespmem:s19+$0xFFFFFFF0];
	[tilespmem:s16+$0x1020 ss:$0x81] =	vst.msk $0xffff, v0;
	(pc) =	sbr.rel @p1 .LBB1_3-.Ltmp3, $4  }
0x34: {  	v0 =	vld [tilespmem:s19+$0x0];
	[tilespmem:s16+$0x0 ss:$0x81] =	vst.msk $0xffff, v1  }
0x35: {  	s16 =	sshra.s32 s20, $0x2;
	v1 =	vld [tilespmem:s19+$0xFFFFFFE0]  }
0x36: {  	s16 =	sadd.s32 s16, s17  }
0x37: {  	s19 =	sadd.s32 $0x40, s19;
	[tilespmem:s16+$0x1830 ss:$0x81] =	vst.msk $0xffff, v3  }
.Ltmp4:
0x38: {  	_ = 	snop;
	(pc) =	sbr.rel .LBB1_4-.Ltmp4, $1  }
0x39: {  	_ =	sdelay $0x3  }
.LBB1_6:
0x3a: {  	_ =	sfence.sel $0x180000  }
0x3b: {  	s2 =	simm.s32 $0x1;
	[bflag:$0x0] =	sbarrier.arrive $0xFFFF  }
0x3c: {  	s31 =	simm.s32 $0x2;
	[sflag:s2] =	ssyncpa.u1 $0x1  }
0x3d: {  	[sflag:s31] =	ssyncpa.u1 $0x1  }
0x3e: {  	p0 =	sne.s32 s0, $0x0;
	_ =	strace $0x9000004A  }
0x3f: {  	s0 =	sadd.s32 @!p0 $0x100000, s1;
	[bflag:$0x2] =	sbarrier.arrive $0xFFFF  }
0x40: {  	[sflag:s0] =	ssyncadd.tile.s32 @!p0 $0x1;
	_ =	shalt  }
.Lfunc_end1:
_tile_overlayer_lowered:
.L_overlay_start_2:
0x41: {  	(tag) =	ssettag $0x2  }
0x42: {  	s0 =	rddreg [dreg:$0x0];
	s2 =	stileid.u32  }
0x43: {  	s1 =	rddreg [dreg:$0x1];
	p0 =	sne.s32 s2, $0x0  }
0x44: {  	s3 =	rddreg [dreg:$0x2];
	[bflag:$0x3] =	sbarrier.arrive $0xFFFF;
	s2 =	simm.s32 @!p0 $0x1C01  }
0x45: {  	[timem:s3], [sflag:s2] =	dma.local @!p0 [hbm:s0], s1  }
0x46: {  	s0 =	simm.s32 @!p0 $0x1  }
0x47: {  	_ =	swait.ge @!p0 [sflag:s0], s1  }
0x48: {  	s1 =	ssub.s32 @!p0 $0x0, s1;
	[sflag:s0] =	ssyncset.done @!p0 $0x0  }
0x49: {  	[sflag:s0] =	ssyncadd.s32 @!p0 s1  }
0x4a: {  	[bflag:$0x3] =	sbarrier.arrive $0xFFFF  }
0x4b: {  	_ =	shalt  }

</sc_bundles>
